<compile_context>
chip_gen: v7x
topology: tpu7x:2x2x1
jax: 0.10.2.dev20260603
libtpu: 0.0.44.dev20260713+nightly
codegen_flags: <defaults>
</compile_context>

<pallas_src>
import functools

import jax
import jax.numpy as jnp
from jax import lax
from jax.experimental import pallas as pl
from jax.experimental.pallas import tpu as pltpu
from jax.experimental.pallas import tpu_sc as plsc

_NC, _NS = 2, 16
_NW = _NC * _NS
_D = 128
_EPS = 1e-5


def _ln(h, g, b):
    mu = h.mean(-1, keepdims=True)
    var = ((h - mu) ** 2).mean(-1, keepdims=True)
    return (h - mu) / jnp.sqrt(var + _EPS) * g + b


def _silu(x):
    return x * jax.nn.sigmoid(x)


def _dot(a, b):
    return jnp.dot(a, b, preferred_element_type=jnp.float32)



def _full2(shape):
    return pl.BlockSpec(shape, lambda i: (0, 0))


def _rows(blk, d):
    return pl.BlockSpec((blk, d), lambda i: (i, 0))


def _mlp4_body(x_ref, w1, b1, g, bl, w2, b2, o_ref):
    h = _dot(x_ref[...], w1[...]) + b1[...]
    h = _silu(_ln(h, g[...], bl[...]))
    o_ref[...] = _dot(h, w2[...]) + b2[...]


def _tc_mlp4(x, p1, pln, p2, blk):
    n, din = x.shape
    dout = p2["W"].shape[1]
    dmid = p1["W"].shape[1]
    return pl.pallas_call(
        _mlp4_body,
        grid=(n // blk,),
        in_specs=[_rows(blk, din), _full2((din, dmid)), _full2((1, dmid)),
                  _full2((1, dmid)), _full2((1, dmid)), _full2((dmid, dout)),
                  _full2((1, dout))],
        out_specs=_rows(blk, dout),
        out_shape=jax.ShapeDtypeStruct((n, dout), jnp.float32),
    )(x, p1["W"], p1["b"][None], pln["g"][None], pln["b"][None],
      p2["W"], p2["b"][None])


def _pool_mlp4_body(pairs_ref, w_ref, aux_ref, w1a, w1b, b1, g, bl, w2, b2,
                    o_ref):
    pr = pairs_ref[...]
    wt = w_ref[...]
    k_ = wt.shape[1]
    pooled = pr[:, 0:_D] * wt[:, 0:1]
    for k in range(1, k_):
        pooled = pooled + pr[:, k * _D:(k + 1) * _D] * wt[:, k:k + 1]
    h = _dot(pooled, w1a[...]) + b1[...]
    if aux_ref is not None:
        h = h + _dot(aux_ref[...], w1b[...])
    h = _silu(_ln(h, g[...], bl[...]))
    o_ref[...] = _dot(h, w2[...]) + b2[...]


def _tc_pool_mlp4(pairs, weights, aux, w1a, w1b, b1, pln, p2, blk):
    n, kd = pairs.shape
    k_ = weights.shape[1]
    dout = p2["W"].shape[1]
    if aux is None:
        def body(pairs_ref, w_ref, w1a_, b1_, g_, bl_, w2_, b2_, o_ref):
            _pool_mlp4_body(pairs_ref, w_ref, None, w1a_, None, b1_, g_, bl_,
                            w2_, b2_, o_ref)
        in_specs = [_rows(blk, kd), _rows(blk, k_), _full2((_D, _D)),
                    _full2((1, _D)), _full2((1, _D)), _full2((1, _D)),
                    _full2((_D, dout)), _full2((1, dout))]
        args = (pairs, weights, w1a, b1[None], pln["g"][None], pln["b"][None],
                p2["W"], p2["b"][None])
    else:
        body = _pool_mlp4_body
        da = aux.shape[1]
        in_specs = [_rows(blk, kd), _rows(blk, k_), _rows(blk, da),
                    _full2((_D, _D)), _full2((da, _D)), _full2((1, _D)),
                    _full2((1, _D)), _full2((1, _D)), _full2((_D, dout)),
                    _full2((1, dout))]
        args = (pairs, weights, aux, w1a, w1b, b1[None], pln["g"][None],
                pln["b"][None], p2["W"], p2["b"][None])
    return pl.pallas_call(
        body,
        grid=(n // blk,),
        in_specs=in_specs,
        out_specs=_rows(blk, dout),
        out_shape=jax.ShapeDtypeStruct((n, dout), jnp.float32),
    )(*args)


def _xdxs_body(x_ref, wd, ws, be, xd_ref, xs_ref):
    x = x_ref[...]
    xd_ref[...] = _dot(x, wd[...]) + be[...]
    xs_ref[...] = _dot(x, ws[...])


def _tc_xdxs(x, wd, ws, be, blk):
    n = x.shape[0]
    return pl.pallas_call(
        _xdxs_body,
        grid=(n // blk,),
        in_specs=[_rows(blk, _D), _full2((_D, _D)), _full2((_D, _D)),
                  _full2((1, _D))],
        out_specs=[_rows(blk, _D), _rows(blk, _D)],
        out_shape=[jax.ShapeDtypeStruct((n, _D), jnp.float32),
                   jax.ShapeDtypeStruct((n, _D), jnp.float32)],
    )(x, wd, ws, be[None])


def _msg_body(pre_ref, ea_ref, wea, g, bl, o_ref):
    h = pre_ref[...] + _dot(ea_ref[...], wea[...])
    o_ref[...] = _silu(_ln(h, g[...], bl[...]))


def _tc_msg(pre, ea_p, wea_p, pln, blk):
    n = pre.shape[0]
    da = ea_p.shape[1]
    return pl.pallas_call(
        _msg_body,
        grid=(n // blk,),
        in_specs=[_rows(blk, _D), _rows(blk, da), _full2((da, _D)),
                  _full2((1, _D)), _full2((1, _D))],
        out_specs=_rows(blk, _D),
        out_shape=jax.ShapeDtypeStruct((n, _D), jnp.float32),
    )(pre, ea_p, wea_p, pln["g"][None], pln["b"][None])


def _node_body(x_ref, a0_ref, a1_ref, w1a, w1b, b1, g, bl, w2, b2, o_ref):
    x = x_ref[...]
    agg = a0_ref[...] + a1_ref[...]
    h = _dot(x, w1a[...]) + _dot(agg, w1b[...]) + b1[...]
    h = _silu(_ln(h, g[...], bl[...]))
    o_ref[...] = x + _dot(h, w2[...]) + b2[...]


def _tc_node(x, a0, a1, w1a, w1b, b1, pln, p2, blk):
    n = x.shape[0]
    return pl.pallas_call(
        _node_body,
        grid=(n // blk,),
        in_specs=[_rows(blk, _D)] * 3 + [_full2((_D, _D)), _full2((_D, _D)),
                  _full2((1, _D)), _full2((1, _D)), _full2((1, _D)),
                  _full2((_D, _D)), _full2((1, _D))],
        out_specs=_rows(blk, _D),
        out_shape=jax.ShapeDtypeStruct((n, _D), jnp.float32),
    )(x, a0, a1, w1a, w1b, b1[None], pln["g"][None], pln["b"][None],
      p2["W"], p2["b"][None])


def _segsum_body(dst_ref, msg_ref, o_ref):
    n_i = pl.program_id(0)
    e_i = pl.program_id(1)
    nblk = o_ref.shape[0]
    eblk = msg_ref.shape[0]

    @pl.when(e_i == 0)
    def _():
        o_ref[...] = jnp.zeros_like(o_ref)

    rows = jax.lax.broadcasted_iota(jnp.int32, (nblk, eblk), 0) + n_i * nblk
    onehot_t = (rows == dst_ref[...]).astype(jnp.float32)
    o_ref[...] += _dot(onehot_t, msg_ref[...])


def _tc_segsum(msg, dst, n_seg, nblk, eblk):
    e = msg.shape[0]
    n_seg_p = -(-n_seg // nblk) * nblk
    return pl.pallas_call(
        _segsum_body,
        grid=(n_seg_p // nblk, e // eblk),
        in_specs=[pl.BlockSpec((1, eblk), lambda n, i: (0, i)),
                  pl.BlockSpec((eblk, _D), lambda n, i: (i, 0))],
        out_specs=pl.BlockSpec((nblk, _D), lambda n, i: (n, 0)),
        out_shape=jax.ShapeDtypeStruct((n_seg_p, _D), jnp.float32),
    )(dst[None], msg)[:n_seg]



_SC_MESH = plsc.VectorSubcoreMesh(core_axis_name="c", subcore_axis_name="s")


def _sc_gather(table, idx_flat, ch):
    b = idx_flat.shape[0]
    d = table.shape[1]
    b_per_w = b // _NW
    n_ch = b_per_w // ch

    @functools.partial(
        pl.kernel, mesh=_SC_MESH,
        out_type=jax.ShapeDtypeStruct((b, d), jnp.float32),
        scratch_types=[pltpu.VMEM((ch,), jnp.int32),
                       pltpu.VMEM((ch, d), jnp.float32),
                       pltpu.SemaphoreType.DMA],
    )
    def k(table_hbm, idx_hbm, out_hbm, idx_v, rows_v, sem):
        wid = lax.axis_index("s") * _NC + lax.axis_index("c")
        base = wid * b_per_w

        def body(c, carry):
            off = base + c * ch
            pltpu.sync_copy(idx_hbm.at[pl.ds(off, ch)], idx_v)
            pltpu.async_copy(table_hbm.at[idx_v], rows_v, sem).wait()
            pltpu.sync_copy(rows_v, out_hbm.at[pl.ds(off, ch)])
            return carry

        lax.fori_loop(0, n_ch, body, 0)

    return k(table, idx_flat)


def _sc_gather2_add(xd, xs, dst, src, ch):
    b = dst.shape[0]
    b_per_w = b // _NW
    n_ch = b_per_w // ch

    @functools.partial(
        pl.kernel, mesh=_SC_MESH,
        out_type=jax.ShapeDtypeStruct((b, _D), jnp.float32),
        scratch_types=[pltpu.VMEM((ch,), jnp.int32),
                       pltpu.VMEM((ch, _D), jnp.float32),
                       pltpu.VMEM((ch, _D), jnp.float32),
                       pltpu.SemaphoreType.DMA],
    )
    def k(xd_hbm, xs_hbm, dst_hbm, src_hbm, out_hbm, idx_v, rd, rs, sem):
        wid = lax.axis_index("s") * _NC + lax.axis_index("c")
        base = wid * b_per_w

        def body(c, carry):
            off = base + c * ch
            pltpu.sync_copy(dst_hbm.at[pl.ds(off, ch)], idx_v)
            pltpu.async_copy(xd_hbm.at[idx_v], rd, sem).wait()
            pltpu.sync_copy(src_hbm.at[pl.ds(off, ch)], idx_v)
            pltpu.async_copy(xs_hbm.at[idx_v], rs, sem).wait()

            def add_row(r, carry2):
                for f in range(_D // 16):
                    sl = pl.ds(f * 16, 16)
                    rd[r, sl] = rd[r, sl] + rs[r, sl]
                return carry2

            lax.fori_loop(0, ch, add_row, 0)
            pltpu.sync_copy(rd, out_hbm.at[pl.ds(off, ch)])
            return carry

        lax.fori_loop(0, n_ch, body, 0)

    return k(xd, xs, dst, src)


def _sc_scatter_add(msg, eidx, n_seg_p, ch):
    b = msg.shape[0]
    b_per_w = b // _NW
    n_ch = b_per_w // ch
    rows_per_tile = n_seg_p // _NS
    zcopy = ch
    n_z = rows_per_tile // zcopy
    msg1 = msg.reshape(-1)

    @functools.partial(
        pl.kernel, mesh=_SC_MESH,
        out_type=jax.ShapeDtypeStruct((_NC, n_seg_p * _D), jnp.float32),
        scratch_types=[pltpu.VMEM((ch * _D,), jnp.int32),
                       pltpu.VMEM((ch * _D,), jnp.float32),
                       pltpu.VMEM((zcopy * _D,), jnp.float32),
                       pltpu.VMEM_SHARED((n_seg_p * _D,), jnp.float32),
                       pltpu.SemaphoreType.DMA],
    )
    def k(msg_hbm, eidx_hbm, out_hbm, eidx_v, rows_v, zero_v, acc, sem):
        cid = lax.axis_index("c")
        sid = lax.axis_index("s")
        wid = sid * _NC + cid
        base = wid * b_per_w * _D

        def zf(r, carry):
            zero_v[pl.ds(r * 16, 16)] = jnp.zeros((16,), jnp.float32)
            return carry

        lax.fori_loop(0, zcopy * _D // 16, zf, 0)
        zh = [pltpu.async_copy(
                  zero_v,
                  acc.at[pl.ds((sid * rows_per_tile + j * zcopy) * _D,
                               zcopy * _D)],
                  sem) for j in range(n_z)]
        for h in zh:
            h.wait()
        plsc.subcore_barrier()
        pl.delay(50000)

        def body(c, carry):
            off = base + c * ch * _D
            pltpu.sync_copy(eidx_hbm.at[pl.ds(off, ch * _D)], eidx_v)
            pltpu.sync_copy(msg_hbm.at[pl.ds(off, ch * _D)], rows_v)
            pltpu.sync_copy(rows_v, acc.at[eidx_v], add=True)
            return carry

        lax.fori_loop(0, n_ch, body, 0)
        plsc.subcore_barrier()
        pl.delay(50000)

        dh = [pltpu.async_copy(
                  acc.at[pl.ds((sid * rows_per_tile + j * zcopy) * _D,
                               zcopy * _D)],
                  out_hbm.at[cid].at[pl.ds((sid * rows_per_tile
                                            + j * zcopy) * _D, zcopy * _D)],
                  sem) for j in range(n_z)]
        for h in dh:
            h.wait()

    return k(msg1, eidx)



def _pad_cols(a, to):
    n, c = a.shape
    return jnp.concatenate([a, jnp.zeros((n, to - c), a.dtype)], axis=1)


def kernel(grid_input, mesh_features, edge_index, edge_attr, g2m_indices,
           g2m_weights, m2g_indices, m2g_weights, params):
    bsz, ng, gd = grid_input.shape
    nm = mesh_features.shape[0]
    e = edge_index.shape[1]
    kk = g2m_indices.shape[1]
    p = params

    x_g = grid_input.reshape(ng, gd)

    gp = _tc_mlp4(x_g, p["enc_grid_l1"], p["enc_grid_ln"], p["enc_grid_l2"],
                  blk=2000)

    g2m_flat = g2m_indices.reshape(-1).astype(jnp.int32)
    npad = (-g2m_flat.shape[0]) % (8 * _NW * kk)
    g2m_flat = jnp.concatenate(
        [g2m_flat, jnp.zeros((npad,), jnp.int32)]) if npad else g2m_flat
    pairs = _sc_gather(gp, g2m_flat, ch=256)
    pairs = pairs[:nm * kk].reshape(nm, kk * _D)

    mf_p = _pad_cols(mesh_features, 8)
    w1 = p["enc_comb_l1"]["W"]
    w1a, w1b = w1[:_D], _pad_cols(w1[_D:].T, 8).T
    x = _tc_pool_mlp4(pairs, g2m_weights, mf_p, w1a, w1b,
                      p["enc_comb_l1"]["b"], p["enc_comb_ln"],
                      p["enc_comb_l2"], blk=2000)

    src = edge_index[0].astype(jnp.int32)
    dst = edge_index[1].astype(jnp.int32)
    ea_p = _pad_cols(edge_attr, 8)
    nm_p = -(-nm // (8 * _NS)) * (8 * _NS)
    eidx = (dst[:, None] * _D + jnp.arange(_D, dtype=jnp.int32)[None]).reshape(-1)

    for lp in p["layers"]:
        we = lp["edge_l"]["W"]
        wd, ws = we[:_D], we[_D:2 * _D]
        wea_p = _pad_cols(we[2 * _D:].T, 8).T
        xd, xs = _tc_xdxs(x, wd, ws, lp["edge_l"]["b"], blk=2000)
        pre = _sc_gather2_add(xd, xs, dst, src, ch=200)
        msg = _tc_msg(pre, ea_p, wea_p, lp["edge_ln"], blk=2000)
        agg = _tc_segsum(msg, dst, nm, nblk=2048, eblk=3200)
        wn = lp["node_l1"]["W"]
        x = _tc_node(x, agg, jnp.zeros_like(agg), wn[:_D], wn[_D:],
                     lp["node_l1"]["b"], lp["node_ln"], lp["node_l2"],
                     blk=2000)

    m2g_flat = m2g_indices.reshape(-1).astype(jnp.int32)
    pairs2 = _sc_gather(x, m2g_flat, ch=200)
    pairs2 = pairs2.reshape(ng, kk * _D)
    out = _tc_pool_mlp4(pairs2, m2g_weights, None, p["dec_l1"]["W"], None,
                        p["dec_l1"]["b"], p["dec_ln"], p["dec_l2"], blk=2000)
    return out.reshape(bsz, ng, gd)

# --- scband reference (transcript-rebuilt; emitter-appended) ---
"""Pipeline reference for scband-graph-cast-77532749627490 (READ-ONLY COPY).

The authoritative reference and input builder live on the scoring server;
editing this copy changes nothing except your own understanding.
"""

import jax, jax.numpy as jnp
import numpy as np


def _lin_p(key, din, dout):
    k1, k2 = jax.random.split(key)
    s = 1.0 / np.sqrt(din)
    return {"W": jax.random.uniform(k1, (din, dout), jnp.float32, -s, s),
            "b": jax.random.uniform(k2, (dout,), jnp.float32, -s, s)}


def _ln_p(d):
    return {"g": jnp.ones((d,), jnp.float32), "b": jnp.zeros((d,), jnp.float32)}


def _linear(x, p):
    return x @ p["W"] + p["b"]


def _layernorm(x, p, eps=1e-5):
    mu = x.mean(-1, keepdims=True)
    var = ((x - mu) ** 2).mean(-1, keepdims=True)
    return (x - mu) / jnp.sqrt(var + eps) * p["g"] + p["b"]


def _silu(x):
    return x * jax.nn.sigmoid(x)


def _mlp4(x, p1, pln, p2):
    h = _linear(x, p1)
    h = _layernorm(h, pln)
    h = _silu(h)
    return _linear(h, p2)


def setup_inputs(seed: int = 0):
    key = jax.random.key(seed)
    B, NG, NM, E, K = 1, 40000, 10000, 160000, 4
    GD, MD, L, ED, NL = 128, 3, 128, 4, 6
    ks = jax.random.split(key, 40)
    grid_input = jax.random.normal(ks[0], (B, NG, GD), jnp.float32)
    mesh_features = jax.random.normal(ks[1], (NM, MD), jnp.float32)
    edge_index = jax.random.randint(ks[2], (2, E), 0, NM)
    edge_attr = jax.random.normal(ks[3], (E, ED), jnp.float32)
    g2m_indices = jax.random.randint(ks[4], (NM, K), 0, NG)
    g2m_weights = jax.random.uniform(ks[5], (NM, K), jnp.float32)
    m2g_indices = jax.random.randint(ks[6], (NG, K), 0, NM)
    m2g_weights = jax.random.uniform(ks[7], (NG, K), jnp.float32)
    params = {
        "enc_grid_l1": _lin_p(ks[8], GD, L), "enc_grid_ln": _ln_p(L), "enc_grid_l2": _lin_p(ks[9], L, L),
        "enc_comb_l1": _lin_p(ks[10], L + MD, L), "enc_comb_ln": _ln_p(L), "enc_comb_l2": _lin_p(ks[11], L, L),
        "layers": [
            {"edge_l": _lin_p(ks[12 + 4 * i], 2 * L + ED, L), "edge_ln": _ln_p(L),
             "node_l1": _lin_p(ks[13 + 4 * i], 2 * L, L), "node_ln": _ln_p(L),
             "node_l2": _lin_p(ks[14 + 4 * i], L, L)} for i in range(NL)],
        "dec_l1": _lin_p(ks[36], L, L), "dec_ln": _ln_p(L), "dec_l2": _lin_p(ks[37], L, GD),
    }
    return {"grid_input": grid_input, "mesh_features": mesh_features, "edge_index": edge_index,
            "edge_attr": edge_attr, "g2m_indices": g2m_indices, "g2m_weights": g2m_weights,
            "m2g_indices": m2g_indices, "m2g_weights": m2g_weights, "params": params}


def reference(grid_input, mesh_features, edge_index, edge_attr, g2m_indices, g2m_weights,
              m2g_indices, m2g_weights, params):
    B = grid_input.shape[0]
    # Encoder: per-grid-node MLP, then weighted bipartite gather-pool onto mesh nodes
    gp = _mlp4(grid_input, params["enc_grid_l1"], params["enc_grid_ln"], params["enc_grid_l2"])
    mesh_pooled = (gp[:, g2m_indices, :] * g2m_weights[None, :, :, None]).sum(axis=2)
    mf = jnp.broadcast_to(mesh_features[None], (B,) + mesh_features.shape)
    combined = jnp.concatenate([mesh_pooled, mf], axis=-1)
    mesh_latent = _mlp4(combined, params["enc_comb_l1"], params["enc_comb_ln"], params["enc_comb_l2"])
    # Processor: 6 residual message-passing layers (PyG aggr='add')
    src, dst = edge_index[0], edge_index[1]
    outs = []
    for b in range(B):
        x = mesh_latent[b]
        for lp in params["layers"]:
            ei = jnp.concatenate([x[dst], x[src], edge_attr], axis=-1)
            m = _silu(_layernorm(_linear(ei, lp["edge_l"]), lp["edge_ln"]))
            agg = jax.ops.segment_sum(m, dst, num_segments=x.shape[0])
            h = _linear(jnp.concatenate([x, agg], axis=-1), lp["node_l1"])
            h = _silu(_layernorm(h, lp["node_ln"]))
            h = _linear(h, lp["node_l2"])
            x = x + h
        outs.append(x)
    mesh_processed = jnp.stack(outs, axis=0)
    # Decoder: weighted bipartite gather back to grid, then output MLP
    grid_latent = (mesh_processed[:, m2g_indices, :] * m2g_weights[None, :, :, None]).sum(axis=2)
    out = _mlp4(grid_latent, params["dec_l1"], params["dec_ln"], params["dec_l2"])
    return out

if __name__ == "__main__":
    import jax
    _d = setup_inputs()
    print(jax.jit(kernel)(*tuple(_d.values())))

</pallas_src>

<mosaic_0001>
#map = affine_map<(d0, d1) -> (0, 0)>
#map1 = affine_map<(d0, d1) -> (0)>
module attributes {stable_mosaic.version = 14 : i64} {
  func.func @k(%arg0: i32, %arg1: i32, %arg2: memref<40000x128xf32, #tpu.memory_space<hbm>>, %arg3: memref<40960xi32, #tpu.memory_space<hbm>>, %arg4: memref<40960x128xf32, #tpu.memory_space<hbm>>, %arg5: memref<256xi32, #tpu.memory_space<vmem>>, %arg6: memref<256x128xf32, #tpu.memory_space<vmem>>, %arg7: memref<!tpu.dma_semaphore, #tpu.memory_space<semaphore_mem>>) attributes {dimension_semantics = [#tpu.dimension_semantics<core_parallel>, #tpu.dimension_semantics<subcore_parallel>], iteration_bounds = array<i64: 2, 16>, scalar_prefetch = 0 : i64, scratch_operands = 3 : i64, tpu.core_type = #tpu.core_type<sc_vector_subcore>, window_params = [{transform_indices = #map}, {transform_indices = #map1}, {transform_indices = #map}]} {
    %mul3A = arith.constant 2 : i32
    %mul3A_0 = arith.muli %arg1, %mul3A : i32
    %add3A = arith.addi %mul3A_0, %arg0 : i32
    %mul3A_1 = arith.constant 1280 : i32
    %mul3A_2 = arith.muli %add3A, %mul3A_1 : i32
    %scan3A = arith.constant 0 : i32
    %scan3A_3 = arith.constant 0 : i32
    %scan3A_4 = arith.constant 5 : i32
    %scan3A_5 = arith.addi %scan3A_3, %scan3A_4 : i32
    %scan3A_6 = arith.constant 1 : i32
    scf.for %scan3A_8 = %scan3A_3 to %scan3A_5 step %scan3A_6  : i32 {
      %mul3A_9 = arith.constant 256 : i32
      %mul3A_10 = arith.muli %scan3A_8, %mul3A_9 : i32
      %add3A_11 = arith.addi %mul3A_2, %mul3A_10 : i32
      "tpu.region"() ({
        %run_scoped3A = tpu.sem_alloc : memref<!tpu.dma_semaphore, #tpu.memory_space<semaphore_mem>>
        %dma_start3A_16 = tpu.memref_slice %arg3[%add3A_11] : memref<40960xi32, #tpu.memory_space<hbm>> -> memref<256xi32, #tpu.memory_space<hbm>>
        %dma_start3A_17 = tpu.memref_slice %arg3[%add3A_11] : memref<40960xi32, #tpu.memory_space<hbm>> -> memref<256xi32, #tpu.memory_space<hbm>>
        tpu.enqueue_dma source(%dma_start3A_17 : memref<256xi32, #tpu.memory_space<hbm>>) target(%arg5 : memref<256xi32, #tpu.memory_space<vmem>>) target_semaphore(%run_scoped3A : memref<!tpu.dma_semaphore, #tpu.memory_space<semaphore_mem>>)
        %dma_wait3A_18 = tpu.memref_slice %arg3[%add3A_11] : memref<40960xi32, #tpu.memory_space<hbm>> -> memref<256xi32, #tpu.memory_space<hbm>>
        %dma_wait3A_19 = tpu.memref_slice %arg3[%add3A_11] : memref<40960xi32, #tpu.memory_space<hbm>> -> memref<256xi32, #tpu.memory_space<hbm>>
        tpu.wait_dma2 semaphore(%run_scoped3A : memref<!tpu.dma_semaphore, #tpu.memory_space<semaphore_mem>>) src(%dma_wait3A_19 : memref<256xi32, #tpu.memory_space<hbm>>) dst(%arg5 : memref<256xi32, #tpu.memory_space<vmem>>)
        tpu.yield
      }) : () -> ()
      %dma_start3A = arith.constant 0 : i32
      %dma_start3A_12 = arith.constant 0 : i32
      %dma_start3A_13 = tpu.memref_slice %arg2[%dma_start3A, %dma_start3A_12] : memref<40000x128xf32, #tpu.memory_space<hbm>> -> memref<40000x128xf32, #tpu.memory_space<hbm>>
      tpu.enqueue_indirect_dma source(%dma_start3A_13 : memref<40000x128xf32, #tpu.memory_space<hbm>>) target(%arg6 : memref<256x128xf32, #tpu.memory_space<vmem>>) offsets(%arg5 : memref<256xi32, #tpu.memory_space<vmem>>) semaphore(%arg7 : memref<!tpu.dma_semaphore, #tpu.memory_space<semaphore_mem>>)
      %dma_wait3A = arith.constant 0 : i32
      %dma_wait3A_14 = arith.constant 0 : i32
      %dma_wait3A_15 = tpu.memref_slice %arg2[%dma_wait3A, %dma_wait3A_14] : memref<40000x128xf32, #tpu.memory_space<hbm>> -> memref<40000x128xf32, #tpu.memory_space<hbm>>
      tpu.wait_indirect_dma semaphore(%arg7 : memref<!tpu.dma_semaphore, #tpu.memory_space<semaphore_mem>>) src(%dma_wait3A_15 : memref<40000x128xf32, #tpu.memory_space<hbm>>) dst(%arg6 : memref<256x128xf32, #tpu.memory_space<vmem>>)
      "tpu.region"() ({
        %run_scoped3A = tpu.sem_alloc : memref<!tpu.dma_semaphore, #tpu.memory_space<semaphore_mem>>
        %dma_start3A_16 = arith.constant 0 : i32
        %dma_start3A_17 = tpu.memref_slice %arg4[%add3A_11, %dma_start3A_16] : memref<40960x128xf32, #tpu.memory_space<hbm>> -> memref<256x128xf32, #tpu.memory_space<hbm>>
        %dma_start3A_18 = arith.constant 0 : i32
        %dma_start3A_19 = tpu.memref_slice %arg4[%add3A_11, %dma_start3A_18] : memref<40960x128xf32, #tpu.memory_space<hbm>> -> memref<256x128xf32, #tpu.memory_space<hbm>>
        tpu.enqueue_dma source(%arg6 : memref<256x128xf32, #tpu.memory_space<vmem>>) target(%dma_start3A_19 : memref<256x128xf32, #tpu.memory_space<hbm>>) target_semaphore(%run_scoped3A : memref<!tpu.dma_semaphore, #tpu.memory_space<semaphore_mem>>)
        %dma_wait3A_20 = arith.constant 0 : i32
        %dma_wait3A_21 = tpu.memref_slice %arg4[%add3A_11, %dma_wait3A_20] : memref<40960x128xf32, #tpu.memory_space<hbm>> -> memref<256x128xf32, #tpu.memory_space<hbm>>
        %dma_wait3A_22 = arith.constant 0 : i32
        %dma_wait3A_23 = tpu.memref_slice %arg4[%add3A_11, %dma_wait3A_22] : memref<40960x128xf32, #tpu.memory_space<hbm>> -> memref<256x128xf32, #tpu.memory_space<hbm>>
        tpu.wait_dma2 semaphore(%run_scoped3A : memref<!tpu.dma_semaphore, #tpu.memory_space<semaphore_mem>>) src(%arg6 : memref<256x128xf32, #tpu.memory_space<vmem>>) dst(%dma_wait3A_23 : memref<256x128xf32, #tpu.memory_space<hbm>>)
        tpu.yield
      }) : () -> ()
    }
    %scan3A_7 = arith.constant 5 : i32
    return
  }
}

#map = affine_map<(d0, d1) -> (0, 0)>
#map1 = affine_map<(d0, d1) -> (0)>
module attributes {stable_mosaic.version = 14 : i64} {
  func.func @k(%arg0: i32, %arg1: i32, %arg2: memref<10000x128xf32, #tpu.memory_space<hbm>>, %arg3: memref<10000x128xf32, #tpu.memory_space<hbm>>, %arg4: memref<160000xi32, #tpu.memory_space<hbm>>, %arg5: memref<160000xi32, #tpu.memory_space<hbm>>, %arg6: memref<160000x128xf32, #tpu.memory_space<hbm>>, %arg7: memref<200xi32, #tpu.memory_space<vmem>>, %arg8: memref<200x128xf32, #tpu.memory_space<vmem>>, %arg9: memref<200x128xf32, #tpu.memory_space<vmem>>, %arg10: memref<!tpu.dma_semaphore, #tpu.memory_space<semaphore_mem>>) attributes {dimension_semantics = [#tpu.dimension_semantics<core_parallel>, #tpu.dimension_semantics<subcore_parallel>], iteration_bounds = array<i64: 2, 16>, scalar_prefetch = 0 : i64, scratch_operands = 4 : i64, tpu.core_type = #tpu.core_type<sc_vector_subcore>, window_params = [{transform_indices = #map}, {transform_indices = #map}, {transform_indices = #map1}, {transform_indices = #map1}, {transform_indices = #map}]} {
    %mul3A = arith.constant 2 : i32
    %mul3A_0 = arith.muli %arg1, %mul3A : i32
    %add3A = arith.addi %mul3A_0, %arg0 : i32
    %mul3A_1 = arith.constant 5000 : i32
    %mul3A_2 = arith.muli %add3A, %mul3A_1 : i32
    %scan3A = arith.constant 0 : i32
    %scan3A_3 = arith.constant 0 : i32
    %scan3A_4 = arith.constant 25 : i32
    %scan3A_5 = arith.addi %scan3A_3, %scan3A_4 : i32
    %scan3A_6 = arith.constant 1 : i32
    scf.for %scan3A_8 = %scan3A_3 to %scan3A_5 step %scan3A_6  : i32 {
      %mul3A_9 = arith.constant 200 : i32
      %mul3A_10 = arith.muli %scan3A_8, %mul3A_9 : i32
      %add3A_11 = arith.addi %mul3A_2, %mul3A_10 : i32
      "tpu.region"() ({
        %run_scoped3A = tpu.sem_alloc : memref<!tpu.dma_semaphore, #tpu.memory_space<semaphore_mem>>
        %dma_start3A_28 = tpu.memref_slice %arg4[%add3A_11] : memref<160000xi32, #tpu.memory_space<hbm>> -> memref<200xi32, #tpu.memory_space<hbm>>
        %dma_start3A_29 = tpu.memref_slice %arg4[%add3A_11] : memref<160000xi32, #tpu.memory_space<hbm>> -> memref<200xi32, #tpu.memory_space<hbm>>
        tpu.enqueue_dma source(%dma_start3A_29 : memref<200xi32, #tpu.memory_space<hbm>>) target(%arg7 : memref<200xi32, #tpu.memory_space<vmem>>) target_semaphore(%run_scoped3A : memref<!tpu.dma_semaphore, #tpu.memory_space<semaphore_mem>>)
        %dma_wait3A_30 = tpu.memref_slice %arg4[%add3A_11] : memref<160000xi32, #tpu.memory_space<hbm>> -> memref<200xi32, #tpu.memory_space<hbm>>
        %dma_wait3A_31 = tpu.memref_slice %arg4[%add3A_11] : memref<160000xi32, #tpu.memory_space<hbm>> -> memref<200xi32, #tpu.memory_space<hbm>>
        tpu.wait_dma2 semaphore(%run_scoped3A : memref<!tpu.dma_semaphore, #tpu.memory_space<semaphore_mem>>) src(%dma_wait3A_31 : memref<200xi32, #tpu.memory_space<hbm>>) dst(%arg7 : memref<200xi32, #tpu.memory_space<vmem>>)
        tpu.yield
      }) : () -> ()
      %dma_start3A = arith.constant 0 : i32
      %dma_start3A_12 = arith.constant 0 : i32
      %dma_start3A_13 = tpu.memref_slice %arg2[%dma_start3A, %dma_start3A_12] : memref<10000x128xf32, #tpu.memory_space<hbm>> -> memref<10000x128xf32, #tpu.memory_space<hbm>>
      tpu.enqueue_indirect_dma source(%dma_start3A_13 : memref<10000x128xf32, #tpu.memory_space<hbm>>) target(%arg8 : memref<200x128xf32, #tpu.memory_space<vmem>>) offsets(%arg7 : memref<200xi32, #tpu.memory_space<vmem>>) semaphore(%arg10 : memref<!tpu.dma_semaphore, #tpu.memory_space<semaphore_mem>>)
      %dma_wait3A = arith.constant 0 : i32
      %dma_wait3A_14 = arith.constant 0 : i32
      %dma_wait3A_15 = tpu.memref_slice %arg2[%dma_wait3A, %dma_wait3A_14] : memref<10000x128xf32, #tpu.memory_space<hbm>> -> memref<10000x128xf32, #tpu.memory_space<hbm>>
      tpu.wait_indirect_dma semaphore(%arg10 : memref<!tpu.dma_semaphore, #tpu.memory_space<semaphore_mem>>) src(%dma_wait3A_15 : memref<10000x128xf32, #tpu.memory_space<hbm>>) dst(%arg8 : memref<200x128xf32, #tpu.memory_space<vmem>>)
      "tpu.region"() ({
        %run_scoped3A = tpu.sem_alloc : memref<!tpu.dma_semaphore, #tpu.memory_space<semaphore_mem>>
        %dma_start3A_28 = tpu.memref_slice %arg5[%add3A_11] : memref<160000xi32, #tpu.memory_space<hbm>> -> memref<200xi32, #tpu.memory_space<hbm>>
        %dma_start3A_29 = tpu.memref_slice %arg5[%add3A_11] : memref<160000xi32, #tpu.memory_space<hbm>> -> memref<200xi32, #tpu.memory_space<hbm>>
        tpu.enqueue_dma source(%dma_start3A_29 : memref<200xi32, #tpu.memory_space<hbm>>) target(%arg7 : memref<200xi32, #tpu.memory_space<vmem>>) target_semaphore(%run_scoped3A : memref<!tpu.dma_semaphore, #tpu.memory_space<semaphore_mem>>)
        %dma_wait3A_30 = tpu.memref_slice %arg5[%add3A_11] : memref<160000xi32, #tpu.memory_space<hbm>> -> memref<200xi32, #tpu.memory_space<hbm>>
        %dma_wait3A_31 = tpu.memref_slice %arg5[%add3A_11] : memref<160000xi32, #tpu.memory_space<hbm>> -> memref<200xi32, #tpu.memory_space<hbm>>
        tpu.wait_dma2 semaphore(%run_scoped3A : memref<!tpu.dma_semaphore, #tpu.memory_space<semaphore_mem>>) src(%dma_wait3A_31 : memref<200xi32, #tpu.memory_space<hbm>>) dst(%arg7 : memref<200xi32, #tpu.memory_space<vmem>>)
        tpu.yield
      }) : () -> ()
      %dma_start3A_16 = arith.constant 0 : i32
      %dma_start3A_17 = arith.constant 0 : i32
      %dma_start3A_18 = tpu.memref_slice %arg3[%dma_start3A_16, %dma_start3A_17] : memref<10000x128xf32, #tpu.memory_space<hbm>> -> memref<10000x128xf32, #tpu.memory_space<hbm>>
      tpu.enqueue_indirect_dma source(%dma_start3A_18 : memref<10000x128xf32, #tpu.memory_space<hbm>>) target(%arg9 : memref<200x128xf32, #tpu.memory_space<vmem>>) offsets(%arg7 : memref<200xi32, #tpu.memory_space<vmem>>) semaphore(%arg10 : memref<!tpu.dma_semaphore, #tpu.memory_space<semaphore_mem>>)
      %dma_wait3A_19 = arith.constant 0 : i32
      %dma_wait3A_20 = arith.constant 0 : i32
      %dma_wait3A_21 = tpu.memref_slice %arg3[%dma_wait3A_19, %dma_wait3A_20] : memref<10000x128xf32, #tpu.memory_space<hbm>> -> memref<10000x128xf32, #tpu.memory_space<hbm>>
      tpu.wait_indirect_dma semaphore(%arg10 : memref<!tpu.dma_semaphore, #tpu.memory_space<semaphore_mem>>) src(%dma_wait3A_21 : memref<10000x128xf32, #tpu.memory_space<hbm>>) dst(%arg9 : memref<200x128xf32, #tpu.memory_space<vmem>>)
      %scan3A_22 = arith.constant 0 : i32
      %scan3A_23 = arith.constant 0 : i32
      %scan3A_24 = arith.constant 200 : i32
      %scan3A_25 = arith.addi %scan3A_23, %scan3A_24 : i32
      %scan3A_26 = arith.constant 1 : i32
      scf.for %scan3A_28 = %scan3A_23 to %scan3A_25 step %scan3A_26  : i32 {
        %get3A = arith.index_cast %scan3A_28 : i32 to index
        %get3A_29 = arith.constant 0 : index
        %get3A_30 = tpu.vector_load %arg8[%get3A, %get3A_29] {strides = array<i32>} : memref<200x128xf32, #tpu.memory_space<vmem>>, vector<1x16xf32>,
        %get3A_31 = vector.shape_cast %get3A_30 : vector<1x16xf32> to vector<16xf32>
        %get3A_32 = arith.index_cast %scan3A_28 : i32 to index
        %get3A_33 = arith.constant 0 : index
        %get3A_34 = tpu.vector_load %arg9[%get3A_32, %get3A_33] {strides = array<i32>} : memref<200x128xf32, #tpu.memory_space<vmem>>, vector<1x16xf32>,
        %get3A_35 = vector.shape_cast %get3A_34 : vector<1x16xf32> to vector<16xf32>
        %add3A_36 = arith.addf %get3A_31, %get3A_35 : vector<16xf32>
        %swap3A = arith.index_cast %scan3A_28 : i32 to index
        %swap3A_37 = arith.constant 0 : index
        %swap3A_38 = tpu.vector_load %arg8[%swap3A, %swap3A_37] {strides = array<i32>} : memref<200x128xf32, #tpu.memory_space<vmem>>, vector<1x16xf32>,
        %swap3A_39 = vector.shape_cast %swap3A_38 : vector<1x16xf32> to vector<16xf32>
        %swap3A_40 = vector.shape_cast %add3A_36 : vector<16xf32> to vector<1x16xf32>
        tpu.vector_store %arg8[%swap3A, %swap3A_37], %swap3A_40 {strides = array<i32>} : memref<200x128xf32, #tpu.memory_space<vmem>>, vector<1x16xf32>,
        %get3A_41 = arith.index_cast %scan3A_28 : i32 to index
        %get3A_42 = arith.constant 16 : index
        %get3A_43 = tpu.vector_load %arg8[%get3A_41, %get3A_42] {strides = array<i32>} : memref<200x128xf32, #tpu.memory_space<vmem>>, vector<1x16xf32>,
        %get3A_44 = vector.shape_cast %get3A_43 : vector<1x16xf32> to vector<16xf32>
        %get3A_45 = arith.index_cast %scan3A_28 : i32 to index
        %get3A_46 = arith.constant 16 : index
        %get3A_47 = tpu.vector_load %arg9[%get3A_45, %get3A_46] {strides = array<i32>} : memref<200x128xf32, #tpu.memory_space<vmem>>, vector<1x16xf32>,
        %get3A_48 = vector.shape_cast %get3A_47 : vector<1x16xf32> to vector<16xf32>
        %add3A_49 = arith.addf %get3A_44, %get3A_48 : vector<16xf32>
        %swap3A_50 = arith.index_cast %scan3A_28 : i32 to index
        %swap3A_51 = arith.constant 16 : index
        %swap3A_52 = tpu.vector_load %arg8[%swap3A_50, %swap3A_51] {strides = array<i32>} : memref<200x128xf32, #tpu.memory_space<vmem>>, vector<1x16xf32>,
        %swap3A_53 = vector.shape_cast %swap3A_52 : vector<1x16xf32> to vector<16xf32>
        %swap3A_54 = vector.shape_cast %add3A_49 : vector<16xf32> to vector<1x16xf32>
        tpu.vector_store %arg8[%swap3A_50, %swap3A_51], %swap3A_54 {strides = array<i32>} : memref<200x128xf32, #tpu.memory_space<vmem>>, vector<1x16xf32>,
        %get3A_55 = arith.index_cast %scan3A_28 : i32 to index
        %get3A_56 = arith.constant 32 : index
        %get3A_57 = tpu.vector_load %arg8[%get3A_55, %get3A_56] {strides = array<i32>} : memref<200x128xf32, #tpu.memory_space<vmem>>, vector<1x16xf32>,
        %get3A_58 = vector.shape_cast %get3A_57 : vector<1x16xf32> to vector<16xf32>
        %get3A_59 = arith.index_cast %scan3A_28 : i32 to index
        %get3A_60 = arith.constant 32 : index
        %get3A_61 = tpu.vector_load %arg9[%get3A_59, %get3A_60] {strides = array<i32>} : memref<200x128xf32, #tpu.memory_space<vmem>>, vector<1x16xf32>,
        %get3A_62 = vector.shape_cast %get3A_61 : vector<1x16xf32> to vector<16xf32>
        %add3A_63 = arith.addf %get3A_58, %get3A_62 : vector<16xf32>
        %swap3A_64 = arith.index_cast %scan3A_28 : i32 to index
        %swap3A_65 = arith.constant 32 : index
        %swap3A_66 = tpu.vector_load %arg8[%swap3A_64, %swap3A_65] {strides = array<i32>} : memref<200x128xf32, #tpu.memory_space<vmem>>, vector<1x16xf32>,
        %swap3A_67 = vector.shape_cast %swap3A_66 : vector<1x16xf32> to vector<16xf32>
        %swap3A_68 = vector.shape_cast %add3A_63 : vector<16xf32> to vector<1x16xf32>
        tpu.vector_store %arg8[%swap3A_64, %swap3A_65], %swap3A_68 {strides = array<i32>} : memref<200x128xf32, #tpu.memory_space<vmem>>, vector<1x16xf32>,
        %get3A_69 = arith.index_cast %scan3A_28 : i32 to index
        %get3A_70 = arith.constant 48 : index
        %get3A_71 = tpu.vector_load %arg8[%get3A_69, %get3A_70] {strides = array<i32>} : memref<200x128xf32, #tpu.memory_space<vmem>>, vector<1x16xf32>,
        %get3A_72 = vector.shape_cast %get3A_71 : vector<1x16xf32> to vector<16xf32>
        %get3A_73 = arith.index_cast %scan3A_28 : i32 to index
        %get3A_74 = arith.constant 48 : index
        %get3A_75 = tpu.vector_load %arg9[%get3A_73, %get3A_74] {strides = array<i32>} : memref<200x128xf32, #tpu.memory_space<vmem>>, vector<1x16xf32>,
        %get3A_76 = vector.shape_cast %get3A_75 : vector<1x16xf32> to vector<16xf32>
        %add3A_77 = arith.addf %get3A_72, %get3A_76 : vector<16xf32>
        %swap3A_78 = arith.index_cast %scan3A_28 : i32 to index
        %swap3A_79 = arith.constant 48 : index
        %swap3A_80 = tpu.vector_load %arg8[%swap3A_78, %swap3A_79] {strides = array<i32>} : memref<200x128xf32, #tpu.memory_space<vmem>>, vector<1x16xf32>,
        %swap3A_81 = vector.shape_cast %swap3A_80 : vector<1x16xf32> to vector<16xf32>
        %swap3A_82 = vector.shape_cast %add3A_77 : vector<16xf32> to vector<1x16xf32>
        tpu.vector_store %arg8[%swap3A_78, %swap3A_79], %swap3A_82 {strides = array<i32>} : memref<200x128xf32, #tpu.memory_space<vmem>>, vector<1x16xf32>,
        %get3A_83 = arith.index_cast %scan3A_28 : i32 to index
        %get3A_84 = arith.constant 64 : index
        %get3A_85 = tpu.vector_load %arg8[%get3A_83, %get3A_84] {strides = array<i32>} : memref<200x128xf32, #tpu.memory_space<vmem>>, vector<1x16xf32>,
        %get3A_86 = vector.shape_cast %get3A_85 : vector<1x16xf32> to vector<16xf32>
        %get3A_87 = arith.index_cast %scan3A_28 : i32 to index
        %get3A_88 = arith.constant 64 : index
        %get3A_89 = tpu.vector_load %arg9[%get3A_87, %get3A_88] {strides = array<i32>} : memref<200x128xf32, #tpu.memory_space<vmem>>, vector<1x16xf32>,
        %get3A_90 = vector.shape_cast %get3A_89 : vector<1x16xf32> to vector<16xf32>
        %add3A_91 = arith.addf %get3A_86, %get3A_90 : vector<16xf32>
        %swap3A_92 = arith.index_cast %scan3A_28 : i32 to index
        %swap3A_93 = arith.constant 64 : index
        %swap3A_94 = tpu.vector_load %arg8[%swap3A_92, %swap3A_93] {strides = array<i32>} : memref<200x128xf32, #tpu.memory_space<vmem>>, vector<1x16xf32>,
        %swap3A_95 = vector.shape_cast %swap3A_94 : vector<1x16xf32> to vector<16xf32>
        %swap3A_96 = vector.shape_cast %add3A_91 : vector<16xf32> to vector<1x16xf32>
        tpu.vector_store %arg8[%swap3A_92, %swap3A_93], %swap3A_96 {strides = array<i32>} : memref<200x128xf32, #tpu.memory_space<vmem>>, vector<1x16xf32>,
        %get3A_97 = arith.index_cast %scan3A_28 : i32 to index
        %get3A_98 = arith.constant 80 : index
        %get3A_99 = tpu.vector_load %arg8[%get3A_97, %get3A_98] {strides = array<i32>} : memref<200x128xf32, #tpu.memory_space<vmem>>, vector<1x16xf32>,
        %get3A_100 = vector.shape_cast %get3A_99 : vector<1x16xf32> to vector<16xf32>
        %get3A_101 = arith.index_cast %scan3A_28 : i32 to index
        %get3A_102 = arith.constant 80 : index
        %get3A_103 = tpu.vector_load %arg9[%get3A_101, %get3A_102] {strides = array<i32>} : memref<200x128xf32, #tpu.memory_space<vmem>>, vector<1x16xf32>,
        %get3A_104 = vector.shape_cast %get3A_103 : vector<1x16xf32> to vector<16xf32>
        %add3A_105 = arith.addf %get3A_100, %get3A_104 : vector<16xf32>
        %swap3A_106 = arith.index_cast %scan3A_28 : i32 to index
        %swap3A_107 = arith.constant 80 : index
        %swap3A_108 = tpu.vector_load %arg8[%swap3A_106, %swap3A_107] {strides = array<i32>} : memref<200x128xf32, #tpu.memory_space<vmem>>, vector<1x16xf32>,
        %swap3A_109 = vector.shape_cast %swap3A_108 : vector<1x16xf32> to vector<16xf32>
        %swap3A_110 = vector.shape_cast %add3A_105 : vector<16xf32> to vector<1x16xf32>
        tpu.vector_store %arg8[%swap3A_106, %swap3A_107], %swap3A_110 {strides = array<i32>} : memref<200x128xf32, #tpu.memory_space<vmem>>, vector<1x16xf32>,
        %get3A_111 = arith.index_cast %scan3A_28 : i32 to index
        %get3A_112 = arith.constant 96 : index
        %get3A_113 = tpu.vector_load %arg8[%get3A_111, %get3A_112] {strides = array<i32>} : memref<200x128xf32, #tpu.memory_space<vmem>>, vector<1x16xf32>,
        %get3A_114 = vector.shape_cast %get3A_113 : vector<1x16xf32> to vector<16xf32>
        %get3A_115 = arith.index_cast %scan3A_28 : i32 to index
        %get3A_116 = arith.constant 96 : index
        %get3A_117 = tpu.vector_load %arg9[%get3A_115, %get3A_116] {strides = array<i32>} : memref<200x128xf32, #tpu.memory_space<vmem>>, vector<1x16xf32>,
        %get3A_118 = vector.shape_cast %get3A_117 : vector<1x16xf32> to vector<16xf32>
        %add3A_119 = arith.addf %get3A_114, %get3A_118 : vector<16xf32>
        %swap3A_120 = arith.index_cast %scan3A_28 : i32 to index
        %swap3A_121 = arith.constant 96 : index
        %swap3A_122 = tpu.vector_load %arg8[%swap3A_120, %swap3A_121] {strides = array<i32>} : memref<200x128xf32, #tpu.memory_space<vmem>>, vector<1x16xf32>,
        %swap3A_123 = vector.shape_cast %swap3A_122 : vector<1x16xf32> to vector<16xf32>
        %swap3A_124 = vector.shape_cast %add3A_119 : vector<16xf32> to vector<1x16xf32>
        tpu.vector_store %arg8[%swap3A_120, %swap3A_121], %swap3A_124 {strides = array<i32>} : memref<200x128xf32, #tpu.memory_space<vmem>>, vector<1x16xf32>,
        %get3A_125 = arith.index_cast %scan3A_28 : i32 to index
        %get3A_126 = arith.constant 112 : index
        %get3A_127 = tpu.vector_load %arg8[%get3A_125, %get3A_126] {strides = array<i32>} : memref<200x128xf32, #tpu.memory_space<vmem>>, vector<1x16xf32>,
        %get3A_128 = vector.shape_cast %get3A_127 : vector<1x16xf32> to vector<16xf32>
        %get3A_129 = arith.index_cast %scan3A_28 : i32 to index
        %get3A_130 = arith.constant 112 : index
        %get3A_131 = tpu.vector_load %arg9[%get3A_129, %get3A_130] {strides = array<i32>} : memref<200x128xf32, #tpu.memory_space<vmem>>, vector<1x16xf32>,
        %get3A_132 = vector.shape_cast %get3A_131 : vector<1x16xf32> to vector<16xf32>
        %add3A_133 = arith.addf %get3A_128, %get3A_132 : vector<16xf32>
        %swap3A_134 = arith.index_cast %scan3A_28 : i32 to index
        %swap3A_135 = arith.constant 112 : index
        %swap3A_136 = tpu.vector_load %arg8[%swap3A_134, %swap3A_135] {strides = array<i32>} : memref<200x128xf32, #tpu.memory_space<vmem>>, vector<1x16xf32>,
        %swap3A_137 = vector.shape_cast %swap3A_136 : vector<1x16xf32> to vector<16xf32>
        %swap3A_138 = vector.shape_cast %add3A_133 : vector<16xf32> to vector<1x16xf32>
        tpu.vector_store %arg8[%swap3A_134, %swap3A_135], %swap3A_138 {strides = array<i32>} : memref<200x128xf32, #tpu.memory_space<vmem>>, vector<1x16xf32>,
      }
      %scan3A_27 = arith.constant 200 : i32
      "tpu.region"() ({
        %run_scoped3A = tpu.sem_alloc : memref<!tpu.dma_semaphore, #tpu.memory_space<semaphore_mem>>
        %dma_start3A_28 = arith.constant 0 : i32
        %dma_start3A_29 = tpu.memref_slice %arg6[%add3A_11, %dma_start3A_28] : memref<160000x128xf32, #tpu.memory_space<hbm>> -> memref<200x128xf32, #tpu.memory_space<hbm>>
        %dma_start3A_30 = arith.constant 0 : i32
        %dma_start3A_31 = tpu.memref_slice %arg6[%add3A_11, %dma_start3A_30] : memref<160000x128xf32, #tpu.memory_space<hbm>> -> memref<200x128xf32, #tpu.memory_space<hbm>>
        tpu.enqueue_dma source(%arg8 : memref<200x128xf32, #tpu.memory_space<vmem>>) target(%dma_start3A_31 : memref<200x128xf32, #tpu.memory_space<hbm>>) target_semaphore(%run_scoped3A : memref<!tpu.dma_semaphore, #tpu.memory_space<semaphore_mem>>)
        %dma_wait3A_32 = arith.constant 0 : i32
        %dma_wait3A_33 = tpu.memref_slice %arg6[%add3A_11, %dma_wait3A_32] : memref<160000x128xf32, #tpu.memory_space<hbm>> -> memref<200x128xf32, #tpu.memory_space<hbm>>
        %dma_wait3A_34 = arith.constant 0 : i32
        %dma_wait3A_35 = tpu.memref_slice %arg6[%add3A_11, %dma_wait3A_34] : memref<160000x128xf32, #tpu.memory_space<hbm>> -> memref<200x128xf32, #tpu.memory_space<hbm>>
        tpu.wait_dma2 semaphore(%run_scoped3A : memref<!tpu.dma_semaphore, #tpu.memory_space<semaphore_mem>>) src(%arg8 : memref<200x128xf32, #tpu.memory_space<vmem>>) dst(%dma_wait3A_35 : memref<200x128xf32, #tpu.memory_space<hbm>>)
        tpu.yield
      }) : () -> ()
    }
    %scan3A_7 = arith.constant 25 : i32
    return
  }
}

#map = affine_map<(d0, d1) -> (0, 0)>
#map1 = affine_map<(d0, d1) -> (0)>
module attributes {stable_mosaic.version = 14 : i64} {
  func.func @k(%arg0: i32, %arg1: i32, %arg2: memref<10000x128xf32, #tpu.memory_space<hbm>>, %arg3: memref<10000x128xf32, #tpu.memory_space<hbm>>, %arg4: memref<160000xi32, #tpu.memory_space<hbm>>, %arg5: memref<160000xi32, #tpu.memory_space<hbm>>, %arg6: memref<160000x128xf32, #tpu.memory_space<hbm>>, %arg7: memref<200xi32, #tpu.memory_space<vmem>>, %arg8: memref<200x128xf32, #tpu.memory_space<vmem>>, %arg9: memref<200x128xf32, #tpu.memory_space<vmem>>, %arg10: memref<!tpu.dma_semaphore, #tpu.memory_space<semaphore_mem>>) attributes {dimension_semantics = [#tpu.dimension_semantics<core_parallel>, #tpu.dimension_semantics<subcore_parallel>], iteration_bounds = array<i64: 2, 16>, scalar_prefetch = 0 : i64, scratch_operands = 4 : i64, tpu.core_type = #tpu.core_type<sc_vector_subcore>, window_params = [{transform_indices = #map}, {transform_indices = #map}, {transform_indices = #map1}, {transform_indices = #map1}, {transform_indices = #map}]} {
    %mul3A = arith.constant 2 : i32
    %mul3A_0 = arith.muli %arg1, %mul3A : i32
    %add3A = arith.addi %mul3A_0, %arg0 : i32
    %mul3A_1 = arith.constant 5000 : i32
    %mul3A_2 = arith.muli %add3A, %mul3A_1 : i32
    %scan3A = arith.constant 0 : i32
    %scan3A_3 = arith.constant 0 : i32
    %scan3A_4 = arith.constant 25 : i32
    %scan3A_5 = arith.addi %scan3A_3, %scan3A_4 : i32
    %scan3A_6 = arith.constant 1 : i32
    scf.for %scan3A_8 = %scan3A_3 to %scan3A_5 step %scan3A_6  : i32 {
      %mul3A_9 = arith.constant 200 : i32
      %mul3A_10 = arith.muli %scan3A_8, %mul3A_9 : i32
      %add3A_11 = arith.addi %mul3A_2, %mul3A_10 : i32
      "tpu.region"() ({
        %run_scoped3A = tpu.sem_alloc : memref<!tpu.dma_semaphore, #tpu.memory_space<semaphore_mem>>
        %dma_start3A_28 = tpu.memref_slice %arg4[%add3A_11] : memref<160000xi32, #tpu.memory_space<hbm>> -> memref<200xi32, #tpu.memory_space<hbm>>
        %dma_start3A_29 = tpu.memref_slice %arg4[%add3A_11] : memref<160000xi32, #tpu.memory_space<hbm>> -> memref<200xi32, #tpu.memory_space<hbm>>
        tpu.enqueue_dma source(%dma_start3A_29 : memref<200xi32, #tpu.memory_space<hbm>>) target(%arg7 : memref<200xi32, #tpu.memory_space<vmem>>) target_semaphore(%run_scoped3A : memref<!tpu.dma_semaphore, #tpu.memory_space<semaphore_mem>>)
        %dma_wait3A_30 = tpu.memref_slice %arg4[%add3A_11] : memref<160000xi32, #tpu.memory_space<hbm>> -> memref<200xi32, #tpu.memory_space<hbm>>
        %dma_wait3A_31 = tpu.memref_slice %arg4[%add3A_11] : memref<160000xi32, #tpu.memory_space<hbm>> -> memref<200xi32, #tpu.memory_space<hbm>>
        tpu.wait_dma2 semaphore(%run_scoped3A : memref<!tpu.dma_semaphore, #tpu.memory_space<semaphore_mem>>) src(%dma_wait3A_31 : memref<200xi32, #tpu.memory_space<hbm>>) dst(%arg7 : memref<200xi32, #tpu.memory_space<vmem>>)
        tpu.yield
      }) : () -> ()
      %dma_start3A = arith.constant 0 : i32
      %dma_start3A_12 = arith.constant 0 : i32
      %dma_start3A_13 = tpu.memref_slice %arg2[%dma_start3A, %dma_start3A_12] : memref<10000x128xf32, #tpu.memory_space<hbm>> -> memref<10000x128xf32, #tpu.memory_space<hbm>>
      tpu.enqueue_indirect_dma source(%dma_start3A_13 : memref<10000x128xf32, #tpu.memory_space<hbm>>) target(%arg8 : memref<200x128xf32, #tpu.memory_space<vmem>>) offsets(%arg7 : memref<200xi32, #tpu.memory_space<vmem>>) semaphore(%arg10 : memref<!tpu.dma_semaphore, #tpu.memory_space<semaphore_mem>>)
      %dma_wait3A = arith.constant 0 : i32
      %dma_wait3A_14 = arith.constant 0 : i32
      %dma_wait3A_15 = tpu.memref_slice %arg2[%dma_wait3A, %dma_wait3A_14] : memref<10000x128xf32, #tpu.memory_space<hbm>> -> memref<10000x128xf32, #tpu.memory_space<hbm>>
      tpu.wait_indirect_dma semaphore(%arg10 : memref<!tpu.dma_semaphore, #tpu.memory_space<semaphore_mem>>) src(%dma_wait3A_15 : memref<10000x128xf32, #tpu.memory_space<hbm>>) dst(%arg8 : memref<200x128xf32, #tpu.memory_space<vmem>>)
      "tpu.region"() ({
        %run_scoped3A = tpu.sem_alloc : memref<!tpu.dma_semaphore, #tpu.memory_space<semaphore_mem>>
        %dma_start3A_28 = tpu.memref_slice %arg5[%add3A_11] : memref<160000xi32, #tpu.memory_space<hbm>> -> memref<200xi32, #tpu.memory_space<hbm>>
        %dma_start3A_29 = tpu.memref_slice %arg5[%add3A_11] : memref<160000xi32, #tpu.memory_space<hbm>> -> memref<200xi32, #tpu.memory_space<hbm>>
        tpu.enqueue_dma source(%dma_start3A_29 : memref<200xi32, #tpu.memory_space<hbm>>) target(%arg7 : memref<200xi32, #tpu.memory_space<vmem>>) target_semaphore(%run_scoped3A : memref<!tpu.dma_semaphore, #tpu.memory_space<semaphore_mem>>)
        %dma_wait3A_30 = tpu.memref_slice %arg5[%add3A_11] : memref<160000xi32, #tpu.memory_space<hbm>> -> memref<200xi32, #tpu.memory_space<hbm>>
        %dma_wait3A_31 = tpu.memref_slice %arg5[%add3A_11] : memref<160000xi32, #tpu.memory_space<hbm>> -> memref<200xi32, #tpu.memory_space<hbm>>
        tpu.wait_dma2 semaphore(%run_scoped3A : memref<!tpu.dma_semaphore, #tpu.memory_space<semaphore_mem>>) src(%dma_wait3A_31 : memref<200xi32, #tpu.memory_space<hbm>>) dst(%arg7 : memref<200xi32, #tpu.memory_space<vmem>>)
        tpu.yield
      }) : () -> ()
      %dma_start3A_16 = arith.constant 0 : i32
      %dma_start3A_17 = arith.constant 0 : i32
      %dma_start3A_18 = tpu.memref_slice %arg3[%dma_start3A_16, %dma_start3A_17] : memref<10000x128xf32, #tpu.memory_space<hbm>> -> memref<10000x128xf32, #tpu.memory_space<hbm>>
      tpu.enqueue_indirect_dma source(%dma_start3A_18 : memref<10000x128xf32, #tpu.memory_space<hbm>>) target(%arg9 : memref<200x128xf32, #tpu.memory_space<vmem>>) offsets(%arg7 : memref<200xi32, #tpu.memory_space<vmem>>) semaphore(%arg10 : memref<!tpu.dma_semaphore, #tpu.memory_space<semaphore_mem>>)
      %dma_wait3A_19 = arith.constant 0 : i32
      %dma_wait3A_20 = arith.constant 0 : i32
      %dma_wait3A_21 = tpu.memref_slice %arg3[%dma_wait3A_19, %dma_wait3A_20] : memref<10000x128xf32, #tpu.memory_space<hbm>> -> memref<10000x128xf32, #tpu.memory_space<hbm>>
      tpu.wait_indirect_dma semaphore(%arg10 : memref<!tpu.dma_semaphore, #tpu.memory_space<semaphore_mem>>) src(%dma_wait3A_21 : memref<10000x128xf32, #tpu.memory_space<hbm>>) dst(%arg9 : memref<200x128xf32, #tpu.memory_space<vmem>>)
      %scan3A_22 = arith.constant 0 : i32
      %scan3A_23 = arith.constant 0 : i32
      %scan3A_24 = arith.constant 200 : i32
      %scan3A_25 = arith.addi %scan3A_23, %scan3A_24 : i32
      %scan3A_26 = arith.constant 1 : i32
      scf.for %scan3A_28 = %scan3A_23 to %scan3A_25 step %scan3A_26  : i32 {
        %get3A = arith.index_cast %scan3A_28 : i32 to index
        %get3A_29 = arith.constant 0 : index
        %get3A_30 = tpu.vector_load %arg8[%get3A, %get3A_29] {strides = array<i32>} : memref<200x128xf32, #tpu.memory_space<vmem>>, vector<1x16xf32>,
        %get3A_31 = vector.shape_cast %get3A_30 : vector<1x16xf32> to vector<16xf32>
        %get3A_32 = arith.index_cast %scan3A_28 : i32 to index
        %get3A_33 = arith.constant 0 : index
        %get3A_34 = tpu.vector_load %arg9[%get3A_32, %get3A_33] {strides = array<i32>} : memref<200x128xf32, #tpu.memory_space<vmem>>, vector<1x16xf32>,
        %get3A_35 = vector.shape_cast %get3A_34 : vector<1x16xf32> to vector<16xf32>
        %add3A_36 = arith.addf %get3A_31, %get3A_35 : vector<16xf32>
        %swap3A = arith.index_cast %scan3A_28 : i32 to index
        %swap3A_37 = arith.constant 0 : index
        %swap3A_38 = tpu.vector_load %arg8[%swap3A, %swap3A_37] {strides = array<i32>} : memref<200x128xf32, #tpu.memory_space<vmem>>, vector<1x16xf32>,
        %swap3A_39 = vector.shape_cast %swap3A_38 : vector<1x16xf32> to vector<16xf32>
        %swap3A_40 = vector.shape_cast %add3A_36 : vector<16xf32> to vector<1x16xf32>
        tpu.vector_store %arg8[%swap3A, %swap3A_37], %swap3A_40 {strides = array<i32>} : memref<200x128xf32, #tpu.memory_space<vmem>>, vector<1x16xf32>,
        %get3A_41 = arith.index_cast %scan3A_28 : i32 to index
        %get3A_42 = arith.constant 16 : index
        %get3A_43 = tpu.vector_load %arg8[%get3A_41, %get3A_42] {strides = array<i32>} : memref<200x128xf32, #tpu.memory_space<vmem>>, vector<1x16xf32>,
        %get3A_44 = vector.shape_cast %get3A_43 : vector<1x16xf32> to vector<16xf32>
        %get3A_45 = arith.index_cast %scan3A_28 : i32 to index
        %get3A_46 = arith.constant 16 : index
        %get3A_47 = tpu.vector_load %arg9[%get3A_45, %get3A_46] {strides = array<i32>} : memref<200x128xf32, #tpu.memory_space<vmem>>, vector<1x16xf32>,
        %get3A_48 = vector.shape_cast %get3A_47 : vector<1x16xf32> to vector<16xf32>
        %add3A_49 = arith.addf %get3A_44, %get3A_48 : vector<16xf32>
        %swap3A_50 = arith.index_cast %scan3A_28 : i32 to index
        %swap3A_51 = arith.constant 16 : index
        %swap3A_52 = tpu.vector_load %arg8[%swap3A_50, %swap3A_51] {strides = array<i32>} : memref<200x128xf32, #tpu.memory_space<vmem>>, vector<1x16xf32>,
        %swap3A_53 = vector.shape_cast %swap3A_52 : vector<1x16xf32> to vector<16xf32>
        %swap3A_54 = vector.shape_cast %add3A_49 : vector<16xf32> to vector<1x16xf32>
        tpu.vector_store %arg8[%swap3A_50, %swap3A_51], %swap3A_54 {strides = array<i32>} : memref<200x128xf32, #tpu.memory_space<vmem>>, vector<1x16xf32>,
        %get3A_55 = arith.index_cast %scan3A_28 : i32 to index
        %get3A_56 = arith.constant 32 : index
        %get3A_57 = tpu.vector_load %arg8[%get3A_55, %get3A_56] {strides = array<i32>} : memref<200x128xf32, #tpu.memory_space<vmem>>, vector<1x16xf32>,
        %get3A_58 = vector.shape_cast %get3A_57 : vector<1x16xf32> to vector<16xf32>
        %get3A_59 = arith.index_cast %scan3A_28 : i32 to index
        %get3A_60 = arith.constant 32 : index
        %get3A_61 = tpu.vector_load %arg9[%get3A_59, %get3A_60] {strides = array<i32>} : memref<200x128xf32, #tpu.memory_space<vmem>>, vector<1x16xf32>,
        %get3A_62 = vector.shape_cast %get3A_61 : vector<1x16xf32> to vector<16xf32>
        %add3A_63 = arith.addf %get3A_58, %get3A_62 : vector<16xf32>
        %swap3A_64 = arith.index_cast %scan3A_28 : i32 to index
        %swap3A_65 = arith.constant 32 : index
        %swap3A_66 = tpu.vector_load %arg8[%swap3A_64, %swap3A_65] {strides = array<i32>} : memref<200x128xf32, #tpu.memory_space<vmem>>, vector<1x16xf32>,
        %swap3A_67 = vector.shape_cast %swap3A_66 : vector<1x16xf32> to vector<16xf32>
        %swap3A_68 = vector.shape_cast %add3A_63 : vector<16xf32> to vector<1x16xf32>
        tpu.vector_store %arg8[%swap3A_64, %swap3A_65], %swap3A_68 {strides = array<i32>} : memref<200x128xf32, #tpu.memory_space<vmem>>, vector<1x16xf32>,
        %get3A_69 = arith.index_cast %scan3A_28 : i32 to index
        %get3A_70 = arith.constant 48 : index
        %get3A_71 = tpu.vector_load %arg8[%get3A_69, %get3A_70] {strides = array<i32>} : memref<200x128xf32, #tpu.memory_space<vmem>>, vector<1x16xf32>,
        %get3A_72 = vector.shape_cast %get3A_71 : vector<1x16xf32> to vector<16xf32>
        %get3A_73 = arith.index_cast %scan3A_28 : i32 to index
        %get3A_74 = arith.constant 48 : index
        %get3A_75 = tpu.vector_load %arg9[%get3A_73, %get3A_74] {strides = array<i32>} : memref<200x128xf32, #tpu.memory_space<vmem>>, vector<1x16xf32>,
        %get3A_76 = vector.shape_cast %get3A_75 : vector<1x16xf32> to vector<16xf32>
        %add3A_77 = arith.addf %get3A_72, %get3A_76 : vector<16xf32>
        %swap3A_78 = arith.index_cast %scan3A_28 : i32 to index
        %swap3A_79 = arith.constant 48 : index
        %swap3A_80 = tpu.vector_load %arg8[%swap3A_78, %swap3A_79] {strides = array<i32>} : memref<200x128xf32, #tpu.memory_space<vmem>>, vector<1x16xf32>,
        %swap3A_81 = vector.shape_cast %swap3A_80 : vector<1x16xf32> to vector<16xf32>
        %swap3A_82 = vector.shape_cast %add3A_77 : vector<16xf32> to vector<1x16xf32>
        tpu.vector_store %arg8[%swap3A_78, %swap3A_79], %swap3A_82 {strides = array<i32>} : memref<200x128xf32, #tpu.memory_space<vmem>>, vector<1x16xf32>,
        %get3A_83 = arith.index_cast %scan3A_28 : i32 to index
        %get3A_84 = arith.constant 64 : index
        %get3A_85 = tpu.vector_load %arg8[%get3A_83, %get3A_84] {strides = array<i32>} : memref<200x128xf32, #tpu.memory_space<vmem>>, vector<1x16xf32>,
        %get3A_86 = vector.shape_cast %get3A_85 : vector<1x16xf32> to vector<16xf32>
        %get3A_87 = arith.index_cast %scan3A_28 : i32 to index
        %get3A_88 = arith.constant 64 : index
        %get3A_89 = tpu.vector_load %arg9[%get3A_87, %get3A_88] {strides = array<i32>} : memref<200x128xf32, #tpu.memory_space<vmem>>, vector<1x16xf32>,
        %get3A_90 = vector.shape_cast %get3A_89 : vector<1x16xf32> to vector<16xf32>
        %add3A_91 = arith.addf %get3A_86, %get3A_90 : vector<16xf32>
        %swap3A_92 = arith.index_cast %scan3A_28 : i32 to index
        %swap3A_93 = arith.constant 64 : index
        %swap3A_94 = tpu.vector_load %arg8[%swap3A_92, %swap3A_93] {strides = array<i32>} : memref<200x128xf32, #tpu.memory_space<vmem>>, vector<1x16xf32>,
        %swap3A_95 = vector.shape_cast %swap3A_94 : vector<1x16xf32> to vector<16xf32>
        %swap3A_96 = vector.shape_cast %add3A_91 : vector<16xf32> to vector<1x16xf32>
        tpu.vector_store %arg8[%swap3A_92, %swap3A_93], %swap3A_96 {strides = array<i32>} : memref<200x128xf32, #tpu.memory_space<vmem>>, vector<1x16xf32>,
        %get3A_97 = arith.index_cast %scan3A_28 : i32 to index
        %get3A_98 = arith.constant 80 : index
        %get3A_99 = tpu.vector_load %arg8[%get3A_97, %get3A_98] {strides = array<i32>} : memref<200x128xf32, #tpu.memory_space<vmem>>, vector<1x16xf32>,
        %get3A_100 = vector.shape_cast %get3A_99 : vector<1x16xf32> to vector<16xf32>
        %get3A_101 = arith.index_cast %scan3A_28 : i32 to index
        %get3A_102 = arith.constant 80 : index
        %get3A_103 = tpu.vector_load %arg9[%get3A_101, %get3A_102] {strides = array<i32>} : memref<200x128xf32, #tpu.memory_space<vmem>>, vector<1x16xf32>,
        %get3A_104 = vector.shape_cast %get3A_103 : vector<1x16xf32> to vector<16xf32>
        %add3A_105 = arith.addf %get3A_100, %get3A_104 : vector<16xf32>
        %swap3A_106 = arith.index_cast %scan3A_28 : i32 to index
        %swap3A_107 = arith.constant 80 : index
        %swap3A_108 = tpu.vector_load %arg8[%swap3A_106, %swap3A_107] {strides = array<i32>} : memref<200x128xf32, #tpu.memory_space<vmem>>, vector<1x16xf32>,
        %swap3A_109 = vector.shape_cast %swap3A_108 : vector<1x16xf32> to vector<16xf32>
        %swap3A_110 = vector.shape_cast %add3A_105 : vector<16xf32> to vector<1x16xf32>
        tpu.vector_store %arg8[%swap3A_106, %swap3A_107], %swap3A_110 {strides = array<i32>} : memref<200x128xf32, #tpu.memory_space<vmem>>, vector<1x16xf32>,
        %get3A_111 = arith.index_cast %scan3A_28 : i32 to index
        %get3A_112 = arith.constant 96 : index
        %get3A_113 = tpu.vector_load %arg8[%get3A_111, %get3A_112] {strides = array<i32>} : memref<200x128xf32, #tpu.memory_space<vmem>>, vector<1x16xf32>,
        %get3A_114 = vector.shape_cast %get3A_113 : vector<1x16xf32> to vector<16xf32>
        %get3A_115 = arith.index_cast %scan3A_28 : i32 to index
        %get3A_116 = arith.constant 96 : index
        %get3A_117 = tpu.vector_load %arg9[%get3A_115, %get3A_116] {strides = array<i32>} : memref<200x128xf32, #tpu.memory_space<vmem>>, vector<1x16xf32>,
        %get3A_118 = vector.shape_cast %get3A_117 : vector<1x16xf32> to vector<16xf32>
        %add3A_119 = arith.addf %get3A_114, %get3A_118 : vector<16xf32>
        %swap3A_120 = arith.index_cast %scan3A_28 : i32 to index
        %swap3A_121 = arith.constant 96 : index
        %swap3A_122 = tpu.vector_load %arg8[%swap3A_120, %swap3A_121] {strides = array<i32>} : memref<200x128xf32, #tpu.memory_space<vmem>>, vector<1x16xf32>,
        %swap3A_123 = vector.shape_cast %swap3A_122 : vector<1x16xf32> to vector<16xf32>
        %swap3A_124 = vector.shape_cast %add3A_119 : vector<16xf32> to vector<1x16xf32>
        tpu.vector_store %arg8[%swap3A_120, %swap3A_121], %swap3A_124 {strides = array<i32>} : memref<200x128xf32, #tpu.memory_space<vmem>>, vector<1x16xf32>,
        %get3A_125 = arith.index_cast %scan3A_28 : i32 to index
        %get3A_126 = arith.constant 112 : index
        %get3A_127 = tpu.vector_load %arg8[%get3A_125, %get3A_126] {strides = array<i32>} : memref<200x128xf32, #tpu.memory_space<vmem>>, vector<1x16xf32>,
        %get3A_128 = vector.shape_cast %get3A_127 : vector<1x16xf32> to vector<16xf32>
        %get3A_129 = arith.index_cast %scan3A_28 : i32 to index
        %get3A_130 = arith.constant 112 : index
        %get3A_131 = tpu.vector_load %arg9[%get3A_129, %get3A_130] {strides = array<i32>} : memref<200x128xf32, #tpu.memory_space<vmem>>, vector<1x16xf32>,
        %get3A_132 = vector.shape_cast %get3A_131 : vector<1x16xf32> to vector<16xf32>
        %add3A_133 = arith.addf %get3A_128, %get3A_132 : vector<16xf32>
        %swap3A_134 = arith.index_cast %scan3A_28 : i32 to index
        %swap3A_135 = arith.constant 112 : index
        %swap3A_136 = tpu.vector_load %arg8[%swap3A_134, %swap3A_135] {strides = array<i32>} : memref<200x128xf32, #tpu.memory_space<vmem>>, vector<1x16xf32>,
        %swap3A_137 = vector.shape_cast %swap3A_136 : vector<1x16xf32> to vector<16xf32>
        %swap3A_138 = vector.shape_cast %add3A_133 : vector<16xf32> to vector<1x16xf32>
        tpu.vector_store %arg8[%swap3A_134, %swap3A_135], %swap3A_138 {strides = array<i32>} : memref<200x128xf32, #tpu.memory_space<vmem>>, vector<1x16xf32>,
      }
      %scan3A_27 = arith.constant 200 : i32
      "tpu.region"() ({
        %run_scoped3A = tpu.sem_alloc : memref<!tpu.dma_semaphore, #tpu.memory_space<semaphore_mem>>
        %dma_start3A_28 = arith.constant 0 : i32
        %dma_start3A_29 = tpu.memref_slice %arg6[%add3A_11, %dma_start3A_28] : memref<160000x128xf32, #tpu.memory_space<hbm>> -> memref<200x128xf32, #tpu.memory_space<hbm>>
        %dma_start3A_30 = arith.constant 0 : i32
        %dma_start3A_31 = tpu.memref_slice %arg6[%add3A_11, %dma_start3A_30] : memref<160000x128xf32, #tpu.memory_space<hbm>> -> memref<200x128xf32, #tpu.memory_space<hbm>>
        tpu.enqueue_dma source(%arg8 : memref<200x128xf32, #tpu.memory_space<vmem>>) target(%dma_start3A_31 : memref<200x128xf32, #tpu.memory_space<hbm>>) target_semaphore(%run_scoped3A : memref<!tpu.dma_semaphore, #tpu.memory_space<semaphore_mem>>)
        %dma_wait3A_32 = arith.constant 0 : i32
        %dma_wait3A_33 = tpu.memref_slice %arg6[%add3A_11, %dma_wait3A_32] : memref<160000x128xf32, #tpu.memory_space<hbm>> -> memref<200x128xf32, #tpu.memory_space<hbm>>
        %dma_wait3A_34 = arith.constant 0 : i32
        %dma_wait3A_35 = tpu.memref_slice %arg6[%add3A_11, %dma_wait3A_34] : memref<160000x128xf32, #tpu.memory_space<hbm>> -> memref<200x128xf32, #tpu.memory_space<hbm>>
        tpu.wait_dma2 semaphore(%run_scoped3A : memref<!tpu.dma_semaphore, #tpu.memory_space<semaphore_mem>>) src(%arg8 : memref<200x128xf32, #tpu.memory_space<vmem>>) dst(%dma_wait3A_35 : memref<200x128xf32, #tpu.memory_space<hbm>>)
        tpu.yield
      }) : () -> ()
    }
    %scan3A_7 = arith.constant 25 : i32
    return
  }
}

#map = affine_map<(d0, d1) -> (0, 0)>
#map1 = affine_map<(d0, d1) -> (0)>
module attributes {stable_mosaic.version = 14 : i64} {
  func.func @k(%arg0: i32, %arg1: i32, %arg2: memref<10000x128xf32, #tpu.memory_space<hbm>>, %arg3: memref<10000x128xf32, #tpu.memory_space<hbm>>, %arg4: memref<160000xi32, #tpu.memory_space<hbm>>, %arg5: memref<160000xi32, #tpu.memory_space<hbm>>, %arg6: memref<160000x128xf32, #tpu.memory_space<hbm>>, %arg7: memref<200xi32, #tpu.memory_space<vmem>>, %arg8: memref<200x128xf32, #tpu.memory_space<vmem>>, %arg9: memref<200x128xf32, #tpu.memory_space<vmem>>, %arg10: memref<!tpu.dma_semaphore, #tpu.memory_space<semaphore_mem>>) attributes {dimension_semantics = [#tpu.dimension_semantics<core_parallel>, #tpu.dimension_semantics<subcore_parallel>], iteration_bounds = array<i64: 2, 16>, scalar_prefetch = 0 : i64, scratch_operands = 4 : i64, tpu.core_type = #tpu.core_type<sc_vector_subcore>, window_params = [{transform_indices = #map}, {transform_indices = #map}, {transform_indices = #map1}, {transform_indices = #map1}, {transform_indices = #map}]} {
    %mul3A = arith.constant 2 : i32
    %mul3A_0 = arith.muli %arg1, %mul3A : i32
    %add3A = arith.addi %mul3A_0, %arg0 : i32
    %mul3A_1 = arith.constant 5000 : i32
    %mul3A_2 = arith.muli %add3A, %mul3A_1 : i32
    %scan3A = arith.constant 0 : i32
    %scan3A_3 = arith.constant 0 : i32
    %scan3A_4 = arith.constant 25 : i32
    %scan3A_5 = arith.addi %scan3A_3, %scan3A_4 : i32
    %scan3A_6 = arith.constant 1 : i32
    scf.for %scan3A_8 = %scan3A_3 to %scan3A_5 step %scan3A_6  : i32 {
      %mul3A_9 = arith.constant 200 : i32
      %mul3A_10 = arith.muli %scan3A_8, %mul3A_9 : i32
      %add3A_11 = arith.addi %mul3A_2, %mul3A_10 : i32
      "tpu.region"() ({
        %run_scoped3A = tpu.sem_alloc : memref<!tpu.dma_semaphore, #tpu.memory_space<semaphore_mem>>
        %dma_start3A_28 = tpu.memref_slice %arg4[%add3A_11] : memref<160000xi32, #tpu.memory_space<hbm>> -> memref<200xi32, #tpu.memory_space<hbm>>
        %dma_start3A_29 = tpu.memref_slice %arg4[%add3A_11] : memref<160000xi32, #tpu.memory_space<hbm>> -> memref<200xi32, #tpu.memory_space<hbm>>
        tpu.enqueue_dma source(%dma_start3A_29 : memref<200xi32, #tpu.memory_space<hbm>>) target(%arg7 : memref<200xi32, #tpu.memory_space<vmem>>) target_semaphore(%run_scoped3A : memref<!tpu.dma_semaphore, #tpu.memory_space<semaphore_mem>>)
        %dma_wait3A_30 = tpu.memref_slice %arg4[%add3A_11] : memref<160000xi32, #tpu.memory_space<hbm>> -> memref<200xi32, #tpu.memory_space<hbm>>
        %dma_wait3A_31 = tpu.memref_slice %arg4[%add3A_11] : memref<160000xi32, #tpu.memory_space<hbm>> -> memref<200xi32, #tpu.memory_space<hbm>>
        tpu.wait_dma2 semaphore(%run_scoped3A : memref<!tpu.dma_semaphore, #tpu.memory_space<semaphore_mem>>) src(%dma_wait3A_31 : memref<200xi32, #tpu.memory_space<hbm>>) dst(%arg7 : memref<200xi32, #tpu.memory_space<vmem>>)
        tpu.yield
      }) : () -> ()
      %dma_start3A = arith.constant 0 : i32
      %dma_start3A_12 = arith.constant 0 : i32
      %dma_start3A_13 = tpu.memref_slice %arg2[%dma_start3A, %dma_start3A_12] : memref<10000x128xf32, #tpu.memory_space<hbm>> -> memref<10000x128xf32, #tpu.memory_space<hbm>>
      tpu.enqueue_indirect_dma source(%dma_start3A_13 : memref<10000x128xf32, #tpu.memory_space<hbm>>) target(%arg8 : memref<200x128xf32, #tpu.memory_space<vmem>>) offsets(%arg7 : memref<200xi32, #tpu.memory_space<vmem>>) semaphore(%arg10 : memref<!tpu.dma_semaphore, #tpu.memory_space<semaphore_mem>>)
      %dma_wait3A = arith.constant 0 : i32
      %dma_wait3A_14 = arith.constant 0 : i32
      %dma_wait3A_15 = tpu.memref_slice %arg2[%dma_wait3A, %dma_wait3A_14] : memref<10000x128xf32, #tpu.memory_space<hbm>> -> memref<10000x128xf32, #tpu.memory_space<hbm>>
      tpu.wait_indirect_dma semaphore(%arg10 : memref<!tpu.dma_semaphore, #tpu.memory_space<semaphore_mem>>) src(%dma_wait3A_15 : memref<10000x128xf32, #tpu.memory_space<hbm>>) dst(%arg8 : memref<200x128xf32, #tpu.memory_space<vmem>>)
      "tpu.region"() ({
        %run_scoped3A = tpu.sem_alloc : memref<!tpu.dma_semaphore, #tpu.memory_space<semaphore_mem>>
        %dma_start3A_28 = tpu.memref_slice %arg5[%add3A_11] : memref<160000xi32, #tpu.memory_space<hbm>> -> memref<200xi32, #tpu.memory_space<hbm>>
        %dma_start3A_29 = tpu.memref_slice %arg5[%add3A_11] : memref<160000xi32, #tpu.memory_space<hbm>> -> memref<200xi32, #tpu.memory_space<hbm>>
        tpu.enqueue_dma source(%dma_start3A_29 : memref<200xi32, #tpu.memory_space<hbm>>) target(%arg7 : memref<200xi32, #tpu.memory_space<vmem>>) target_semaphore(%run_scoped3A : memref<!tpu.dma_semaphore, #tpu.memory_space<semaphore_mem>>)
        %dma_wait3A_30 = tpu.memref_slice %arg5[%add3A_11] : memref<160000xi32, #tpu.memory_space<hbm>> -> memref<200xi32, #tpu.memory_space<hbm>>
        %dma_wait3A_31 = tpu.memref_slice %arg5[%add3A_11] : memref<160000xi32, #tpu.memory_space<hbm>> -> memref<200xi32, #tpu.memory_space<hbm>>
        tpu.wait_dma2 semaphore(%run_scoped3A : memref<!tpu.dma_semaphore, #tpu.memory_space<semaphore_mem>>) src(%dma_wait3A_31 : memref<200xi32, #tpu.memory_space<hbm>>) dst(%arg7 : memref<200xi32, #tpu.memory_space<vmem>>)
        tpu.yield
      }) : () -> ()
      %dma_start3A_16 = arith.constant 0 : i32
      %dma_start3A_17 = arith.constant 0 : i32
      %dma_start3A_18 = tpu.memref_slice %arg3[%dma_start3A_16, %dma_start3A_17] : memref<10000x128xf32, #tpu.memory_space<hbm>> -> memref<10000x128xf32, #tpu.memory_space<hbm>>
      tpu.enqueue_indirect_dma source(%dma_start3A_18 : memref<10000x128xf32, #tpu.memory_space<hbm>>) target(%arg9 : memref<200x128xf32, #tpu.memory_space<vmem>>) offsets(%arg7 : memref<200xi32, #tpu.memory_space<vmem>>) semaphore(%arg10 : memref<!tpu.dma_semaphore, #tpu.memory_space<semaphore_mem>>)
      %dma_wait3A_19 = arith.constant 0 : i32
      %dma_wait3A_20 = arith.constant 0 : i32
      %dma_wait3A_21 = tpu.memref_slice %arg3[%dma_wait3A_19, %dma_wait3A_20] : memref<10000x128xf32, #tpu.memory_space<hbm>> -> memref<10000x128xf32, #tpu.memory_space<hbm>>
      tpu.wait_indirect_dma semaphore(%arg10 : memref<!tpu.dma_semaphore, #tpu.memory_space<semaphore_mem>>) src(%dma_wait3A_21 : memref<10000x128xf32, #tpu.memory_space<hbm>>) dst(%arg9 : memref<200x128xf32, #tpu.memory_space<vmem>>)
      %scan3A_22 = arith.constant 0 : i32
      %scan3A_23 = arith.constant 0 : i32
      %scan3A_24 = arith.constant 200 : i32
      %scan3A_25 = arith.addi %scan3A_23, %scan3A_24 : i32
      %scan3A_26 = arith.constant 1 : i32
      scf.for %scan3A_28 = %scan3A_23 to %scan3A_25 step %scan3A_26  : i32 {
        %get3A = arith.index_cast %scan3A_28 : i32 to index
        %get3A_29 = arith.constant 0 : index
        %get3A_30 = tpu.vector_load %arg8[%get3A, %get3A_29] {strides = array<i32>} : memref<200x128xf32, #tpu.memory_space<vmem>>, vector<1x16xf32>,
        %get3A_31 = vector.shape_cast %get3A_30 : vector<1x16xf32> to vector<16xf32>
        %get3A_32 = arith.index_cast %scan3A_28 : i32 to index
        %get3A_33 = arith.constant 0 : index
        %get3A_34 = tpu.vector_load %arg9[%get3A_32, %get3A_33] {strides = array<i32>} : memref<200x128xf32, #tpu.memory_space<vmem>>, vector<1x16xf32>,
        %get3A_35 = vector.shape_cast %get3A_34 : vector<1x16xf32> to vector<16xf32>
        %add3A_36 = arith.addf %get3A_31, %get3A_35 : vector<16xf32>
        %swap3A = arith.index_cast %scan3A_28 : i32 to index
        %swap3A_37 = arith.constant 0 : index
        %swap3A_38 = tpu.vector_load %arg8[%swap3A, %swap3A_37] {strides = array<i32>} : memref<200x128xf32, #tpu.memory_space<vmem>>, vector<1x16xf32>,
        %swap3A_39 = vector.shape_cast %swap3A_38 : vector<1x16xf32> to vector<16xf32>
        %swap3A_40 = vector.shape_cast %add3A_36 : vector<16xf32> to vector<1x16xf32>
        tpu.vector_store %arg8[%swap3A, %swap3A_37], %swap3A_40 {strides = array<i32>} : memref<200x128xf32, #tpu.memory_space<vmem>>, vector<1x16xf32>,
        %get3A_41 = arith.index_cast %scan3A_28 : i32 to index
        %get3A_42 = arith.constant 16 : index
        %get3A_43 = tpu.vector_load %arg8[%get3A_41, %get3A_42] {strides = array<i32>} : memref<200x128xf32, #tpu.memory_space<vmem>>, vector<1x16xf32>,
        %get3A_44 = vector.shape_cast %get3A_43 : vector<1x16xf32> to vector<16xf32>
        %get3A_45 = arith.index_cast %scan3A_28 : i32 to index
        %get3A_46 = arith.constant 16 : index
        %get3A_47 = tpu.vector_load %arg9[%get3A_45, %get3A_46] {strides = array<i32>} : memref<200x128xf32, #tpu.memory_space<vmem>>, vector<1x16xf32>,
        %get3A_48 = vector.shape_cast %get3A_47 : vector<1x16xf32> to vector<16xf32>
        %add3A_49 = arith.addf %get3A_44, %get3A_48 : vector<16xf32>
        %swap3A_50 = arith.index_cast %scan3A_28 : i32 to index
        %swap3A_51 = arith.constant 16 : index
        %swap3A_52 = tpu.vector_load %arg8[%swap3A_50, %swap3A_51] {strides = array<i32>} : memref<200x128xf32, #tpu.memory_space<vmem>>, vector<1x16xf32>,
        %swap3A_53 = vector.shape_cast %swap3A_52 : vector<1x16xf32> to vector<16xf32>
        %swap3A_54 = vector.shape_cast %add3A_49 : vector<16xf32> to vector<1x16xf32>
        tpu.vector_store %arg8[%swap3A_50, %swap3A_51], %swap3A_54 {strides = array<i32>} : memref<200x128xf32, #tpu.memory_space<vmem>>, vector<1x16xf32>,
        %get3A_55 = arith.index_cast %scan3A_28 : i32 to index
        %get3A_56 = arith.constant 32 : index
        %get3A_57 = tpu.vector_load %arg8[%get3A_55, %get3A_56] {strides = array<i32>} : memref<200x128xf32, #tpu.memory_space<vmem>>, vector<1x16xf32>,
        %get3A_58 = vector.shape_cast %get3A_57 : vector<1x16xf32> to vector<16xf32>
        %get3A_59 = arith.index_cast %scan3A_28 : i32 to index
        %get3A_60 = arith.constant 32 : index
        %get3A_61 = tpu.vector_load %arg9[%get3A_59, %get3A_60] {strides = array<i32>} : memref<200x128xf32, #tpu.memory_space<vmem>>, vector<1x16xf32>,
        %get3A_62 = vector.shape_cast %get3A_61 : vector<1x16xf32> to vector<16xf32>
        %add3A_63 = arith.addf %get3A_58, %get3A_62 : vector<16xf32>
        %swap3A_64 = arith.index_cast %scan3A_28 : i32 to index
        %swap3A_65 = arith.constant 32 : index
        %swap3A_66 = tpu.vector_load %arg8[%swap3A_64, %swap3A_65] {strides = array<i32>} : memref<200x128xf32, #tpu.memory_space<vmem>>, vector<1x16xf32>,
        %swap3A_67 = vector.shape_cast %swap3A_66 : vector<1x16xf32> to vector<16xf32>
        %swap3A_68 = vector.shape_cast %add3A_63 : vector<16xf32> to vector<1x16xf32>
        tpu.vector_store %arg8[%swap3A_64, %swap3A_65], %swap3A_68 {strides = array<i32>} : memref<200x128xf32, #tpu.memory_space<vmem>>, vector<1x16xf32>,
        %get3A_69 = arith.index_cast %scan3A_28 : i32 to index
        %get3A_70 = arith.constant 48 : index
        %get3A_71 = tpu.vector_load %arg8[%get3A_69, %get3A_70] {strides = array<i32>} : memref<200x128xf32, #tpu.memory_space<vmem>>, vector<1x16xf32>,
        %get3A_72 = vector.shape_cast %get3A_71 : vector<1x16xf32> to vector<16xf32>
        %get3A_73 = arith.index_cast %scan3A_28 : i32 to index
        %get3A_74 = arith.constant 48 : index
        %get3A_75 = tpu.vector_load %arg9[%get3A_73, %get3A_74] {strides = array<i32>} : memref<200x128xf32, #tpu.memory_space<vmem>>, vector<1x16xf32>,
        %get3A_76 = vector.shape_cast %get3A_75 : vector<1x16xf32> to vector<16xf32>
        %add3A_77 = arith.addf %get3A_72, %get3A_76 : vector<16xf32>
        %swap3A_78 = arith.index_cast %scan3A_28 : i32 to index
        %swap3A_79 = arith.constant 48 : index
        %swap3A_80 = tpu.vector_load %arg8[%swap3A_78, %swap3A_79] {strides = array<i32>} : memref<200x128xf32, #tpu.memory_space<vmem>>, vector<1x16xf32>,
        %swap3A_81 = vector.shape_cast %swap3A_80 : vector<1x16xf32> to vector<16xf32>
        %swap3A_82 = vector.shape_cast %add3A_77 : vector<16xf32> to vector<1x16xf32>
        tpu.vector_store %arg8[%swap3A_78, %swap3A_79], %swap3A_82 {strides = array<i32>} : memref<200x128xf32, #tpu.memory_space<vmem>>, vector<1x16xf32>,
        %get3A_83 = arith.index_cast %scan3A_28 : i32 to index
        %get3A_84 = arith.constant 64 : index
        %get3A_85 = tpu.vector_load %arg8[%get3A_83, %get3A_84] {strides = array<i32>} : memref<200x128xf32, #tpu.memory_space<vmem>>, vector<1x16xf32>,
        %get3A_86 = vector.shape_cast %get3A_85 : vector<1x16xf32> to vector<16xf32>
        %get3A_87 = arith.index_cast %scan3A_28 : i32 to index
        %get3A_88 = arith.constant 64 : index
        %get3A_89 = tpu.vector_load %arg9[%get3A_87, %get3A_88] {strides = array<i32>} : memref<200x128xf32, #tpu.memory_space<vmem>>, vector<1x16xf32>,
        %get3A_90 = vector.shape_cast %get3A_89 : vector<1x16xf32> to vector<16xf32>
        %add3A_91 = arith.addf %get3A_86, %get3A_90 : vector<16xf32>
        %swap3A_92 = arith.index_cast %scan3A_28 : i32 to index
        %swap3A_93 = arith.constant 64 : index
        %swap3A_94 = tpu.vector_load %arg8[%swap3A_92, %swap3A_93] {strides = array<i32>} : memref<200x128xf32, #tpu.memory_space<vmem>>, vector<1x16xf32>,
        %swap3A_95 = vector.shape_cast %swap3A_94 : vector<1x16xf32> to vector<16xf32>
        %swap3A_96 = vector.shape_cast %add3A_91 : vector<16xf32> to vector<1x16xf32>
        tpu.vector_store %arg8[%swap3A_92, %swap3A_93], %swap3A_96 {strides = array<i32>} : memref<200x128xf32, #tpu.memory_space<vmem>>, vector<1x16xf32>,
        %get3A_97 = arith.index_cast %scan3A_28 : i32 to index
        %get3A_98 = arith.constant 80 : index
        %get3A_99 = tpu.vector_load %arg8[%get3A_97, %get3A_98] {strides = array<i32>} : memref<200x128xf32, #tpu.memory_space<vmem>>, vector<1x16xf32>,
        %get3A_100 = vector.shape_cast %get3A_99 : vector<1x16xf32> to vector<16xf32>
        %get3A_101 = arith.index_cast %scan3A_28 : i32 to index
        %get3A_102 = arith.constant 80 : index
        %get3A_103 = tpu.vector_load %arg9[%get3A_101, %get3A_102] {strides = array<i32>} : memref<200x128xf32, #tpu.memory_space<vmem>>, vector<1x16xf32>,
        %get3A_104 = vector.shape_cast %get3A_103 : vector<1x16xf32> to vector<16xf32>
        %add3A_105 = arith.addf %get3A_100, %get3A_104 : vector<16xf32>
        %swap3A_106 = arith.index_cast %scan3A_28 : i32 to index
        %swap3A_107 = arith.constant 80 : index
        %swap3A_108 = tpu.vector_load %arg8[%swap3A_106, %swap3A_107] {strides = array<i32>} : memref<200x128xf32, #tpu.memory_space<vmem>>, vector<1x16xf32>,
        %swap3A_109 = vector.shape_cast %swap3A_108 : vector<1x16xf32> to vector<16xf32>
        %swap3A_110 = vector.shape_cast %add3A_105 : vector<16xf32> to vector<1x16xf32>
        tpu.vector_store %arg8[%swap3A_106, %swap3A_107], %swap3A_110 {strides = array<i32>} : memref<200x128xf32, #tpu.memory_space<vmem>>, vector<1x16xf32>,
        %get3A_111 = arith.index_cast %scan3A_28 : i32 to index
        %get3A_112 = arith.constant 96 : index
        %get3A_113 = tpu.vector_load %arg8[%get3A_111, %get3A_112] {strides = array<i32>} : memref<200x128xf32, #tpu.memory_space<vmem>>, vector<1x16xf32>,
        %get3A_114 = vector.shape_cast %get3A_113 : vector<1x16xf32> to vector<16xf32>
        %get3A_115 = arith.index_cast %scan3A_28 : i32 to index
        %get3A_116 = arith.constant 96 : index
        %get3A_117 = tpu.vector_load %arg9[%get3A_115, %get3A_116] {strides = array<i32>} : memref<200x128xf32, #tpu.memory_space<vmem>>, vector<1x16xf32>,
        %get3A_118 = vector.shape_cast %get3A_117 : vector<1x16xf32> to vector<16xf32>
        %add3A_119 = arith.addf %get3A_114, %get3A_118 : vector<16xf32>
        %swap3A_120 = arith.index_cast %scan3A_28 : i32 to index
        %swap3A_121 = arith.constant 96 : index
        %swap3A_122 = tpu.vector_load %arg8[%swap3A_120, %swap3A_121] {strides = array<i32>} : memref<200x128xf32, #tpu.memory_space<vmem>>, vector<1x16xf32>,
        %swap3A_123 = vector.shape_cast %swap3A_122 : vector<1x16xf32> to vector<16xf32>
        %swap3A_124 = vector.shape_cast %add3A_119 : vector<16xf32> to vector<1x16xf32>
        tpu.vector_store %arg8[%swap3A_120, %swap3A_121], %swap3A_124 {strides = array<i32>} : memref<200x128xf32, #tpu.memory_space<vmem>>, vector<1x16xf32>,
        %get3A_125 = arith.index_cast %scan3A_28 : i32 to index
        %get3A_126 = arith.constant 112 : index
        %get3A_127 = tpu.vector_load %arg8[%get3A_125, %get3A_126] {strides = array<i32>} : memref<200x128xf32, #tpu.memory_space<vmem>>, vector<1x16xf32>,
        %get3A_128 = vector.shape_cast %get3A_127 : vector<1x16xf32> to vector<16xf32>
        %get3A_129 = arith.index_cast %scan3A_28 : i32 to index
        %get3A_130 = arith.constant 112 : index
        %get3A_131 = tpu.vector_load %arg9[%get3A_129, %get3A_130] {strides = array<i32>} : memref<200x128xf32, #tpu.memory_space<vmem>>, vector<1x16xf32>,
        %get3A_132 = vector.shape_cast %get3A_131 : vector<1x16xf32> to vector<16xf32>
        %add3A_133 = arith.addf %get3A_128, %get3A_132 : vector<16xf32>
        %swap3A_134 = arith.index_cast %scan3A_28 : i32 to index
        %swap3A_135 = arith.constant 112 : index
        %swap3A_136 = tpu.vector_load %arg8[%swap3A_134, %swap3A_135] {strides = array<i32>} : memref<200x128xf32, #tpu.memory_space<vmem>>, vector<1x16xf32>,
        %swap3A_137 = vector.shape_cast %swap3A_136 : vector<1x16xf32> to vector<16xf32>
        %swap3A_138 = vector.shape_cast %add3A_133 : vector<16xf32> to vector<1x16xf32>
        tpu.vector_store %arg8[%swap3A_134, %swap3A_135], %swap3A_138 {strides = array<i32>} : memref<200x128xf32, #tpu.memory_space<vmem>>, vector<1x16xf32>,
      }
      %scan3A_27 = arith.constant 200 : i32
      "tpu.region"() ({
        %run_scoped3A = tpu.sem_alloc : memref<!tpu.dma_semaphore, #tpu.memory_space<semaphore_mem>>
        %dma_start3A_28 = arith.constant 0 : i32
        %dma_start3A_29 = tpu.memref_slice %arg6[%add3A_11, %dma_start3A_28] : memref<160000x128xf32, #tpu.memory_space<hbm>> -> memref<200x128xf32, #tpu.memory_space<hbm>>
        %dma_start3A_30 = arith.constant 0 : i32
        %dma_start3A_31 = tpu.memref_slice %arg6[%add3A_11, %dma_start3A_30] : memref<160000x128xf32, #tpu.memory_space<hbm>> -> memref<200x128xf32, #tpu.memory_space<hbm>>
        tpu.enqueue_dma source(%arg8 : memref<200x128xf32, #tpu.memory_space<vmem>>) target(%dma_start3A_31 : memref<200x128xf32, #tpu.memory_space<hbm>>) target_semaphore(%run_scoped3A : memref<!tpu.dma_semaphore, #tpu.memory_space<semaphore_mem>>)
        %dma_wait3A_32 = arith.constant 0 : i32
        %dma_wait3A_33 = tpu.memref_slice %arg6[%add3A_11, %dma_wait3A_32] : memref<160000x128xf32, #tpu.memory_space<hbm>> -> memref<200x128xf32, #tpu.memory_space<hbm>>
        %dma_wait3A_34 = arith.constant 0 : i32
        %dma_wait3A_35 = tpu.memref_slice %arg6[%add3A_11, %dma_wait3A_34] : memref<160000x128xf32, #tpu.memory_space<hbm>> -> memref<200x128xf32, #tpu.memory_space<hbm>>
        tpu.wait_dma2 semaphore(%run_scoped3A : memref<!tpu.dma_semaphore, #tpu.memory_space<semaphore_mem>>) src(%arg8 : memref<200x128xf32, #tpu.memory_space<vmem>>) dst(%dma_wait3A_35 : memref<200x128xf32, #tpu.memory_space<hbm>>)
        tpu.yield
      }) : () -> ()
    }
    %scan3A_7 = arith.constant 25 : i32
    return
  }
}

#map = affine_map<(d0, d1) -> (0, 0)>
#map1 = affine_map<(d0, d1) -> (0)>
module attributes {stable_mosaic.version = 14 : i64} {
  func.func @k(%arg0: i32, %arg1: i32, %arg2: memref<10000x128xf32, #tpu.memory_space<hbm>>, %arg3: memref<10000x128xf32, #tpu.memory_space<hbm>>, %arg4: memref<160000xi32, #tpu.memory_space<hbm>>, %arg5: memref<160000xi32, #tpu.memory_space<hbm>>, %arg6: memref<160000x128xf32, #tpu.memory_space<hbm>>, %arg7: memref<200xi32, #tpu.memory_space<vmem>>, %arg8: memref<200x128xf32, #tpu.memory_space<vmem>>, %arg9: memref<200x128xf32, #tpu.memory_space<vmem>>, %arg10: memref<!tpu.dma_semaphore, #tpu.memory_space<semaphore_mem>>) attributes {dimension_semantics = [#tpu.dimension_semantics<core_parallel>, #tpu.dimension_semantics<subcore_parallel>], iteration_bounds = array<i64: 2, 16>, scalar_prefetch = 0 : i64, scratch_operands = 4 : i64, tpu.core_type = #tpu.core_type<sc_vector_subcore>, window_params = [{transform_indices = #map}, {transform_indices = #map}, {transform_indices = #map1}, {transform_indices = #map1}, {transform_indices = #map}]} {
    %mul3A = arith.constant 2 : i32
    %mul3A_0 = arith.muli %arg1, %mul3A : i32
    %add3A = arith.addi %mul3A_0, %arg0 : i32
    %mul3A_1 = arith.constant 5000 : i32
    %mul3A_2 = arith.muli %add3A, %mul3A_1 : i32
    %scan3A = arith.constant 0 : i32
    %scan3A_3 = arith.constant 0 : i32
    %scan3A_4 = arith.constant 25 : i32
    %scan3A_5 = arith.addi %scan3A_3, %scan3A_4 : i32
    %scan3A_6 = arith.constant 1 : i32
    scf.for %scan3A_8 = %scan3A_3 to %scan3A_5 step %scan3A_6  : i32 {
      %mul3A_9 = arith.constant 200 : i32
      %mul3A_10 = arith.muli %scan3A_8, %mul3A_9 : i32
      %add3A_11 = arith.addi %mul3A_2, %mul3A_10 : i32
      "tpu.region"() ({
        %run_scoped3A = tpu.sem_alloc : memref<!tpu.dma_semaphore, #tpu.memory_space<semaphore_mem>>
        %dma_start3A_28 = tpu.memref_slice %arg4[%add3A_11] : memref<160000xi32, #tpu.memory_space<hbm>> -> memref<200xi32, #tpu.memory_space<hbm>>
        %dma_start3A_29 = tpu.memref_slice %arg4[%add3A_11] : memref<160000xi32, #tpu.memory_space<hbm>> -> memref<200xi32, #tpu.memory_space<hbm>>
        tpu.enqueue_dma source(%dma_start3A_29 : memref<200xi32, #tpu.memory_space<hbm>>) target(%arg7 : memref<200xi32, #tpu.memory_space<vmem>>) target_semaphore(%run_scoped3A : memref<!tpu.dma_semaphore, #tpu.memory_space<semaphore_mem>>)
        %dma_wait3A_30 = tpu.memref_slice %arg4[%add3A_11] : memref<160000xi32, #tpu.memory_space<hbm>> -> memref<200xi32, #tpu.memory_space<hbm>>
        %dma_wait3A_31 = tpu.memref_slice %arg4[%add3A_11] : memref<160000xi32, #tpu.memory_space<hbm>> -> memref<200xi32, #tpu.memory_space<hbm>>
        tpu.wait_dma2 semaphore(%run_scoped3A : memref<!tpu.dma_semaphore, #tpu.memory_space<semaphore_mem>>) src(%dma_wait3A_31 : memref<200xi32, #tpu.memory_space<hbm>>) dst(%arg7 : memref<200xi32, #tpu.memory_space<vmem>>)
        tpu.yield
      }) : () -> ()
      %dma_start3A = arith.constant 0 : i32
      %dma_start3A_12 = arith.constant 0 : i32
      %dma_start3A_13 = tpu.memref_slice %arg2[%dma_start3A, %dma_start3A_12] : memref<10000x128xf32, #tpu.memory_space<hbm>> -> memref<10000x128xf32, #tpu.memory_space<hbm>>
      tpu.enqueue_indirect_dma source(%dma_start3A_13 : memref<10000x128xf32, #tpu.memory_space<hbm>>) target(%arg8 : memref<200x128xf32, #tpu.memory_space<vmem>>) offsets(%arg7 : memref<200xi32, #tpu.memory_space<vmem>>) semaphore(%arg10 : memref<!tpu.dma_semaphore, #tpu.memory_space<semaphore_mem>>)
      %dma_wait3A = arith.constant 0 : i32
      %dma_wait3A_14 = arith.constant 0 : i32
      %dma_wait3A_15 = tpu.memref_slice %arg2[%dma_wait3A, %dma_wait3A_14] : memref<10000x128xf32, #tpu.memory_space<hbm>> -> memref<10000x128xf32, #tpu.memory_space<hbm>>
      tpu.wait_indirect_dma semaphore(%arg10 : memref<!tpu.dma_semaphore, #tpu.memory_space<semaphore_mem>>) src(%dma_wait3A_15 : memref<10000x128xf32, #tpu.memory_space<hbm>>) dst(%arg8 : memref<200x128xf32, #tpu.memory_space<vmem>>)
      "tpu.region"() ({
        %run_scoped3A = tpu.sem_alloc : memref<!tpu.dma_semaphore, #tpu.memory_space<semaphore_mem>>
        %dma_start3A_28 = tpu.memref_slice %arg5[%add3A_11] : memref<160000xi32, #tpu.memory_space<hbm>> -> memref<200xi32, #tpu.memory_space<hbm>>
        %dma_start3A_29 = tpu.memref_slice %arg5[%add3A_11] : memref<160000xi32, #tpu.memory_space<hbm>> -> memref<200xi32, #tpu.memory_space<hbm>>
        tpu.enqueue_dma source(%dma_start3A_29 : memref<200xi32, #tpu.memory_space<hbm>>) target(%arg7 : memref<200xi32, #tpu.memory_space<vmem>>) target_semaphore(%run_scoped3A : memref<!tpu.dma_semaphore, #tpu.memory_space<semaphore_mem>>)
        %dma_wait3A_30 = tpu.memref_slice %arg5[%add3A_11] : memref<160000xi32, #tpu.memory_space<hbm>> -> memref<200xi32, #tpu.memory_space<hbm>>
        %dma_wait3A_31 = tpu.memref_slice %arg5[%add3A_11] : memref<160000xi32, #tpu.memory_space<hbm>> -> memref<200xi32, #tpu.memory_space<hbm>>
        tpu.wait_dma2 semaphore(%run_scoped3A : memref<!tpu.dma_semaphore, #tpu.memory_space<semaphore_mem>>) src(%dma_wait3A_31 : memref<200xi32, #tpu.memory_space<hbm>>) dst(%arg7 : memref<200xi32, #tpu.memory_space<vmem>>)
        tpu.yield
      }) : () -> ()
      %dma_start3A_16 = arith.constant 0 : i32
      %dma_start3A_17 = arith.constant 0 : i32
      %dma_start3A_18 = tpu.memref_slice %arg3[%dma_start3A_16, %dma_start3A_17] : memref<10000x128xf32, #tpu.memory_space<hbm>> -> memref<10000x128xf32, #tpu.memory_space<hbm>>
      tpu.enqueue_indirect_dma source(%dma_start3A_18 : memref<10000x128xf32, #tpu.memory_space<hbm>>) target(%arg9 : memref<200x128xf32, #tpu.memory_space<vmem>>) offsets(%arg7 : memref<200xi32, #tpu.memory_space<vmem>>) semaphore(%arg10 : memref<!tpu.dma_semaphore, #tpu.memory_space<semaphore_mem>>)
      %dma_wait3A_19 = arith.constant 0 : i32
      %dma_wait3A_20 = arith.constant 0 : i32
      %dma_wait3A_21 = tpu.memref_slice %arg3[%dma_wait3A_19, %dma_wait3A_20] : memref<10000x128xf32, #tpu.memory_space<hbm>> -> memref<10000x128xf32, #tpu.memory_space<hbm>>
      tpu.wait_indirect_dma semaphore(%arg10 : memref<!tpu.dma_semaphore, #tpu.memory_space<semaphore_mem>>) src(%dma_wait3A_21 : memref<10000x128xf32, #tpu.memory_space<hbm>>) dst(%arg9 : memref<200x128xf32, #tpu.memory_space<vmem>>)
      %scan3A_22 = arith.constant 0 : i32
      %scan3A_23 = arith.constant 0 : i32
      %scan3A_24 = arith.constant 200 : i32
      %scan3A_25 = arith.addi %scan3A_23, %scan3A_24 : i32
      %scan3A_26 = arith.constant 1 : i32
      scf.for %scan3A_28 = %scan3A_23 to %scan3A_25 step %scan3A_26  : i32 {
        %get3A = arith.index_cast %scan3A_28 : i32 to index
        %get3A_29 = arith.constant 0 : index
        %get3A_30 = tpu.vector_load %arg8[%get3A, %get3A_29] {strides = array<i32>} : memref<200x128xf32, #tpu.memory_space<vmem>>, vector<1x16xf32>,
        %get3A_31 = vector.shape_cast %get3A_30 : vector<1x16xf32> to vector<16xf32>
        %get3A_32 = arith.index_cast %scan3A_28 : i32 to index
        %get3A_33 = arith.constant 0 : index
        %get3A_34 = tpu.vector_load %arg9[%get3A_32, %get3A_33] {strides = array<i32>} : memref<200x128xf32, #tpu.memory_space<vmem>>, vector<1x16xf32>,
        %get3A_35 = vector.shape_cast %get3A_34 : vector<1x16xf32> to vector<16xf32>
        %add3A_36 = arith.addf %get3A_31, %get3A_35 : vector<16xf32>
        %swap3A = arith.index_cast %scan3A_28 : i32 to index
        %swap3A_37 = arith.constant 0 : index
        %swap3A_38 = tpu.vector_load %arg8[%swap3A, %swap3A_37] {strides = array<i32>} : memref<200x128xf32, #tpu.memory_space<vmem>>, vector<1x16xf32>,
        %swap3A_39 = vector.shape_cast %swap3A_38 : vector<1x16xf32> to vector<16xf32>
        %swap3A_40 = vector.shape_cast %add3A_36 : vector<16xf32> to vector<1x16xf32>
        tpu.vector_store %arg8[%swap3A, %swap3A_37], %swap3A_40 {strides = array<i32>} : memref<200x128xf32, #tpu.memory_space<vmem>>, vector<1x16xf32>,
        %get3A_41 = arith.index_cast %scan3A_28 : i32 to index
        %get3A_42 = arith.constant 16 : index
        %get3A_43 = tpu.vector_load %arg8[%get3A_41, %get3A_42] {strides = array<i32>} : memref<200x128xf32, #tpu.memory_space<vmem>>, vector<1x16xf32>,
        %get3A_44 = vector.shape_cast %get3A_43 : vector<1x16xf32> to vector<16xf32>
        %get3A_45 = arith.index_cast %scan3A_28 : i32 to index
        %get3A_46 = arith.constant 16 : index
        %get3A_47 = tpu.vector_load %arg9[%get3A_45, %get3A_46] {strides = array<i32>} : memref<200x128xf32, #tpu.memory_space<vmem>>, vector<1x16xf32>,
        %get3A_48 = vector.shape_cast %get3A_47 : vector<1x16xf32> to vector<16xf32>
        %add3A_49 = arith.addf %get3A_44, %get3A_48 : vector<16xf32>
        %swap3A_50 = arith.index_cast %scan3A_28 : i32 to index
        %swap3A_51 = arith.constant 16 : index
        %swap3A_52 = tpu.vector_load %arg8[%swap3A_50, %swap3A_51] {strides = array<i32>} : memref<200x128xf32, #tpu.memory_space<vmem>>, vector<1x16xf32>,
        %swap3A_53 = vector.shape_cast %swap3A_52 : vector<1x16xf32> to vector<16xf32>
        %swap3A_54 = vector.shape_cast %add3A_49 : vector<16xf32> to vector<1x16xf32>
        tpu.vector_store %arg8[%swap3A_50, %swap3A_51], %swap3A_54 {strides = array<i32>} : memref<200x128xf32, #tpu.memory_space<vmem>>, vector<1x16xf32>,
        %get3A_55 = arith.index_cast %scan3A_28 : i32 to index
        %get3A_56 = arith.constant 32 : index
        %get3A_57 = tpu.vector_load %arg8[%get3A_55, %get3A_56] {strides = array<i32>} : memref<200x128xf32, #tpu.memory_space<vmem>>, vector<1x16xf32>,
        %get3A_58 = vector.shape_cast %get3A_57 : vector<1x16xf32> to vector<16xf32>
        %get3A_59 = arith.index_cast %scan3A_28 : i32 to index
        %get3A_60 = arith.constant 32 : index
        %get3A_61 = tpu.vector_load %arg9[%get3A_59, %get3A_60] {strides = array<i32>} : memref<200x128xf32, #tpu.memory_space<vmem>>, vector<1x16xf32>,
        %get3A_62 = vector.shape_cast %get3A_61 : vector<1x16xf32> to vector<16xf32>
        %add3A_63 = arith.addf %get3A_58, %get3A_62 : vector<16xf32>
        %swap3A_64 = arith.index_cast %scan3A_28 : i32 to index
        %swap3A_65 = arith.constant 32 : index
        %swap3A_66 = tpu.vector_load %arg8[%swap3A_64, %swap3A_65] {strides = array<i32>} : memref<200x128xf32, #tpu.memory_space<vmem>>, vector<1x16xf32>,
        %swap3A_67 = vector.shape_cast %swap3A_66 : vector<1x16xf32> to vector<16xf32>
        %swap3A_68 = vector.shape_cast %add3A_63 : vector<16xf32> to vector<1x16xf32>
        tpu.vector_store %arg8[%swap3A_64, %swap3A_65], %swap3A_68 {strides = array<i32>} : memref<200x128xf32, #tpu.memory_space<vmem>>, vector<1x16xf32>,
        %get3A_69 = arith.index_cast %scan3A_28 : i32 to index
        %get3A_70 = arith.constant 48 : index
        %get3A_71 = tpu.vector_load %arg8[%get3A_69, %get3A_70] {strides = array<i32>} : memref<200x128xf32, #tpu.memory_space<vmem>>, vector<1x16xf32>,
        %get3A_72 = vector.shape_cast %get3A_71 : vector<1x16xf32> to vector<16xf32>
        %get3A_73 = arith.index_cast %scan3A_28 : i32 to index
        %get3A_74 = arith.constant 48 : index
        %get3A_75 = tpu.vector_load %arg9[%get3A_73, %get3A_74] {strides = array<i32>} : memref<200x128xf32, #tpu.memory_space<vmem>>, vector<1x16xf32>,
        %get3A_76 = vector.shape_cast %get3A_75 : vector<1x16xf32> to vector<16xf32>
        %add3A_77 = arith.addf %get3A_72, %get3A_76 : vector<16xf32>
        %swap3A_78 = arith.index_cast %scan3A_28 : i32 to index
        %swap3A_79 = arith.constant 48 : index
        %swap3A_80 = tpu.vector_load %arg8[%swap3A_78, %swap3A_79] {strides = array<i32>} : memref<200x128xf32, #tpu.memory_space<vmem>>, vector<1x16xf32>,
        %swap3A_81 = vector.shape_cast %swap3A_80 : vector<1x16xf32> to vector<16xf32>
        %swap3A_82 = vector.shape_cast %add3A_77 : vector<16xf32> to vector<1x16xf32>
        tpu.vector_store %arg8[%swap3A_78, %swap3A_79], %swap3A_82 {strides = array<i32>} : memref<200x128xf32, #tpu.memory_space<vmem>>, vector<1x16xf32>,
        %get3A_83 = arith.index_cast %scan3A_28 : i32 to index
        %get3A_84 = arith.constant 64 : index
        %get3A_85 = tpu.vector_load %arg8[%get3A_83, %get3A_84] {strides = array<i32>} : memref<200x128xf32, #tpu.memory_space<vmem>>, vector<1x16xf32>,
        %get3A_86 = vector.shape_cast %get3A_85 : vector<1x16xf32> to vector<16xf32>
        %get3A_87 = arith.index_cast %scan3A_28 : i32 to index
        %get3A_88 = arith.constant 64 : index
        %get3A_89 = tpu.vector_load %arg9[%get3A_87, %get3A_88] {strides = array<i32>} : memref<200x128xf32, #tpu.memory_space<vmem>>, vector<1x16xf32>,
        %get3A_90 = vector.shape_cast %get3A_89 : vector<1x16xf32> to vector<16xf32>
        %add3A_91 = arith.addf %get3A_86, %get3A_90 : vector<16xf32>
        %swap3A_92 = arith.index_cast %scan3A_28 : i32 to index
        %swap3A_93 = arith.constant 64 : index
        %swap3A_94 = tpu.vector_load %arg8[%swap3A_92, %swap3A_93] {strides = array<i32>} : memref<200x128xf32, #tpu.memory_space<vmem>>, vector<1x16xf32>,
        %swap3A_95 = vector.shape_cast %swap3A_94 : vector<1x16xf32> to vector<16xf32>
        %swap3A_96 = vector.shape_cast %add3A_91 : vector<16xf32> to vector<1x16xf32>
        tpu.vector_store %arg8[%swap3A_92, %swap3A_93], %swap3A_96 {strides = array<i32>} : memref<200x128xf32, #tpu.memory_space<vmem>>, vector<1x16xf32>,
        %get3A_97 = arith.index_cast %scan3A_28 : i32 to index
        %get3A_98 = arith.constant 80 : index
        %get3A_99 = tpu.vector_load %arg8[%get3A_97, %get3A_98] {strides = array<i32>} : memref<200x128xf32, #tpu.memory_space<vmem>>, vector<1x16xf32>,
        %get3A_100 = vector.shape_cast %get3A_99 : vector<1x16xf32> to vector<16xf32>
        %get3A_101 = arith.index_cast %scan3A_28 : i32 to index
        %get3A_102 = arith.constant 80 : index
        %get3A_103 = tpu.vector_load %arg9[%get3A_101, %get3A_102] {strides = array<i32>} : memref<200x128xf32, #tpu.memory_space<vmem>>, vector<1x16xf32>,
        %get3A_104 = vector.shape_cast %get3A_103 : vector<1x16xf32> to vector<16xf32>
        %add3A_105 = arith.addf %get3A_100, %get3A_104 : vector<16xf32>
        %swap3A_106 = arith.index_cast %scan3A_28 : i32 to index
        %swap3A_107 = arith.constant 80 : index
        %swap3A_108 = tpu.vector_load %arg8[%swap3A_106, %swap3A_107] {strides = array<i32>} : memref<200x128xf32, #tpu.memory_space<vmem>>, vector<1x16xf32>,
        %swap3A_109 = vector.shape_cast %swap3A_108 : vector<1x16xf32> to vector<16xf32>
        %swap3A_110 = vector.shape_cast %add3A_105 : vector<16xf32> to vector<1x16xf32>
        tpu.vector_store %arg8[%swap3A_106, %swap3A_107], %swap3A_110 {strides = array<i32>} : memref<200x128xf32, #tpu.memory_space<vmem>>, vector<1x16xf32>,
        %get3A_111 = arith.index_cast %scan3A_28 : i32 to index
        %get3A_112 = arith.constant 96 : index
        %get3A_113 = tpu.vector_load %arg8[%get3A_111, %get3A_112] {strides = array<i32>} : memref<200x128xf32, #tpu.memory_space<vmem>>, vector<1x16xf32>,
        %get3A_114 = vector.shape_cast %get3A_113 : vector<1x16xf32> to vector<16xf32>
        %get3A_115 = arith.index_cast %scan3A_28 : i32 to index
        %get3A_116 = arith.constant 96 : index
        %get3A_117 = tpu.vector_load %arg9[%get3A_115, %get3A_116] {strides = array<i32>} : memref<200x128xf32, #tpu.memory_space<vmem>>, vector<1x16xf32>,
        %get3A_118 = vector.shape_cast %get3A_117 : vector<1x16xf32> to vector<16xf32>
        %add3A_119 = arith.addf %get3A_114, %get3A_118 : vector<16xf32>
        %swap3A_120 = arith.index_cast %scan3A_28 : i32 to index
        %swap3A_121 = arith.constant 96 : index
        %swap3A_122 = tpu.vector_load %arg8[%swap3A_120, %swap3A_121] {strides = array<i32>} : memref<200x128xf32, #tpu.memory_space<vmem>>, vector<1x16xf32>,
        %swap3A_123 = vector.shape_cast %swap3A_122 : vector<1x16xf32> to vector<16xf32>
        %swap3A_124 = vector.shape_cast %add3A_119 : vector<16xf32> to vector<1x16xf32>
        tpu.vector_store %arg8[%swap3A_120, %swap3A_121], %swap3A_124 {strides = array<i32>} : memref<200x128xf32, #tpu.memory_space<vmem>>, vector<1x16xf32>,
        %get3A_125 = arith.index_cast %scan3A_28 : i32 to index
        %get3A_126 = arith.constant 112 : index
        %get3A_127 = tpu.vector_load %arg8[%get3A_125, %get3A_126] {strides = array<i32>} : memref<200x128xf32, #tpu.memory_space<vmem>>, vector<1x16xf32>,
        %get3A_128 = vector.shape_cast %get3A_127 : vector<1x16xf32> to vector<16xf32>
        %get3A_129 = arith.index_cast %scan3A_28 : i32 to index
        %get3A_130 = arith.constant 112 : index
        %get3A_131 = tpu.vector_load %arg9[%get3A_129, %get3A_130] {strides = array<i32>} : memref<200x128xf32, #tpu.memory_space<vmem>>, vector<1x16xf32>,
        %get3A_132 = vector.shape_cast %get3A_131 : vector<1x16xf32> to vector<16xf32>
        %add3A_133 = arith.addf %get3A_128, %get3A_132 : vector<16xf32>
        %swap3A_134 = arith.index_cast %scan3A_28 : i32 to index
        %swap3A_135 = arith.constant 112 : index
        %swap3A_136 = tpu.vector_load %arg8[%swap3A_134, %swap3A_135] {strides = array<i32>} : memref<200x128xf32, #tpu.memory_space<vmem>>, vector<1x16xf32>,
        %swap3A_137 = vector.shape_cast %swap3A_136 : vector<1x16xf32> to vector<16xf32>
        %swap3A_138 = vector.shape_cast %add3A_133 : vector<16xf32> to vector<1x16xf32>
        tpu.vector_store %arg8[%swap3A_134, %swap3A_135], %swap3A_138 {strides = array<i32>} : memref<200x128xf32, #tpu.memory_space<vmem>>, vector<1x16xf32>,
      }
      %scan3A_27 = arith.constant 200 : i32
      "tpu.region"() ({
        %run_scoped3A = tpu.sem_alloc : memref<!tpu.dma_semaphore, #tpu.memory_space<semaphore_mem>>
        %dma_start3A_28 = arith.constant 0 : i32
        %dma_start3A_29 = tpu.memref_slice %arg6[%add3A_11, %dma_start3A_28] : memref<160000x128xf32, #tpu.memory_space<hbm>> -> memref<200x128xf32, #tpu.memory_space<hbm>>
        %dma_start3A_30 = arith.constant 0 : i32
        %dma_start3A_31 = tpu.memref_slice %arg6[%add3A_11, %dma_start3A_30] : memref<160000x128xf32, #tpu.memory_space<hbm>> -> memref<200x128xf32, #tpu.memory_space<hbm>>
        tpu.enqueue_dma source(%arg8 : memref<200x128xf32, #tpu.memory_space<vmem>>) target(%dma_start3A_31 : memref<200x128xf32, #tpu.memory_space<hbm>>) target_semaphore(%run_scoped3A : memref<!tpu.dma_semaphore, #tpu.memory_space<semaphore_mem>>)
        %dma_wait3A_32 = arith.constant 0 : i32
        %dma_wait3A_33 = tpu.memref_slice %arg6[%add3A_11, %dma_wait3A_32] : memref<160000x128xf32, #tpu.memory_space<hbm>> -> memref<200x128xf32, #tpu.memory_space<hbm>>
        %dma_wait3A_34 = arith.constant 0 : i32
        %dma_wait3A_35 = tpu.memref_slice %arg6[%add3A_11, %dma_wait3A_34] : memref<160000x128xf32, #tpu.memory_space<hbm>> -> memref<200x128xf32, #tpu.memory_space<hbm>>
        tpu.wait_dma2 semaphore(%run_scoped3A : memref<!tpu.dma_semaphore, #tpu.memory_space<semaphore_mem>>) src(%arg8 : memref<200x128xf32, #tpu.memory_space<vmem>>) dst(%dma_wait3A_35 : memref<200x128xf32, #tpu.memory_space<hbm>>)
        tpu.yield
      }) : () -> ()
    }
    %scan3A_7 = arith.constant 25 : i32
    return
  }
}

#map = affine_map<(d0, d1) -> (0, 0)>
#map1 = affine_map<(d0, d1) -> (0)>
module attributes {stable_mosaic.version = 14 : i64} {
  func.func @k(%arg0: i32, %arg1: i32, %arg2: memref<10000x128xf32, #tpu.memory_space<hbm>>, %arg3: memref<10000x128xf32, #tpu.memory_space<hbm>>, %arg4: memref<160000xi32, #tpu.memory_space<hbm>>, %arg5: memref<160000xi32, #tpu.memory_space<hbm>>, %arg6: memref<160000x128xf32, #tpu.memory_space<hbm>>, %arg7: memref<200xi32, #tpu.memory_space<vmem>>, %arg8: memref<200x128xf32, #tpu.memory_space<vmem>>, %arg9: memref<200x128xf32, #tpu.memory_space<vmem>>, %arg10: memref<!tpu.dma_semaphore, #tpu.memory_space<semaphore_mem>>) attributes {dimension_semantics = [#tpu.dimension_semantics<core_parallel>, #tpu.dimension_semantics<subcore_parallel>], iteration_bounds = array<i64: 2, 16>, scalar_prefetch = 0 : i64, scratch_operands = 4 : i64, tpu.core_type = #tpu.core_type<sc_vector_subcore>, window_params = [{transform_indices = #map}, {transform_indices = #map}, {transform_indices = #map1}, {transform_indices = #map1}, {transform_indices = #map}]} {
    %mul3A = arith.constant 2 : i32
    %mul3A_0 = arith.muli %arg1, %mul3A : i32
    %add3A = arith.addi %mul3A_0, %arg0 : i32
    %mul3A_1 = arith.constant 5000 : i32
    %mul3A_2 = arith.muli %add3A, %mul3A_1 : i32
    %scan3A = arith.constant 0 : i32
    %scan3A_3 = arith.constant 0 : i32
    %scan3A_4 = arith.constant 25 : i32
    %scan3A_5 = arith.addi %scan3A_3, %scan3A_4 : i32
    %scan3A_6 = arith.constant 1 : i32
    scf.for %scan3A_8 = %scan3A_3 to %scan3A_5 step %scan3A_6  : i32 {
      %mul3A_9 = arith.constant 200 : i32
      %mul3A_10 = arith.muli %scan3A_8, %mul3A_9 : i32
      %add3A_11 = arith.addi %mul3A_2, %mul3A_10 : i32
      "tpu.region"() ({
        %run_scoped3A = tpu.sem_alloc : memref<!tpu.dma_semaphore, #tpu.memory_space<semaphore_mem>>
        %dma_start3A_28 = tpu.memref_slice %arg4[%add3A_11] : memref<160000xi32, #tpu.memory_space<hbm>> -> memref<200xi32, #tpu.memory_space<hbm>>
        %dma_start3A_29 = tpu.memref_slice %arg4[%add3A_11] : memref<160000xi32, #tpu.memory_space<hbm>> -> memref<200xi32, #tpu.memory_space<hbm>>
        tpu.enqueue_dma source(%dma_start3A_29 : memref<200xi32, #tpu.memory_space<hbm>>) target(%arg7 : memref<200xi32, #tpu.memory_space<vmem>>) target_semaphore(%run_scoped3A : memref<!tpu.dma_semaphore, #tpu.memory_space<semaphore_mem>>)
        %dma_wait3A_30 = tpu.memref_slice %arg4[%add3A_11] : memref<160000xi32, #tpu.memory_space<hbm>> -> memref<200xi32, #tpu.memory_space<hbm>>
        %dma_wait3A_31 = tpu.memref_slice %arg4[%add3A_11] : memref<160000xi32, #tpu.memory_space<hbm>> -> memref<200xi32, #tpu.memory_space<hbm>>
        tpu.wait_dma2 semaphore(%run_scoped3A : memref<!tpu.dma_semaphore, #tpu.memory_space<semaphore_mem>>) src(%dma_wait3A_31 : memref<200xi32, #tpu.memory_space<hbm>>) dst(%arg7 : memref<200xi32, #tpu.memory_space<vmem>>)
        tpu.yield
      }) : () -> ()
      %dma_start3A = arith.constant 0 : i32
      %dma_start3A_12 = arith.constant 0 : i32
      %dma_start3A_13 = tpu.memref_slice %arg2[%dma_start3A, %dma_start3A_12] : memref<10000x128xf32, #tpu.memory_space<hbm>> -> memref<10000x128xf32, #tpu.memory_space<hbm>>
      tpu.enqueue_indirect_dma source(%dma_start3A_13 : memref<10000x128xf32, #tpu.memory_space<hbm>>) target(%arg8 : memref<200x128xf32, #tpu.memory_space<vmem>>) offsets(%arg7 : memref<200xi32, #tpu.memory_space<vmem>>) semaphore(%arg10 : memref<!tpu.dma_semaphore, #tpu.memory_space<semaphore_mem>>)
      %dma_wait3A = arith.constant 0 : i32
      %dma_wait3A_14 = arith.constant 0 : i32
      %dma_wait3A_15 = tpu.memref_slice %arg2[%dma_wait3A, %dma_wait3A_14] : memref<10000x128xf32, #tpu.memory_space<hbm>> -> memref<10000x128xf32, #tpu.memory_space<hbm>>
      tpu.wait_indirect_dma semaphore(%arg10 : memref<!tpu.dma_semaphore, #tpu.memory_space<semaphore_mem>>) src(%dma_wait3A_15 : memref<10000x128xf32, #tpu.memory_space<hbm>>) dst(%arg8 : memref<200x128xf32, #tpu.memory_space<vmem>>)
      "tpu.region"() ({
        %run_scoped3A = tpu.sem_alloc : memref<!tpu.dma_semaphore, #tpu.memory_space<semaphore_mem>>
        %dma_start3A_28 = tpu.memref_slice %arg5[%add3A_11] : memref<160000xi32, #tpu.memory_space<hbm>> -> memref<200xi32, #tpu.memory_space<hbm>>
        %dma_start3A_29 = tpu.memref_slice %arg5[%add3A_11] : memref<160000xi32, #tpu.memory_space<hbm>> -> memref<200xi32, #tpu.memory_space<hbm>>
        tpu.enqueue_dma source(%dma_start3A_29 : memref<200xi32, #tpu.memory_space<hbm>>) target(%arg7 : memref<200xi32, #tpu.memory_space<vmem>>) target_semaphore(%run_scoped3A : memref<!tpu.dma_semaphore, #tpu.memory_space<semaphore_mem>>)
        %dma_wait3A_30 = tpu.memref_slice %arg5[%add3A_11] : memref<160000xi32, #tpu.memory_space<hbm>> -> memref<200xi32, #tpu.memory_space<hbm>>
        %dma_wait3A_31 = tpu.memref_slice %arg5[%add3A_11] : memref<160000xi32, #tpu.memory_space<hbm>> -> memref<200xi32, #tpu.memory_space<hbm>>
        tpu.wait_dma2 semaphore(%run_scoped3A : memref<!tpu.dma_semaphore, #tpu.memory_space<semaphore_mem>>) src(%dma_wait3A_31 : memref<200xi32, #tpu.memory_space<hbm>>) dst(%arg7 : memref<200xi32, #tpu.memory_space<vmem>>)
        tpu.yield
      }) : () -> ()
      %dma_start3A_16 = arith.constant 0 : i32
      %dma_start3A_17 = arith.constant 0 : i32
      %dma_start3A_18 = tpu.memref_slice %arg3[%dma_start3A_16, %dma_start3A_17] : memref<10000x128xf32, #tpu.memory_space<hbm>> -> memref<10000x128xf32, #tpu.memory_space<hbm>>
      tpu.enqueue_indirect_dma source(%dma_start3A_18 : memref<10000x128xf32, #tpu.memory_space<hbm>>) target(%arg9 : memref<200x128xf32, #tpu.memory_space<vmem>>) offsets(%arg7 : memref<200xi32, #tpu.memory_space<vmem>>) semaphore(%arg10 : memref<!tpu.dma_semaphore, #tpu.memory_space<semaphore_mem>>)
      %dma_wait3A_19 = arith.constant 0 : i32
      %dma_wait3A_20 = arith.constant 0 : i32
      %dma_wait3A_21 = tpu.memref_slice %arg3[%dma_wait3A_19, %dma_wait3A_20] : memref<10000x128xf32, #tpu.memory_space<hbm>> -> memref<10000x128xf32, #tpu.memory_space<hbm>>
      tpu.wait_indirect_dma semaphore(%arg10 : memref<!tpu.dma_semaphore, #tpu.memory_space<semaphore_mem>>) src(%dma_wait3A_21 : memref<10000x128xf32, #tpu.memory_space<hbm>>) dst(%arg9 : memref<200x128xf32, #tpu.memory_space<vmem>>)
      %scan3A_22 = arith.constant 0 : i32
      %scan3A_23 = arith.constant 0 : i32
      %scan3A_24 = arith.constant 200 : i32
      %scan3A_25 = arith.addi %scan3A_23, %scan3A_24 : i32
      %scan3A_26 = arith.constant 1 : i32
      scf.for %scan3A_28 = %scan3A_23 to %scan3A_25 step %scan3A_26  : i32 {
        %get3A = arith.index_cast %scan3A_28 : i32 to index
        %get3A_29 = arith.constant 0 : index
        %get3A_30 = tpu.vector_load %arg8[%get3A, %get3A_29] {strides = array<i32>} : memref<200x128xf32, #tpu.memory_space<vmem>>, vector<1x16xf32>,
        %get3A_31 = vector.shape_cast %get3A_30 : vector<1x16xf32> to vector<16xf32>
        %get3A_32 = arith.index_cast %scan3A_28 : i32 to index
        %get3A_33 = arith.constant 0 : index
        %get3A_34 = tpu.vector_load %arg9[%get3A_32, %get3A_33] {strides = array<i32>} : memref<200x128xf32, #tpu.memory_space<vmem>>, vector<1x16xf32>,
        %get3A_35 = vector.shape_cast %get3A_34 : vector<1x16xf32> to vector<16xf32>
        %add3A_36 = arith.addf %get3A_31, %get3A_35 : vector<16xf32>
        %swap3A = arith.index_cast %scan3A_28 : i32 to index
        %swap3A_37 = arith.constant 0 : index
        %swap3A_38 = tpu.vector_load %arg8[%swap3A, %swap3A_37] {strides = array<i32>} : memref<200x128xf32, #tpu.memory_space<vmem>>, vector<1x16xf32>,
        %swap3A_39 = vector.shape_cast %swap3A_38 : vector<1x16xf32> to vector<16xf32>
        %swap3A_40 = vector.shape_cast %add3A_36 : vector<16xf32> to vector<1x16xf32>
        tpu.vector_store %arg8[%swap3A, %swap3A_37], %swap3A_40 {strides = array<i32>} : memref<200x128xf32, #tpu.memory_space<vmem>>, vector<1x16xf32>,
        %get3A_41 = arith.index_cast %scan3A_28 : i32 to index
        %get3A_42 = arith.constant 16 : index
        %get3A_43 = tpu.vector_load %arg8[%get3A_41, %get3A_42] {strides = array<i32>} : memref<200x128xf32, #tpu.memory_space<vmem>>, vector<1x16xf32>,
        %get3A_44 = vector.shape_cast %get3A_43 : vector<1x16xf32> to vector<16xf32>
        %get3A_45 = arith.index_cast %scan3A_28 : i32 to index
        %get3A_46 = arith.constant 16 : index
        %get3A_47 = tpu.vector_load %arg9[%get3A_45, %get3A_46] {strides = array<i32>} : memref<200x128xf32, #tpu.memory_space<vmem>>, vector<1x16xf32>,
        %get3A_48 = vector.shape_cast %get3A_47 : vector<1x16xf32> to vector<16xf32>
        %add3A_49 = arith.addf %get3A_44, %get3A_48 : vector<16xf32>
        %swap3A_50 = arith.index_cast %scan3A_28 : i32 to index
        %swap3A_51 = arith.constant 16 : index
        %swap3A_52 = tpu.vector_load %arg8[%swap3A_50, %swap3A_51] {strides = array<i32>} : memref<200x128xf32, #tpu.memory_space<vmem>>, vector<1x16xf32>,
        %swap3A_53 = vector.shape_cast %swap3A_52 : vector<1x16xf32> to vector<16xf32>
        %swap3A_54 = vector.shape_cast %add3A_49 : vector<16xf32> to vector<1x16xf32>
        tpu.vector_store %arg8[%swap3A_50, %swap3A_51], %swap3A_54 {strides = array<i32>} : memref<200x128xf32, #tpu.memory_space<vmem>>, vector<1x16xf32>,
        %get3A_55 = arith.index_cast %scan3A_28 : i32 to index
        %get3A_56 = arith.constant 32 : index
        %get3A_57 = tpu.vector_load %arg8[%get3A_55, %get3A_56] {strides = array<i32>} : memref<200x128xf32, #tpu.memory_space<vmem>>, vector<1x16xf32>,
        %get3A_58 = vector.shape_cast %get3A_57 : vector<1x16xf32> to vector<16xf32>
        %get3A_59 = arith.index_cast %scan3A_28 : i32 to index
        %get3A_60 = arith.constant 32 : index
        %get3A_61 = tpu.vector_load %arg9[%get3A_59, %get3A_60] {strides = array<i32>} : memref<200x128xf32, #tpu.memory_space<vmem>>, vector<1x16xf32>,
        %get3A_62 = vector.shape_cast %get3A_61 : vector<1x16xf32> to vector<16xf32>
        %add3A_63 = arith.addf %get3A_58, %get3A_62 : vector<16xf32>
        %swap3A_64 = arith.index_cast %scan3A_28 : i32 to index
        %swap3A_65 = arith.constant 32 : index
        %swap3A_66 = tpu.vector_load %arg8[%swap3A_64, %swap3A_65] {strides = array<i32>} : memref<200x128xf32, #tpu.memory_space<vmem>>, vector<1x16xf32>,
        %swap3A_67 = vector.shape_cast %swap3A_66 : vector<1x16xf32> to vector<16xf32>
        %swap3A_68 = vector.shape_cast %add3A_63 : vector<16xf32> to vector<1x16xf32>
        tpu.vector_store %arg8[%swap3A_64, %swap3A_65], %swap3A_68 {strides = array<i32>} : memref<200x128xf32, #tpu.memory_space<vmem>>, vector<1x16xf32>,
        %get3A_69 = arith.index_cast %scan3A_28 : i32 to index
        %get3A_70 = arith.constant 48 : index
        %get3A_71 = tpu.vector_load %arg8[%get3A_69, %get3A_70] {strides = array<i32>} : memref<200x128xf32, #tpu.memory_space<vmem>>, vector<1x16xf32>,
        %get3A_72 = vector.shape_cast %get3A_71 : vector<1x16xf32> to vector<16xf32>
        %get3A_73 = arith.index_cast %scan3A_28 : i32 to index
        %get3A_74 = arith.constant 48 : index
        %get3A_75 = tpu.vector_load %arg9[%get3A_73, %get3A_74] {strides = array<i32>} : memref<200x128xf32, #tpu.memory_space<vmem>>, vector<1x16xf32>,
        %get3A_76 = vector.shape_cast %get3A_75 : vector<1x16xf32> to vector<16xf32>
        %add3A_77 = arith.addf %get3A_72, %get3A_76 : vector<16xf32>
        %swap3A_78 = arith.index_cast %scan3A_28 : i32 to index
        %swap3A_79 = arith.constant 48 : index
        %swap3A_80 = tpu.vector_load %arg8[%swap3A_78, %swap3A_79] {strides = array<i32>} : memref<200x128xf32, #tpu.memory_space<vmem>>, vector<1x16xf32>,
        %swap3A_81 = vector.shape_cast %swap3A_80 : vector<1x16xf32> to vector<16xf32>
        %swap3A_82 = vector.shape_cast %add3A_77 : vector<16xf32> to vector<1x16xf32>
        tpu.vector_store %arg8[%swap3A_78, %swap3A_79], %swap3A_82 {strides = array<i32>} : memref<200x128xf32, #tpu.memory_space<vmem>>, vector<1x16xf32>,
        %get3A_83 = arith.index_cast %scan3A_28 : i32 to index
        %get3A_84 = arith.constant 64 : index
        %get3A_85 = tpu.vector_load %arg8[%get3A_83, %get3A_84] {strides = array<i32>} : memref<200x128xf32, #tpu.memory_space<vmem>>, vector<1x16xf32>,
        %get3A_86 = vector.shape_cast %get3A_85 : vector<1x16xf32> to vector<16xf32>
        %get3A_87 = arith.index_cast %scan3A_28 : i32 to index
        %get3A_88 = arith.constant 64 : index
        %get3A_89 = tpu.vector_load %arg9[%get3A_87, %get3A_88] {strides = array<i32>} : memref<200x128xf32, #tpu.memory_space<vmem>>, vector<1x16xf32>,
        %get3A_90 = vector.shape_cast %get3A_89 : vector<1x16xf32> to vector<16xf32>
        %add3A_91 = arith.addf %get3A_86, %get3A_90 : vector<16xf32>
        %swap3A_92 = arith.index_cast %scan3A_28 : i32 to index
        %swap3A_93 = arith.constant 64 : index
        %swap3A_94 = tpu.vector_load %arg8[%swap3A_92, %swap3A_93] {strides = array<i32>} : memref<200x128xf32, #tpu.memory_space<vmem>>, vector<1x16xf32>,
        %swap3A_95 = vector.shape_cast %swap3A_94 : vector<1x16xf32> to vector<16xf32>
        %swap3A_96 = vector.shape_cast %add3A_91 : vector<16xf32> to vector<1x16xf32>
        tpu.vector_store %arg8[%swap3A_92, %swap3A_93], %swap3A_96 {strides = array<i32>} : memref<200x128xf32, #tpu.memory_space<vmem>>, vector<1x16xf32>,
        %get3A_97 = arith.index_cast %scan3A_28 : i32 to index
        %get3A_98 = arith.constant 80 : index
        %get3A_99 = tpu.vector_load %arg8[%get3A_97, %get3A_98] {strides = array<i32>} : memref<200x128xf32, #tpu.memory_space<vmem>>, vector<1x16xf32>,
        %get3A_100 = vector.shape_cast %get3A_99 : vector<1x16xf32> to vector<16xf32>
        %get3A_101 = arith.index_cast %scan3A_28 : i32 to index
        %get3A_102 = arith.constant 80 : index
        %get3A_103 = tpu.vector_load %arg9[%get3A_101, %get3A_102] {strides = array<i32>} : memref<200x128xf32, #tpu.memory_space<vmem>>, vector<1x16xf32>,
        %get3A_104 = vector.shape_cast %get3A_103 : vector<1x16xf32> to vector<16xf32>
        %add3A_105 = arith.addf %get3A_100, %get3A_104 : vector<16xf32>
        %swap3A_106 = arith.index_cast %scan3A_28 : i32 to index
        %swap3A_107 = arith.constant 80 : index
        %swap3A_108 = tpu.vector_load %arg8[%swap3A_106, %swap3A_107] {strides = array<i32>} : memref<200x128xf32, #tpu.memory_space<vmem>>, vector<1x16xf32>,
        %swap3A_109 = vector.shape_cast %swap3A_108 : vector<1x16xf32> to vector<16xf32>
        %swap3A_110 = vector.shape_cast %add3A_105 : vector<16xf32> to vector<1x16xf32>
        tpu.vector_store %arg8[%swap3A_106, %swap3A_107], %swap3A_110 {strides = array<i32>} : memref<200x128xf32, #tpu.memory_space<vmem>>, vector<1x16xf32>,
        %get3A_111 = arith.index_cast %scan3A_28 : i32 to index
        %get3A_112 = arith.constant 96 : index
        %get3A_113 = tpu.vector_load %arg8[%get3A_111, %get3A_112] {strides = array<i32>} : memref<200x128xf32, #tpu.memory_space<vmem>>, vector<1x16xf32>,
        %get3A_114 = vector.shape_cast %get3A_113 : vector<1x16xf32> to vector<16xf32>
        %get3A_115 = arith.index_cast %scan3A_28 : i32 to index
        %get3A_116 = arith.constant 96 : index
        %get3A_117 = tpu.vector_load %arg9[%get3A_115, %get3A_116] {strides = array<i32>} : memref<200x128xf32, #tpu.memory_space<vmem>>, vector<1x16xf32>,
        %get3A_118 = vector.shape_cast %get3A_117 : vector<1x16xf32> to vector<16xf32>
        %add3A_119 = arith.addf %get3A_114, %get3A_118 : vector<16xf32>
        %swap3A_120 = arith.index_cast %scan3A_28 : i32 to index
        %swap3A_121 = arith.constant 96 : index
        %swap3A_122 = tpu.vector_load %arg8[%swap3A_120, %swap3A_121] {strides = array<i32>} : memref<200x128xf32, #tpu.memory_space<vmem>>, vector<1x16xf32>,
        %swap3A_123 = vector.shape_cast %swap3A_122 : vector<1x16xf32> to vector<16xf32>
        %swap3A_124 = vector.shape_cast %add3A_119 : vector<16xf32> to vector<1x16xf32>
        tpu.vector_store %arg8[%swap3A_120, %swap3A_121], %swap3A_124 {strides = array<i32>} : memref<200x128xf32, #tpu.memory_space<vmem>>, vector<1x16xf32>,
        %get3A_125 = arith.index_cast %scan3A_28 : i32 to index
        %get3A_126 = arith.constant 112 : index
        %get3A_127 = tpu.vector_load %arg8[%get3A_125, %get3A_126] {strides = array<i32>} : memref<200x128xf32, #tpu.memory_space<vmem>>, vector<1x16xf32>,
        %get3A_128 = vector.shape_cast %get3A_127 : vector<1x16xf32> to vector<16xf32>
        %get3A_129 = arith.index_cast %scan3A_28 : i32 to index
        %get3A_130 = arith.constant 112 : index
        %get3A_131 = tpu.vector_load %arg9[%get3A_129, %get3A_130] {strides = array<i32>} : memref<200x128xf32, #tpu.memory_space<vmem>>, vector<1x16xf32>,
        %get3A_132 = vector.shape_cast %get3A_131 : vector<1x16xf32> to vector<16xf32>
        %add3A_133 = arith.addf %get3A_128, %get3A_132 : vector<16xf32>
        %swap3A_134 = arith.index_cast %scan3A_28 : i32 to index
        %swap3A_135 = arith.constant 112 : index
        %swap3A_136 = tpu.vector_load %arg8[%swap3A_134, %swap3A_135] {strides = array<i32>} : memref<200x128xf32, #tpu.memory_space<vmem>>, vector<1x16xf32>,
        %swap3A_137 = vector.shape_cast %swap3A_136 : vector<1x16xf32> to vector<16xf32>
        %swap3A_138 = vector.shape_cast %add3A_133 : vector<16xf32> to vector<1x16xf32>
        tpu.vector_store %arg8[%swap3A_134, %swap3A_135], %swap3A_138 {strides = array<i32>} : memref<200x128xf32, #tpu.memory_space<vmem>>, vector<1x16xf32>,
      }
      %scan3A_27 = arith.constant 200 : i32
      "tpu.region"() ({
        %run_scoped3A = tpu.sem_alloc : memref<!tpu.dma_semaphore, #tpu.memory_space<semaphore_mem>>
        %dma_start3A_28 = arith.constant 0 : i32
        %dma_start3A_29 = tpu.memref_slice %arg6[%add3A_11, %dma_start3A_28] : memref<160000x128xf32, #tpu.memory_space<hbm>> -> memref<200x128xf32, #tpu.memory_space<hbm>>
        %dma_start3A_30 = arith.constant 0 : i32
        %dma_start3A_31 = tpu.memref_slice %arg6[%add3A_11, %dma_start3A_30] : memref<160000x128xf32, #tpu.memory_space<hbm>> -> memref<200x128xf32, #tpu.memory_space<hbm>>
        tpu.enqueue_dma source(%arg8 : memref<200x128xf32, #tpu.memory_space<vmem>>) target(%dma_start3A_31 : memref<200x128xf32, #tpu.memory_space<hbm>>) target_semaphore(%run_scoped3A : memref<!tpu.dma_semaphore, #tpu.memory_space<semaphore_mem>>)
        %dma_wait3A_32 = arith.constant 0 : i32
        %dma_wait3A_33 = tpu.memref_slice %arg6[%add3A_11, %dma_wait3A_32] : memref<160000x128xf32, #tpu.memory_space<hbm>> -> memref<200x128xf32, #tpu.memory_space<hbm>>
        %dma_wait3A_34 = arith.constant 0 : i32
        %dma_wait3A_35 = tpu.memref_slice %arg6[%add3A_11, %dma_wait3A_34] : memref<160000x128xf32, #tpu.memory_space<hbm>> -> memref<200x128xf32, #tpu.memory_space<hbm>>
        tpu.wait_dma2 semaphore(%run_scoped3A : memref<!tpu.dma_semaphore, #tpu.memory_space<semaphore_mem>>) src(%arg8 : memref<200x128xf32, #tpu.memory_space<vmem>>) dst(%dma_wait3A_35 : memref<200x128xf32, #tpu.memory_space<hbm>>)
        tpu.yield
      }) : () -> ()
    }
    %scan3A_7 = arith.constant 25 : i32
    return
  }
}

#map = affine_map<(d0, d1) -> (0, 0)>
#map1 = affine_map<(d0, d1) -> (0)>
module attributes {stable_mosaic.version = 14 : i64} {
  func.func @k(%arg0: i32, %arg1: i32, %arg2: memref<10000x128xf32, #tpu.memory_space<hbm>>, %arg3: memref<10000x128xf32, #tpu.memory_space<hbm>>, %arg4: memref<160000xi32, #tpu.memory_space<hbm>>, %arg5: memref<160000xi32, #tpu.memory_space<hbm>>, %arg6: memref<160000x128xf32, #tpu.memory_space<hbm>>, %arg7: memref<200xi32, #tpu.memory_space<vmem>>, %arg8: memref<200x128xf32, #tpu.memory_space<vmem>>, %arg9: memref<200x128xf32, #tpu.memory_space<vmem>>, %arg10: memref<!tpu.dma_semaphore, #tpu.memory_space<semaphore_mem>>) attributes {dimension_semantics = [#tpu.dimension_semantics<core_parallel>, #tpu.dimension_semantics<subcore_parallel>], iteration_bounds = array<i64: 2, 16>, scalar_prefetch = 0 : i64, scratch_operands = 4 : i64, tpu.core_type = #tpu.core_type<sc_vector_subcore>, window_params = [{transform_indices = #map}, {transform_indices = #map}, {transform_indices = #map1}, {transform_indices = #map1}, {transform_indices = #map}]} {
    %mul3A = arith.constant 2 : i32
    %mul3A_0 = arith.muli %arg1, %mul3A : i32
    %add3A = arith.addi %mul3A_0, %arg0 : i32
    %mul3A_1 = arith.constant 5000 : i32
    %mul3A_2 = arith.muli %add3A, %mul3A_1 : i32
    %scan3A = arith.constant 0 : i32
    %scan3A_3 = arith.constant 0 : i32
    %scan3A_4 = arith.constant 25 : i32
    %scan3A_5 = arith.addi %scan3A_3, %scan3A_4 : i32
    %scan3A_6 = arith.constant 1 : i32
    scf.for %scan3A_8 = %scan3A_3 to %scan3A_5 step %scan3A_6  : i32 {
      %mul3A_9 = arith.constant 200 : i32
      %mul3A_10 = arith.muli %scan3A_8, %mul3A_9 : i32
      %add3A_11 = arith.addi %mul3A_2, %mul3A_10 : i32
      "tpu.region"() ({
        %run_scoped3A = tpu.sem_alloc : memref<!tpu.dma_semaphore, #tpu.memory_space<semaphore_mem>>
        %dma_start3A_28 = tpu.memref_slice %arg4[%add3A_11] : memref<160000xi32, #tpu.memory_space<hbm>> -> memref<200xi32, #tpu.memory_space<hbm>>
        %dma_start3A_29 = tpu.memref_slice %arg4[%add3A_11] : memref<160000xi32, #tpu.memory_space<hbm>> -> memref<200xi32, #tpu.memory_space<hbm>>
        tpu.enqueue_dma source(%dma_start3A_29 : memref<200xi32, #tpu.memory_space<hbm>>) target(%arg7 : memref<200xi32, #tpu.memory_space<vmem>>) target_semaphore(%run_scoped3A : memref<!tpu.dma_semaphore, #tpu.memory_space<semaphore_mem>>)
        %dma_wait3A_30 = tpu.memref_slice %arg4[%add3A_11] : memref<160000xi32, #tpu.memory_space<hbm>> -> memref<200xi32, #tpu.memory_space<hbm>>
        %dma_wait3A_31 = tpu.memref_slice %arg4[%add3A_11] : memref<160000xi32, #tpu.memory_space<hbm>> -> memref<200xi32, #tpu.memory_space<hbm>>
        tpu.wait_dma2 semaphore(%run_scoped3A : memref<!tpu.dma_semaphore, #tpu.memory_space<semaphore_mem>>) src(%dma_wait3A_31 : memref<200xi32, #tpu.memory_space<hbm>>) dst(%arg7 : memref<200xi32, #tpu.memory_space<vmem>>)
        tpu.yield
      }) : () -> ()
      %dma_start3A = arith.constant 0 : i32
      %dma_start3A_12 = arith.constant 0 : i32
      %dma_start3A_13 = tpu.memref_slice %arg2[%dma_start3A, %dma_start3A_12] : memref<10000x128xf32, #tpu.memory_space<hbm>> -> memref<10000x128xf32, #tpu.memory_space<hbm>>
      tpu.enqueue_indirect_dma source(%dma_start3A_13 : memref<10000x128xf32, #tpu.memory_space<hbm>>) target(%arg8 : memref<200x128xf32, #tpu.memory_space<vmem>>) offsets(%arg7 : memref<200xi32, #tpu.memory_space<vmem>>) semaphore(%arg10 : memref<!tpu.dma_semaphore, #tpu.memory_space<semaphore_mem>>)
      %dma_wait3A = arith.constant 0 : i32
      %dma_wait3A_14 = arith.constant 0 : i32
      %dma_wait3A_15 = tpu.memref_slice %arg2[%dma_wait3A, %dma_wait3A_14] : memref<10000x128xf32, #tpu.memory_space<hbm>> -> memref<10000x128xf32, #tpu.memory_space<hbm>>
      tpu.wait_indirect_dma semaphore(%arg10 : memref<!tpu.dma_semaphore, #tpu.memory_space<semaphore_mem>>) src(%dma_wait3A_15 : memref<10000x128xf32, #tpu.memory_space<hbm>>) dst(%arg8 : memref<200x128xf32, #tpu.memory_space<vmem>>)
      "tpu.region"() ({
        %run_scoped3A = tpu.sem_alloc : memref<!tpu.dma_semaphore, #tpu.memory_space<semaphore_mem>>
        %dma_start3A_28 = tpu.memref_slice %arg5[%add3A_11] : memref<160000xi32, #tpu.memory_space<hbm>> -> memref<200xi32, #tpu.memory_space<hbm>>
        %dma_start3A_29 = tpu.memref_slice %arg5[%add3A_11] : memref<160000xi32, #tpu.memory_space<hbm>> -> memref<200xi32, #tpu.memory_space<hbm>>
        tpu.enqueue_dma source(%dma_start3A_29 : memref<200xi32, #tpu.memory_space<hbm>>) target(%arg7 : memref<200xi32, #tpu.memory_space<vmem>>) target_semaphore(%run_scoped3A : memref<!tpu.dma_semaphore, #tpu.memory_space<semaphore_mem>>)
        %dma_wait3A_30 = tpu.memref_slice %arg5[%add3A_11] : memref<160000xi32, #tpu.memory_space<hbm>> -> memref<200xi32, #tpu.memory_space<hbm>>
        %dma_wait3A_31 = tpu.memref_slice %arg5[%add3A_11] : memref<160000xi32, #tpu.memory_space<hbm>> -> memref<200xi32, #tpu.memory_space<hbm>>
        tpu.wait_dma2 semaphore(%run_scoped3A : memref<!tpu.dma_semaphore, #tpu.memory_space<semaphore_mem>>) src(%dma_wait3A_31 : memref<200xi32, #tpu.memory_space<hbm>>) dst(%arg7 : memref<200xi32, #tpu.memory_space<vmem>>)
        tpu.yield
      }) : () -> ()
      %dma_start3A_16 = arith.constant 0 : i32
      %dma_start3A_17 = arith.constant 0 : i32
      %dma_start3A_18 = tpu.memref_slice %arg3[%dma_start3A_16, %dma_start3A_17] : memref<10000x128xf32, #tpu.memory_space<hbm>> -> memref<10000x128xf32, #tpu.memory_space<hbm>>
      tpu.enqueue_indirect_dma source(%dma_start3A_18 : memref<10000x128xf32, #tpu.memory_space<hbm>>) target(%arg9 : memref<200x128xf32, #tpu.memory_space<vmem>>) offsets(%arg7 : memref<200xi32, #tpu.memory_space<vmem>>) semaphore(%arg10 : memref<!tpu.dma_semaphore, #tpu.memory_space<semaphore_mem>>)
      %dma_wait3A_19 = arith.constant 0 : i32
      %dma_wait3A_20 = arith.constant 0 : i32
      %dma_wait3A_21 = tpu.memref_slice %arg3[%dma_wait3A_19, %dma_wait3A_20] : memref<10000x128xf32, #tpu.memory_space<hbm>> -> memref<10000x128xf32, #tpu.memory_space<hbm>>
      tpu.wait_indirect_dma semaphore(%arg10 : memref<!tpu.dma_semaphore, #tpu.memory_space<semaphore_mem>>) src(%dma_wait3A_21 : memref<10000x128xf32, #tpu.memory_space<hbm>>) dst(%arg9 : memref<200x128xf32, #tpu.memory_space<vmem>>)
      %scan3A_22 = arith.constant 0 : i32
      %scan3A_23 = arith.constant 0 : i32
      %scan3A_24 = arith.constant 200 : i32
      %scan3A_25 = arith.addi %scan3A_23, %scan3A_24 : i32
      %scan3A_26 = arith.constant 1 : i32
      scf.for %scan3A_28 = %scan3A_23 to %scan3A_25 step %scan3A_26  : i32 {
        %get3A = arith.index_cast %scan3A_28 : i32 to index
        %get3A_29 = arith.constant 0 : index
        %get3A_30 = tpu.vector_load %arg8[%get3A, %get3A_29] {strides = array<i32>} : memref<200x128xf32, #tpu.memory_space<vmem>>, vector<1x16xf32>,
        %get3A_31 = vector.shape_cast %get3A_30 : vector<1x16xf32> to vector<16xf32>
        %get3A_32 = arith.index_cast %scan3A_28 : i32 to index
        %get3A_33 = arith.constant 0 : index
        %get3A_34 = tpu.vector_load %arg9[%get3A_32, %get3A_33] {strides = array<i32>} : memref<200x128xf32, #tpu.memory_space<vmem>>, vector<1x16xf32>,
        %get3A_35 = vector.shape_cast %get3A_34 : vector<1x16xf32> to vector<16xf32>
        %add3A_36 = arith.addf %get3A_31, %get3A_35 : vector<16xf32>
        %swap3A = arith.index_cast %scan3A_28 : i32 to index
        %swap3A_37 = arith.constant 0 : index
        %swap3A_38 = tpu.vector_load %arg8[%swap3A, %swap3A_37] {strides = array<i32>} : memref<200x128xf32, #tpu.memory_space<vmem>>, vector<1x16xf32>,
        %swap3A_39 = vector.shape_cast %swap3A_38 : vector<1x16xf32> to vector<16xf32>
        %swap3A_40 = vector.shape_cast %add3A_36 : vector<16xf32> to vector<1x16xf32>
        tpu.vector_store %arg8[%swap3A, %swap3A_37], %swap3A_40 {strides = array<i32>} : memref<200x128xf32, #tpu.memory_space<vmem>>, vector<1x16xf32>,
        %get3A_41 = arith.index_cast %scan3A_28 : i32 to index
        %get3A_42 = arith.constant 16 : index
        %get3A_43 = tpu.vector_load %arg8[%get3A_41, %get3A_42] {strides = array<i32>} : memref<200x128xf32, #tpu.memory_space<vmem>>, vector<1x16xf32>,
        %get3A_44 = vector.shape_cast %get3A_43 : vector<1x16xf32> to vector<16xf32>
        %get3A_45 = arith.index_cast %scan3A_28 : i32 to index
        %get3A_46 = arith.constant 16 : index
        %get3A_47 = tpu.vector_load %arg9[%get3A_45, %get3A_46] {strides = array<i32>} : memref<200x128xf32, #tpu.memory_space<vmem>>, vector<1x16xf32>,
        %get3A_48 = vector.shape_cast %get3A_47 : vector<1x16xf32> to vector<16xf32>
        %add3A_49 = arith.addf %get3A_44, %get3A_48 : vector<16xf32>
        %swap3A_50 = arith.index_cast %scan3A_28 : i32 to index
        %swap3A_51 = arith.constant 16 : index
        %swap3A_52 = tpu.vector_load %arg8[%swap3A_50, %swap3A_51] {strides = array<i32>} : memref<200x128xf32, #tpu.memory_space<vmem>>, vector<1x16xf32>,
        %swap3A_53 = vector.shape_cast %swap3A_52 : vector<1x16xf32> to vector<16xf32>
        %swap3A_54 = vector.shape_cast %add3A_49 : vector<16xf32> to vector<1x16xf32>
        tpu.vector_store %arg8[%swap3A_50, %swap3A_51], %swap3A_54 {strides = array<i32>} : memref<200x128xf32, #tpu.memory_space<vmem>>, vector<1x16xf32>,
        %get3A_55 = arith.index_cast %scan3A_28 : i32 to index
        %get3A_56 = arith.constant 32 : index
        %get3A_57 = tpu.vector_load %arg8[%get3A_55, %get3A_56] {strides = array<i32>} : memref<200x128xf32, #tpu.memory_space<vmem>>, vector<1x16xf32>,
        %get3A_58 = vector.shape_cast %get3A_57 : vector<1x16xf32> to vector<16xf32>
        %get3A_59 = arith.index_cast %scan3A_28 : i32 to index
        %get3A_60 = arith.constant 32 : index
        %get3A_61 = tpu.vector_load %arg9[%get3A_59, %get3A_60] {strides = array<i32>} : memref<200x128xf32, #tpu.memory_space<vmem>>, vector<1x16xf32>,
        %get3A_62 = vector.shape_cast %get3A_61 : vector<1x16xf32> to vector<16xf32>
        %add3A_63 = arith.addf %get3A_58, %get3A_62 : vector<16xf32>
        %swap3A_64 = arith.index_cast %scan3A_28 : i32 to index
        %swap3A_65 = arith.constant 32 : index
        %swap3A_66 = tpu.vector_load %arg8[%swap3A_64, %swap3A_65] {strides = array<i32>} : memref<200x128xf32, #tpu.memory_space<vmem>>, vector<1x16xf32>,
        %swap3A_67 = vector.shape_cast %swap3A_66 : vector<1x16xf32> to vector<16xf32>
        %swap3A_68 = vector.shape_cast %add3A_63 : vector<16xf32> to vector<1x16xf32>
        tpu.vector_store %arg8[%swap3A_64, %swap3A_65], %swap3A_68 {strides = array<i32>} : memref<200x128xf32, #tpu.memory_space<vmem>>, vector<1x16xf32>,
        %get3A_69 = arith.index_cast %scan3A_28 : i32 to index
        %get3A_70 = arith.constant 48 : index
        %get3A_71 = tpu.vector_load %arg8[%get3A_69, %get3A_70] {strides = array<i32>} : memref<200x128xf32, #tpu.memory_space<vmem>>, vector<1x16xf32>,
        %get3A_72 = vector.shape_cast %get3A_71 : vector<1x16xf32> to vector<16xf32>
        %get3A_73 = arith.index_cast %scan3A_28 : i32 to index
        %get3A_74 = arith.constant 48 : index
        %get3A_75 = tpu.vector_load %arg9[%get3A_73, %get3A_74] {strides = array<i32>} : memref<200x128xf32, #tpu.memory_space<vmem>>, vector<1x16xf32>,
        %get3A_76 = vector.shape_cast %get3A_75 : vector<1x16xf32> to vector<16xf32>
        %add3A_77 = arith.addf %get3A_72, %get3A_76 : vector<16xf32>
        %swap3A_78 = arith.index_cast %scan3A_28 : i32 to index
        %swap3A_79 = arith.constant 48 : index
        %swap3A_80 = tpu.vector_load %arg8[%swap3A_78, %swap3A_79] {strides = array<i32>} : memref<200x128xf32, #tpu.memory_space<vmem>>, vector<1x16xf32>,
        %swap3A_81 = vector.shape_cast %swap3A_80 : vector<1x16xf32> to vector<16xf32>
        %swap3A_82 = vector.shape_cast %add3A_77 : vector<16xf32> to vector<1x16xf32>
        tpu.vector_store %arg8[%swap3A_78, %swap3A_79], %swap3A_82 {strides = array<i32>} : memref<200x128xf32, #tpu.memory_space<vmem>>, vector<1x16xf32>,
        %get3A_83 = arith.index_cast %scan3A_28 : i32 to index
        %get3A_84 = arith.constant 64 : index
        %get3A_85 = tpu.vector_load %arg8[%get3A_83, %get3A_84] {strides = array<i32>} : memref<200x128xf32, #tpu.memory_space<vmem>>, vector<1x16xf32>,
        %get3A_86 = vector.shape_cast %get3A_85 : vector<1x16xf32> to vector<16xf32>
        %get3A_87 = arith.index_cast %scan3A_28 : i32 to index
        %get3A_88 = arith.constant 64 : index
        %get3A_89 = tpu.vector_load %arg9[%get3A_87, %get3A_88] {strides = array<i32>} : memref<200x128xf32, #tpu.memory_space<vmem>>, vector<1x16xf32>,
        %get3A_90 = vector.shape_cast %get3A_89 : vector<1x16xf32> to vector<16xf32>
        %add3A_91 = arith.addf %get3A_86, %get3A_90 : vector<16xf32>
        %swap3A_92 = arith.index_cast %scan3A_28 : i32 to index
        %swap3A_93 = arith.constant 64 : index
        %swap3A_94 = tpu.vector_load %arg8[%swap3A_92, %swap3A_93] {strides = array<i32>} : memref<200x128xf32, #tpu.memory_space<vmem>>, vector<1x16xf32>,
        %swap3A_95 = vector.shape_cast %swap3A_94 : vector<1x16xf32> to vector<16xf32>
        %swap3A_96 = vector.shape_cast %add3A_91 : vector<16xf32> to vector<1x16xf32>
        tpu.vector_store %arg8[%swap3A_92, %swap3A_93], %swap3A_96 {strides = array<i32>} : memref<200x128xf32, #tpu.memory_space<vmem>>, vector<1x16xf32>,
        %get3A_97 = arith.index_cast %scan3A_28 : i32 to index
        %get3A_98 = arith.constant 80 : index
        %get3A_99 = tpu.vector_load %arg8[%get3A_97, %get3A_98] {strides = array<i32>} : memref<200x128xf32, #tpu.memory_space<vmem>>, vector<1x16xf32>,
        %get3A_100 = vector.shape_cast %get3A_99 : vector<1x16xf32> to vector<16xf32>
        %get3A_101 = arith.index_cast %scan3A_28 : i32 to index
        %get3A_102 = arith.constant 80 : index
        %get3A_103 = tpu.vector_load %arg9[%get3A_101, %get3A_102] {strides = array<i32>} : memref<200x128xf32, #tpu.memory_space<vmem>>, vector<1x16xf32>,
        %get3A_104 = vector.shape_cast %get3A_103 : vector<1x16xf32> to vector<16xf32>
        %add3A_105 = arith.addf %get3A_100, %get3A_104 : vector<16xf32>
        %swap3A_106 = arith.index_cast %scan3A_28 : i32 to index
        %swap3A_107 = arith.constant 80 : index
        %swap3A_108 = tpu.vector_load %arg8[%swap3A_106, %swap3A_107] {strides = array<i32>} : memref<200x128xf32, #tpu.memory_space<vmem>>, vector<1x16xf32>,
        %swap3A_109 = vector.shape_cast %swap3A_108 : vector<1x16xf32> to vector<16xf32>
        %swap3A_110 = vector.shape_cast %add3A_105 : vector<16xf32> to vector<1x16xf32>
        tpu.vector_store %arg8[%swap3A_106, %swap3A_107], %swap3A_110 {strides = array<i32>} : memref<200x128xf32, #tpu.memory_space<vmem>>, vector<1x16xf32>,
        %get3A_111 = arith.index_cast %scan3A_28 : i32 to index
        %get3A_112 = arith.constant 96 : index
        %get3A_113 = tpu.vector_load %arg8[%get3A_111, %get3A_112] {strides = array<i32>} : memref<200x128xf32, #tpu.memory_space<vmem>>, vector<1x16xf32>,
        %get3A_114 = vector.shape_cast %get3A_113 : vector<1x16xf32> to vector<16xf32>
        %get3A_115 = arith.index_cast %scan3A_28 : i32 to index
        %get3A_116 = arith.constant 96 : index
        %get3A_117 = tpu.vector_load %arg9[%get3A_115, %get3A_116] {strides = array<i32>} : memref<200x128xf32, #tpu.memory_space<vmem>>, vector<1x16xf32>,
        %get3A_118 = vector.shape_cast %get3A_117 : vector<1x16xf32> to vector<16xf32>
        %add3A_119 = arith.addf %get3A_114, %get3A_118 : vector<16xf32>
        %swap3A_120 = arith.index_cast %scan3A_28 : i32 to index
        %swap3A_121 = arith.constant 96 : index
        %swap3A_122 = tpu.vector_load %arg8[%swap3A_120, %swap3A_121] {strides = array<i32>} : memref<200x128xf32, #tpu.memory_space<vmem>>, vector<1x16xf32>,
        %swap3A_123 = vector.shape_cast %swap3A_122 : vector<1x16xf32> to vector<16xf32>
        %swap3A_124 = vector.shape_cast %add3A_119 : vector<16xf32> to vector<1x16xf32>
        tpu.vector_store %arg8[%swap3A_120, %swap3A_121], %swap3A_124 {strides = array<i32>} : memref<200x128xf32, #tpu.memory_space<vmem>>, vector<1x16xf32>,
        %get3A_125 = arith.index_cast %scan3A_28 : i32 to index
        %get3A_126 = arith.constant 112 : index
        %get3A_127 = tpu.vector_load %arg8[%get3A_125, %get3A_126] {strides = array<i32>} : memref<200x128xf32, #tpu.memory_space<vmem>>, vector<1x16xf32>,
        %get3A_128 = vector.shape_cast %get3A_127 : vector<1x16xf32> to vector<16xf32>
        %get3A_129 = arith.index_cast %scan3A_28 : i32 to index
        %get3A_130 = arith.constant 112 : index
        %get3A_131 = tpu.vector_load %arg9[%get3A_129, %get3A_130] {strides = array<i32>} : memref<200x128xf32, #tpu.memory_space<vmem>>, vector<1x16xf32>,
        %get3A_132 = vector.shape_cast %get3A_131 : vector<1x16xf32> to vector<16xf32>
        %add3A_133 = arith.addf %get3A_128, %get3A_132 : vector<16xf32>
        %swap3A_134 = arith.index_cast %scan3A_28 : i32 to index
        %swap3A_135 = arith.constant 112 : index
        %swap3A_136 = tpu.vector_load %arg8[%swap3A_134, %swap3A_135] {strides = array<i32>} : memref<200x128xf32, #tpu.memory_space<vmem>>, vector<1x16xf32>,
        %swap3A_137 = vector.shape_cast %swap3A_136 : vector<1x16xf32> to vector<16xf32>
        %swap3A_138 = vector.shape_cast %add3A_133 : vector<16xf32> to vector<1x16xf32>
        tpu.vector_store %arg8[%swap3A_134, %swap3A_135], %swap3A_138 {strides = array<i32>} : memref<200x128xf32, #tpu.memory_space<vmem>>, vector<1x16xf32>,
      }
      %scan3A_27 = arith.constant 200 : i32
      "tpu.region"() ({
        %run_scoped3A = tpu.sem_alloc : memref<!tpu.dma_semaphore, #tpu.memory_space<semaphore_mem>>
        %dma_start3A_28 = arith.constant 0 : i32
        %dma_start3A_29 = tpu.memref_slice %arg6[%add3A_11, %dma_start3A_28] : memref<160000x128xf32, #tpu.memory_space<hbm>> -> memref<200x128xf32, #tpu.memory_space<hbm>>
        %dma_start3A_30 = arith.constant 0 : i32
        %dma_start3A_31 = tpu.memref_slice %arg6[%add3A_11, %dma_start3A_30] : memref<160000x128xf32, #tpu.memory_space<hbm>> -> memref<200x128xf32, #tpu.memory_space<hbm>>
        tpu.enqueue_dma source(%arg8 : memref<200x128xf32, #tpu.memory_space<vmem>>) target(%dma_start3A_31 : memref<200x128xf32, #tpu.memory_space<hbm>>) target_semaphore(%run_scoped3A : memref<!tpu.dma_semaphore, #tpu.memory_space<semaphore_mem>>)
        %dma_wait3A_32 = arith.constant 0 : i32
        %dma_wait3A_33 = tpu.memref_slice %arg6[%add3A_11, %dma_wait3A_32] : memref<160000x128xf32, #tpu.memory_space<hbm>> -> memref<200x128xf32, #tpu.memory_space<hbm>>
        %dma_wait3A_34 = arith.constant 0 : i32
        %dma_wait3A_35 = tpu.memref_slice %arg6[%add3A_11, %dma_wait3A_34] : memref<160000x128xf32, #tpu.memory_space<hbm>> -> memref<200x128xf32, #tpu.memory_space<hbm>>
        tpu.wait_dma2 semaphore(%run_scoped3A : memref<!tpu.dma_semaphore, #tpu.memory_space<semaphore_mem>>) src(%arg8 : memref<200x128xf32, #tpu.memory_space<vmem>>) dst(%dma_wait3A_35 : memref<200x128xf32, #tpu.memory_space<hbm>>)
        tpu.yield
      }) : () -> ()
    }
    %scan3A_7 = arith.constant 25 : i32
    return
  }
}

#map = affine_map<(d0, d1) -> (0, 0)>
#map1 = affine_map<(d0, d1) -> (0)>
module attributes {stable_mosaic.version = 14 : i64} {
  func.func @k(%arg0: i32, %arg1: i32, %arg2: memref<10000x128xf32, #tpu.memory_space<hbm>>, %arg3: memref<160000xi32, #tpu.memory_space<hbm>>, %arg4: memref<160000x128xf32, #tpu.memory_space<hbm>>, %arg5: memref<200xi32, #tpu.memory_space<vmem>>, %arg6: memref<200x128xf32, #tpu.memory_space<vmem>>, %arg7: memref<!tpu.dma_semaphore, #tpu.memory_space<semaphore_mem>>) attributes {dimension_semantics = [#tpu.dimension_semantics<core_parallel>, #tpu.dimension_semantics<subcore_parallel>], iteration_bounds = array<i64: 2, 16>, scalar_prefetch = 0 : i64, scratch_operands = 3 : i64, tpu.core_type = #tpu.core_type<sc_vector_subcore>, window_params = [{transform_indices = #map}, {transform_indices = #map1}, {transform_indices = #map}]} {
    %mul3A = arith.constant 2 : i32
    %mul3A_0 = arith.muli %arg1, %mul3A : i32
    %add3A = arith.addi %mul3A_0, %arg0 : i32
    %mul3A_1 = arith.constant 5000 : i32
    %mul3A_2 = arith.muli %add3A, %mul3A_1 : i32
    %scan3A = arith.constant 0 : i32
    %scan3A_3 = arith.constant 0 : i32
    %scan3A_4 = arith.constant 25 : i32
    %scan3A_5 = arith.addi %scan3A_3, %scan3A_4 : i32
    %scan3A_6 = arith.constant 1 : i32
    scf.for %scan3A_8 = %scan3A_3 to %scan3A_5 step %scan3A_6  : i32 {
      %mul3A_9 = arith.constant 200 : i32
      %mul3A_10 = arith.muli %scan3A_8, %mul3A_9 : i32
      %add3A_11 = arith.addi %mul3A_2, %mul3A_10 : i32
      "tpu.region"() ({
        %run_scoped3A = tpu.sem_alloc : memref<!tpu.dma_semaphore, #tpu.memory_space<semaphore_mem>>
        %dma_start3A_16 = tpu.memref_slice %arg3[%add3A_11] : memref<160000xi32, #tpu.memory_space<hbm>> -> memref<200xi32, #tpu.memory_space<hbm>>
        %dma_start3A_17 = tpu.memref_slice %arg3[%add3A_11] : memref<160000xi32, #tpu.memory_space<hbm>> -> memref<200xi32, #tpu.memory_space<hbm>>
        tpu.enqueue_dma source(%dma_start3A_17 : memref<200xi32, #tpu.memory_space<hbm>>) target(%arg5 : memref<200xi32, #tpu.memory_space<vmem>>) target_semaphore(%run_scoped3A : memref<!tpu.dma_semaphore, #tpu.memory_space<semaphore_mem>>)
        %dma_wait3A_18 = tpu.memref_slice %arg3[%add3A_11] : memref<160000xi32, #tpu.memory_space<hbm>> -> memref<200xi32, #tpu.memory_space<hbm>>
        %dma_wait3A_19 = tpu.memref_slice %arg3[%add3A_11] : memref<160000xi32, #tpu.memory_space<hbm>> -> memref<200xi32, #tpu.memory_space<hbm>>
        tpu.wait_dma2 semaphore(%run_scoped3A : memref<!tpu.dma_semaphore, #tpu.memory_space<semaphore_mem>>) src(%dma_wait3A_19 : memref<200xi32, #tpu.memory_space<hbm>>) dst(%arg5 : memref<200xi32, #tpu.memory_space<vmem>>)
        tpu.yield
      }) : () -> ()
      %dma_start3A = arith.constant 0 : i32
      %dma_start3A_12 = arith.constant 0 : i32
      %dma_start3A_13 = tpu.memref_slice %arg2[%dma_start3A, %dma_start3A_12] : memref<10000x128xf32, #tpu.memory_space<hbm>> -> memref<10000x128xf32, #tpu.memory_space<hbm>>
      tpu.enqueue_indirect_dma source(%dma_start3A_13 : memref<10000x128xf32, #tpu.memory_space<hbm>>) target(%arg6 : memref<200x128xf32, #tpu.memory_space<vmem>>) offsets(%arg5 : memref<200xi32, #tpu.memory_space<vmem>>) semaphore(%arg7 : memref<!tpu.dma_semaphore, #tpu.memory_space<semaphore_mem>>)
      %dma_wait3A = arith.constant 0 : i32
      %dma_wait3A_14 = arith.constant 0 : i32
      %dma_wait3A_15 = tpu.memref_slice %arg2[%dma_wait3A, %dma_wait3A_14] : memref<10000x128xf32, #tpu.memory_space<hbm>> -> memref<10000x128xf32, #tpu.memory_space<hbm>>
      tpu.wait_indirect_dma semaphore(%arg7 : memref<!tpu.dma_semaphore, #tpu.memory_space<semaphore_mem>>) src(%dma_wait3A_15 : memref<10000x128xf32, #tpu.memory_space<hbm>>) dst(%arg6 : memref<200x128xf32, #tpu.memory_space<vmem>>)
      "tpu.region"() ({
        %run_scoped3A = tpu.sem_alloc : memref<!tpu.dma_semaphore, #tpu.memory_space<semaphore_mem>>
        %dma_start3A_16 = arith.constant 0 : i32
        %dma_start3A_17 = tpu.memref_slice %arg4[%add3A_11, %dma_start3A_16] : memref<160000x128xf32, #tpu.memory_space<hbm>> -> memref<200x128xf32, #tpu.memory_space<hbm>>
        %dma_start3A_18 = arith.constant 0 : i32
        %dma_start3A_19 = tpu.memref_slice %arg4[%add3A_11, %dma_start3A_18] : memref<160000x128xf32, #tpu.memory_space<hbm>> -> memref<200x128xf32, #tpu.memory_space<hbm>>
        tpu.enqueue_dma source(%arg6 : memref<200x128xf32, #tpu.memory_space<vmem>>) target(%dma_start3A_19 : memref<200x128xf32, #tpu.memory_space<hbm>>) target_semaphore(%run_scoped3A : memref<!tpu.dma_semaphore, #tpu.memory_space<semaphore_mem>>)
        %dma_wait3A_20 = arith.constant 0 : i32
        %dma_wait3A_21 = tpu.memref_slice %arg4[%add3A_11, %dma_wait3A_20] : memref<160000x128xf32, #tpu.memory_space<hbm>> -> memref<200x128xf32, #tpu.memory_space<hbm>>
        %dma_wait3A_22 = arith.constant 0 : i32
        %dma_wait3A_23 = tpu.memref_slice %arg4[%add3A_11, %dma_wait3A_22] : memref<160000x128xf32, #tpu.memory_space<hbm>> -> memref<200x128xf32, #tpu.memory_space<hbm>>
        tpu.wait_dma2 semaphore(%run_scoped3A : memref<!tpu.dma_semaphore, #tpu.memory_space<semaphore_mem>>) src(%arg6 : memref<200x128xf32, #tpu.memory_space<vmem>>) dst(%dma_wait3A_23 : memref<200x128xf32, #tpu.memory_space<hbm>>)
        tpu.yield
      }) : () -> ()
    }
    %scan3A_7 = arith.constant 25 : i32
    return
  }
}

module attributes {stable_mosaic.version = 14 : i64} {
  func.func @_mlp4_body(%arg0: i32, %arg1: memref<2000x128xf32, #tpu.memory_space<vmem>>, %arg2: memref<128x128xf32, #tpu.memory_space<vmem>>, %arg3: memref<1x128xf32, #tpu.memory_space<vmem>>, %arg4: memref<1x128xf32, #tpu.memory_space<vmem>>, %arg5: memref<1x128xf32, #tpu.memory_space<vmem>>, %arg6: memref<128x128xf32, #tpu.memory_space<vmem>>, %arg7: memref<1x128xf32, #tpu.memory_space<vmem>>, %arg8: memref<2000x128xf32, #tpu.memory_space<vmem>>) attributes {dimension_semantics = [#tpu.dimension_semantics<arbitrary>], iteration_bounds = array<i64: 20>, scalar_prefetch = 0 : i64, scratch_operands = 0 : i64, tpu.core_type = #tpu.core_type<tc>, window_params = [{transform_indices = @transform_0, window_bounds = array<i64: 2000, 128>}, {pipeline_mode = #tpu.pipeline_mode<synchronous>, transform_indices = @transform_1, window_bounds = array<i64: 128, 128>}, {pipeline_mode = #tpu.pipeline_mode<synchronous>, transform_indices = @transform_2, window_bounds = array<i64: 1, 128>}, {pipeline_mode = #tpu.pipeline_mode<synchronous>, transform_indices = @transform_3, window_bounds = array<i64: 1, 128>}, {pipeline_mode = #tpu.pipeline_mode<synchronous>, transform_indices = @transform_4, window_bounds = array<i64: 1, 128>}, {pipeline_mode = #tpu.pipeline_mode<synchronous>, transform_indices = @transform_5, window_bounds = array<i64: 128, 128>}, {pipeline_mode = #tpu.pipeline_mode<synchronous>, transform_indices = @transform_6, window_bounds = array<i64: 1, 128>}, {transform_indices = @transform_7, window_bounds = array<i64: 2000, 128>}]} {
    %get3A = arith.constant 0 : index
    %get3A_0 = arith.constant 0 : index
    %get3A_1 = vector.load %arg1[%get3A, %get3A_0] : memref<2000x128xf32, #tpu.memory_space<vmem>>, vector<2000x128xf32>
    %get3A_2 = arith.constant 0 : index
    %get3A_3 = arith.constant 0 : index
    %get3A_4 = vector.load %arg2[%get3A_2, %get3A_3] : memref<128x128xf32, #tpu.memory_space<vmem>>, vector<128x128xf32>
    %dot_general3A = arith.constant dense<0.000000e+00> : vector<2000x128xf32>
    %dot_general3A_5 = tpu.matmul %get3A_1, %get3A_4, %dot_general3A {dimension_numbers = #tpu.dot_dimension_numbers<[1], [0], [0], [1], [0, 0, 1, 1], [], []>, transpose_lhs_hint = false} : vector<2000x128xf32>, vector<128x128xf32>, vector<2000x128xf32> -> vector<2000x128xf32>
    %get3A_6 = arith.constant 0 : index
    %get3A_7 = arith.constant 0 : index
    %get3A_8 = vector.load %arg3[%get3A_6, %get3A_7] : memref<1x128xf32, #tpu.memory_space<vmem>>, vector<1x128xf32>
    %add3A = vector.broadcast %get3A_8 : vector<1x128xf32> to vector<2000x128xf32>
    %add3A_9 = arith.addf %dot_general3A_5, %add3A : vector<2000x128xf32>
    %get3A_10 = arith.constant 0 : index
    %get3A_11 = arith.constant 0 : index
    %get3A_12 = vector.load %arg4[%get3A_10, %get3A_11] : memref<1x128xf32, #tpu.memory_space<vmem>>, vector<1x128xf32>
    %get3A_13 = arith.constant 0 : index
    %get3A_14 = arith.constant 0 : index
    %get3A_15 = vector.load %arg5[%get3A_13, %get3A_14] : memref<1x128xf32, #tpu.memory_space<vmem>>, vector<1x128xf32>
    %reduce_sum3A = arith.constant dense<0.000000e+00> : vector<2000xf32>
    %reduce_sum3A_16 = vector.multi_reduction <add>, %add3A_9, %reduce_sum3A [1] : vector<2000x128xf32> to vector<2000xf32>
    %broadcast_in_dim3A = vector.shape_cast %reduce_sum3A_16 : vector<2000xf32> to vector<2000x1xf32>
    %div3A = arith.constant 1.280000e+02 : f32
    %div3A_17 = vector.broadcast %div3A : f32 to vector<2000x1xf32>
    %div3A_18 = arith.divf %broadcast_in_dim3A, %div3A_17 : vector<2000x1xf32>
    %sub3A = vector.broadcast %div3A_18 : vector<2000x1xf32> to vector<2000x128xf32>
    %sub3A_19 = arith.subf %add3A_9, %sub3A : vector<2000x128xf32>
    %integer_pow3A = arith.mulf %sub3A_19, %sub3A_19 : vector<2000x128xf32>
    %reduce_sum3A_20 = arith.constant dense<0.000000e+00> : vector<2000xf32>
    %reduce_sum3A_21 = vector.multi_reduction <add>, %integer_pow3A, %reduce_sum3A_20 [1] : vector<2000x128xf32> to vector<2000xf32>
    %broadcast_in_dim3A_22 = vector.shape_cast %reduce_sum3A_21 : vector<2000xf32> to vector<2000x1xf32>
    %div3A_23 = arith.constant 1.280000e+02 : f32
    %div3A_24 = vector.broadcast %div3A_23 : f32 to vector<2000x1xf32>
    %div3A_25 = arith.divf %broadcast_in_dim3A_22, %div3A_24 : vector<2000x1xf32>
    %sub3A_26 = vector.broadcast %div3A_18 : vector<2000x1xf32> to vector<2000x128xf32>
    %sub3A_27 = arith.subf %add3A_9, %sub3A_26 : vector<2000x128xf32>
    %add3A_28 = arith.constant 9.99999974E-6 : f32
    %add3A_29 = vector.broadcast %add3A_28 : f32 to vector<2000x1xf32>
    %add3A_30 = arith.addf %div3A_25, %add3A_29 : vector<2000x1xf32>
    %sqrt3A = math.sqrt %add3A_30 : vector<2000x1xf32>
    %div3A_31 = vector.broadcast %sqrt3A : vector<2000x1xf32> to vector<2000x128xf32>
    %div3A_32 = arith.divf %sub3A_27, %div3A_31 : vector<2000x128xf32>
    %mul3A = vector.broadcast %get3A_12 : vector<1x128xf32> to vector<2000x128xf32>
    %mul3A_33 = arith.mulf %div3A_32, %mul3A : vector<2000x128xf32>
    %add3A_34 = vector.broadcast %get3A_15 : vector<1x128xf32> to vector<2000x128xf32>
    %add3A_35 = arith.addf %mul3A_33, %add3A_34 : vector<2000x128xf32>
    %logistic3A = arith.negf %add3A_35 : vector<2000x128xf32>
    %logistic3A_36 = math.exp %logistic3A : vector<2000x128xf32>
    %logistic3A_37 = arith.constant 1.000000e+00 : f32
    %logistic3A_38 = vector.broadcast %logistic3A_37 : f32 to vector<2000x128xf32>
    %logistic3A_39 = arith.addf %logistic3A_38, %logistic3A_36 : vector<2000x128xf32>
    %logistic3A_40 = arith.divf %logistic3A_38, %logistic3A_39 : vector<2000x128xf32>
    %mul3A_41 = arith.mulf %add3A_35, %logistic3A_40 : vector<2000x128xf32>
    %get3A_42 = arith.constant 0 : index
    %get3A_43 = arith.constant 0 : index
    %get3A_44 = vector.load %arg6[%get3A_42, %get3A_43] : memref<128x128xf32, #tpu.memory_space<vmem>>, vector<128x128xf32>
    %dot_general3A_45 = arith.constant dense<0.000000e+00> : vector<2000x128xf32>
    %dot_general3A_46 = tpu.matmul %mul3A_41, %get3A_44, %dot_general3A_45 {dimension_numbers = #tpu.dot_dimension_numbers<[1], [0], [0], [1], [0, 0, 1, 1], [], []>, transpose_lhs_hint = false} : vector<2000x128xf32>, vector<128x128xf32>, vector<2000x128xf32> -> vector<2000x128xf32>
    %get3A_47 = arith.constant 0 : index
    %get3A_48 = arith.constant 0 : index
    %get3A_49 = vector.load %arg7[%get3A_47, %get3A_48] : memref<1x128xf32, #tpu.memory_space<vmem>>, vector<1x128xf32>
    %add3A_50 = vector.broadcast %get3A_49 : vector<1x128xf32> to vector<2000x128xf32>
    %add3A_51 = arith.addf %dot_general3A_46, %add3A_50 : vector<2000x128xf32>
    %swap3A = arith.constant 0 : index
    %swap3A_52 = arith.constant 0 : index
    %swap3A_53 = vector.load %arg8[%swap3A, %swap3A_52] : memref<2000x128xf32, #tpu.memory_space<vmem>>, vector<2000x128xf32>
    tpu.vector_store %arg8[%swap3A, %swap3A_52], %add3A_51 {strides = array<i32>} : memref<2000x128xf32, #tpu.memory_space<vmem>>, vector<2000x128xf32>,
    return
  }
  func.func @transform_0(%arg0: i32) -> (i32, i32) {
    %c0_i32 = arith.constant 0 : i32
    %c0_i32_0 = arith.constant 0 : i32
    return %arg0, %c0_i32 : i32, i32
  }
  func.func @transform_1(%arg0: i32) -> (i32, i32) {
    %c0_i32 = arith.constant 0 : i32
    %c0_i32_0 = arith.constant 0 : i32
    %c0_i32_1 = arith.constant 0 : i32
    return %c0_i32, %c0_i32_0 : i32, i32
  }
  func.func @transform_2(%arg0: i32) -> (i32, i32) {
    %c0_i32 = arith.constant 0 : i32
    %c0_i32_0 = arith.constant 0 : i32
    %c0_i32_1 = arith.constant 0 : i32
    return %c0_i32, %c0_i32_0 : i32, i32
  }
  func.func @transform_3(%arg0: i32) -> (i32, i32) {
    %c0_i32 = arith.constant 0 : i32
    %c0_i32_0 = arith.constant 0 : i32
    %c0_i32_1 = arith.constant 0 : i32
    return %c0_i32, %c0_i32_0 : i32, i32
  }
  func.func @transform_4(%arg0: i32) -> (i32, i32) {
    %c0_i32 = arith.constant 0 : i32
    %c0_i32_0 = arith.constant 0 : i32
    %c0_i32_1 = arith.constant 0 : i32
    return %c0_i32, %c0_i32_0 : i32, i32
  }
  func.func @transform_5(%arg0: i32) -> (i32, i32) {
    %c0_i32 = arith.constant 0 : i32
    %c0_i32_0 = arith.constant 0 : i32
    %c0_i32_1 = arith.constant 0 : i32
    return %c0_i32, %c0_i32_0 : i32, i32
  }
  func.func @transform_6(%arg0: i32) -> (i32, i32) {
    %c0_i32 = arith.constant 0 : i32
    %c0_i32_0 = arith.constant 0 : i32
    %c0_i32_1 = arith.constant 0 : i32
    return %c0_i32, %c0_i32_0 : i32, i32
  }
  func.func @transform_7(%arg0: i32) -> (i32, i32) {
    %c0_i32 = arith.constant 0 : i32
    %c0_i32_0 = arith.constant 0 : i32
    return %arg0, %c0_i32 : i32, i32
  }
}

module attributes {stable_mosaic.version = 14 : i64} {
  func.func @_pool_mlp4_body(%arg0: i32, %arg1: memref<2000x512xf32, #tpu.memory_space<vmem>>, %arg2: memref<2000x4xf32, #tpu.memory_space<vmem>>, %arg3: memref<2000x8xf32, #tpu.memory_space<vmem>>, %arg4: memref<128x128xf32, #tpu.memory_space<vmem>>, %arg5: memref<8x128xf32, #tpu.memory_space<vmem>>, %arg6: memref<1x128xf32, #tpu.memory_space<vmem>>, %arg7: memref<1x128xf32, #tpu.memory_space<vmem>>, %arg8: memref<1x128xf32, #tpu.memory_space<vmem>>, %arg9: memref<128x128xf32, #tpu.memory_space<vmem>>, %arg10: memref<1x128xf32, #tpu.memory_space<vmem>>, %arg11: memref<2000x128xf32, #tpu.memory_space<vmem>>) attributes {dimension_semantics = [#tpu.dimension_semantics<arbitrary>], iteration_bounds = array<i64: 5>, scalar_prefetch = 0 : i64, scratch_operands = 0 : i64, tpu.core_type = #tpu.core_type<tc>, window_params = [{transform_indices = @transform_0, window_bounds = array<i64: 2000, 512>}, {transform_indices = @transform_1, window_bounds = array<i64: 2000, 4>}, {transform_indices = @transform_2, window_bounds = array<i64: 2000, 8>}, {pipeline_mode = #tpu.pipeline_mode<synchronous>, transform_indices = @transform_3, window_bounds = array<i64: 128, 128>}, {pipeline_mode = #tpu.pipeline_mode<synchronous>, transform_indices = @transform_4, window_bounds = array<i64: 8, 128>}, {pipeline_mode = #tpu.pipeline_mode<synchronous>, transform_indices = @transform_5, window_bounds = array<i64: 1, 128>}, {pipeline_mode = #tpu.pipeline_mode<synchronous>, transform_indices = @transform_6, window_bounds = array<i64: 1, 128>}, {pipeline_mode = #tpu.pipeline_mode<synchronous>, transform_indices = @transform_7, window_bounds = array<i64: 1, 128>}, {pipeline_mode = #tpu.pipeline_mode<synchronous>, transform_indices = @transform_8, window_bounds = array<i64: 128, 128>}, {pipeline_mode = #tpu.pipeline_mode<synchronous>, transform_indices = @transform_9, window_bounds = array<i64: 1, 128>}, {transform_indices = @transform_10, window_bounds = array<i64: 2000, 128>}]} {
    %get3A = arith.constant 0 : index
    %get3A_0 = arith.constant 0 : index
    %get3A_1 = vector.load %arg1[%get3A, %get3A_0] : memref<2000x512xf32, #tpu.memory_space<vmem>>, vector<2000x512xf32>
    %get3A_2 = arith.constant 0 : index
    %get3A_3 = arith.constant 0 : index
    %get3A_4 = vector.load %arg2[%get3A_2, %get3A_3] : memref<2000x4xf32, #tpu.memory_space<vmem>>, vector<2000x4xf32>
    %slice3A = vector.extract_strided_slice %get3A_1 {offsets = [0, 0], sizes = [2000, 128], strides = [1, 1]} : vector<2000x512xf32> to vector<2000x128xf32>
    %slice3A_5 = vector.extract_strided_slice %get3A_4 {offsets = [0, 0], sizes = [2000, 1], strides = [1, 1]} : vector<2000x4xf32> to vector<2000x1xf32>
    %mul3A = vector.broadcast %slice3A_5 : vector<2000x1xf32> to vector<2000x128xf32>
    %mul3A_6 = arith.mulf %slice3A, %mul3A : vector<2000x128xf32>
    %slice3A_7 = vector.extract_strided_slice %get3A_1 {offsets = [0, 128], sizes = [2000, 128], strides = [1, 1]} : vector<2000x512xf32> to vector<2000x128xf32>
    %slice3A_8 = vector.extract_strided_slice %get3A_4 {offsets = [0, 1], sizes = [2000, 1], strides = [1, 1]} : vector<2000x4xf32> to vector<2000x1xf32>
    %mul3A_9 = vector.broadcast %slice3A_8 : vector<2000x1xf32> to vector<2000x128xf32>
    %mul3A_10 = arith.mulf %slice3A_7, %mul3A_9 : vector<2000x128xf32>
    %add3A = arith.addf %mul3A_6, %mul3A_10 : vector<2000x128xf32>
    %slice3A_11 = vector.extract_strided_slice %get3A_1 {offsets = [0, 256], sizes = [2000, 128], strides = [1, 1]} : vector<2000x512xf32> to vector<2000x128xf32>
    %slice3A_12 = vector.extract_strided_slice %get3A_4 {offsets = [0, 2], sizes = [2000, 1], strides = [1, 1]} : vector<2000x4xf32> to vector<2000x1xf32>
    %mul3A_13 = vector.broadcast %slice3A_12 : vector<2000x1xf32> to vector<2000x128xf32>
    %mul3A_14 = arith.mulf %slice3A_11, %mul3A_13 : vector<2000x128xf32>
    %add3A_15 = arith.addf %add3A, %mul3A_14 : vector<2000x128xf32>
    %slice3A_16 = vector.extract_strided_slice %get3A_1 {offsets = [0, 384], sizes = [2000, 128], strides = [1, 1]} : vector<2000x512xf32> to vector<2000x128xf32>
    %slice3A_17 = vector.extract_strided_slice %get3A_4 {offsets = [0, 3], sizes = [2000, 1], strides = [1, 1]} : vector<2000x4xf32> to vector<2000x1xf32>
    %mul3A_18 = vector.broadcast %slice3A_17 : vector<2000x1xf32> to vector<2000x128xf32>
    %mul3A_19 = arith.mulf %slice3A_16, %mul3A_18 : vector<2000x128xf32>
    %add3A_20 = arith.addf %add3A_15, %mul3A_19 : vector<2000x128xf32>
    %get3A_21 = arith.constant 0 : index
    %get3A_22 = arith.constant 0 : index
    %get3A_23 = vector.load %arg4[%get3A_21, %get3A_22] : memref<128x128xf32, #tpu.memory_space<vmem>>, vector<128x128xf32>
    %dot_general3A = arith.constant dense<0.000000e+00> : vector<2000x128xf32>
    %dot_general3A_24 = tpu.matmul %add3A_20, %get3A_23, %dot_general3A {dimension_numbers = #tpu.dot_dimension_numbers<[1], [0], [0], [1], [0, 0, 1, 1], [], []>, transpose_lhs_hint = false} : vector<2000x128xf32>, vector<128x128xf32>, vector<2000x128xf32> -> vector<2000x128xf32>
    %get3A_25 = arith.constant 0 : index
    %get3A_26 = arith.constant 0 : index
    %get3A_27 = vector.load %arg6[%get3A_25, %get3A_26] : memref<1x128xf32, #tpu.memory_space<vmem>>, vector<1x128xf32>
    %add3A_28 = vector.broadcast %get3A_27 : vector<1x128xf32> to vector<2000x128xf32>
    %add3A_29 = arith.addf %dot_general3A_24, %add3A_28 : vector<2000x128xf32>
    %get3A_30 = arith.constant 0 : index
    %get3A_31 = arith.constant 0 : index
    %get3A_32 = vector.load %arg3[%get3A_30, %get3A_31] : memref<2000x8xf32, #tpu.memory_space<vmem>>, vector<2000x8xf32>
    %get3A_33 = arith.constant 0 : index
    %get3A_34 = arith.constant 0 : index
    %get3A_35 = vector.load %arg5[%get3A_33, %get3A_34] : memref<8x128xf32, #tpu.memory_space<vmem>>, vector<8x128xf32>
    %dot_general3A_36 = arith.constant dense<0.000000e+00> : vector<2000x128xf32>
    %dot_general3A_37 = tpu.matmul %get3A_32, %get3A_35, %dot_general3A_36 {dimension_numbers = #tpu.dot_dimension_numbers<[1], [0], [0], [1], [0, 0, 1, 1], [], []>, transpose_lhs_hint = false} : vector<2000x8xf32>, vector<8x128xf32>, vector<2000x128xf32> -> vector<2000x128xf32>
    %add3A_38 = arith.addf %add3A_29, %dot_general3A_37 : vector<2000x128xf32>
    %get3A_39 = arith.constant 0 : index
    %get3A_40 = arith.constant 0 : index
    %get3A_41 = vector.load %arg7[%get3A_39, %get3A_40] : memref<1x128xf32, #tpu.memory_space<vmem>>, vector<1x128xf32>
    %get3A_42 = arith.constant 0 : index
    %get3A_43 = arith.constant 0 : index
    %get3A_44 = vector.load %arg8[%get3A_42, %get3A_43] : memref<1x128xf32, #tpu.memory_space<vmem>>, vector<1x128xf32>
    %reduce_sum3A = arith.constant dense<0.000000e+00> : vector<2000xf32>
    %reduce_sum3A_45 = vector.multi_reduction <add>, %add3A_38, %reduce_sum3A [1] : vector<2000x128xf32> to vector<2000xf32>
    %broadcast_in_dim3A = vector.shape_cast %reduce_sum3A_45 : vector<2000xf32> to vector<2000x1xf32>
    %div3A = arith.constant 1.280000e+02 : f32
    %div3A_46 = vector.broadcast %div3A : f32 to vector<2000x1xf32>
    %div3A_47 = arith.divf %broadcast_in_dim3A, %div3A_46 : vector<2000x1xf32>
    %sub3A = vector.broadcast %div3A_47 : vector<2000x1xf32> to vector<2000x128xf32>
    %sub3A_48 = arith.subf %add3A_38, %sub3A : vector<2000x128xf32>
    %integer_pow3A = arith.mulf %sub3A_48, %sub3A_48 : vector<2000x128xf32>
    %reduce_sum3A_49 = arith.constant dense<0.000000e+00> : vector<2000xf32>
    %reduce_sum3A_50 = vector.multi_reduction <add>, %integer_pow3A, %reduce_sum3A_49 [1] : vector<2000x128xf32> to vector<2000xf32>
    %broadcast_in_dim3A_51 = vector.shape_cast %reduce_sum3A_50 : vector<2000xf32> to vector<2000x1xf32>
    %div3A_52 = arith.constant 1.280000e+02 : f32
    %div3A_53 = vector.broadcast %div3A_52 : f32 to vector<2000x1xf32>
    %div3A_54 = arith.divf %broadcast_in_dim3A_51, %div3A_53 : vector<2000x1xf32>
    %sub3A_55 = vector.broadcast %div3A_47 : vector<2000x1xf32> to vector<2000x128xf32>
    %sub3A_56 = arith.subf %add3A_38, %sub3A_55 : vector<2000x128xf32>
    %add3A_57 = arith.constant 9.99999974E-6 : f32
    %add3A_58 = vector.broadcast %add3A_57 : f32 to vector<2000x1xf32>
    %add3A_59 = arith.addf %div3A_54, %add3A_58 : vector<2000x1xf32>
    %sqrt3A = math.sqrt %add3A_59 : vector<2000x1xf32>
    %div3A_60 = vector.broadcast %sqrt3A : vector<2000x1xf32> to vector<2000x128xf32>
    %div3A_61 = arith.divf %sub3A_56, %div3A_60 : vector<2000x128xf32>
    %mul3A_62 = vector.broadcast %get3A_41 : vector<1x128xf32> to vector<2000x128xf32>
    %mul3A_63 = arith.mulf %div3A_61, %mul3A_62 : vector<2000x128xf32>
    %add3A_64 = vector.broadcast %get3A_44 : vector<1x128xf32> to vector<2000x128xf32>
    %add3A_65 = arith.addf %mul3A_63, %add3A_64 : vector<2000x128xf32>
    %logistic3A = arith.negf %add3A_65 : vector<2000x128xf32>
    %logistic3A_66 = math.exp %logistic3A : vector<2000x128xf32>
    %logistic3A_67 = arith.constant 1.000000e+00 : f32
    %logistic3A_68 = vector.broadcast %logistic3A_67 : f32 to vector<2000x128xf32>
    %logistic3A_69 = arith.addf %logistic3A_68, %logistic3A_66 : vector<2000x128xf32>
    %logistic3A_70 = arith.divf %logistic3A_68, %logistic3A_69 : vector<2000x128xf32>
    %mul3A_71 = arith.mulf %add3A_65, %logistic3A_70 : vector<2000x128xf32>
    %get3A_72 = arith.constant 0 : index
    %get3A_73 = arith.constant 0 : index
    %get3A_74 = vector.load %arg9[%get3A_72, %get3A_73] : memref<128x128xf32, #tpu.memory_space<vmem>>, vector<128x128xf32>
    %dot_general3A_75 = arith.constant dense<0.000000e+00> : vector<2000x128xf32>
    %dot_general3A_76 = tpu.matmul %mul3A_71, %get3A_74, %dot_general3A_75 {dimension_numbers = #tpu.dot_dimension_numbers<[1], [0], [0], [1], [0, 0, 1, 1], [], []>, transpose_lhs_hint = false} : vector<2000x128xf32>, vector<128x128xf32>, vector<2000x128xf32> -> vector<2000x128xf32>
    %get3A_77 = arith.constant 0 : index
    %get3A_78 = arith.constant 0 : index
    %get3A_79 = vector.load %arg10[%get3A_77, %get3A_78] : memref<1x128xf32, #tpu.memory_space<vmem>>, vector<1x128xf32>
    %add3A_80 = vector.broadcast %get3A_79 : vector<1x128xf32> to vector<2000x128xf32>
    %add3A_81 = arith.addf %dot_general3A_76, %add3A_80 : vector<2000x128xf32>
    %swap3A = arith.constant 0 : index
    %swap3A_82 = arith.constant 0 : index
    %swap3A_83 = vector.load %arg11[%swap3A, %swap3A_82] : memref<2000x128xf32, #tpu.memory_space<vmem>>, vector<2000x128xf32>
    tpu.vector_store %arg11[%swap3A, %swap3A_82], %add3A_81 {strides = array<i32>} : memref<2000x128xf32, #tpu.memory_space<vmem>>, vector<2000x128xf32>,
    return
  }
  func.func @transform_0(%arg0: i32) -> (i32, i32) {
    %c0_i32 = arith.constant 0 : i32
    %c0_i32_0 = arith.constant 0 : i32
    return %arg0, %c0_i32 : i32, i32
  }
  func.func @transform_1(%arg0: i32) -> (i32, i32) {
    %c0_i32 = arith.constant 0 : i32
    %c0_i32_0 = arith.constant 0 : i32
    return %arg0, %c0_i32 : i32, i32
  }
  func.func @transform_2(%arg0: i32) -> (i32, i32) {
    %c0_i32 = arith.constant 0 : i32
    %c0_i32_0 = arith.constant 0 : i32
    return %arg0, %c0_i32 : i32, i32
  }
  func.func @transform_3(%arg0: i32) -> (i32, i32) {
    %c0_i32 = arith.constant 0 : i32
    %c0_i32_0 = arith.constant 0 : i32
    %c0_i32_1 = arith.constant 0 : i32
    return %c0_i32, %c0_i32_0 : i32, i32
  }
  func.func @transform_4(%arg0: i32) -> (i32, i32) {
    %c0_i32 = arith.constant 0 : i32
    %c0_i32_0 = arith.constant 0 : i32
    %c0_i32_1 = arith.constant 0 : i32
    return %c0_i32, %c0_i32_0 : i32, i32
  }
  func.func @transform_5(%arg0: i32) -> (i32, i32) {
    %c0_i32 = arith.constant 0 : i32
    %c0_i32_0 = arith.constant 0 : i32
    %c0_i32_1 = arith.constant 0 : i32
    return %c0_i32, %c0_i32_0 : i32, i32
  }
  func.func @transform_6(%arg0: i32) -> (i32, i32) {
    %c0_i32 = arith.constant 0 : i32
    %c0_i32_0 = arith.constant 0 : i32
    %c0_i32_1 = arith.constant 0 : i32
    return %c0_i32, %c0_i32_0 : i32, i32
  }
  func.func @transform_7(%arg0: i32) -> (i32, i32) {
    %c0_i32 = arith.constant 0 : i32
    %c0_i32_0 = arith.constant 0 : i32
    %c0_i32_1 = arith.constant 0 : i32
    return %c0_i32, %c0_i32_0 : i32, i32
  }
  func.func @transform_8(%arg0: i32) -> (i32, i32) {
    %c0_i32 = arith.constant 0 : i32
    %c0_i32_0 = arith.constant 0 : i32
    %c0_i32_1 = arith.constant 0 : i32
    return %c0_i32, %c0_i32_0 : i32, i32
  }
  func.func @transform_9(%arg0: i32) -> (i32, i32) {
    %c0_i32 = arith.constant 0 : i32
    %c0_i32_0 = arith.constant 0 : i32
    %c0_i32_1 = arith.constant 0 : i32
    return %c0_i32, %c0_i32_0 : i32, i32
  }
  func.func @transform_10(%arg0: i32) -> (i32, i32) {
    %c0_i32 = arith.constant 0 : i32
    %c0_i32_0 = arith.constant 0 : i32
    return %arg0, %c0_i32 : i32, i32
  }
}

module attributes {stable_mosaic.version = 14 : i64} {
  func.func @_xdxs_body(%arg0: i32, %arg1: memref<2000x128xf32, #tpu.memory_space<vmem>>, %arg2: memref<128x128xf32, #tpu.memory_space<vmem>>, %arg3: memref<128x128xf32, #tpu.memory_space<vmem>>, %arg4: memref<1x128xf32, #tpu.memory_space<vmem>>, %arg5: memref<2000x128xf32, #tpu.memory_space<vmem>>, %arg6: memref<2000x128xf32, #tpu.memory_space<vmem>>) attributes {dimension_semantics = [#tpu.dimension_semantics<arbitrary>], iteration_bounds = array<i64: 5>, scalar_prefetch = 0 : i64, scratch_operands = 0 : i64, tpu.core_type = #tpu.core_type<tc>, window_params = [{transform_indices = @transform_0, window_bounds = array<i64: 2000, 128>}, {pipeline_mode = #tpu.pipeline_mode<synchronous>, transform_indices = @transform_1, window_bounds = array<i64: 128, 128>}, {pipeline_mode = #tpu.pipeline_mode<synchronous>, transform_indices = @transform_2, window_bounds = array<i64: 128, 128>}, {pipeline_mode = #tpu.pipeline_mode<synchronous>, transform_indices = @transform_3, window_bounds = array<i64: 1, 128>}, {transform_indices = @transform_4, window_bounds = array<i64: 2000, 128>}, {transform_indices = @transform_5, window_bounds = array<i64: 2000, 128>}]} {
    %get3A = arith.constant 0 : index
    %get3A_0 = arith.constant 0 : index
    %get3A_1 = vector.load %arg1[%get3A, %get3A_0] : memref<2000x128xf32, #tpu.memory_space<vmem>>, vector<2000x128xf32>
    %get3A_2 = arith.constant 0 : index
    %get3A_3 = arith.constant 0 : index
    %get3A_4 = vector.load %arg2[%get3A_2, %get3A_3] : memref<128x128xf32, #tpu.memory_space<vmem>>, vector<128x128xf32>
    %dot_general3A = arith.constant dense<0.000000e+00> : vector<2000x128xf32>
    %dot_general3A_5 = tpu.matmul %get3A_1, %get3A_4, %dot_general3A {dimension_numbers = #tpu.dot_dimension_numbers<[1], [0], [0], [1], [0, 0, 1, 1], [], []>, transpose_lhs_hint = false} : vector<2000x128xf32>, vector<128x128xf32>, vector<2000x128xf32> -> vector<2000x128xf32>
    %get3A_6 = arith.constant 0 : index
    %get3A_7 = arith.constant 0 : index
    %get3A_8 = vector.load %arg4[%get3A_6, %get3A_7] : memref<1x128xf32, #tpu.memory_space<vmem>>, vector<1x128xf32>
    %add3A = vector.broadcast %get3A_8 : vector<1x128xf32> to vector<2000x128xf32>
    %add3A_9 = arith.addf %dot_general3A_5, %add3A : vector<2000x128xf32>
    %swap3A = arith.constant 0 : index
    %swap3A_10 = arith.constant 0 : index
    %swap3A_11 = vector.load %arg5[%swap3A, %swap3A_10] : memref<2000x128xf32, #tpu.memory_space<vmem>>, vector<2000x128xf32>
    tpu.vector_store %arg5[%swap3A, %swap3A_10], %add3A_9 {strides = array<i32>} : memref<2000x128xf32, #tpu.memory_space<vmem>>, vector<2000x128xf32>,
    %get3A_12 = arith.constant 0 : index
    %get3A_13 = arith.constant 0 : index
    %get3A_14 = vector.load %arg3[%get3A_12, %get3A_13] : memref<128x128xf32, #tpu.memory_space<vmem>>, vector<128x128xf32>
    %dot_general3A_15 = arith.constant dense<0.000000e+00> : vector<2000x128xf32>
    %dot_general3A_16 = tpu.matmul %get3A_1, %get3A_14, %dot_general3A_15 {dimension_numbers = #tpu.dot_dimension_numbers<[1], [0], [0], [1], [0, 0, 1, 1], [], []>, transpose_lhs_hint = false} : vector<2000x128xf32>, vector<128x128xf32>, vector<2000x128xf32> -> vector<2000x128xf32>
    %swap3A_17 = arith.constant 0 : index
    %swap3A_18 = arith.constant 0 : index
    %swap3A_19 = vector.load %arg6[%swap3A_17, %swap3A_18] : memref<2000x128xf32, #tpu.memory_space<vmem>>, vector<2000x128xf32>
    tpu.vector_store %arg6[%swap3A_17, %swap3A_18], %dot_general3A_16 {strides = array<i32>} : memref<2000x128xf32, #tpu.memory_space<vmem>>, vector<2000x128xf32>,
    return
  }
  func.func @transform_0(%arg0: i32) -> (i32, i32) {
    %c0_i32 = arith.constant 0 : i32
    %c0_i32_0 = arith.constant 0 : i32
    return %arg0, %c0_i32 : i32, i32
  }
  func.func @transform_1(%arg0: i32) -> (i32, i32) {
    %c0_i32 = arith.constant 0 : i32
    %c0_i32_0 = arith.constant 0 : i32
    %c0_i32_1 = arith.constant 0 : i32
    return %c0_i32, %c0_i32_0 : i32, i32
  }
  func.func @transform_2(%arg0: i32) -> (i32, i32) {
    %c0_i32 = arith.constant 0 : i32
    %c0_i32_0 = arith.constant 0 : i32
    %c0_i32_1 = arith.constant 0 : i32
    return %c0_i32, %c0_i32_0 : i32, i32
  }
  func.func @transform_3(%arg0: i32) -> (i32, i32) {
    %c0_i32 = arith.constant 0 : i32
    %c0_i32_0 = arith.constant 0 : i32
    %c0_i32_1 = arith.constant 0 : i32
    return %c0_i32, %c0_i32_0 : i32, i32
  }
  func.func @transform_4(%arg0: i32) -> (i32, i32) {
    %c0_i32 = arith.constant 0 : i32
    %c0_i32_0 = arith.constant 0 : i32
    return %arg0, %c0_i32 : i32, i32
  }
  func.func @transform_5(%arg0: i32) -> (i32, i32) {
    %c0_i32 = arith.constant 0 : i32
    %c0_i32_0 = arith.constant 0 : i32
    return %arg0, %c0_i32 : i32, i32
  }
}

module attributes {stable_mosaic.version = 14 : i64} {
  func.func @_msg_body(%arg0: i32, %arg1: memref<2000x128xf32, #tpu.memory_space<vmem>>, %arg2: memref<2000x8xf32, #tpu.memory_space<vmem>>, %arg3: memref<8x128xf32, #tpu.memory_space<vmem>>, %arg4: memref<1x128xf32, #tpu.memory_space<vmem>>, %arg5: memref<1x128xf32, #tpu.memory_space<vmem>>, %arg6: memref<2000x128xf32, #tpu.memory_space<vmem>>) attributes {dimension_semantics = [#tpu.dimension_semantics<arbitrary>], iteration_bounds = array<i64: 80>, scalar_prefetch = 0 : i64, scratch_operands = 0 : i64, tpu.core_type = #tpu.core_type<tc>, window_params = [{transform_indices = @transform_0, window_bounds = array<i64: 2000, 128>}, {transform_indices = @transform_1, window_bounds = array<i64: 2000, 8>}, {pipeline_mode = #tpu.pipeline_mode<synchronous>, transform_indices = @transform_2, window_bounds = array<i64: 8, 128>}, {pipeline_mode = #tpu.pipeline_mode<synchronous>, transform_indices = @transform_3, window_bounds = array<i64: 1, 128>}, {pipeline_mode = #tpu.pipeline_mode<synchronous>, transform_indices = @transform_4, window_bounds = array<i64: 1, 128>}, {transform_indices = @transform_5, window_bounds = array<i64: 2000, 128>}]} {
    %get3A = arith.constant 0 : index
    %get3A_0 = arith.constant 0 : index
    %get3A_1 = vector.load %arg1[%get3A, %get3A_0] : memref<2000x128xf32, #tpu.memory_space<vmem>>, vector<2000x128xf32>
    %get3A_2 = arith.constant 0 : index
    %get3A_3 = arith.constant 0 : index
    %get3A_4 = vector.load %arg2[%get3A_2, %get3A_3] : memref<2000x8xf32, #tpu.memory_space<vmem>>, vector<2000x8xf32>
    %get3A_5 = arith.constant 0 : index
    %get3A_6 = arith.constant 0 : index
    %get3A_7 = vector.load %arg3[%get3A_5, %get3A_6] : memref<8x128xf32, #tpu.memory_space<vmem>>, vector<8x128xf32>
    %dot_general3A = arith.constant dense<0.000000e+00> : vector<2000x128xf32>
    %dot_general3A_8 = tpu.matmul %get3A_4, %get3A_7, %dot_general3A {dimension_numbers = #tpu.dot_dimension_numbers<[1], [0], [0], [1], [0, 0, 1, 1], [], []>, transpose_lhs_hint = false} : vector<2000x8xf32>, vector<8x128xf32>, vector<2000x128xf32> -> vector<2000x128xf32>
    %add3A = arith.addf %get3A_1, %dot_general3A_8 : vector<2000x128xf32>
    %get3A_9 = arith.constant 0 : index
    %get3A_10 = arith.constant 0 : index
    %get3A_11 = vector.load %arg4[%get3A_9, %get3A_10] : memref<1x128xf32, #tpu.memory_space<vmem>>, vector<1x128xf32>
    %get3A_12 = arith.constant 0 : index
    %get3A_13 = arith.constant 0 : index
    %get3A_14 = vector.load %arg5[%get3A_12, %get3A_13] : memref<1x128xf32, #tpu.memory_space<vmem>>, vector<1x128xf32>
    %reduce_sum3A = arith.constant dense<0.000000e+00> : vector<2000xf32>
    %reduce_sum3A_15 = vector.multi_reduction <add>, %add3A, %reduce_sum3A [1] : vector<2000x128xf32> to vector<2000xf32>
    %broadcast_in_dim3A = vector.shape_cast %reduce_sum3A_15 : vector<2000xf32> to vector<2000x1xf32>
    %div3A = arith.constant 1.280000e+02 : f32
    %div3A_16 = vector.broadcast %div3A : f32 to vector<2000x1xf32>
    %div3A_17 = arith.divf %broadcast_in_dim3A, %div3A_16 : vector<2000x1xf32>
    %sub3A = vector.broadcast %div3A_17 : vector<2000x1xf32> to vector<2000x128xf32>
    %sub3A_18 = arith.subf %add3A, %sub3A : vector<2000x128xf32>
    %integer_pow3A = arith.mulf %sub3A_18, %sub3A_18 : vector<2000x128xf32>
    %reduce_sum3A_19 = arith.constant dense<0.000000e+00> : vector<2000xf32>
    %reduce_sum3A_20 = vector.multi_reduction <add>, %integer_pow3A, %reduce_sum3A_19 [1] : vector<2000x128xf32> to vector<2000xf32>
    %broadcast_in_dim3A_21 = vector.shape_cast %reduce_sum3A_20 : vector<2000xf32> to vector<2000x1xf32>
    %div3A_22 = arith.constant 1.280000e+02 : f32
    %div3A_23 = vector.broadcast %div3A_22 : f32 to vector<2000x1xf32>
    %div3A_24 = arith.divf %broadcast_in_dim3A_21, %div3A_23 : vector<2000x1xf32>
    %sub3A_25 = vector.broadcast %div3A_17 : vector<2000x1xf32> to vector<2000x128xf32>
    %sub3A_26 = arith.subf %add3A, %sub3A_25 : vector<2000x128xf32>
    %add3A_27 = arith.constant 9.99999974E-6 : f32
    %add3A_28 = vector.broadcast %add3A_27 : f32 to vector<2000x1xf32>
    %add3A_29 = arith.addf %div3A_24, %add3A_28 : vector<2000x1xf32>
    %sqrt3A = math.sqrt %add3A_29 : vector<2000x1xf32>
    %div3A_30 = vector.broadcast %sqrt3A : vector<2000x1xf32> to vector<2000x128xf32>
    %div3A_31 = arith.divf %sub3A_26, %div3A_30 : vector<2000x128xf32>
    %mul3A = vector.broadcast %get3A_11 : vector<1x128xf32> to vector<2000x128xf32>
    %mul3A_32 = arith.mulf %div3A_31, %mul3A : vector<2000x128xf32>
    %add3A_33 = vector.broadcast %get3A_14 : vector<1x128xf32> to vector<2000x128xf32>
    %add3A_34 = arith.addf %mul3A_32, %add3A_33 : vector<2000x128xf32>
    %logistic3A = arith.negf %add3A_34 : vector<2000x128xf32>
    %logistic3A_35 = math.exp %logistic3A : vector<2000x128xf32>
    %logistic3A_36 = arith.constant 1.000000e+00 : f32
    %logistic3A_37 = vector.broadcast %logistic3A_36 : f32 to vector<2000x128xf32>
    %logistic3A_38 = arith.addf %logistic3A_37, %logistic3A_35 : vector<2000x128xf32>
    %logistic3A_39 = arith.divf %logistic3A_37, %logistic3A_38 : vector<2000x128xf32>
    %mul3A_40 = arith.mulf %add3A_34, %logistic3A_39 : vector<2000x128xf32>
    %swap3A = arith.constant 0 : index
    %swap3A_41 = arith.constant 0 : index
    %swap3A_42 = vector.load %arg6[%swap3A, %swap3A_41] : memref<2000x128xf32, #tpu.memory_space<vmem>>, vector<2000x128xf32>
    tpu.vector_store %arg6[%swap3A, %swap3A_41], %mul3A_40 {strides = array<i32>} : memref<2000x128xf32, #tpu.memory_space<vmem>>, vector<2000x128xf32>,
    return
  }
  func.func @transform_0(%arg0: i32) -> (i32, i32) {
    %c0_i32 = arith.constant 0 : i32
    %c0_i32_0 = arith.constant 0 : i32
    return %arg0, %c0_i32 : i32, i32
  }
  func.func @transform_1(%arg0: i32) -> (i32, i32) {
    %c0_i32 = arith.constant 0 : i32
    %c0_i32_0 = arith.constant 0 : i32
    return %arg0, %c0_i32 : i32, i32
  }
  func.func @transform_2(%arg0: i32) -> (i32, i32) {
    %c0_i32 = arith.constant 0 : i32
    %c0_i32_0 = arith.constant 0 : i32
    %c0_i32_1 = arith.constant 0 : i32
    return %c0_i32, %c0_i32_0 : i32, i32
  }
  func.func @transform_3(%arg0: i32) -> (i32, i32) {
    %c0_i32 = arith.constant 0 : i32
    %c0_i32_0 = arith.constant 0 : i32
    %c0_i32_1 = arith.constant 0 : i32
    return %c0_i32, %c0_i32_0 : i32, i32
  }
  func.func @transform_4(%arg0: i32) -> (i32, i32) {
    %c0_i32 = arith.constant 0 : i32
    %c0_i32_0 = arith.constant 0 : i32
    %c0_i32_1 = arith.constant 0 : i32
    return %c0_i32, %c0_i32_0 : i32, i32
  }
  func.func @transform_5(%arg0: i32) -> (i32, i32) {
    %c0_i32 = arith.constant 0 : i32
    %c0_i32_0 = arith.constant 0 : i32
    return %arg0, %c0_i32 : i32, i32
  }
}

module attributes {stable_mosaic.version = 14 : i64} {
  func.func @_segsum_body(%arg0: i32, %arg1: i32, %arg2: memref<1x3200xi32, #tpu.memory_space<vmem>>, %arg3: memref<3200x128xf32, #tpu.memory_space<vmem>>, %arg4: memref<2048x128xf32, #tpu.memory_space<vmem>>) attributes {dimension_semantics = [#tpu.dimension_semantics<arbitrary>, #tpu.dimension_semantics<arbitrary>], iteration_bounds = array<i64: 5, 50>, scalar_prefetch = 0 : i64, scratch_operands = 0 : i64, tpu.core_type = #tpu.core_type<tc>, window_params = [{transform_indices = @transform_0, window_bounds = array<i64: 1, 3200>}, {transform_indices = @transform_1, window_bounds = array<i64: 3200, 128>}, {transform_indices = @transform_2, window_bounds = array<i64: 2048, 128>}]} {
    %eq3A = arith.constant 0 : i32
    %eq3A_0 = arith.cmpi eq, %arg1, %eq3A : i32
    %convert_element_type3A = arith.extui %eq3A_0 : i1 to i32
    %cond3A = arith.constant 0 : i32
    %cond3A_1 = arith.cmpi ne, %convert_element_type3A, %cond3A : i32
    scf.if %cond3A_1 {
      %broadcast_in_dim3A = arith.constant 0.000000e+00 : f32
      %broadcast_in_dim3A_20 = vector.broadcast %broadcast_in_dim3A : f32 to vector<2048x128xf32>
      %swap3A_21 = arith.constant 0 : index
      %swap3A_22 = arith.constant 0 : index
      %swap3A_23 = vector.load %arg4[%swap3A_21, %swap3A_22] : memref<2048x128xf32, #tpu.memory_space<vmem>>, vector<2048x128xf32>
      tpu.vector_store %arg4[%swap3A_21, %swap3A_22], %broadcast_in_dim3A_20 {strides = array<i32>} : memref<2048x128xf32, #tpu.memory_space<vmem>>, vector<2048x128xf32>,
    } else {
    }
    %iota3A = tpu.iota {dimensions = array<i32: 0>} : vector<2048x3200xi32>
    %mul3A = arith.constant 2048 : i32
    %mul3A_2 = arith.muli %arg0, %mul3A : i32
    %add3A = vector.broadcast %mul3A_2 : i32 to vector<2048x3200xi32>
    %add3A_3 = arith.addi %iota3A, %add3A : vector<2048x3200xi32>
    %get3A = arith.constant 0 : index
    %get3A_4 = arith.constant 0 : index
    %get3A_5 = vector.load %arg2[%get3A, %get3A_4] : memref<1x3200xi32, #tpu.memory_space<vmem>>, vector<1x3200xi32>
    %eq3A_6 = vector.broadcast %get3A_5 : vector<1x3200xi32> to vector<2048x3200xi32>
    %eq3A_7 = arith.cmpi eq, %add3A_3, %eq3A_6 : vector<2048x3200xi32>
    %convert_element_type3A_8 = arith.extui %eq3A_7 : vector<2048x3200xi1> to vector<2048x3200xi32>
    %convert_element_type3A_9 = arith.sitofp %convert_element_type3A_8 : vector<2048x3200xi32> to vector<2048x3200xf32>
    %get3A_10 = arith.constant 0 : index
    %get3A_11 = arith.constant 0 : index
    %get3A_12 = vector.load %arg4[%get3A_10, %get3A_11] : memref<2048x128xf32, #tpu.memory_space<vmem>>, vector<2048x128xf32>
    %get3A_13 = arith.constant 0 : index
    %get3A_14 = arith.constant 0 : index
    %get3A_15 = vector.load %arg3[%get3A_13, %get3A_14] : memref<3200x128xf32, #tpu.memory_space<vmem>>, vector<3200x128xf32>
    %dot_general3A = arith.constant dense<0.000000e+00> : vector<2048x128xf32>
    %dot_general3A_16 = tpu.matmul %convert_element_type3A_9, %get3A_15, %dot_general3A {dimension_numbers = #tpu.dot_dimension_numbers<[1], [0], [0], [1], [0, 0, 1, 1], [], []>, transpose_lhs_hint = false} : vector<2048x3200xf32>, vector<3200x128xf32>, vector<2048x128xf32> -> vector<2048x128xf32>
    %add3A_17 = arith.addf %get3A_12, %dot_general3A_16 : vector<2048x128xf32>
    %swap3A = arith.constant 0 : index
    %swap3A_18 = arith.constant 0 : index
    %swap3A_19 = vector.load %arg4[%swap3A, %swap3A_18] : memref<2048x128xf32, #tpu.memory_space<vmem>>, vector<2048x128xf32>
    tpu.vector_store %arg4[%swap3A, %swap3A_18], %add3A_17 {strides = array<i32>} : memref<2048x128xf32, #tpu.memory_space<vmem>>, vector<2048x128xf32>,
    return
  }
  func.func @transform_0(%arg0: i32, %arg1: i32) -> (i32, i32) {
    %c0_i32 = arith.constant 0 : i32
    %c0_i32_0 = arith.constant 0 : i32
    return %c0_i32, %arg1 : i32, i32
  }
  func.func @transform_1(%arg0: i32, %arg1: i32) -> (i32, i32) {
    %c0_i32 = arith.constant 0 : i32
    %c0_i32_0 = arith.constant 0 : i32
    return %arg1, %c0_i32 : i32, i32
  }
  func.func @transform_2(%arg0: i32, %arg1: i32) -> (i32, i32) {
    %c0_i32 = arith.constant 0 : i32
    %c0_i32_0 = arith.constant 0 : i32
    return %arg0, %c0_i32 : i32, i32
  }
}

module attributes {stable_mosaic.version = 14 : i64} {
  func.func @_node_body(%arg0: i32, %arg1: memref<2000x128xf32, #tpu.memory_space<vmem>>, %arg2: memref<2000x128xf32, #tpu.memory_space<vmem>>, %arg3: memref<2000x128xf32, #tpu.memory_space<vmem>>, %arg4: memref<128x128xf32, #tpu.memory_space<vmem>>, %arg5: memref<128x128xf32, #tpu.memory_space<vmem>>, %arg6: memref<1x128xf32, #tpu.memory_space<vmem>>, %arg7: memref<1x128xf32, #tpu.memory_space<vmem>>, %arg8: memref<1x128xf32, #tpu.memory_space<vmem>>, %arg9: memref<128x128xf32, #tpu.memory_space<vmem>>, %arg10: memref<1x128xf32, #tpu.memory_space<vmem>>, %arg11: memref<2000x128xf32, #tpu.memory_space<vmem>>) attributes {dimension_semantics = [#tpu.dimension_semantics<arbitrary>], iteration_bounds = array<i64: 5>, scalar_prefetch = 0 : i64, scratch_operands = 0 : i64, tpu.core_type = #tpu.core_type<tc>, window_params = [{transform_indices = @transform_0, window_bounds = array<i64: 2000, 128>}, {transform_indices = @transform_1, window_bounds = array<i64: 2000, 128>}, {transform_indices = @transform_2, window_bounds = array<i64: 2000, 128>}, {pipeline_mode = #tpu.pipeline_mode<synchronous>, transform_indices = @transform_3, window_bounds = array<i64: 128, 128>}, {pipeline_mode = #tpu.pipeline_mode<synchronous>, transform_indices = @transform_4, window_bounds = array<i64: 128, 128>}, {pipeline_mode = #tpu.pipeline_mode<synchronous>, transform_indices = @transform_5, window_bounds = array<i64: 1, 128>}, {pipeline_mode = #tpu.pipeline_mode<synchronous>, transform_indices = @transform_6, window_bounds = array<i64: 1, 128>}, {pipeline_mode = #tpu.pipeline_mode<synchronous>, transform_indices = @transform_7, window_bounds = array<i64: 1, 128>}, {pipeline_mode = #tpu.pipeline_mode<synchronous>, transform_indices = @transform_8, window_bounds = array<i64: 128, 128>}, {pipeline_mode = #tpu.pipeline_mode<synchronous>, transform_indices = @transform_9, window_bounds = array<i64: 1, 128>}, {transform_indices = @transform_10, window_bounds = array<i64: 2000, 128>}]} {
    %get3A = arith.constant 0 : index
    %get3A_0 = arith.constant 0 : index
    %get3A_1 = vector.load %arg1[%get3A, %get3A_0] : memref<2000x128xf32, #tpu.memory_space<vmem>>, vector<2000x128xf32>
    %get3A_2 = arith.constant 0 : index
    %get3A_3 = arith.constant 0 : index
    %get3A_4 = vector.load %arg2[%get3A_2, %get3A_3] : memref<2000x128xf32, #tpu.memory_space<vmem>>, vector<2000x128xf32>
    %get3A_5 = arith.constant 0 : index
    %get3A_6 = arith.constant 0 : index
    %get3A_7 = vector.load %arg3[%get3A_5, %get3A_6] : memref<2000x128xf32, #tpu.memory_space<vmem>>, vector<2000x128xf32>
    %add3A = arith.addf %get3A_4, %get3A_7 : vector<2000x128xf32>
    %get3A_8 = arith.constant 0 : index
    %get3A_9 = arith.constant 0 : index
    %get3A_10 = vector.load %arg4[%get3A_8, %get3A_9] : memref<128x128xf32, #tpu.memory_space<vmem>>, vector<128x128xf32>
    %dot_general3A = arith.constant dense<0.000000e+00> : vector<2000x128xf32>
    %dot_general3A_11 = tpu.matmul %get3A_1, %get3A_10, %dot_general3A {dimension_numbers = #tpu.dot_dimension_numbers<[1], [0], [0], [1], [0, 0, 1, 1], [], []>, transpose_lhs_hint = false} : vector<2000x128xf32>, vector<128x128xf32>, vector<2000x128xf32> -> vector<2000x128xf32>
    %get3A_12 = arith.constant 0 : index
    %get3A_13 = arith.constant 0 : index
    %get3A_14 = vector.load %arg5[%get3A_12, %get3A_13] : memref<128x128xf32, #tpu.memory_space<vmem>>, vector<128x128xf32>
    %dot_general3A_15 = arith.constant dense<0.000000e+00> : vector<2000x128xf32>
    %dot_general3A_16 = tpu.matmul %add3A, %get3A_14, %dot_general3A_15 {dimension_numbers = #tpu.dot_dimension_numbers<[1], [0], [0], [1], [0, 0, 1, 1], [], []>, transpose_lhs_hint = false} : vector<2000x128xf32>, vector<128x128xf32>, vector<2000x128xf32> -> vector<2000x128xf32>
    %add3A_17 = arith.addf %dot_general3A_11, %dot_general3A_16 : vector<2000x128xf32>
    %get3A_18 = arith.constant 0 : index
    %get3A_19 = arith.constant 0 : index
    %get3A_20 = vector.load %arg6[%get3A_18, %get3A_19] : memref<1x128xf32, #tpu.memory_space<vmem>>, vector<1x128xf32>
    %add3A_21 = vector.broadcast %get3A_20 : vector<1x128xf32> to vector<2000x128xf32>
    %add3A_22 = arith.addf %add3A_17, %add3A_21 : vector<2000x128xf32>
    %get3A_23 = arith.constant 0 : index
    %get3A_24 = arith.constant 0 : index
    %get3A_25 = vector.load %arg7[%get3A_23, %get3A_24] : memref<1x128xf32, #tpu.memory_space<vmem>>, vector<1x128xf32>
    %get3A_26 = arith.constant 0 : index
    %get3A_27 = arith.constant 0 : index
    %get3A_28 = vector.load %arg8[%get3A_26, %get3A_27] : memref<1x128xf32, #tpu.memory_space<vmem>>, vector<1x128xf32>
    %reduce_sum3A = arith.constant dense<0.000000e+00> : vector<2000xf32>
    %reduce_sum3A_29 = vector.multi_reduction <add>, %add3A_22, %reduce_sum3A [1] : vector<2000x128xf32> to vector<2000xf32>
    %broadcast_in_dim3A = vector.shape_cast %reduce_sum3A_29 : vector<2000xf32> to vector<2000x1xf32>
    %div3A = arith.constant 1.280000e+02 : f32
    %div3A_30 = vector.broadcast %div3A : f32 to vector<2000x1xf32>
    %div3A_31 = arith.divf %broadcast_in_dim3A, %div3A_30 : vector<2000x1xf32>
    %sub3A = vector.broadcast %div3A_31 : vector<2000x1xf32> to vector<2000x128xf32>
    %sub3A_32 = arith.subf %add3A_22, %sub3A : vector<2000x128xf32>
    %integer_pow3A = arith.mulf %sub3A_32, %sub3A_32 : vector<2000x128xf32>
    %reduce_sum3A_33 = arith.constant dense<0.000000e+00> : vector<2000xf32>
    %reduce_sum3A_34 = vector.multi_reduction <add>, %integer_pow3A, %reduce_sum3A_33 [1] : vector<2000x128xf32> to vector<2000xf32>
    %broadcast_in_dim3A_35 = vector.shape_cast %reduce_sum3A_34 : vector<2000xf32> to vector<2000x1xf32>
    %div3A_36 = arith.constant 1.280000e+02 : f32
    %div3A_37 = vector.broadcast %div3A_36 : f32 to vector<2000x1xf32>
    %div3A_38 = arith.divf %broadcast_in_dim3A_35, %div3A_37 : vector<2000x1xf32>
    %sub3A_39 = vector.broadcast %div3A_31 : vector<2000x1xf32> to vector<2000x128xf32>
    %sub3A_40 = arith.subf %add3A_22, %sub3A_39 : vector<2000x128xf32>
    %add3A_41 = arith.constant 9.99999974E-6 : f32
    %add3A_42 = vector.broadcast %add3A_41 : f32 to vector<2000x1xf32>
    %add3A_43 = arith.addf %div3A_38, %add3A_42 : vector<2000x1xf32>
    %sqrt3A = math.sqrt %add3A_43 : vector<2000x1xf32>
    %div3A_44 = vector.broadcast %sqrt3A : vector<2000x1xf32> to vector<2000x128xf32>
    %div3A_45 = arith.divf %sub3A_40, %div3A_44 : vector<2000x128xf32>
    %mul3A = vector.broadcast %get3A_25 : vector<1x128xf32> to vector<2000x128xf32>
    %mul3A_46 = arith.mulf %div3A_45, %mul3A : vector<2000x128xf32>
    %add3A_47 = vector.broadcast %get3A_28 : vector<1x128xf32> to vector<2000x128xf32>
    %add3A_48 = arith.addf %mul3A_46, %add3A_47 : vector<2000x128xf32>
    %logistic3A = arith.negf %add3A_48 : vector<2000x128xf32>
    %logistic3A_49 = math.exp %logistic3A : vector<2000x128xf32>
    %logistic3A_50 = arith.constant 1.000000e+00 : f32
    %logistic3A_51 = vector.broadcast %logistic3A_50 : f32 to vector<2000x128xf32>
    %logistic3A_52 = arith.addf %logistic3A_51, %logistic3A_49 : vector<2000x128xf32>
    %logistic3A_53 = arith.divf %logistic3A_51, %logistic3A_52 : vector<2000x128xf32>
    %mul3A_54 = arith.mulf %add3A_48, %logistic3A_53 : vector<2000x128xf32>
    %get3A_55 = arith.constant 0 : index
    %get3A_56 = arith.constant 0 : index
    %get3A_57 = vector.load %arg9[%get3A_55, %get3A_56] : memref<128x128xf32, #tpu.memory_space<vmem>>, vector<128x128xf32>
    %dot_general3A_58 = arith.constant dense<0.000000e+00> : vector<2000x128xf32>
    %dot_general3A_59 = tpu.matmul %mul3A_54, %get3A_57, %dot_general3A_58 {dimension_numbers = #tpu.dot_dimension_numbers<[1], [0], [0], [1], [0, 0, 1, 1], [], []>, transpose_lhs_hint = false} : vector<2000x128xf32>, vector<128x128xf32>, vector<2000x128xf32> -> vector<2000x128xf32>
    %add3A_60 = arith.addf %get3A_1, %dot_general3A_59 : vector<2000x128xf32>
    %get3A_61 = arith.constant 0 : index
    %get3A_62 = arith.constant 0 : index
    %get3A_63 = vector.load %arg10[%get3A_61, %get3A_62] : memref<1x128xf32, #tpu.memory_space<vmem>>, vector<1x128xf32>
    %add3A_64 = vector.broadcast %get3A_63 : vector<1x128xf32> to vector<2000x128xf32>
    %add3A_65 = arith.addf %add3A_60, %add3A_64 : vector<2000x128xf32>
    %swap3A = arith.constant 0 : index
    %swap3A_66 = arith.constant 0 : index
    %swap3A_67 = vector.load %arg11[%swap3A, %swap3A_66] : memref<2000x128xf32, #tpu.memory_space<vmem>>, vector<2000x128xf32>
    tpu.vector_store %arg11[%swap3A, %swap3A_66], %add3A_65 {strides = array<i32>} : memref<2000x128xf32, #tpu.memory_space<vmem>>, vector<2000x128xf32>,
    return
  }
  func.func @transform_0(%arg0: i32) -> (i32, i32) {
    %c0_i32 = arith.constant 0 : i32
    %c0_i32_0 = arith.constant 0 : i32
    return %arg0, %c0_i32 : i32, i32
  }
  func.func @transform_1(%arg0: i32) -> (i32, i32) {
    %c0_i32 = arith.constant 0 : i32
    %c0_i32_0 = arith.constant 0 : i32
    return %arg0, %c0_i32 : i32, i32
  }
  func.func @transform_2(%arg0: i32) -> (i32, i32) {
    %c0_i32 = arith.constant 0 : i32
    %c0_i32_0 = arith.constant 0 : i32
    return %arg0, %c0_i32 : i32, i32
  }
  func.func @transform_3(%arg0: i32) -> (i32, i32) {
    %c0_i32 = arith.constant 0 : i32
    %c0_i32_0 = arith.constant 0 : i32
    %c0_i32_1 = arith.constant 0 : i32
    return %c0_i32, %c0_i32_0 : i32, i32
  }
  func.func @transform_4(%arg0: i32) -> (i32, i32) {
    %c0_i32 = arith.constant 0 : i32
    %c0_i32_0 = arith.constant 0 : i32
    %c0_i32_1 = arith.constant 0 : i32
    return %c0_i32, %c0_i32_0 : i32, i32
  }
  func.func @transform_5(%arg0: i32) -> (i32, i32) {
    %c0_i32 = arith.constant 0 : i32
    %c0_i32_0 = arith.constant 0 : i32
    %c0_i32_1 = arith.constant 0 : i32
    return %c0_i32, %c0_i32_0 : i32, i32
  }
  func.func @transform_6(%arg0: i32) -> (i32, i32) {
    %c0_i32 = arith.constant 0 : i32
    %c0_i32_0 = arith.constant 0 : i32
    %c0_i32_1 = arith.constant 0 : i32
    return %c0_i32, %c0_i32_0 : i32, i32
  }
  func.func @transform_7(%arg0: i32) -> (i32, i32) {
    %c0_i32 = arith.constant 0 : i32
    %c0_i32_0 = arith.constant 0 : i32
    %c0_i32_1 = arith.constant 0 : i32
    return %c0_i32, %c0_i32_0 : i32, i32
  }
  func.func @transform_8(%arg0: i32) -> (i32, i32) {
    %c0_i32 = arith.constant 0 : i32
    %c0_i32_0 = arith.constant 0 : i32
    %c0_i32_1 = arith.constant 0 : i32
    return %c0_i32, %c0_i32_0 : i32, i32
  }
  func.func @transform_9(%arg0: i32) -> (i32, i32) {
    %c0_i32 = arith.constant 0 : i32
    %c0_i32_0 = arith.constant 0 : i32
    %c0_i32_1 = arith.constant 0 : i32
    return %c0_i32, %c0_i32_0 : i32, i32
  }
  func.func @transform_10(%arg0: i32) -> (i32, i32) {
    %c0_i32 = arith.constant 0 : i32
    %c0_i32_0 = arith.constant 0 : i32
    return %arg0, %c0_i32 : i32, i32
  }
}

module attributes {stable_mosaic.version = 14 : i64} {
  func.func @body(%arg0: i32, %arg1: memref<2000x512xf32, #tpu.memory_space<vmem>>, %arg2: memref<2000x4xf32, #tpu.memory_space<vmem>>, %arg3: memref<128x128xf32, #tpu.memory_space<vmem>>, %arg4: memref<1x128xf32, #tpu.memory_space<vmem>>, %arg5: memref<1x128xf32, #tpu.memory_space<vmem>>, %arg6: memref<1x128xf32, #tpu.memory_space<vmem>>, %arg7: memref<128x128xf32, #tpu.memory_space<vmem>>, %arg8: memref<1x128xf32, #tpu.memory_space<vmem>>, %arg9: memref<2000x128xf32, #tpu.memory_space<vmem>>) attributes {dimension_semantics = [#tpu.dimension_semantics<arbitrary>], iteration_bounds = array<i64: 20>, scalar_prefetch = 0 : i64, scratch_operands = 0 : i64, tpu.core_type = #tpu.core_type<tc>, window_params = [{transform_indices = @transform_0, window_bounds = array<i64: 2000, 512>}, {transform_indices = @transform_1, window_bounds = array<i64: 2000, 4>}, {pipeline_mode = #tpu.pipeline_mode<synchronous>, transform_indices = @transform_2, window_bounds = array<i64: 128, 128>}, {pipeline_mode = #tpu.pipeline_mode<synchronous>, transform_indices = @transform_3, window_bounds = array<i64: 1, 128>}, {pipeline_mode = #tpu.pipeline_mode<synchronous>, transform_indices = @transform_4, window_bounds = array<i64: 1, 128>}, {pipeline_mode = #tpu.pipeline_mode<synchronous>, transform_indices = @transform_5, window_bounds = array<i64: 1, 128>}, {pipeline_mode = #tpu.pipeline_mode<synchronous>, transform_indices = @transform_6, window_bounds = array<i64: 128, 128>}, {pipeline_mode = #tpu.pipeline_mode<synchronous>, transform_indices = @transform_7, window_bounds = array<i64: 1, 128>}, {transform_indices = @transform_8, window_bounds = array<i64: 2000, 128>}]} {
    %get3A = arith.constant 0 : index
    %get3A_0 = arith.constant 0 : index
    %get3A_1 = vector.load %arg1[%get3A, %get3A_0] : memref<2000x512xf32, #tpu.memory_space<vmem>>, vector<2000x512xf32>
    %get3A_2 = arith.constant 0 : index
    %get3A_3 = arith.constant 0 : index
    %get3A_4 = vector.load %arg2[%get3A_2, %get3A_3] : memref<2000x4xf32, #tpu.memory_space<vmem>>, vector<2000x4xf32>
    %slice3A = vector.extract_strided_slice %get3A_1 {offsets = [0, 0], sizes = [2000, 128], strides = [1, 1]} : vector<2000x512xf32> to vector<2000x128xf32>
    %slice3A_5 = vector.extract_strided_slice %get3A_4 {offsets = [0, 0], sizes = [2000, 1], strides = [1, 1]} : vector<2000x4xf32> to vector<2000x1xf32>
    %mul3A = vector.broadcast %slice3A_5 : vector<2000x1xf32> to vector<2000x128xf32>
    %mul3A_6 = arith.mulf %slice3A, %mul3A : vector<2000x128xf32>
    %slice3A_7 = vector.extract_strided_slice %get3A_1 {offsets = [0, 128], sizes = [2000, 128], strides = [1, 1]} : vector<2000x512xf32> to vector<2000x128xf32>
    %slice3A_8 = vector.extract_strided_slice %get3A_4 {offsets = [0, 1], sizes = [2000, 1], strides = [1, 1]} : vector<2000x4xf32> to vector<2000x1xf32>
    %mul3A_9 = vector.broadcast %slice3A_8 : vector<2000x1xf32> to vector<2000x128xf32>
    %mul3A_10 = arith.mulf %slice3A_7, %mul3A_9 : vector<2000x128xf32>
    %add3A = arith.addf %mul3A_6, %mul3A_10 : vector<2000x128xf32>
    %slice3A_11 = vector.extract_strided_slice %get3A_1 {offsets = [0, 256], sizes = [2000, 128], strides = [1, 1]} : vector<2000x512xf32> to vector<2000x128xf32>
    %slice3A_12 = vector.extract_strided_slice %get3A_4 {offsets = [0, 2], sizes = [2000, 1], strides = [1, 1]} : vector<2000x4xf32> to vector<2000x1xf32>
    %mul3A_13 = vector.broadcast %slice3A_12 : vector<2000x1xf32> to vector<2000x128xf32>
    %mul3A_14 = arith.mulf %slice3A_11, %mul3A_13 : vector<2000x128xf32>
    %add3A_15 = arith.addf %add3A, %mul3A_14 : vector<2000x128xf32>
    %slice3A_16 = vector.extract_strided_slice %get3A_1 {offsets = [0, 384], sizes = [2000, 128], strides = [1, 1]} : vector<2000x512xf32> to vector<2000x128xf32>
    %slice3A_17 = vector.extract_strided_slice %get3A_4 {offsets = [0, 3], sizes = [2000, 1], strides = [1, 1]} : vector<2000x4xf32> to vector<2000x1xf32>
    %mul3A_18 = vector.broadcast %slice3A_17 : vector<2000x1xf32> to vector<2000x128xf32>
    %mul3A_19 = arith.mulf %slice3A_16, %mul3A_18 : vector<2000x128xf32>
    %add3A_20 = arith.addf %add3A_15, %mul3A_19 : vector<2000x128xf32>
    %get3A_21 = arith.constant 0 : index
    %get3A_22 = arith.constant 0 : index
    %get3A_23 = vector.load %arg3[%get3A_21, %get3A_22] : memref<128x128xf32, #tpu.memory_space<vmem>>, vector<128x128xf32>
    %dot_general3A = arith.constant dense<0.000000e+00> : vector<2000x128xf32>
    %dot_general3A_24 = tpu.matmul %add3A_20, %get3A_23, %dot_general3A {dimension_numbers = #tpu.dot_dimension_numbers<[1], [0], [0], [1], [0, 0, 1, 1], [], []>, transpose_lhs_hint = false} : vector<2000x128xf32>, vector<128x128xf32>, vector<2000x128xf32> -> vector<2000x128xf32>
    %get3A_25 = arith.constant 0 : index
    %get3A_26 = arith.constant 0 : index
    %get3A_27 = vector.load %arg4[%get3A_25, %get3A_26] : memref<1x128xf32, #tpu.memory_space<vmem>>, vector<1x128xf32>
    %add3A_28 = vector.broadcast %get3A_27 : vector<1x128xf32> to vector<2000x128xf32>
    %add3A_29 = arith.addf %dot_general3A_24, %add3A_28 : vector<2000x128xf32>
    %get3A_30 = arith.constant 0 : index
    %get3A_31 = arith.constant 0 : index
    %get3A_32 = vector.load %arg5[%get3A_30, %get3A_31] : memref<1x128xf32, #tpu.memory_space<vmem>>, vector<1x128xf32>
    %get3A_33 = arith.constant 0 : index
    %get3A_34 = arith.constant 0 : index
    %get3A_35 = vector.load %arg6[%get3A_33, %get3A_34] : memref<1x128xf32, #tpu.memory_space<vmem>>, vector<1x128xf32>
    %reduce_sum3A = arith.constant dense<0.000000e+00> : vector<2000xf32>
    %reduce_sum3A_36 = vector.multi_reduction <add>, %add3A_29, %reduce_sum3A [1] : vector<2000x128xf32> to vector<2000xf32>
    %broadcast_in_dim3A = vector.shape_cast %reduce_sum3A_36 : vector<2000xf32> to vector<2000x1xf32>
    %div3A = arith.constant 1.280000e+02 : f32
    %div3A_37 = vector.broadcast %div3A : f32 to vector<2000x1xf32>
    %div3A_38 = arith.divf %broadcast_in_dim3A, %div3A_37 : vector<2000x1xf32>
    %sub3A = vector.broadcast %div3A_38 : vector<2000x1xf32> to vector<2000x128xf32>
    %sub3A_39 = arith.subf %add3A_29, %sub3A : vector<2000x128xf32>
    %integer_pow3A = arith.mulf %sub3A_39, %sub3A_39 : vector<2000x128xf32>
    %reduce_sum3A_40 = arith.constant dense<0.000000e+00> : vector<2000xf32>
    %reduce_sum3A_41 = vector.multi_reduction <add>, %integer_pow3A, %reduce_sum3A_40 [1] : vector<2000x128xf32> to vector<2000xf32>
    %broadcast_in_dim3A_42 = vector.shape_cast %reduce_sum3A_41 : vector<2000xf32> to vector<2000x1xf32>
    %div3A_43 = arith.constant 1.280000e+02 : f32
    %div3A_44 = vector.broadcast %div3A_43 : f32 to vector<2000x1xf32>
    %div3A_45 = arith.divf %broadcast_in_dim3A_42, %div3A_44 : vector<2000x1xf32>
    %sub3A_46 = vector.broadcast %div3A_38 : vector<2000x1xf32> to vector<2000x128xf32>
    %sub3A_47 = arith.subf %add3A_29, %sub3A_46 : vector<2000x128xf32>
    %add3A_48 = arith.constant 9.99999974E-6 : f32
    %add3A_49 = vector.broadcast %add3A_48 : f32 to vector<2000x1xf32>
    %add3A_50 = arith.addf %div3A_45, %add3A_49 : vector<2000x1xf32>
    %sqrt3A = math.sqrt %add3A_50 : vector<2000x1xf32>
    %div3A_51 = vector.broadcast %sqrt3A : vector<2000x1xf32> to vector<2000x128xf32>
    %div3A_52 = arith.divf %sub3A_47, %div3A_51 : vector<2000x128xf32>
    %mul3A_53 = vector.broadcast %get3A_32 : vector<1x128xf32> to vector<2000x128xf32>
    %mul3A_54 = arith.mulf %div3A_52, %mul3A_53 : vector<2000x128xf32>
    %add3A_55 = vector.broadcast %get3A_35 : vector<1x128xf32> to vector<2000x128xf32>
    %add3A_56 = arith.addf %mul3A_54, %add3A_55 : vector<2000x128xf32>
    %logistic3A = arith.negf %add3A_56 : vector<2000x128xf32>
    %logistic3A_57 = math.exp %logistic3A : vector<2000x128xf32>
    %logistic3A_58 = arith.constant 1.000000e+00 : f32
    %logistic3A_59 = vector.broadcast %logistic3A_58 : f32 to vector<2000x128xf32>
    %logistic3A_60 = arith.addf %logistic3A_59, %logistic3A_57 : vector<2000x128xf32>
    %logistic3A_61 = arith.divf %logistic3A_59, %logistic3A_60 : vector<2000x128xf32>
    %mul3A_62 = arith.mulf %add3A_56, %logistic3A_61 : vector<2000x128xf32>
    %get3A_63 = arith.constant 0 : index
    %get3A_64 = arith.constant 0 : index
    %get3A_65 = vector.load %arg7[%get3A_63, %get3A_64] : memref<128x128xf32, #tpu.memory_space<vmem>>, vector<128x128xf32>
    %dot_general3A_66 = arith.constant dense<0.000000e+00> : vector<2000x128xf32>
    %dot_general3A_67 = tpu.matmul %mul3A_62, %get3A_65, %dot_general3A_66 {dimension_numbers = #tpu.dot_dimension_numbers<[1], [0], [0], [1], [0, 0, 1, 1], [], []>, transpose_lhs_hint = false} : vector<2000x128xf32>, vector<128x128xf32>, vector<2000x128xf32> -> vector<2000x128xf32>
    %get3A_68 = arith.constant 0 : index
    %get3A_69 = arith.constant 0 : index
    %get3A_70 = vector.load %arg8[%get3A_68, %get3A_69] : memref<1x128xf32, #tpu.memory_space<vmem>>, vector<1x128xf32>
    %add3A_71 = vector.broadcast %get3A_70 : vector<1x128xf32> to vector<2000x128xf32>
    %add3A_72 = arith.addf %dot_general3A_67, %add3A_71 : vector<2000x128xf32>
    %swap3A = arith.constant 0 : index
    %swap3A_73 = arith.constant 0 : index
    %swap3A_74 = vector.load %arg9[%swap3A, %swap3A_73] : memref<2000x128xf32, #tpu.memory_space<vmem>>, vector<2000x128xf32>
    tpu.vector_store %arg9[%swap3A, %swap3A_73], %add3A_72 {strides = array<i32>} : memref<2000x128xf32, #tpu.memory_space<vmem>>, vector<2000x128xf32>,
    return
  }
  func.func @transform_0(%arg0: i32) -> (i32, i32) {
    %c0_i32 = arith.constant 0 : i32
    %c0_i32_0 = arith.constant 0 : i32
    return %arg0, %c0_i32 : i32, i32
  }
  func.func @transform_1(%arg0: i32) -> (i32, i32) {
    %c0_i32 = arith.constant 0 : i32
    %c0_i32_0 = arith.constant 0 : i32
    return %arg0, %c0_i32 : i32, i32
  }
  func.func @transform_2(%arg0: i32) -> (i32, i32) {
    %c0_i32 = arith.constant 0 : i32
    %c0_i32_0 = arith.constant 0 : i32
    %c0_i32_1 = arith.constant 0 : i32
    return %c0_i32, %c0_i32_0 : i32, i32
  }
  func.func @transform_3(%arg0: i32) -> (i32, i32) {
    %c0_i32 = arith.constant 0 : i32
    %c0_i32_0 = arith.constant 0 : i32
    %c0_i32_1 = arith.constant 0 : i32
    return %c0_i32, %c0_i32_0 : i32, i32
  }
  func.func @transform_4(%arg0: i32) -> (i32, i32) {
    %c0_i32 = arith.constant 0 : i32
    %c0_i32_0 = arith.constant 0 : i32
    %c0_i32_1 = arith.constant 0 : i32
    return %c0_i32, %c0_i32_0 : i32, i32
  }
  func.func @transform_5(%arg0: i32) -> (i32, i32) {
    %c0_i32 = arith.constant 0 : i32
    %c0_i32_0 = arith.constant 0 : i32
    %c0_i32_1 = arith.constant 0 : i32
    return %c0_i32, %c0_i32_0 : i32, i32
  }
  func.func @transform_6(%arg0: i32) -> (i32, i32) {
    %c0_i32 = arith.constant 0 : i32
    %c0_i32_0 = arith.constant 0 : i32
    %c0_i32_1 = arith.constant 0 : i32
    return %c0_i32, %c0_i32_0 : i32, i32
  }
  func.func @transform_7(%arg0: i32) -> (i32, i32) {
    %c0_i32 = arith.constant 0 : i32
    %c0_i32_0 = arith.constant 0 : i32
    %c0_i32_1 = arith.constant 0 : i32
    return %c0_i32, %c0_i32_0 : i32, i32
  }
  func.func @transform_8(%arg0: i32) -> (i32, i32) {
    %c0_i32 = arith.constant 0 : i32
    %c0_i32_0 = arith.constant 0 : i32
    return %arg0, %c0_i32 : i32, i32
  }
}

</mosaic_0001>

<sc_bundles>
// kernel: kernel.37.cloned.1.call-start
scs
__scs_entry_jumppad:
0x0: {  	(pc) =	sbr.rel $0x88, $3  }
0x1: {  	(tag) =	ssettag $0x0;
	lr =	simm.s32 $0x1  }
0x2: {  	[smem:$0x3F4B] =	sst lr;
	_ =	strace $0xD0000000  }
0x3: {  	_ = 	snop  }
0x4: {  	_ = 	snop  }
0x5: {  	_ = 	snop  }
0x6: {  	_ = 	snop  }
0x7: {  	_ = 	snop  }
__scs_overlays_trampoline_lowered:
0x8: {  	[smem:$0x3F5A] =	sst s0  }
0x9: {  	[smem:$0x3F5B] =	sst s1  }
0xa: {  	[smem:$0x3F5C] =	sst s2  }
0xb: {  	[smem:$0x3F5D] =	sst s3  }
0xc: {  	[smem:$0x3F5E] =	sst s4  }
0xd: {  	[smem:$0x3F5F] =	sst s5  }
0xe: {  	[smem:$0x3F60] =	sst s6  }
0xf: {  	[smem:$0x3F61] =	sst s7  }
0x10: {  	[smem:$0x3F62] =	sst s8  }
0x11: {  	[smem:$0x3F63] =	sst s9;
	s0 =	simm.s32 @!p0 $0x0  }
0x12: {  	s1 =	sld [smem:$0x3F49];
	s0 =	simm.s32 @p0 $0x1  }
0x13: {  	[smem:$0x3F64] =	sst s0;
	s0 =	simm.s32 @!p1 $0x0  }
0x14: {  	s2 =	sld [smem:$0x3F48];
	s0 =	simm.s32 @p1 $0x1  }
0x15: {  	[smem:$0x3F65] =	sst s0;
	s0 =	simm.s32 @!p2 $0x0  }
0x16: {  	s3 =	sld [smem:$0x3FDB];
	s0 =	simm.s32 @p2 $0x1  }
0x17: {  	s4 =	simm.s32 $0x1BF5;
	[smem:$0x3F67] =	sst s0  }
0x18: {  	s0 =	sld [smem:$0x3F4A];
	_ =	swait.ge [sflag:s4], $0x0  }
0x19: {  	s7 =	sld [smem:$0x3F4B]  }
0x1a: {  	s8 =	sadd.s32 $0xFFFFE003, lr  }
0x1b: {  	s9 =	sadd.s32 $0xFFFFFEF7, lr;
	s5 =	simm.s32 $0xFFFFFFFF;
	p2 =	slt.u32 s8, $0xFFFFF086  }
0x1c: {  	p1 =	slt.u32 s9, $0xF7A;
	s5 =	simm.s32 @!p2 $0x0  }
0x1d: {  	s5 =	simm.s32 @p1 $0x1;
	p0 =	seq.s32 s7, s2  }
0x1e: {  	s7 =	smul.u32 @!p0 $0xF7A, s2;
	p2 =	seq.s32 @!p0 s5, $0x0  }
0x1f: {  	s9 =	smul.u32 $0xF7A, s1;
	s8 =	simm.s32 @!p0 $0x1BF5;
	p2 =	por !p2, p0  }
0x20: {  	[sflag:s8] =	ssyncset.s32 @!p0 $0xFFFFF086;
	s6 =	sadd.s32 @!p0 s3, s7;
	s7 =	simm.s32 @!p0 $0x108  }
0x21: {  	s3 =	sadd.s32 s3, s9;
	s6 =	sadd.s32 @!p0 $0x88, s6;
	s7 =	simm.s32 @p2 $0x1082  }
0x22: {  	[simem:s7], [sflag:s8] =	dma.local @!p0 [hbm:s6], $0xF7A  }
0x23: {  	s9 =	sor.u32 $0xD0000000, s2;
	s6 =	simm.s32 $0x108;
	_ =	swait.ge @!p0 [sflag:s8], $0x0  }
0x24: {  	s3 =	sadd.s32 $0x88, s3;
	s6 =	simm.s32 @!p1 $0x1082;
	[sflag:s4] =	ssyncset.s32 $0xFFFFF086  }
0x25: {  	[simem:s6], [sflag:s4] =	dma.local [hbm:s3], $0xF7A  }
0x26: {  	[smem:$0x3F4B] =	sst s1;
	(tag) =	ssettag s2;
	_ =	strace s9  }
0x27: {  	s1 =	sld [smem:$0x3F5B]  }
0x28: {  	s2 =	sld [smem:$0x3F5C]  }
0x29: {  	s4 =	sld [smem:$0x3F5E]  }
0x2a: {  	p0 =	seq.s32 s5, $0x0;
	s5 =	sld [smem:$0x3F5F]  }
0x2b: {  	s6 =	sld [smem:$0x3F60]  }
0x2c: {  	s7 =	sld [smem:$0x3F61]  }
0x2d: {  	s3 =	simm.s32 $0x108;
	s8 =	sld [smem:$0x3F62]  }
0x2e: {  	s3 =	simm.s32 @!p0 $0x1082;
	s9 =	sld [smem:$0x3F63]  }
0x2f: {  	lr =	sadd.s32 s0, s3;
	s0 =	sld [smem:$0x3F5A]  }
0x30: {  	s3 =	sld [smem:$0x3F5D]  }
0x31: {  	[smem:$0x3F66] =	sst s10  }
0x32: {  	s10 =	sld [smem:$0x3F64];
	_ =	sdelay $0x3  }
0x33: {  	p0 =	seq.s32 s10, $0x1;
	s10 =	sld [smem:$0x3F66];
	_ =	sdelay $0x3  }
0x34: {  	[smem:$0x3F66] =	sst s10  }
0x35: {  	s10 =	sld [smem:$0x3F65];
	_ =	sdelay $0x3  }
0x36: {  	p1 =	seq.s32 s10, $0x1;
	s10 =	sld [smem:$0x3F66];
	_ =	sdelay $0x3  }
0x37: {  	[smem:$0x3F66] =	sst s10  }
0x38: {  	s10 =	sld [smem:$0x3F67]  }
0x39: {  	_ = 	snop;
	(pc) =	sbr.ind lr, $3  }
0x3a: {  	_ = 	snop  }
0x3b: {  	_ = 	snop  }
0x3c: {  	p2 =	seq.s32 s10, $0x1;
	s10 =	sld [smem:$0x3F66]  }
0x3d: {  	_ =	shalt  }
0x3e: {  	_ =	shalt  }
0x3f: {  	_ =	shalt  }
0x40: {  	_ =	shalt  }
0x41: {  	_ =	shalt  }
0x42: {  	_ =	shalt  }
0x43: {  	_ =	shalt  }
0x44: {  	_ =	shalt  }
0x45: {  	_ =	shalt  }
0x46: {  	_ =	shalt  }
0x47: {  	_ =	shalt  }
0x48: {  	_ =	shalt  }
0x49: {  	_ =	shalt  }
0x4a: {  	_ =	shalt  }
0x4b: {  	_ =	shalt  }
0x4c: {  	_ =	shalt  }
0x4d: {  	_ =	shalt  }
0x4e: {  	_ =	shalt  }
0x4f: {  	_ =	shalt  }
0x50: {  	_ =	shalt  }
0x51: {  	_ =	shalt  }
0x52: {  	_ =	shalt  }
0x53: {  	_ =	shalt  }
0x54: {  	_ =	shalt  }
0x55: {  	_ =	shalt  }
0x56: {  	_ =	shalt  }
0x57: {  	_ =	shalt  }
0x58: {  	_ =	shalt  }
0x59: {  	_ =	shalt  }
0x5a: {  	_ =	shalt  }
0x5b: {  	_ =	shalt  }
0x5c: {  	_ =	shalt  }
0x5d: {  	_ =	shalt  }
0x5e: {  	_ =	shalt  }
0x5f: {  	_ =	shalt  }
0x60: {  	_ =	shalt  }
0x61: {  	_ =	shalt  }
0x62: {  	_ =	shalt  }
0x63: {  	_ =	shalt  }
0x64: {  	_ =	shalt  }
0x65: {  	_ =	shalt  }
0x66: {  	_ =	shalt  }
0x67: {  	_ =	shalt  }
0x68: {  	_ =	shalt  }
0x69: {  	_ =	shalt  }
0x6a: {  	_ =	shalt  }
0x6b: {  	_ =	shalt  }
0x6c: {  	_ =	shalt  }
0x6d: {  	_ =	shalt  }
0x6e: {  	_ =	shalt  }
0x6f: {  	_ =	shalt  }
0x70: {  	_ =	shalt  }
0x71: {  	_ =	shalt  }
0x72: {  	_ =	shalt  }
0x73: {  	_ =	shalt  }
0x74: {  	_ =	shalt  }
0x75: {  	_ =	shalt  }
0x76: {  	_ =	shalt  }
0x77: {  	_ =	shalt  }
0x78: {  	_ =	shalt  }
0x79: {  	_ =	shalt  }
0x7a: {  	_ =	shalt  }
0x7b: {  	_ =	shalt  }
0x7c: {  	_ =	shalt  }
0x7d: {  	_ =	shalt  }
0x7e: {  	_ =	shalt  }
0x7f: {  	_ =	shalt  }
0x80: {  	_ =	shalt  }
0x81: {  	_ =	shalt  }
0x82: {  	_ =	shalt  }
0x83: {  	_ =	shalt  }
0x84: {  	_ =	shalt  }
0x85: {  	_ =	shalt  }
0x86: {  	_ =	shalt  }
0x87: {  	_ =	shalt  }
.Lfunc_end0:
.L_simem_size_0:
called_computation_lowered:
.L_overlay_start_0:
0x88: {  	s2 =	sld [smem:$0x3FD9]  }
0x89: {  	s3 =	sld [smem:$0x3FFE];
	_ =	sdelay $0x1  }
0x8a: {  	s1 =	srdreg.scid  }
0x8b: {  	s0 =	sand.u32 $0x1, s1  }
0x8c: {  	s17 =	sshll.u32 s0, $0xA;
	s2 =	sadd.s32 s3, s2  }
0x8d: {  	s2 =	sadd.s32 s2, s17  }
0x8e: {  	[smem:$0x3F72] =	sst s2  }
0x8f: {  	_ = 	snop  }
0x90: {  	s2 =	sld [smem:$0x3FD0];
	(tm) =	ssettm $0x1  }
0x91: {  	s18 =	sld [smem:$0x3FFB];
	_ =	sdelay $0x3  }
0x92: {  	_ =	strace s18  }
0x93: {  	s3 =	sld [smem:$0x3FFC];
	_ =	sdelay $0x3  }
0x94: {  	_ =	strace s3  }
0x95: {  	s3 =	sld [smem:$0x3FFD];
	_ =	sdelay $0x3  }
0x96: {  	_ =	strace s3  }
0x97: {  	_ =	strace $0x8FFFFFFF  }
0x98: {  	s19 =	sld [smem:$0x3FDB];
	_ =	sdelay $0x1  }
0x99: {  	s4 =	simm.s32 $_scs_section_size  }
0x9a: {  	s5 =	simm.s32 $_size__tile_overlayer_lowered;
	s6 =	simm.s32 $_tile_overlayer_lowered  }
0x9b: {  	s22 =	simm.s32 $0x1BFF;
	s21 =	sshll.u32 s6, $0x1;
	s3 =	sadd.s32 s4, s19  }
0x9c: {  	s7 =	simm.s32 $0x0;
	s20 =	sshll.u32 s5, $0x1;
	s5 =	sadd.s32 s21, s3  }
0x9d: {  	[timem:s7], [sflag:s22] =	dma.local [hbm:s5], s20  }
0x9e: {  	_ =	swait.ge [sflag:s22], s20  }
0x9f: {  	s4 =	ssub.s32 $0x0, s20;
	[sflag:s22] =	ssyncset.done $0x0  }
0xa0: {  	[sflag:s22] =	ssyncadd.s32 s4;
	_ =	sdelay $0x1  }
0xa1: {  	s23 =	simm.s32 $0x1B8B  }
0xa2: {  	_ =	swait.ge [sflag:s23], $0x1  }
0xa3: {  	[sflag:s23] =	ssyncset.done $0x0  }
0xa4: {  	s25 =	simm.s32 $0x1B8E;
	s24 =	sld [smem:$0x3FFE];
	[sflag:s23] =	ssyncadd.s32 $0xFFFFFFFF  }
0xa5: {  	s26 =	simm.s32 $execute0_lowered;
	[smem:$0x3FD2] =	sst s25  }
0xa6: {  	s5 =	sshll.u32 s26, $0x1;
	_ =	strace $0x80000046;
	[dreg:$0x1] =	wrdreg $0xFFFFFFFF  }
0xa7: {  	s28 =	simm.s32 $_size_execute0_lowered;
	s3 =	sadd.s32 s3, s5;
	[dreg:$0x0] =	wrdreg $0x0  }
0xa8: {  	s5 =	sshll.u32 s28, $0x1;
	[dreg:$0x2] =	wrdreg s3  }
0xa9: {  	[dreg:$0x3] =	wrdreg s5  }
0xaa: {  	[dreg:$0x4] =	wrdreg $0xC0  }
0xab: {  	_ =	task [dreg:s7], $0x5FFFF  }
0xac: {  	[dreg:$0x1] =	wrdreg $0xFFFFFFFF  }
0xad: {  	[dreg:$0x0] =	wrdreg $0x60  }
0xae: {  	[dreg:$0x2] =	wrdreg s2  }
0xaf: {  	[dreg:$0x3] =	wrdreg s24  }
0xb0: {  	[dreg:$0x4] =	wrdreg $0x9  }
0xb1: {  	_ =	task.clear_ibuf [dreg:s7], $0x5FFFF;
	_ =	strace $0x90000046  }
0xb2: {  	s29 =	simm.s32 $0x9;
	_ =	strace $0x80000048  }
0xb3: {  	_ =	swait.ge [sflag:s29], $0x1  }
0xb4: {  	[sflag:s29] =	ssyncadd.s32 $0xFFFFFFFF  }
0xb5: {  	_ =	strace $0x90000048  }
0xb6: {  	_ =	sfence  }
0xb7: {  	s30 =	sld [smem:$0x0];
	_ =	sdelay $0x2  }
0xb8: {  	s31 =	sshll.u32 s1, $0xD;
	s1 =	sshrl.u32 s1, $0x2  }
0xb9: {  	s3 =	sand.u32 $0x4000, s31;
	s1 =	sadd.s32 s1, s30  }
0xba: {  	s0 =	sor.u32 s3, s0;
	s1 =	sshll.u32 s1, $0x11  }
0xbb: {  	s0 =	sor.u32 s1, s0  }
0xbc: {  	s0 =	sadd.s32 $0x8F2B, s0  }
0xbd: {  	[sflag:s0] =	ssyncadd.remote.s32 $0x1  }
0xbe: {  	_ =	sfence.sel $0xFFFF  }
0xbf: {  	[dreg:$0x0] =	wrdreg $0xFFFFFFFF;
	(pc) =	sbr.abs _section_cstart, $3  }
0xc0: {  	[dreg:$0x1] =	wrdreg $0xFFFFFFFF  }
0xc1: {  	_ =	task.clear_ibuf [dreg:s7], $0x2FFFF;
	_ =	strace $0x9FFFFFFF  }
0xc2: {  	(tm) =	ssettm $0x7FFFFFFF  }
0xc3: {  	_ =	shalt  }
tec
execute0_lowered:
.L_overlay_start_1:
0x0: {  	(tag) =	ssettag $0x1  }
0x1: {  	s1 =	srdreg.scid;
	s0 =	stileid.u32  }
0x2: {  	s16 =	sand.u32 $0x1, s1;
	s26 =	sshll.u32 s0, $0x1  }
0x3: {  	s2 =	rddreg [dreg:$0x0];
	s8 =	sor.u32 s16, s26  }
0x4: {  	s9 =	rddreg [dreg:$0x1];
	s17 =	smul.u32 $0x500, s8  }
0x5: {  	s3 =	simm.s32 $0x0;
	s1 =	rddreg [dreg:$0x2]  }
0x6: {  	[smem:$0x7FF] =	sst s3;
	s15 =	sadd.s32 $0x14200, s9;
	s4 =	sshrl.u32 s17, $0x3  }
0x7: {  	_ =	strace $0x80000047;
	s5 =	sadd.s32 s15, s4;
	s4 =	simm.s32 $0x2  }
0x8: {  	[tilespmem:s3], [sflag:$0x2] =	stream.linear.gather [hbm4b:s5+s3], $0x100, $0x38;
	[tilespmem:$0x8100] =	vst v63  }
0x9: {  	_ =	swait.ge [sflag:s4], $0x100  }
0xa: {  	[sflag:s4] =	ssyncset.done $0x0  }
0xb: {  	s6 =	simm.s32 $0x100;
	s7 =	simm.s32 $0x1;
	[sflag:s4] =	ssyncadd.s32 $0xFFFFFF00  }
0xc: {  	[tilespmem:s6], [sflag:$0x1] =	stream.indirect.gather [hbm4b:s2+s6], $0x80, s3, s6, $0xb8;
	[tilespmem:$0x8100] =	vst v63  }
0xd: {  	s8 =	smul.u32 $0x5000, s8;
	_ =	swait.ge [sflag:s7], $0x8000  }
0xe: {  	s18 =	sadd.s32 $0x15600, s9;
	[sflag:s7] =	ssyncset.done $0x0  }
0xf: {  	s8 =	sadd.s32 s18, s8;
	[sflag:s7] =	ssyncadd.s32 $0xFFFF8000  }
0x10: {  	[hbm4b:s8+s3] =	stream.linear.scatter [tilespmem:s6], [sflag:$0x2], $0x8000, $0x38;
	[tilespmem:$0x8100] =	vst v63  }
0x11: {  	s10 =	sadd.s32 $0x100, s17;
	_ =	swait.ge [sflag:s4], $0x8000  }
0x12: {  	s28 =	sshrl.u32 s10, $0x3;
	[sflag:s4] =	ssyncset.done $0x0  }
0x13: {  	s9 =	sadd.s32 s15, s28;
	[sflag:s4] =	ssyncadd.s32 $0xFFFF8000  }
0x14: {  	[tilespmem:s3], [sflag:$0x2] =	stream.linear.gather [hbm4b:s9+s3], $0x100, $0x38;
	[tilespmem:$0x8100] =	vst v63  }
0x15: {  	_ =	swait.ge [sflag:s4], $0x100  }
0x16: {  	[sflag:s4] =	ssyncset.done $0x0  }
0x17: {  	[sflag:s4] =	ssyncadd.s32 $0xFFFFFF00  }
0x18: {  	[tilespmem:s6], [sflag:$0x1] =	stream.indirect.gather [hbm4b:s2+s6], $0x80, s3, s6, $0xb8;
	[tilespmem:$0x8100] =	vst v63  }
0x19: {  	_ =	swait.ge [sflag:s7], $0x8000  }
0x1a: {  	s10 =	sshll.u32 s10, $0x4;
	[sflag:s7] =	ssyncset.done $0x0  }
0x1b: {  	s10 =	sadd.s32 s18, s10;
	[sflag:s7] =	ssyncadd.s32 $0xFFFF8000  }
0x1c: {  	[hbm4b:s10+s3] =	stream.linear.scatter [tilespmem:s6], [sflag:$0x2], $0x8000, $0x38;
	[tilespmem:$0x8100] =	vst v63  }
0x1d: {  	s12 =	sadd.s32 $0x200, s17;
	_ =	swait.ge [sflag:s4], $0x8000  }
0x1e: {  	s11 =	sshrl.u32 s12, $0x3;
	[sflag:s4] =	ssyncset.done $0x0  }
0x1f: {  	s11 =	sadd.s32 s15, s11;
	[sflag:s4] =	ssyncadd.s32 $0xFFFF8000  }
0x20: {  	[tilespmem:s3], [sflag:$0x2] =	stream.linear.gather [hbm4b:s11+s3], $0x100, $0x38;
	[tilespmem:$0x8100] =	vst v63  }
0x21: {  	_ =	swait.ge [sflag:s4], $0x100  }
0x22: {  	[sflag:s4] =	ssyncset.done $0x0  }
0x23: {  	[sflag:s4] =	ssyncadd.s32 $0xFFFFFF00  }
0x24: {  	[tilespmem:s6], [sflag:$0x1] =	stream.indirect.gather [hbm4b:s2+s6], $0x80, s3, s6, $0xb8;
	[tilespmem:$0x8100] =	vst v63  }
0x25: {  	_ =	swait.ge [sflag:s7], $0x8000  }
0x26: {  	s12 =	sshll.u32 s12, $0x4;
	[sflag:s7] =	ssyncset.done $0x0  }
0x27: {  	s12 =	sadd.s32 s18, s12;
	[sflag:s7] =	ssyncadd.s32 $0xFFFF8000  }
0x28: {  	[hbm4b:s12+s3] =	stream.linear.scatter [tilespmem:s6], [sflag:$0x2], $0x8000, $0x38;
	[tilespmem:$0x8100] =	vst v63  }
0x29: {  	s14 =	sadd.s32 $0x300, s17;
	_ =	swait.ge [sflag:s4], $0x8000  }
0x2a: {  	s13 =	sshrl.u32 s14, $0x3;
	[sflag:s4] =	ssyncset.done $0x0  }
0x2b: {  	s13 =	sadd.s32 s15, s13;
	[sflag:s4] =	ssyncadd.s32 $0xFFFF8000  }
0x2c: {  	[tilespmem:s3], [sflag:$0x2] =	stream.linear.gather [hbm4b:s13+s3], $0x100, $0x38;
	[tilespmem:$0x8100] =	vst v63  }
0x2d: {  	_ =	swait.ge [sflag:s4], $0x100  }
0x2e: {  	[sflag:s4] =	ssyncset.done $0x0  }
0x2f: {  	[sflag:s4] =	ssyncadd.s32 $0xFFFFFF00  }
0x30: {  	[tilespmem:s6], [sflag:$0x1] =	stream.indirect.gather [hbm4b:s2+s6], $0x80, s3, s6, $0xb8;
	[tilespmem:$0x8100] =	vst v63  }
0x31: {  	_ =	swait.ge [sflag:s7], $0x8000  }
0x32: {  	s14 =	sshll.u32 s14, $0x4;
	[sflag:s7] =	ssyncset.done $0x0  }
0x33: {  	s14 =	sadd.s32 s18, s14;
	[sflag:s7] =	ssyncadd.s32 $0xFFFF8000  }
0x34: {  	[hbm4b:s14+s3] =	stream.linear.scatter [tilespmem:s6], [sflag:$0x2], $0x8000, $0x38;
	[tilespmem:$0x8100] =	vst v63  }
0x35: {  	s17 =	sadd.s32 $0x400, s17;
	_ =	swait.ge [sflag:s4], $0x8000  }
0x36: {  	s19 =	sshrl.u32 s17, $0x3;
	[sflag:s4] =	ssyncset.done $0x0  }
0x37: {  	s16 =	ssub.s32 $0x2, s16;
	s15 =	sadd.s32 s15, s19;
	[sflag:s4] =	ssyncadd.s32 $0xFFFF8000  }
0x38: {  	[tilespmem:s3], [sflag:$0x2] =	stream.linear.gather [hbm4b:s15+s3], $0x100, $0x38;
	[tilespmem:$0x8100] =	vst v63  }
0x39: {  	s29 =	sshrl.u32 s16, $0x1;
	_ =	swait.ge [sflag:s4], $0x100  }
0x3a: {  	s19 =	ssub.s32 s16, s29;
	[sflag:s4] =	ssyncset.done $0x0  }
0x3b: {  	s31 =	smax.u32 s19, $0x1;
	[sflag:s4] =	ssyncadd.s32 $0xFFFFFF00  }
0x3c: {  	[tilespmem:s6], [sflag:$0x1] =	stream.indirect.gather [hbm4b:s2+s6], $0x80, s3, s6, $0xb8;
	[tilespmem:$0x8100] =	vst v63  }
0x3d: {  	p0 =	sne.s32 s31, $0x1;
	_ =	swait.ge [sflag:s7], $0x8000  }
.Ltmp0:
0x3e: {  	s30 =	sshll.u32 s17, $0x4;
	[sflag:s7] =	ssyncset.done $0x0;
	(pc) =	sbr.rel @!p0 .LBB2_2-.Ltmp0, $4  }
0x3f: {  	s16 =	sadd.s32 s18, s30;
	[sflag:s7] =	ssyncadd.s32 $0xFFFF8000  }
0x40: {  	[hbm4b:s16+s3] =	stream.linear.scatter [tilespmem:s6], [sflag:$0x2], $0x8000, $0x38;
	[tilespmem:$0x8100] =	vst v63  }
0x41: {  	_ =	swait.ge [sflag:s4], $0x8000  }
0x42: {  	s17 =	sadd.s32 $0xFFFFFFFF, s31;
	[sflag:s4] =	ssyncset.done $0x0  }
.LBB2_1:
0x43: {  	p0 =	sne.s32 s17, $0x1;
	s17 =	sadd.s32 $0xFFFFFFFF, s17;
	[sflag:s4] =	ssyncadd.s32 $0xFFFF8000  }
0x44: {  	[tilespmem:s3], [sflag:$0x2] =	stream.linear.gather [hbm4b:s5+s3], $0x100, $0x38;
	[tilespmem:$0x8100] =	vst v63  }
0x45: {  	_ =	swait.ge [sflag:s4], $0x100  }
0x46: {  	[sflag:s4] =	ssyncset.done $0x0  }
0x47: {  	[sflag:s4] =	ssyncadd.s32 $0xFFFFFF00  }
0x48: {  	[tilespmem:s6], [sflag:$0x1] =	stream.indirect.gather [hbm4b:s2+s6], $0x80, s3, s6, $0xb8;
	[tilespmem:$0x8100] =	vst v63  }
0x49: {  	_ =	swait.ge [sflag:s7], $0x8000  }
0x4a: {  	[sflag:s7] =	ssyncset.done $0x0  }
0x4b: {  	[sflag:s7] =	ssyncadd.s32 $0xFFFF8000  }
0x4c: {  	[hbm4b:s8+s3] =	stream.linear.scatter [tilespmem:s6], [sflag:$0x2], $0x8000, $0x38;
	[tilespmem:$0x8100] =	vst v63  }
0x4d: {  	_ =	swait.ge [sflag:s4], $0x8000  }
0x4e: {  	[sflag:s4] =	ssyncset.done $0x0  }
0x4f: {  	[sflag:s4] =	ssyncadd.s32 $0xFFFF8000  }
0x50: {  	[tilespmem:s3], [sflag:$0x2] =	stream.linear.gather [hbm4b:s9+s3], $0x100, $0x38;
	[tilespmem:$0x8100] =	vst v63  }
0x51: {  	_ =	swait.ge [sflag:s4], $0x100  }
0x52: {  	[sflag:s4] =	ssyncset.done $0x0  }
0x53: {  	[sflag:s4] =	ssyncadd.s32 $0xFFFFFF00  }
0x54: {  	[tilespmem:s6], [sflag:$0x1] =	stream.indirect.gather [hbm4b:s2+s6], $0x80, s3, s6, $0xb8;
	[tilespmem:$0x8100] =	vst v63  }
0x55: {  	_ =	swait.ge [sflag:s7], $0x8000  }
0x56: {  	[sflag:s7] =	ssyncset.done $0x0  }
0x57: {  	[sflag:s7] =	ssyncadd.s32 $0xFFFF8000  }
0x58: {  	[hbm4b:s10+s3] =	stream.linear.scatter [tilespmem:s6], [sflag:$0x2], $0x8000, $0x38;
	[tilespmem:$0x8100] =	vst v63  }
0x59: {  	_ =	swait.ge [sflag:s4], $0x8000  }
0x5a: {  	[sflag:s4] =	ssyncset.done $0x0  }
0x5b: {  	[sflag:s4] =	ssyncadd.s32 $0xFFFF8000  }
0x5c: {  	[tilespmem:s3], [sflag:$0x2] =	stream.linear.gather [hbm4b:s11+s3], $0x100, $0x38;
	[tilespmem:$0x8100] =	vst v63  }
0x5d: {  	_ =	swait.ge [sflag:s4], $0x100  }
0x5e: {  	[sflag:s4] =	ssyncset.done $0x0  }
0x5f: {  	[sflag:s4] =	ssyncadd.s32 $0xFFFFFF00  }
0x60: {  	[tilespmem:s6], [sflag:$0x1] =	stream.indirect.gather [hbm4b:s2+s6], $0x80, s3, s6, $0xb8;
	[tilespmem:$0x8100] =	vst v63  }
0x61: {  	_ =	swait.ge [sflag:s7], $0x8000  }
0x62: {  	[sflag:s7] =	ssyncset.done $0x0  }
0x63: {  	[sflag:s7] =	ssyncadd.s32 $0xFFFF8000  }
0x64: {  	[hbm4b:s12+s3] =	stream.linear.scatter [tilespmem:s6], [sflag:$0x2], $0x8000, $0x38;
	[tilespmem:$0x8100] =	vst v63  }
0x65: {  	_ =	swait.ge [sflag:s4], $0x8000  }
0x66: {  	[sflag:s4] =	ssyncset.done $0x0  }
0x67: {  	[sflag:s4] =	ssyncadd.s32 $0xFFFF8000  }
0x68: {  	[tilespmem:s3], [sflag:$0x2] =	stream.linear.gather [hbm4b:s13+s3], $0x100, $0x38;
	[tilespmem:$0x8100] =	vst v63  }
0x69: {  	_ =	swait.ge [sflag:s4], $0x100  }
0x6a: {  	[sflag:s4] =	ssyncset.done $0x0  }
0x6b: {  	[sflag:s4] =	ssyncadd.s32 $0xFFFFFF00  }
0x6c: {  	[tilespmem:s6], [sflag:$0x1] =	stream.indirect.gather [hbm4b:s2+s6], $0x80, s3, s6, $0xb8;
	[tilespmem:$0x8100] =	vst v63  }
0x6d: {  	_ =	swait.ge [sflag:s7], $0x8000  }
0x6e: {  	[sflag:s7] =	ssyncset.done $0x0  }
0x6f: {  	[sflag:s7] =	ssyncadd.s32 $0xFFFF8000  }
0x70: {  	[hbm4b:s14+s3] =	stream.linear.scatter [tilespmem:s6], [sflag:$0x2], $0x8000, $0x38;
	[tilespmem:$0x8100] =	vst v63  }
0x71: {  	_ =	swait.ge [sflag:s4], $0x8000  }
0x72: {  	[sflag:s4] =	ssyncset.done $0x0  }
0x73: {  	[sflag:s4] =	ssyncadd.s32 $0xFFFF8000  }
0x74: {  	[tilespmem:s3], [sflag:$0x2] =	stream.linear.gather [hbm4b:s15+s3], $0x100, $0x38;
	[tilespmem:$0x8100] =	vst v63  }
0x75: {  	_ =	swait.ge [sflag:s4], $0x100  }
0x76: {  	[sflag:s4] =	ssyncset.done $0x0  }
0x77: {  	[sflag:s4] =	ssyncadd.s32 $0xFFFFFF00  }
0x78: {  	[tilespmem:s6], [sflag:$0x1] =	stream.indirect.gather [hbm4b:s2+s6], $0x80, s3, s6, $0xb8;
	[tilespmem:$0x8100] =	vst v63  }
0x79: {  	_ =	swait.ge [sflag:s7], $0x8000  }
.Ltmp1:
0x7a: {  	[sflag:s7] =	ssyncset.done $0x0;
	(pc) =	sbr.rel @p0 .LBB2_1-.Ltmp1, $4  }
0x7b: {  	[sflag:s7] =	ssyncadd.s32 $0xFFFF8000  }
0x7c: {  	[hbm4b:s16+s3] =	stream.linear.scatter [tilespmem:s6], [sflag:$0x2], $0x8000, $0x38;
	[tilespmem:$0x8100] =	vst v63  }
0x7d: {  	_ =	swait.ge [sflag:s4], $0x8000  }
0x7e: {  	[sflag:s4] =	ssyncset.done $0x0  }
.LBB2_2:
0x7f: {  	[sflag:s4] =	ssyncadd.s32 $0xFFFF8000  }
0x80: {  	_ =	sfence.sel $0x180000  }
0x81: {  	[bflag:$0x0] =	sbarrier.arrive $0xFFFF  }
0x82: {  	p0 =	sne.s32 s0, $0x0;
	_ =	strace $0x90000047  }
0x83: {  	s0 =	sadd.s32 @!p0 $0x100000, s1;
	[bflag:$0x2] =	sbarrier.arrive $0xFFFF  }
0x84: {  	[sflag:s0] =	ssyncadd.tile.s32 @!p0 $0x1;
	_ =	shalt  }
.Lfunc_end2:
_tile_overlayer_lowered:
.L_overlay_start_2:
0x85: {  	(tag) =	ssettag $0x2  }
0x86: {  	s0 =	rddreg [dreg:$0x0];
	s2 =	stileid.u32  }
0x87: {  	s1 =	rddreg [dreg:$0x1];
	p0 =	sne.s32 s2, $0x0  }
0x88: {  	s3 =	rddreg [dreg:$0x2];
	[bflag:$0x3] =	sbarrier.arrive $0xFFFF;
	s2 =	simm.s32 @!p0 $0x1C02  }
0x89: {  	[timem:s3], [sflag:s2] =	dma.local @!p0 [hbm:s0], s1  }
0x8a: {  	s0 =	simm.s32 @!p0 $0x2  }
0x8b: {  	_ =	swait.ge @!p0 [sflag:s0], s1  }
0x8c: {  	s1 =	ssub.s32 @!p0 $0x0, s1;
	[sflag:s0] =	ssyncset.done @!p0 $0x0  }
0x8d: {  	[sflag:s0] =	ssyncadd.s32 @!p0 s1  }
0x8e: {  	[bflag:$0x3] =	sbarrier.arrive $0xFFFF  }
0x8f: {  	_ =	shalt  }

// kernel: kernel.40.cloned.1.call-start
scs
__scs_entry_jumppad:
0x0: {  	(pc) =	sbr.rel $0x88, $3  }
0x1: {  	(tag) =	ssettag $0x0;
	lr =	simm.s32 $0x1  }
0x2: {  	[smem:$0x3F4B] =	sst lr;
	_ =	strace $0xD0000000  }
0x3: {  	_ = 	snop  }
0x4: {  	_ = 	snop  }
0x5: {  	_ = 	snop  }
0x6: {  	_ = 	snop  }
0x7: {  	_ = 	snop  }
__scs_overlays_trampoline_lowered:
0x8: {  	[smem:$0x3F5A] =	sst s0  }
0x9: {  	[smem:$0x3F5B] =	sst s1  }
0xa: {  	[smem:$0x3F5C] =	sst s2  }
0xb: {  	[smem:$0x3F5D] =	sst s3  }
0xc: {  	[smem:$0x3F5E] =	sst s4  }
0xd: {  	[smem:$0x3F5F] =	sst s5  }
0xe: {  	[smem:$0x3F60] =	sst s6  }
0xf: {  	[smem:$0x3F61] =	sst s7  }
0x10: {  	[smem:$0x3F62] =	sst s8  }
0x11: {  	[smem:$0x3F63] =	sst s9;
	s0 =	simm.s32 @!p0 $0x0  }
0x12: {  	s1 =	sld [smem:$0x3F49];
	s0 =	simm.s32 @p0 $0x1  }
0x13: {  	[smem:$0x3F64] =	sst s0;
	s0 =	simm.s32 @!p1 $0x0  }
0x14: {  	s2 =	sld [smem:$0x3F48];
	s0 =	simm.s32 @p1 $0x1  }
0x15: {  	[smem:$0x3F65] =	sst s0;
	s0 =	simm.s32 @!p2 $0x0  }
0x16: {  	s3 =	sld [smem:$0x3FDB];
	s0 =	simm.s32 @p2 $0x1  }
0x17: {  	s4 =	simm.s32 $0x1BF5;
	[smem:$0x3F67] =	sst s0  }
0x18: {  	s0 =	sld [smem:$0x3F4A];
	_ =	swait.ge [sflag:s4], $0x0  }
0x19: {  	s7 =	sld [smem:$0x3F4B]  }
0x1a: {  	s8 =	sadd.s32 $0xFFFFE003, lr  }
0x1b: {  	s9 =	sadd.s32 $0xFFFFFEF7, lr;
	s5 =	simm.s32 $0xFFFFFFFF;
	p2 =	slt.u32 s8, $0xFFFFF086  }
0x1c: {  	p1 =	slt.u32 s9, $0xF7A;
	s5 =	simm.s32 @!p2 $0x0  }
0x1d: {  	s5 =	simm.s32 @p1 $0x1;
	p0 =	seq.s32 s7, s2  }
0x1e: {  	s7 =	smul.u32 @!p0 $0xF7A, s2;
	p2 =	seq.s32 @!p0 s5, $0x0  }
0x1f: {  	s9 =	smul.u32 $0xF7A, s1;
	s8 =	simm.s32 @!p0 $0x1BF5;
	p2 =	por !p2, p0  }
0x20: {  	[sflag:s8] =	ssyncset.s32 @!p0 $0xFFFFF086;
	s6 =	sadd.s32 @!p0 s3, s7;
	s7 =	simm.s32 @!p0 $0x108  }
0x21: {  	s3 =	sadd.s32 s3, s9;
	s6 =	sadd.s32 @!p0 $0x88, s6;
	s7 =	simm.s32 @p2 $0x1082  }
0x22: {  	[simem:s7], [sflag:s8] =	dma.local @!p0 [hbm:s6], $0xF7A  }
0x23: {  	s9 =	sor.u32 $0xD0000000, s2;
	s6 =	simm.s32 $0x108;
	_ =	swait.ge @!p0 [sflag:s8], $0x0  }
0x24: {  	s3 =	sadd.s32 $0x88, s3;
	s6 =	simm.s32 @!p1 $0x1082;
	[sflag:s4] =	ssyncset.s32 $0xFFFFF086  }
0x25: {  	[simem:s6], [sflag:s4] =	dma.local [hbm:s3], $0xF7A  }
0x26: {  	[smem:$0x3F4B] =	sst s1;
	(tag) =	ssettag s2;
	_ =	strace s9  }
0x27: {  	s1 =	sld [smem:$0x3F5B]  }
0x28: {  	s2 =	sld [smem:$0x3F5C]  }
0x29: {  	s4 =	sld [smem:$0x3F5E]  }
0x2a: {  	p0 =	seq.s32 s5, $0x0;
	s5 =	sld [smem:$0x3F5F]  }
0x2b: {  	s6 =	sld [smem:$0x3F60]  }
0x2c: {  	s7 =	sld [smem:$0x3F61]  }
0x2d: {  	s3 =	simm.s32 $0x108;
	s8 =	sld [smem:$0x3F62]  }
0x2e: {  	s3 =	simm.s32 @!p0 $0x1082;
	s9 =	sld [smem:$0x3F63]  }
0x2f: {  	lr =	sadd.s32 s0, s3;
	s0 =	sld [smem:$0x3F5A]  }
0x30: {  	s3 =	sld [smem:$0x3F5D]  }
0x31: {  	[smem:$0x3F66] =	sst s10  }
0x32: {  	s10 =	sld [smem:$0x3F64];
	_ =	sdelay $0x3  }
0x33: {  	p0 =	seq.s32 s10, $0x1;
	s10 =	sld [smem:$0x3F66];
	_ =	sdelay $0x3  }
0x34: {  	[smem:$0x3F66] =	sst s10  }
0x35: {  	s10 =	sld [smem:$0x3F65];
	_ =	sdelay $0x3  }
0x36: {  	p1 =	seq.s32 s10, $0x1;
	s10 =	sld [smem:$0x3F66];
	_ =	sdelay $0x3  }
0x37: {  	[smem:$0x3F66] =	sst s10  }
0x38: {  	s10 =	sld [smem:$0x3F67]  }
0x39: {  	_ = 	snop;
	(pc) =	sbr.ind lr, $3  }
0x3a: {  	_ = 	snop  }
0x3b: {  	_ = 	snop  }
0x3c: {  	p2 =	seq.s32 s10, $0x1;
	s10 =	sld [smem:$0x3F66]  }
0x3d: {  	_ =	shalt  }
0x3e: {  	_ =	shalt  }
0x3f: {  	_ =	shalt  }
0x40: {  	_ =	shalt  }
0x41: {  	_ =	shalt  }
0x42: {  	_ =	shalt  }
0x43: {  	_ =	shalt  }
0x44: {  	_ =	shalt  }
0x45: {  	_ =	shalt  }
0x46: {  	_ =	shalt  }
0x47: {  	_ =	shalt  }
0x48: {  	_ =	shalt  }
0x49: {  	_ =	shalt  }
0x4a: {  	_ =	shalt  }
0x4b: {  	_ =	shalt  }
0x4c: {  	_ =	shalt  }
0x4d: {  	_ =	shalt  }
0x4e: {  	_ =	shalt  }
0x4f: {  	_ =	shalt  }
0x50: {  	_ =	shalt  }
0x51: {  	_ =	shalt  }
0x52: {  	_ =	shalt  }
0x53: {  	_ =	shalt  }
0x54: {  	_ =	shalt  }
0x55: {  	_ =	shalt  }
0x56: {  	_ =	shalt  }
0x57: {  	_ =	shalt  }
0x58: {  	_ =	shalt  }
0x59: {  	_ =	shalt  }
0x5a: {  	_ =	shalt  }
0x5b: {  	_ =	shalt  }
0x5c: {  	_ =	shalt  }
0x5d: {  	_ =	shalt  }
0x5e: {  	_ =	shalt  }
0x5f: {  	_ =	shalt  }
0x60: {  	_ =	shalt  }
0x61: {  	_ =	shalt  }
0x62: {  	_ =	shalt  }
0x63: {  	_ =	shalt  }
0x64: {  	_ =	shalt  }
0x65: {  	_ =	shalt  }
0x66: {  	_ =	shalt  }
0x67: {  	_ =	shalt  }
0x68: {  	_ =	shalt  }
0x69: {  	_ =	shalt  }
0x6a: {  	_ =	shalt  }
0x6b: {  	_ =	shalt  }
0x6c: {  	_ =	shalt  }
0x6d: {  	_ =	shalt  }
0x6e: {  	_ =	shalt  }
0x6f: {  	_ =	shalt  }
0x70: {  	_ =	shalt  }
0x71: {  	_ =	shalt  }
0x72: {  	_ =	shalt  }
0x73: {  	_ =	shalt  }
0x74: {  	_ =	shalt  }
0x75: {  	_ =	shalt  }
0x76: {  	_ =	shalt  }
0x77: {  	_ =	shalt  }
0x78: {  	_ =	shalt  }
0x79: {  	_ =	shalt  }
0x7a: {  	_ =	shalt  }
0x7b: {  	_ =	shalt  }
0x7c: {  	_ =	shalt  }
0x7d: {  	_ =	shalt  }
0x7e: {  	_ =	shalt  }
0x7f: {  	_ =	shalt  }
0x80: {  	_ =	shalt  }
0x81: {  	_ =	shalt  }
0x82: {  	_ =	shalt  }
0x83: {  	_ =	shalt  }
0x84: {  	_ =	shalt  }
0x85: {  	_ =	shalt  }
0x86: {  	_ =	shalt  }
0x87: {  	_ =	shalt  }
.Lfunc_end0:
.L_simem_size_0:
called_computation.1_lowered:
.L_overlay_start_0:
0x88: {  	s2 =	sld [smem:$0x3FD9]  }
0x89: {  	s3 =	sld [smem:$0x3FFE];
	_ =	sdelay $0x1  }
0x8a: {  	s1 =	srdreg.scid  }
0x8b: {  	s0 =	sand.u32 $0x1, s1  }
0x8c: {  	s16 =	sshll.u32 s0, $0xA;
	s2 =	sadd.s32 s3, s2  }
0x8d: {  	s2 =	sadd.s32 s2, s16  }
0x8e: {  	[smem:$0x3F72] =	sst s2  }
0x8f: {  	_ = 	snop  }
0x90: {  	(tm) =	ssettm $0x1  }
0x91: {  	s17 =	sld [smem:$0x3FFB];
	_ =	sdelay $0x3  }
0x92: {  	_ =	strace s17  }
0x93: {  	s2 =	sld [smem:$0x3FFC];
	_ =	sdelay $0x3  }
0x94: {  	_ =	strace s2  }
0x95: {  	s2 =	sld [smem:$0x3FFD];
	_ =	sdelay $0x3  }
0x96: {  	_ =	strace s2  }
0x97: {  	_ =	strace $0x8FFFFFFF  }
0x98: {  	s18 =	sld [smem:$0x3FDB];
	_ =	sdelay $0x1  }
0x99: {  	s19 =	simm.s32 $_scs_section_size  }
0x9a: {  	s4 =	simm.s32 $_size__tile_overlayer_lowered;
	s5 =	simm.s32 $_tile_overlayer_lowered  }
0x9b: {  	s22 =	simm.s32 $0x1BFF;
	s21 =	sshll.u32 s5, $0x1;
	s2 =	sadd.s32 s19, s18  }
0x9c: {  	s6 =	simm.s32 $0x0;
	s20 =	sshll.u32 s4, $0x1;
	s4 =	sadd.s32 s21, s2  }
0x9d: {  	[timem:s6], [sflag:s22] =	dma.local [hbm:s4], s20  }
0x9e: {  	_ =	swait.ge [sflag:s22], s20  }
0x9f: {  	s3 =	ssub.s32 $0x0, s20;
	[sflag:s22] =	ssyncset.done $0x0  }
0xa0: {  	[sflag:s22] =	ssyncadd.s32 s3;
	_ =	sdelay $0x1  }
0xa1: {  	s23 =	simm.s32 $0x1B8B  }
0xa2: {  	_ =	swait.ge [sflag:s23], $0x1  }
0xa3: {  	[sflag:s23] =	ssyncset.done $0x0  }
0xa4: {  	s25 =	simm.s32 $0x1B8E;
	s24 =	sld [smem:$0x3FFE];
	[sflag:s23] =	ssyncadd.s32 $0xFFFFFFFF  }
0xa5: {  	s26 =	simm.s32 $execute0_lowered;
	[smem:$0x3FD2] =	sst s25  }
0xa6: {  	s4 =	sshll.u32 s26, $0x1;
	_ =	strace $0x80000049;
	[dreg:$0x1] =	wrdreg $0xFFFFFFFF  }
0xa7: {  	s28 =	simm.s32 $_size_execute0_lowered;
	s2 =	sadd.s32 s2, s4;
	[dreg:$0x0] =	wrdreg $0x0  }
0xa8: {  	s4 =	sshll.u32 s28, $0x1;
	[dreg:$0x2] =	wrdreg s2  }
0xa9: {  	[dreg:$0x3] =	wrdreg s4  }
0xaa: {  	[dreg:$0x4] =	wrdreg $0xC0  }
0xab: {  	_ =	task [dreg:s6], $0x5FFFF  }
0xac: {  	[dreg:$0x1] =	wrdreg $0xFFFFFFFF  }
0xad: {  	[dreg:$0x0] =	wrdreg $0x60  }
0xae: {  	[dreg:$0x2] =	wrdreg s24  }
0xaf: {  	[dreg:$0x3] =	wrdreg $0x9  }
0xb0: {  	_ =	task.clear_ibuf [dreg:s6], $0x4FFFF;
	_ =	strace $0x90000049  }
0xb1: {  	s29 =	simm.s32 $0x9;
	_ =	strace $0x8000004B  }
0xb2: {  	_ =	swait.ge [sflag:s29], $0x1  }
0xb3: {  	[sflag:s29] =	ssyncadd.s32 $0xFFFFFFFF  }
0xb4: {  	_ =	strace $0x9000004B  }
0xb5: {  	_ =	sfence  }
0xb6: {  	s30 =	sld [smem:$0x0];
	_ =	sdelay $0x2  }
0xb7: {  	s31 =	sshll.u32 s1, $0xD;
	s1 =	sshrl.u32 s1, $0x2  }
0xb8: {  	s3 =	sand.u32 $0x4000, s31;
	s1 =	sadd.s32 s1, s30  }
0xb9: {  	s0 =	sor.u32 s3, s0;
	s1 =	sshll.u32 s1, $0x11  }
0xba: {  	s0 =	sor.u32 s1, s0  }
0xbb: {  	s0 =	sadd.s32 $0x8F2B, s0  }
0xbc: {  	[sflag:s0] =	ssyncadd.remote.s32 $0x1  }
0xbd: {  	_ =	sfence.sel $0xFFFF  }
0xbe: {  	[dreg:$0x0] =	wrdreg $0xFFFFFFFF;
	(pc) =	sbr.abs _section_cstart, $3  }
0xbf: {  	[dreg:$0x1] =	wrdreg $0xFFFFFFFF  }
0xc0: {  	_ =	task.clear_ibuf [dreg:s6], $0x2FFFF;
	_ =	strace $0x9FFFFFFF  }
0xc1: {  	(tm) =	ssettm $0x7FFFFFFF  }
tec
execute0_lowered:
.L_overlay_start_1:
0x0: {  	(tag) =	ssettag $0x1  }
0x1: {  	s7 =	rddreg [dreg:$0x0]  }
0x2: {  	s0 =	rddreg [dreg:$0x1]  }
0x3: {  	s1 =	simm.s32 $0x0;
	s2 =	srdreg.scid;
	s12 =	simm.s32 $0x100  }
0x4: {  	s13 =	simm.s32 $0x1;
	s14 =	simm.s32 $0x6500;
	s15 =	simm.s32 $0x0  }
0x5: {  	[smem:$0x7FF] =	sst s1;
	s3 =	sadd.s32 $0x14200, s7;
	s8 =	sand.u32 $0x1, s2  }
0x6: {  	s4 =	sadd.s32 $0x3B400, s7;
	s2 =	stileid.u32;
	s5 =	sadd.s32 $0xBA600, s7  }
0x7: {  	s6 =	sadd.s32 $0xB5600, s7;
	s7 =	sadd.s32 $0xC4600, s7;
	s9 =	ssub.s32 $0x2, s8  }
0x8: {  	_ =	strace $0x8000004A;
	s11 =	sshll.u32 s2, $0x1;
	s10 =	sshrl.u32 s9, $0x1  }
0x9: {  	s8 =	sor.u32 s8, s11;
	s11 =	simm.s32 $0xC8;
	s9 =	ssub.s32 s9, s10  }
0xa: {  	s8 =	smul.u32 $0x1388, s8;
	s10 =	simm.s32 $0x2;
	s9 =	smax.u32 s9, $0x1  }
.LBB2_1:
0xb: {  	s16 =	simm.s32 $0x0  }
.LBB2_2:
0xc: {  	s17 =	smul.u32 $0xC8, s16;
	_ =	sdelay $0x1  }
0xd: {  	s17 =	sadd.s32 s8, s17  }
0xe: {  	s18 =	sshrl.u32 s17, $0x3  }
0xf: {  	s20 =	simm.s32 $0x0;
	s19 =	sadd.s32 s5, s18  }
0x10: {  	[tilespmem:s20], [sflag:$0x2] =	stream.linear.gather [hbm4b:s19+s20], $0xC8, $0x38;
	[tilespmem:$0xC900] =	vst v63  }
0x11: {  	_ =	swait.ge [sflag:s10], $0xC8  }
0x12: {  	[sflag:s10] =	ssyncset.done $0x0  }
0x13: {  	[sflag:s10] =	ssyncadd.s32 $0xFFFFFF38  }
0x14: {  	[tilespmem:s12], [sflag:$0x1] =	stream.indirect.gather [hbm4b:s3+s11], $0x80, s20, s11, $0xb8;
	[tilespmem:$0xC900] =	vst v63  }
0x15: {  	_ =	swait.ge [sflag:s13], $0x6400  }
0x16: {  	[sflag:s13] =	ssyncset.done $0x0  }
0x17: {  	s18 =	sadd.s32 s6, s18;
	[sflag:s13] =	ssyncadd.s32 $0xFFFF9C00  }
0x18: {  	[tilespmem:s20], [sflag:$0x2] =	stream.linear.gather [hbm4b:s18+s20], $0xC8, $0x38;
	[tilespmem:$0xC900] =	vst v63  }
0x19: {  	_ =	swait.ge [sflag:s10], $0xC8  }
0x1a: {  	[sflag:s10] =	ssyncset.done $0x0  }
0x1b: {  	[sflag:s10] =	ssyncadd.s32 $0xFFFFFF38  }
0x1c: {  	[tilespmem:s14], [sflag:$0x1] =	stream.indirect.gather [hbm4b:s4+s11], $0x80, s20, s11, $0xb8;
	[tilespmem:$0xC900] =	vst v63  }
0x1d: {  	_ =	swait.ge [sflag:s13], $0x6400  }
0x1e: {  	[sflag:s13] =	ssyncset.done $0x0  }
0x1f: {  	s18 =	simm.s32 $0x0;
	[sflag:s13] =	ssyncadd.s32 $0xFFFF9C00  }
0x20: {  	v7 =	vld [tilespmem:s18+$0x6500]  }
0x21: {  	v11 =	vld [tilespmem:s18+$0x6510]  }
0x22: {  	v5 =	vld [tilespmem:s18+$0x6520]  }
0x23: {  	v4 =	vld [tilespmem:s18+$0x6530]  }
0x24: {  	v3 =	vld [tilespmem:s18+$0x6540]  }
0x25: {  	v2 =	vld [tilespmem:s18+$0x6550]  }
0x26: {  	v1 =	vld [tilespmem:s18+$0x6560]  }
0x27: {  	v0 =	vld [tilespmem:s18+$0x6570]  }
0x28: {  	v12 =	vld [tilespmem:s18+$0x100]  }
0x29: {  	v13 =	vld [tilespmem:s18+$0x110]  }
0x2a: {  	v10 =	vld [tilespmem:s18+$0x120]  }
0x2b: {  	v9 =	vld [tilespmem:s18+$0x130]  }
0x2c: {  	v8 =	vld [tilespmem:s18+$0x140]  }
0x2d: {  	v6 =	vld [tilespmem:s18+$0x150];
	v12 =	vadd.f32 v7, v12  }
0x2e: {  	s19 =	simm.s32 $0x200;
	v11 =	vadd.f32 v11, v13;
	v7 =	vld [tilespmem:s18+$0x160]  }
.LBB2_3:
0x2f: {  	s20 =	sshra.s32 s19, $0x2;
	p0 =	sne.s32 s19, $0x18E00;
	[tilespmem:s18+$0x100] =	vst v12;
	v5 =	vadd.f32 v5, v10;
	v10 =	vld [tilespmem:s18+$0x170]  }
0x30: {  	v12 =	vld [tilespmem:s20+$0x6500];
	[tilespmem:s18+$0x110] =	vst v11;
	v4 =	vadd.f32 v4, v9  }
0x31: {  	v11 =	vld [tilespmem:s20+$0x6510];
	[tilespmem:s18+$0x120] =	vst v5;
	v3 =	vadd.f32 v3, v8  }
0x32: {  	v5 =	vld [tilespmem:s20+$0x6520];
	[tilespmem:s18+$0x130] =	vst v4;
	v2 =	vadd.f32 v2, v6  }
0x33: {  	v4 =	vld [tilespmem:s20+$0x6530];
	[tilespmem:s18+$0x140] =	vst v3;
	v1 =	vadd.f32 v1, v7  }
0x34: {  	v3 =	vld [tilespmem:s20+$0x6540];
	[tilespmem:s18+$0x150] =	vst v2;
	v0 =	vadd.f32 v0, v10  }
0x35: {  	v2 =	vld [tilespmem:s20+$0x6550];
	[tilespmem:s18+$0x160] =	vst v1  }
0x36: {  	v1 =	vld [tilespmem:s20+$0x6560];
	[tilespmem:s18+$0x170] =	vst v0;
	s18 =	smov.u32 s20  }
0x37: {  	v0 =	vld [tilespmem:s18+$0x6570]  }
0x38: {  	v6 =	vld [tilespmem:s18+$0x100]  }
0x39: {  	v7 =	vld [tilespmem:s18+$0x110]  }
.Ltmp0:
0x3a: {  	v10 =	vld [tilespmem:s18+$0x120];
	(pc) =	sbr.rel @p0 .LBB2_3-.Ltmp0, $4  }
0x3b: {  	v9 =	vld [tilespmem:s18+$0x130]  }
0x3c: {  	v8 =	vld [tilespmem:s18+$0x140]  }
0x3d: {  	v12 =	vadd.f32 v12, v6;
	v6 =	vld [tilespmem:s18+$0x150]  }
0x3e: {  	s19 =	sadd.s32 $0x200, s19;
	v11 =	vadd.f32 v11, v7;
	v7 =	vld [tilespmem:s18+$0x160]  }
0x3f: {  	[tilespmem:s18+$0x100] =	vst v12;
	v5 =	vadd.f32 v5, v10;
	v63 =	vld [tilespmem:s18+$0x170]  }
0x40: {  	[tilespmem:s18+$0x110] =	vst v11;
	v4 =	vadd.f32 v4, v9  }
0x41: {  	[tilespmem:s18+$0x120] =	vst v5;
	v3 =	vadd.f32 v3, v8  }
0x42: {  	[tilespmem:s18+$0x130] =	vst v4;
	v2 =	vadd.f32 v2, v6  }
0x43: {  	[tilespmem:s18+$0x140] =	vst v3;
	v1 =	vadd.f32 v1, v7  }
0x44: {  	s16 =	sadd.s32 $0x1, s16;
	[tilespmem:s18+$0x150] =	vst v2;
	v0 =	vadd.f32 v0, v63  }
0x45: {  	s17 =	sshll.u32 s17, $0x4;
	p0 =	sne.s32 s16, $0x19;
	[tilespmem:s18+$0x160] =	vst v1  }
.Ltmp1:
0x46: {  	s17 =	sadd.s32 s7, s17;
	[tilespmem:s18+$0x170] =	vst v0;
	(pc) =	sbr.rel @p0 .LBB2_2-.Ltmp1, $4  }
0x47: {  	[hbm4b:s17+s1] =	stream.linear.scatter [tilespmem:s12], [sflag:$0x2], $0x6400, $0x38;
	[tilespmem:$0xC900] =	vst v63  }
0x48: {  	_ =	swait.ge [sflag:s10], $0x6400  }
0x49: {  	[sflag:s10] =	ssyncset.done $0x0  }
0x4a: {  	[sflag:s10] =	ssyncadd.s32 $0xFFFF9C00  }
0x4b: {  	s15 =	sadd.s32 $0x1, s15  }
0x4c: {  	p0 =	sne.s32 s15, s9  }
.Ltmp2:
0x4d: {  	_ = 	snop;
	(pc) =	sbr.rel @p0 .LBB2_1-.Ltmp2, $1  }
0x4e: {  	_ =	sdelay $0x3  }
0x4f: {  	_ =	sfence.sel $0x180000  }
0x50: {  	[bflag:$0x0] =	sbarrier.arrive $0xFFFF  }
0x51: {  	p0 =	sne.s32 s2, $0x0;
	_ =	strace $0x9000004A  }
0x52: {  	s0 =	sadd.s32 @!p0 $0x100000, s0;
	[bflag:$0x2] =	sbarrier.arrive $0xFFFF  }
0x53: {  	[sflag:s0] =	ssyncadd.tile.s32 @!p0 $0x1;
	_ =	shalt  }
.Lfunc_end2:
_tile_overlayer_lowered:
.L_overlay_start_2:
0x54: {  	(tag) =	ssettag $0x2  }
0x55: {  	s0 =	rddreg [dreg:$0x0];
	s2 =	stileid.u32  }
0x56: {  	s1 =	rddreg [dreg:$0x1];
	p0 =	sne.s32 s2, $0x0  }
0x57: {  	s3 =	rddreg [dreg:$0x2];
	[bflag:$0x3] =	sbarrier.arrive $0xFFFF;
	s2 =	simm.s32 @!p0 $0x1C02  }
0x58: {  	[timem:s3], [sflag:s2] =	dma.local @!p0 [hbm:s0], s1  }
0x59: {  	s0 =	simm.s32 @!p0 $0x2  }
0x5a: {  	_ =	swait.ge @!p0 [sflag:s0], s1  }
0x5b: {  	s1 =	ssub.s32 @!p0 $0x0, s1;
	[sflag:s0] =	ssyncset.done @!p0 $0x0  }
0x5c: {  	[sflag:s0] =	ssyncadd.s32 @!p0 s1  }
0x5d: {  	[bflag:$0x3] =	sbarrier.arrive $0xFFFF  }
0x5e: {  	_ =	shalt  }

// kernel: kernel.43.cloned.1.call-start
scs
__scs_entry_jumppad:
0x0: {  	(pc) =	sbr.rel $0x88, $3  }
0x1: {  	(tag) =	ssettag $0x0;
	lr =	simm.s32 $0x1  }
0x2: {  	[smem:$0x3F4B] =	sst lr;
	_ =	strace $0xD0000000  }
0x3: {  	_ = 	snop  }
0x4: {  	_ = 	snop  }
0x5: {  	_ = 	snop  }
0x6: {  	_ = 	snop  }
0x7: {  	_ = 	snop  }
__scs_overlays_trampoline_lowered:
0x8: {  	[smem:$0x3F5A] =	sst s0  }
0x9: {  	[smem:$0x3F5B] =	sst s1  }
0xa: {  	[smem:$0x3F5C] =	sst s2  }
0xb: {  	[smem:$0x3F5D] =	sst s3  }
0xc: {  	[smem:$0x3F5E] =	sst s4  }
0xd: {  	[smem:$0x3F5F] =	sst s5  }
0xe: {  	[smem:$0x3F60] =	sst s6  }
0xf: {  	[smem:$0x3F61] =	sst s7  }
0x10: {  	[smem:$0x3F62] =	sst s8  }
0x11: {  	[smem:$0x3F63] =	sst s9;
	s0 =	simm.s32 @!p0 $0x0  }
0x12: {  	s1 =	sld [smem:$0x3F49];
	s0 =	simm.s32 @p0 $0x1  }
0x13: {  	[smem:$0x3F64] =	sst s0;
	s0 =	simm.s32 @!p1 $0x0  }
0x14: {  	s2 =	sld [smem:$0x3F48];
	s0 =	simm.s32 @p1 $0x1  }
0x15: {  	[smem:$0x3F65] =	sst s0;
	s0 =	simm.s32 @!p2 $0x0  }
0x16: {  	s3 =	sld [smem:$0x3FDB];
	s0 =	simm.s32 @p2 $0x1  }
0x17: {  	s4 =	simm.s32 $0x1BF5;
	[smem:$0x3F67] =	sst s0  }
0x18: {  	s0 =	sld [smem:$0x3F4A];
	_ =	swait.ge [sflag:s4], $0x0  }
0x19: {  	s7 =	sld [smem:$0x3F4B]  }
0x1a: {  	s8 =	sadd.s32 $0xFFFFE003, lr  }
0x1b: {  	s9 =	sadd.s32 $0xFFFFFEF7, lr;
	s5 =	simm.s32 $0xFFFFFFFF;
	p2 =	slt.u32 s8, $0xFFFFF086  }
0x1c: {  	p1 =	slt.u32 s9, $0xF7A;
	s5 =	simm.s32 @!p2 $0x0  }
0x1d: {  	s5 =	simm.s32 @p1 $0x1;
	p0 =	seq.s32 s7, s2  }
0x1e: {  	s7 =	smul.u32 @!p0 $0xF7A, s2;
	p2 =	seq.s32 @!p0 s5, $0x0  }
0x1f: {  	s9 =	smul.u32 $0xF7A, s1;
	s8 =	simm.s32 @!p0 $0x1BF5;
	p2 =	por !p2, p0  }
0x20: {  	[sflag:s8] =	ssyncset.s32 @!p0 $0xFFFFF086;
	s6 =	sadd.s32 @!p0 s3, s7;
	s7 =	simm.s32 @!p0 $0x108  }
0x21: {  	s3 =	sadd.s32 s3, s9;
	s6 =	sadd.s32 @!p0 $0x88, s6;
	s7 =	simm.s32 @p2 $0x1082  }
0x22: {  	[simem:s7], [sflag:s8] =	dma.local @!p0 [hbm:s6], $0xF7A  }
0x23: {  	s9 =	sor.u32 $0xD0000000, s2;
	s6 =	simm.s32 $0x108;
	_ =	swait.ge @!p0 [sflag:s8], $0x0  }
0x24: {  	s3 =	sadd.s32 $0x88, s3;
	s6 =	simm.s32 @!p1 $0x1082;
	[sflag:s4] =	ssyncset.s32 $0xFFFFF086  }
0x25: {  	[simem:s6], [sflag:s4] =	dma.local [hbm:s3], $0xF7A  }
0x26: {  	[smem:$0x3F4B] =	sst s1;
	(tag) =	ssettag s2;
	_ =	strace s9  }
0x27: {  	s1 =	sld [smem:$0x3F5B]  }
0x28: {  	s2 =	sld [smem:$0x3F5C]  }
0x29: {  	s4 =	sld [smem:$0x3F5E]  }
0x2a: {  	p0 =	seq.s32 s5, $0x0;
	s5 =	sld [smem:$0x3F5F]  }
0x2b: {  	s6 =	sld [smem:$0x3F60]  }
0x2c: {  	s7 =	sld [smem:$0x3F61]  }
0x2d: {  	s3 =	simm.s32 $0x108;
	s8 =	sld [smem:$0x3F62]  }
0x2e: {  	s3 =	simm.s32 @!p0 $0x1082;
	s9 =	sld [smem:$0x3F63]  }
0x2f: {  	lr =	sadd.s32 s0, s3;
	s0 =	sld [smem:$0x3F5A]  }
0x30: {  	s3 =	sld [smem:$0x3F5D]  }
0x31: {  	[smem:$0x3F66] =	sst s10  }
0x32: {  	s10 =	sld [smem:$0x3F64];
	_ =	sdelay $0x3  }
0x33: {  	p0 =	seq.s32 s10, $0x1;
	s10 =	sld [smem:$0x3F66];
	_ =	sdelay $0x3  }
0x34: {  	[smem:$0x3F66] =	sst s10  }
0x35: {  	s10 =	sld [smem:$0x3F65];
	_ =	sdelay $0x3  }
0x36: {  	p1 =	seq.s32 s10, $0x1;
	s10 =	sld [smem:$0x3F66];
	_ =	sdelay $0x3  }
0x37: {  	[smem:$0x3F66] =	sst s10  }
0x38: {  	s10 =	sld [smem:$0x3F67]  }
0x39: {  	_ = 	snop;
	(pc) =	sbr.ind lr, $3  }
0x3a: {  	_ = 	snop  }
0x3b: {  	_ = 	snop  }
0x3c: {  	p2 =	seq.s32 s10, $0x1;
	s10 =	sld [smem:$0x3F66]  }
0x3d: {  	_ =	shalt  }
0x3e: {  	_ =	shalt  }
0x3f: {  	_ =	shalt  }
0x40: {  	_ =	shalt  }
0x41: {  	_ =	shalt  }
0x42: {  	_ =	shalt  }
0x43: {  	_ =	shalt  }
0x44: {  	_ =	shalt  }
0x45: {  	_ =	shalt  }
0x46: {  	_ =	shalt  }
0x47: {  	_ =	shalt  }
0x48: {  	_ =	shalt  }
0x49: {  	_ =	shalt  }
0x4a: {  	_ =	shalt  }
0x4b: {  	_ =	shalt  }
0x4c: {  	_ =	shalt  }
0x4d: {  	_ =	shalt  }
0x4e: {  	_ =	shalt  }
0x4f: {  	_ =	shalt  }
0x50: {  	_ =	shalt  }
0x51: {  	_ =	shalt  }
0x52: {  	_ =	shalt  }
0x53: {  	_ =	shalt  }
0x54: {  	_ =	shalt  }
0x55: {  	_ =	shalt  }
0x56: {  	_ =	shalt  }
0x57: {  	_ =	shalt  }
0x58: {  	_ =	shalt  }
0x59: {  	_ =	shalt  }
0x5a: {  	_ =	shalt  }
0x5b: {  	_ =	shalt  }
0x5c: {  	_ =	shalt  }
0x5d: {  	_ =	shalt  }
0x5e: {  	_ =	shalt  }
0x5f: {  	_ =	shalt  }
0x60: {  	_ =	shalt  }
0x61: {  	_ =	shalt  }
0x62: {  	_ =	shalt  }
0x63: {  	_ =	shalt  }
0x64: {  	_ =	shalt  }
0x65: {  	_ =	shalt  }
0x66: {  	_ =	shalt  }
0x67: {  	_ =	shalt  }
0x68: {  	_ =	shalt  }
0x69: {  	_ =	shalt  }
0x6a: {  	_ =	shalt  }
0x6b: {  	_ =	shalt  }
0x6c: {  	_ =	shalt  }
0x6d: {  	_ =	shalt  }
0x6e: {  	_ =	shalt  }
0x6f: {  	_ =	shalt  }
0x70: {  	_ =	shalt  }
0x71: {  	_ =	shalt  }
0x72: {  	_ =	shalt  }
0x73: {  	_ =	shalt  }
0x74: {  	_ =	shalt  }
0x75: {  	_ =	shalt  }
0x76: {  	_ =	shalt  }
0x77: {  	_ =	shalt  }
0x78: {  	_ =	shalt  }
0x79: {  	_ =	shalt  }
0x7a: {  	_ =	shalt  }
0x7b: {  	_ =	shalt  }
0x7c: {  	_ =	shalt  }
0x7d: {  	_ =	shalt  }
0x7e: {  	_ =	shalt  }
0x7f: {  	_ =	shalt  }
0x80: {  	_ =	shalt  }
0x81: {  	_ =	shalt  }
0x82: {  	_ =	shalt  }
0x83: {  	_ =	shalt  }
0x84: {  	_ =	shalt  }
0x85: {  	_ =	shalt  }
0x86: {  	_ =	shalt  }
0x87: {  	_ =	shalt  }
.Lfunc_end0:
.L_simem_size_0:
called_computation.2_lowered:
.L_overlay_start_0:
0x88: {  	s2 =	sld [smem:$0x3FD9]  }
0x89: {  	s3 =	sld [smem:$0x3FFE];
	_ =	sdelay $0x1  }
0x8a: {  	s1 =	srdreg.scid  }
0x8b: {  	s0 =	sand.u32 $0x1, s1  }
0x8c: {  	s16 =	sshll.u32 s0, $0xA;
	s2 =	sadd.s32 s3, s2  }
0x8d: {  	s2 =	sadd.s32 s2, s16  }
0x8e: {  	[smem:$0x3F72] =	sst s2  }
0x8f: {  	_ = 	snop  }
0x90: {  	(tm) =	ssettm $0x1  }
0x91: {  	s17 =	sld [smem:$0x3FFB];
	_ =	sdelay $0x3  }
0x92: {  	_ =	strace s17  }
0x93: {  	s2 =	sld [smem:$0x3FFC];
	_ =	sdelay $0x3  }
0x94: {  	_ =	strace s2  }
0x95: {  	s2 =	sld [smem:$0x3FFD];
	_ =	sdelay $0x3  }
0x96: {  	_ =	strace s2  }
0x97: {  	_ =	strace $0x8FFFFFFF  }
0x98: {  	s18 =	sld [smem:$0x3FDB];
	_ =	sdelay $0x1  }
0x99: {  	s19 =	simm.s32 $_scs_section_size  }
0x9a: {  	s4 =	simm.s32 $_size__tile_overlayer_lowered;
	s5 =	simm.s32 $_tile_overlayer_lowered  }
0x9b: {  	s22 =	simm.s32 $0x1BFF;
	s21 =	sshll.u32 s5, $0x1;
	s2 =	sadd.s32 s19, s18  }
0x9c: {  	s6 =	simm.s32 $0x0;
	s20 =	sshll.u32 s4, $0x1;
	s4 =	sadd.s32 s21, s2  }
0x9d: {  	[timem:s6], [sflag:s22] =	dma.local [hbm:s4], s20  }
0x9e: {  	_ =	swait.ge [sflag:s22], s20  }
0x9f: {  	s3 =	ssub.s32 $0x0, s20;
	[sflag:s22] =	ssyncset.done $0x0  }
0xa0: {  	[sflag:s22] =	ssyncadd.s32 s3;
	_ =	sdelay $0x1  }
0xa1: {  	s23 =	simm.s32 $0x1B8B  }
0xa2: {  	_ =	swait.ge [sflag:s23], $0x1  }
0xa3: {  	[sflag:s23] =	ssyncset.done $0x0  }
0xa4: {  	s25 =	simm.s32 $0x1B8E;
	s24 =	sld [smem:$0x3FFE];
	[sflag:s23] =	ssyncadd.s32 $0xFFFFFFFF  }
0xa5: {  	s26 =	simm.s32 $execute0_lowered;
	[smem:$0x3FD2] =	sst s25  }
0xa6: {  	s4 =	sshll.u32 s26, $0x1;
	_ =	strace $0x8000004C;
	[dreg:$0x1] =	wrdreg $0xFFFFFFFF  }
0xa7: {  	s28 =	simm.s32 $_size_execute0_lowered;
	s2 =	sadd.s32 s2, s4;
	[dreg:$0x0] =	wrdreg $0x0  }
0xa8: {  	s4 =	sshll.u32 s28, $0x1;
	[dreg:$0x2] =	wrdreg s2  }
0xa9: {  	[dreg:$0x3] =	wrdreg s4  }
0xaa: {  	[dreg:$0x4] =	wrdreg $0xC0  }
0xab: {  	_ =	task [dreg:s6], $0x5FFFF  }
0xac: {  	[dreg:$0x1] =	wrdreg $0xFFFFFFFF  }
0xad: {  	[dreg:$0x0] =	wrdreg $0x60  }
0xae: {  	[dreg:$0x2] =	wrdreg s24  }
0xaf: {  	[dreg:$0x3] =	wrdreg $0x9  }
0xb0: {  	_ =	task.clear_ibuf [dreg:s6], $0x4FFFF;
	_ =	strace $0x9000004C  }
0xb1: {  	s29 =	simm.s32 $0x9;
	_ =	strace $0x8000004E  }
0xb2: {  	_ =	swait.ge [sflag:s29], $0x1  }
0xb3: {  	[sflag:s29] =	ssyncadd.s32 $0xFFFFFFFF  }
0xb4: {  	_ =	strace $0x9000004E  }
0xb5: {  	_ =	sfence  }
0xb6: {  	s30 =	sld [smem:$0x0];
	_ =	sdelay $0x2  }
0xb7: {  	s31 =	sshll.u32 s1, $0xD;
	s1 =	sshrl.u32 s1, $0x2  }
0xb8: {  	s3 =	sand.u32 $0x4000, s31;
	s1 =	sadd.s32 s1, s30  }
0xb9: {  	s0 =	sor.u32 s3, s0;
	s1 =	sshll.u32 s1, $0x11  }
0xba: {  	s0 =	sor.u32 s1, s0  }
0xbb: {  	s0 =	sadd.s32 $0x8F2B, s0  }
0xbc: {  	[sflag:s0] =	ssyncadd.remote.s32 $0x1  }
0xbd: {  	_ =	sfence.sel $0xFFFF  }
0xbe: {  	[dreg:$0x0] =	wrdreg $0xFFFFFFFF;
	(pc) =	sbr.abs _section_cstart, $3  }
0xbf: {  	[dreg:$0x1] =	wrdreg $0xFFFFFFFF  }
0xc0: {  	_ =	task.clear_ibuf [dreg:s6], $0x2FFFF;
	_ =	strace $0x9FFFFFFF  }
0xc1: {  	(tm) =	ssettm $0x7FFFFFFF  }
tec
execute0_lowered:
.L_overlay_start_1:
0x0: {  	(tag) =	ssettag $0x1  }
0x1: {  	s7 =	rddreg [dreg:$0x0]  }
0x2: {  	s0 =	rddreg [dreg:$0x1]  }
0x3: {  	s1 =	simm.s32 $0x0;
	s2 =	srdreg.scid;
	s12 =	simm.s32 $0x100  }
0x4: {  	s13 =	simm.s32 $0x1;
	s14 =	simm.s32 $0x6500;
	s15 =	simm.s32 $0x0  }
0x5: {  	[smem:$0x7FF] =	sst s1;
	s3 =	sadd.s32 $0x3B400, s7;
	s8 =	sand.u32 $0x1, s2  }
0x6: {  	s4 =	sadd.s32 $0x62600, s7;
	s2 =	stileid.u32;
	s5 =	sadd.s32 $0xBA600, s7  }
0x7: {  	s6 =	sadd.s32 $0xB5600, s7;
	s7 =	sadd.s32 $0xC4600, s7;
	s9 =	ssub.s32 $0x2, s8  }
0x8: {  	_ =	strace $0x8000004D;
	s11 =	sshll.u32 s2, $0x1;
	s10 =	sshrl.u32 s9, $0x1  }
0x9: {  	s8 =	sor.u32 s8, s11;
	s11 =	simm.s32 $0xC8;
	s9 =	ssub.s32 s9, s10  }
0xa: {  	s8 =	smul.u32 $0x1388, s8;
	s10 =	simm.s32 $0x2;
	s9 =	smax.u32 s9, $0x1  }
.LBB2_1:
0xb: {  	s16 =	simm.s32 $0x0  }
.LBB2_2:
0xc: {  	s17 =	smul.u32 $0xC8, s16;
	_ =	sdelay $0x1  }
0xd: {  	s17 =	sadd.s32 s8, s17  }
0xe: {  	s18 =	sshrl.u32 s17, $0x3  }
0xf: {  	s20 =	simm.s32 $0x0;
	s19 =	sadd.s32 s5, s18  }
0x10: {  	[tilespmem:s20], [sflag:$0x2] =	stream.linear.gather [hbm4b:s19+s20], $0xC8, $0x38;
	[tilespmem:$0xC900] =	vst v63  }
0x11: {  	_ =	swait.ge [sflag:s10], $0xC8  }
0x12: {  	[sflag:s10] =	ssyncset.done $0x0  }
0x13: {  	[sflag:s10] =	ssyncadd.s32 $0xFFFFFF38  }
0x14: {  	[tilespmem:s12], [sflag:$0x1] =	stream.indirect.gather [hbm4b:s3+s11], $0x80, s20, s11, $0xb8;
	[tilespmem:$0xC900] =	vst v63  }
0x15: {  	_ =	swait.ge [sflag:s13], $0x6400  }
0x16: {  	[sflag:s13] =	ssyncset.done $0x0  }
0x17: {  	s18 =	sadd.s32 s6, s18;
	[sflag:s13] =	ssyncadd.s32 $0xFFFF9C00  }
0x18: {  	[tilespmem:s20], [sflag:$0x2] =	stream.linear.gather [hbm4b:s18+s20], $0xC8, $0x38;
	[tilespmem:$0xC900] =	vst v63  }
0x19: {  	_ =	swait.ge [sflag:s10], $0xC8  }
0x1a: {  	[sflag:s10] =	ssyncset.done $0x0  }
0x1b: {  	[sflag:s10] =	ssyncadd.s32 $0xFFFFFF38  }
0x1c: {  	[tilespmem:s14], [sflag:$0x1] =	stream.indirect.gather [hbm4b:s4+s11], $0x80, s20, s11, $0xb8;
	[tilespmem:$0xC900] =	vst v63  }
0x1d: {  	_ =	swait.ge [sflag:s13], $0x6400  }
0x1e: {  	[sflag:s13] =	ssyncset.done $0x0  }
0x1f: {  	s18 =	simm.s32 $0x0;
	[sflag:s13] =	ssyncadd.s32 $0xFFFF9C00  }
0x20: {  	v7 =	vld [tilespmem:s18+$0x6500]  }
0x21: {  	v11 =	vld [tilespmem:s18+$0x6510]  }
0x22: {  	v5 =	vld [tilespmem:s18+$0x6520]  }
0x23: {  	v4 =	vld [tilespmem:s18+$0x6530]  }
0x24: {  	v3 =	vld [tilespmem:s18+$0x6540]  }
0x25: {  	v2 =	vld [tilespmem:s18+$0x6550]  }
0x26: {  	v1 =	vld [tilespmem:s18+$0x6560]  }
0x27: {  	v0 =	vld [tilespmem:s18+$0x6570]  }
0x28: {  	v12 =	vld [tilespmem:s18+$0x100]  }
0x29: {  	v13 =	vld [tilespmem:s18+$0x110]  }
0x2a: {  	v10 =	vld [tilespmem:s18+$0x120]  }
0x2b: {  	v9 =	vld [tilespmem:s18+$0x130]  }
0x2c: {  	v8 =	vld [tilespmem:s18+$0x140]  }
0x2d: {  	v6 =	vld [tilespmem:s18+$0x150];
	v12 =	vadd.f32 v7, v12  }
0x2e: {  	s19 =	simm.s32 $0x200;
	v11 =	vadd.f32 v11, v13;
	v7 =	vld [tilespmem:s18+$0x160]  }
.LBB2_3:
0x2f: {  	s20 =	sshra.s32 s19, $0x2;
	p0 =	sne.s32 s19, $0x18E00;
	[tilespmem:s18+$0x100] =	vst v12;
	v5 =	vadd.f32 v5, v10;
	v10 =	vld [tilespmem:s18+$0x170]  }
0x30: {  	v12 =	vld [tilespmem:s20+$0x6500];
	[tilespmem:s18+$0x110] =	vst v11;
	v4 =	vadd.f32 v4, v9  }
0x31: {  	v11 =	vld [tilespmem:s20+$0x6510];
	[tilespmem:s18+$0x120] =	vst v5;
	v3 =	vadd.f32 v3, v8  }
0x32: {  	v5 =	vld [tilespmem:s20+$0x6520];
	[tilespmem:s18+$0x130] =	vst v4;
	v2 =	vadd.f32 v2, v6  }
0x33: {  	v4 =	vld [tilespmem:s20+$0x6530];
	[tilespmem:s18+$0x140] =	vst v3;
	v1 =	vadd.f32 v1, v7  }
0x34: {  	v3 =	vld [tilespmem:s20+$0x6540];
	[tilespmem:s18+$0x150] =	vst v2;
	v0 =	vadd.f32 v0, v10  }
0x35: {  	v2 =	vld [tilespmem:s20+$0x6550];
	[tilespmem:s18+$0x160] =	vst v1  }
0x36: {  	v1 =	vld [tilespmem:s20+$0x6560];
	[tilespmem:s18+$0x170] =	vst v0;
	s18 =	smov.u32 s20  }
0x37: {  	v0 =	vld [tilespmem:s18+$0x6570]  }
0x38: {  	v6 =	vld [tilespmem:s18+$0x100]  }
0x39: {  	v7 =	vld [tilespmem:s18+$0x110]  }
.Ltmp0:
0x3a: {  	v10 =	vld [tilespmem:s18+$0x120];
	(pc) =	sbr.rel @p0 .LBB2_3-.Ltmp0, $4  }
0x3b: {  	v9 =	vld [tilespmem:s18+$0x130]  }
0x3c: {  	v8 =	vld [tilespmem:s18+$0x140]  }
0x3d: {  	v12 =	vadd.f32 v12, v6;
	v6 =	vld [tilespmem:s18+$0x150]  }
0x3e: {  	s19 =	sadd.s32 $0x200, s19;
	v11 =	vadd.f32 v11, v7;
	v7 =	vld [tilespmem:s18+$0x160]  }
0x3f: {  	[tilespmem:s18+$0x100] =	vst v12;
	v5 =	vadd.f32 v5, v10;
	v63 =	vld [tilespmem:s18+$0x170]  }
0x40: {  	[tilespmem:s18+$0x110] =	vst v11;
	v4 =	vadd.f32 v4, v9  }
0x41: {  	[tilespmem:s18+$0x120] =	vst v5;
	v3 =	vadd.f32 v3, v8  }
0x42: {  	[tilespmem:s18+$0x130] =	vst v4;
	v2 =	vadd.f32 v2, v6  }
0x43: {  	[tilespmem:s18+$0x140] =	vst v3;
	v1 =	vadd.f32 v1, v7  }
0x44: {  	s16 =	sadd.s32 $0x1, s16;
	[tilespmem:s18+$0x150] =	vst v2;
	v0 =	vadd.f32 v0, v63  }
0x45: {  	s17 =	sshll.u32 s17, $0x4;
	p0 =	sne.s32 s16, $0x19;
	[tilespmem:s18+$0x160] =	vst v1  }
.Ltmp1:
0x46: {  	s17 =	sadd.s32 s7, s17;
	[tilespmem:s18+$0x170] =	vst v0;
	(pc) =	sbr.rel @p0 .LBB2_2-.Ltmp1, $4  }
0x47: {  	[hbm4b:s17+s1] =	stream.linear.scatter [tilespmem:s12], [sflag:$0x2], $0x6400, $0x38;
	[tilespmem:$0xC900] =	vst v63  }
0x48: {  	_ =	swait.ge [sflag:s10], $0x6400  }
0x49: {  	[sflag:s10] =	ssyncset.done $0x0  }
0x4a: {  	[sflag:s10] =	ssyncadd.s32 $0xFFFF9C00  }
0x4b: {  	s15 =	sadd.s32 $0x1, s15  }
0x4c: {  	p0 =	sne.s32 s15, s9  }
.Ltmp2:
0x4d: {  	_ = 	snop;
	(pc) =	sbr.rel @p0 .LBB2_1-.Ltmp2, $1  }
0x4e: {  	_ =	sdelay $0x3  }
0x4f: {  	_ =	sfence.sel $0x180000  }
0x50: {  	[bflag:$0x0] =	sbarrier.arrive $0xFFFF  }
0x51: {  	p0 =	sne.s32 s2, $0x0;
	_ =	strace $0x9000004D  }
0x52: {  	s0 =	sadd.s32 @!p0 $0x100000, s0;
	[bflag:$0x2] =	sbarrier.arrive $0xFFFF  }
0x53: {  	[sflag:s0] =	ssyncadd.tile.s32 @!p0 $0x1;
	_ =	shalt  }
.Lfunc_end2:
_tile_overlayer_lowered:
.L_overlay_start_2:
0x54: {  	(tag) =	ssettag $0x2  }
0x55: {  	s0 =	rddreg [dreg:$0x0];
	s2 =	stileid.u32  }
0x56: {  	s1 =	rddreg [dreg:$0x1];
	p0 =	sne.s32 s2, $0x0  }
0x57: {  	s3 =	rddreg [dreg:$0x2];
	[bflag:$0x3] =	sbarrier.arrive $0xFFFF;
	s2 =	simm.s32 @!p0 $0x1C02  }
0x58: {  	[timem:s3], [sflag:s2] =	dma.local @!p0 [hbm:s0], s1  }
0x59: {  	s0 =	simm.s32 @!p0 $0x2  }
0x5a: {  	_ =	swait.ge @!p0 [sflag:s0], s1  }
0x5b: {  	s1 =	ssub.s32 @!p0 $0x0, s1;
	[sflag:s0] =	ssyncset.done @!p0 $0x0  }
0x5c: {  	[sflag:s0] =	ssyncadd.s32 @!p0 s1  }
0x5d: {  	[bflag:$0x3] =	sbarrier.arrive $0xFFFF  }
0x5e: {  	_ =	shalt  }

// kernel: kernel.46.cloned.1.call-start
scs
__scs_entry_jumppad:
0x0: {  	(pc) =	sbr.rel $0x88, $3  }
0x1: {  	(tag) =	ssettag $0x0;
	lr =	simm.s32 $0x1  }
0x2: {  	[smem:$0x3F4B] =	sst lr;
	_ =	strace $0xD0000000  }
0x3: {  	_ = 	snop  }
0x4: {  	_ = 	snop  }
0x5: {  	_ = 	snop  }
0x6: {  	_ = 	snop  }
0x7: {  	_ = 	snop  }
__scs_overlays_trampoline_lowered:
0x8: {  	[smem:$0x3F5A] =	sst s0  }
0x9: {  	[smem:$0x3F5B] =	sst s1  }
0xa: {  	[smem:$0x3F5C] =	sst s2  }
0xb: {  	[smem:$0x3F5D] =	sst s3  }
0xc: {  	[smem:$0x3F5E] =	sst s4  }
0xd: {  	[smem:$0x3F5F] =	sst s5  }
0xe: {  	[smem:$0x3F60] =	sst s6  }
0xf: {  	[smem:$0x3F61] =	sst s7  }
0x10: {  	[smem:$0x3F62] =	sst s8  }
0x11: {  	[smem:$0x3F63] =	sst s9;
	s0 =	simm.s32 @!p0 $0x0  }
0x12: {  	s1 =	sld [smem:$0x3F49];
	s0 =	simm.s32 @p0 $0x1  }
0x13: {  	[smem:$0x3F64] =	sst s0;
	s0 =	simm.s32 @!p1 $0x0  }
0x14: {  	s2 =	sld [smem:$0x3F48];
	s0 =	simm.s32 @p1 $0x1  }
0x15: {  	[smem:$0x3F65] =	sst s0;
	s0 =	simm.s32 @!p2 $0x0  }
0x16: {  	s3 =	sld [smem:$0x3FDB];
	s0 =	simm.s32 @p2 $0x1  }
0x17: {  	s4 =	simm.s32 $0x1BF5;
	[smem:$0x3F67] =	sst s0  }
0x18: {  	s0 =	sld [smem:$0x3F4A];
	_ =	swait.ge [sflag:s4], $0x0  }
0x19: {  	s7 =	sld [smem:$0x3F4B]  }
0x1a: {  	s8 =	sadd.s32 $0xFFFFE003, lr  }
0x1b: {  	s9 =	sadd.s32 $0xFFFFFEF7, lr;
	s5 =	simm.s32 $0xFFFFFFFF;
	p2 =	slt.u32 s8, $0xFFFFF086  }
0x1c: {  	p1 =	slt.u32 s9, $0xF7A;
	s5 =	simm.s32 @!p2 $0x0  }
0x1d: {  	s5 =	simm.s32 @p1 $0x1;
	p0 =	seq.s32 s7, s2  }
0x1e: {  	s7 =	smul.u32 @!p0 $0xF7A, s2;
	p2 =	seq.s32 @!p0 s5, $0x0  }
0x1f: {  	s9 =	smul.u32 $0xF7A, s1;
	s8 =	simm.s32 @!p0 $0x1BF5;
	p2 =	por !p2, p0  }
0x20: {  	[sflag:s8] =	ssyncset.s32 @!p0 $0xFFFFF086;
	s6 =	sadd.s32 @!p0 s3, s7;
	s7 =	simm.s32 @!p0 $0x108  }
0x21: {  	s3 =	sadd.s32 s3, s9;
	s6 =	sadd.s32 @!p0 $0x88, s6;
	s7 =	simm.s32 @p2 $0x1082  }
0x22: {  	[simem:s7], [sflag:s8] =	dma.local @!p0 [hbm:s6], $0xF7A  }
0x23: {  	s9 =	sor.u32 $0xD0000000, s2;
	s6 =	simm.s32 $0x108;
	_ =	swait.ge @!p0 [sflag:s8], $0x0  }
0x24: {  	s3 =	sadd.s32 $0x88, s3;
	s6 =	simm.s32 @!p1 $0x1082;
	[sflag:s4] =	ssyncset.s32 $0xFFFFF086  }
0x25: {  	[simem:s6], [sflag:s4] =	dma.local [hbm:s3], $0xF7A  }
0x26: {  	[smem:$0x3F4B] =	sst s1;
	(tag) =	ssettag s2;
	_ =	strace s9  }
0x27: {  	s1 =	sld [smem:$0x3F5B]  }
0x28: {  	s2 =	sld [smem:$0x3F5C]  }
0x29: {  	s4 =	sld [smem:$0x3F5E]  }
0x2a: {  	p0 =	seq.s32 s5, $0x0;
	s5 =	sld [smem:$0x3F5F]  }
0x2b: {  	s6 =	sld [smem:$0x3F60]  }
0x2c: {  	s7 =	sld [smem:$0x3F61]  }
0x2d: {  	s3 =	simm.s32 $0x108;
	s8 =	sld [smem:$0x3F62]  }
0x2e: {  	s3 =	simm.s32 @!p0 $0x1082;
	s9 =	sld [smem:$0x3F63]  }
0x2f: {  	lr =	sadd.s32 s0, s3;
	s0 =	sld [smem:$0x3F5A]  }
0x30: {  	s3 =	sld [smem:$0x3F5D]  }
0x31: {  	[smem:$0x3F66] =	sst s10  }
0x32: {  	s10 =	sld [smem:$0x3F64];
	_ =	sdelay $0x3  }
0x33: {  	p0 =	seq.s32 s10, $0x1;
	s10 =	sld [smem:$0x3F66];
	_ =	sdelay $0x3  }
0x34: {  	[smem:$0x3F66] =	sst s10  }
0x35: {  	s10 =	sld [smem:$0x3F65];
	_ =	sdelay $0x3  }
0x36: {  	p1 =	seq.s32 s10, $0x1;
	s10 =	sld [smem:$0x3F66];
	_ =	sdelay $0x3  }
0x37: {  	[smem:$0x3F66] =	sst s10  }
0x38: {  	s10 =	sld [smem:$0x3F67]  }
0x39: {  	_ = 	snop;
	(pc) =	sbr.ind lr, $3  }
0x3a: {  	_ = 	snop  }
0x3b: {  	_ = 	snop  }
0x3c: {  	p2 =	seq.s32 s10, $0x1;
	s10 =	sld [smem:$0x3F66]  }
0x3d: {  	_ =	shalt  }
0x3e: {  	_ =	shalt  }
0x3f: {  	_ =	shalt  }
0x40: {  	_ =	shalt  }
0x41: {  	_ =	shalt  }
0x42: {  	_ =	shalt  }
0x43: {  	_ =	shalt  }
0x44: {  	_ =	shalt  }
0x45: {  	_ =	shalt  }
0x46: {  	_ =	shalt  }
0x47: {  	_ =	shalt  }
0x48: {  	_ =	shalt  }
0x49: {  	_ =	shalt  }
0x4a: {  	_ =	shalt  }
0x4b: {  	_ =	shalt  }
0x4c: {  	_ =	shalt  }
0x4d: {  	_ =	shalt  }
0x4e: {  	_ =	shalt  }
0x4f: {  	_ =	shalt  }
0x50: {  	_ =	shalt  }
0x51: {  	_ =	shalt  }
0x52: {  	_ =	shalt  }
0x53: {  	_ =	shalt  }
0x54: {  	_ =	shalt  }
0x55: {  	_ =	shalt  }
0x56: {  	_ =	shalt  }
0x57: {  	_ =	shalt  }
0x58: {  	_ =	shalt  }
0x59: {  	_ =	shalt  }
0x5a: {  	_ =	shalt  }
0x5b: {  	_ =	shalt  }
0x5c: {  	_ =	shalt  }
0x5d: {  	_ =	shalt  }
0x5e: {  	_ =	shalt  }
0x5f: {  	_ =	shalt  }
0x60: {  	_ =	shalt  }
0x61: {  	_ =	shalt  }
0x62: {  	_ =	shalt  }
0x63: {  	_ =	shalt  }
0x64: {  	_ =	shalt  }
0x65: {  	_ =	shalt  }
0x66: {  	_ =	shalt  }
0x67: {  	_ =	shalt  }
0x68: {  	_ =	shalt  }
0x69: {  	_ =	shalt  }
0x6a: {  	_ =	shalt  }
0x6b: {  	_ =	shalt  }
0x6c: {  	_ =	shalt  }
0x6d: {  	_ =	shalt  }
0x6e: {  	_ =	shalt  }
0x6f: {  	_ =	shalt  }
0x70: {  	_ =	shalt  }
0x71: {  	_ =	shalt  }
0x72: {  	_ =	shalt  }
0x73: {  	_ =	shalt  }
0x74: {  	_ =	shalt  }
0x75: {  	_ =	shalt  }
0x76: {  	_ =	shalt  }
0x77: {  	_ =	shalt  }
0x78: {  	_ =	shalt  }
0x79: {  	_ =	shalt  }
0x7a: {  	_ =	shalt  }
0x7b: {  	_ =	shalt  }
0x7c: {  	_ =	shalt  }
0x7d: {  	_ =	shalt  }
0x7e: {  	_ =	shalt  }
0x7f: {  	_ =	shalt  }
0x80: {  	_ =	shalt  }
0x81: {  	_ =	shalt  }
0x82: {  	_ =	shalt  }
0x83: {  	_ =	shalt  }
0x84: {  	_ =	shalt  }
0x85: {  	_ =	shalt  }
0x86: {  	_ =	shalt  }
0x87: {  	_ =	shalt  }
.Lfunc_end0:
.L_simem_size_0:
called_computation.3_lowered:
.L_overlay_start_0:
0x88: {  	s2 =	sld [smem:$0x3FD9]  }
0x89: {  	s3 =	sld [smem:$0x3FFE];
	_ =	sdelay $0x1  }
0x8a: {  	s1 =	srdreg.scid  }
0x8b: {  	s0 =	sand.u32 $0x1, s1  }
0x8c: {  	s16 =	sshll.u32 s0, $0xA;
	s2 =	sadd.s32 s3, s2  }
0x8d: {  	s2 =	sadd.s32 s2, s16  }
0x8e: {  	[smem:$0x3F72] =	sst s2  }
0x8f: {  	_ = 	snop  }
0x90: {  	(tm) =	ssettm $0x1  }
0x91: {  	s17 =	sld [smem:$0x3FFB];
	_ =	sdelay $0x3  }
0x92: {  	_ =	strace s17  }
0x93: {  	s2 =	sld [smem:$0x3FFC];
	_ =	sdelay $0x3  }
0x94: {  	_ =	strace s2  }
0x95: {  	s2 =	sld [smem:$0x3FFD];
	_ =	sdelay $0x3  }
0x96: {  	_ =	strace s2  }
0x97: {  	_ =	strace $0x8FFFFFFF  }
0x98: {  	s18 =	sld [smem:$0x3FDB];
	_ =	sdelay $0x1  }
0x99: {  	s19 =	simm.s32 $_scs_section_size  }
0x9a: {  	s4 =	simm.s32 $_size__tile_overlayer_lowered;
	s5 =	simm.s32 $_tile_overlayer_lowered  }
0x9b: {  	s22 =	simm.s32 $0x1BFF;
	s21 =	sshll.u32 s5, $0x1;
	s2 =	sadd.s32 s19, s18  }
0x9c: {  	s6 =	simm.s32 $0x0;
	s20 =	sshll.u32 s4, $0x1;
	s4 =	sadd.s32 s21, s2  }
0x9d: {  	[timem:s6], [sflag:s22] =	dma.local [hbm:s4], s20  }
0x9e: {  	_ =	swait.ge [sflag:s22], s20  }
0x9f: {  	s3 =	ssub.s32 $0x0, s20;
	[sflag:s22] =	ssyncset.done $0x0  }
0xa0: {  	[sflag:s22] =	ssyncadd.s32 s3;
	_ =	sdelay $0x1  }
0xa1: {  	s23 =	simm.s32 $0x1B8B  }
0xa2: {  	_ =	swait.ge [sflag:s23], $0x1  }
0xa3: {  	[sflag:s23] =	ssyncset.done $0x0  }
0xa4: {  	s25 =	simm.s32 $0x1B8E;
	s24 =	sld [smem:$0x3FFE];
	[sflag:s23] =	ssyncadd.s32 $0xFFFFFFFF  }
0xa5: {  	s26 =	simm.s32 $execute0_lowered;
	[smem:$0x3FD2] =	sst s25  }
0xa6: {  	s4 =	sshll.u32 s26, $0x1;
	_ =	strace $0x8000004F;
	[dreg:$0x1] =	wrdreg $0xFFFFFFFF  }
0xa7: {  	s28 =	simm.s32 $_size_execute0_lowered;
	s2 =	sadd.s32 s2, s4;
	[dreg:$0x0] =	wrdreg $0x0  }
0xa8: {  	s4 =	sshll.u32 s28, $0x1;
	[dreg:$0x2] =	wrdreg s2  }
0xa9: {  	[dreg:$0x3] =	wrdreg s4  }
0xaa: {  	[dreg:$0x4] =	wrdreg $0xC0  }
0xab: {  	_ =	task [dreg:s6], $0x5FFFF  }
0xac: {  	[dreg:$0x1] =	wrdreg $0xFFFFFFFF  }
0xad: {  	[dreg:$0x0] =	wrdreg $0x60  }
0xae: {  	[dreg:$0x2] =	wrdreg s24  }
0xaf: {  	[dreg:$0x3] =	wrdreg $0x9  }
0xb0: {  	_ =	task.clear_ibuf [dreg:s6], $0x4FFFF;
	_ =	strace $0x9000004F  }
0xb1: {  	s29 =	simm.s32 $0x9;
	_ =	strace $0x80000051  }
0xb2: {  	_ =	swait.ge [sflag:s29], $0x1  }
0xb3: {  	[sflag:s29] =	ssyncadd.s32 $0xFFFFFFFF  }
0xb4: {  	_ =	strace $0x90000051  }
0xb5: {  	_ =	sfence  }
0xb6: {  	s30 =	sld [smem:$0x0];
	_ =	sdelay $0x2  }
0xb7: {  	s31 =	sshll.u32 s1, $0xD;
	s1 =	sshrl.u32 s1, $0x2  }
0xb8: {  	s3 =	sand.u32 $0x4000, s31;
	s1 =	sadd.s32 s1, s30  }
0xb9: {  	s0 =	sor.u32 s3, s0;
	s1 =	sshll.u32 s1, $0x11  }
0xba: {  	s0 =	sor.u32 s1, s0  }
0xbb: {  	s0 =	sadd.s32 $0x8F2B, s0  }
0xbc: {  	[sflag:s0] =	ssyncadd.remote.s32 $0x1  }
0xbd: {  	_ =	sfence.sel $0xFFFF  }
0xbe: {  	[dreg:$0x0] =	wrdreg $0xFFFFFFFF;
	(pc) =	sbr.abs _section_cstart, $3  }
0xbf: {  	[dreg:$0x1] =	wrdreg $0xFFFFFFFF  }
0xc0: {  	_ =	task.clear_ibuf [dreg:s6], $0x2FFFF;
	_ =	strace $0x9FFFFFFF  }
0xc1: {  	(tm) =	ssettm $0x7FFFFFFF  }
tec
execute0_lowered:
.L_overlay_start_1:
0x0: {  	(tag) =	ssettag $0x1  }
0x1: {  	s7 =	rddreg [dreg:$0x0]  }
0x2: {  	s0 =	rddreg [dreg:$0x1]  }
0x3: {  	s1 =	simm.s32 $0x0;
	s2 =	srdreg.scid;
	s12 =	simm.s32 $0x100  }
0x4: {  	s13 =	simm.s32 $0x1;
	s14 =	simm.s32 $0x6500;
	s15 =	simm.s32 $0x0  }
0x5: {  	[smem:$0x7FF] =	sst s1;
	s3 =	sadd.s32 $0x3B400, s7;
	s8 =	sand.u32 $0x1, s2  }
0x6: {  	s4 =	sadd.s32 $0x62600, s7;
	s2 =	stileid.u32;
	s5 =	sadd.s32 $0xBA600, s7  }
0x7: {  	s6 =	sadd.s32 $0xB5600, s7;
	s7 =	sadd.s32 $0xC4600, s7;
	s9 =	ssub.s32 $0x2, s8  }
0x8: {  	_ =	strace $0x80000050;
	s11 =	sshll.u32 s2, $0x1;
	s10 =	sshrl.u32 s9, $0x1  }
0x9: {  	s8 =	sor.u32 s8, s11;
	s11 =	simm.s32 $0xC8;
	s9 =	ssub.s32 s9, s10  }
0xa: {  	s8 =	smul.u32 $0x1388, s8;
	s10 =	simm.s32 $0x2;
	s9 =	smax.u32 s9, $0x1  }
.LBB2_1:
0xb: {  	s16 =	simm.s32 $0x0  }
.LBB2_2:
0xc: {  	s17 =	smul.u32 $0xC8, s16;
	_ =	sdelay $0x1  }
0xd: {  	s17 =	sadd.s32 s8, s17  }
0xe: {  	s18 =	sshrl.u32 s17, $0x3  }
0xf: {  	s20 =	simm.s32 $0x0;
	s19 =	sadd.s32 s5, s18  }
0x10: {  	[tilespmem:s20], [sflag:$0x2] =	stream.linear.gather [hbm4b:s19+s20], $0xC8, $0x38;
	[tilespmem:$0xC900] =	vst v63  }
0x11: {  	_ =	swait.ge [sflag:s10], $0xC8  }
0x12: {  	[sflag:s10] =	ssyncset.done $0x0  }
0x13: {  	[sflag:s10] =	ssyncadd.s32 $0xFFFFFF38  }
0x14: {  	[tilespmem:s12], [sflag:$0x1] =	stream.indirect.gather [hbm4b:s3+s11], $0x80, s20, s11, $0xb8;
	[tilespmem:$0xC900] =	vst v63  }
0x15: {  	_ =	swait.ge [sflag:s13], $0x6400  }
0x16: {  	[sflag:s13] =	ssyncset.done $0x0  }
0x17: {  	s18 =	sadd.s32 s6, s18;
	[sflag:s13] =	ssyncadd.s32 $0xFFFF9C00  }
0x18: {  	[tilespmem:s20], [sflag:$0x2] =	stream.linear.gather [hbm4b:s18+s20], $0xC8, $0x38;
	[tilespmem:$0xC900] =	vst v63  }
0x19: {  	_ =	swait.ge [sflag:s10], $0xC8  }
0x1a: {  	[sflag:s10] =	ssyncset.done $0x0  }
0x1b: {  	[sflag:s10] =	ssyncadd.s32 $0xFFFFFF38  }
0x1c: {  	[tilespmem:s14], [sflag:$0x1] =	stream.indirect.gather [hbm4b:s4+s11], $0x80, s20, s11, $0xb8;
	[tilespmem:$0xC900] =	vst v63  }
0x1d: {  	_ =	swait.ge [sflag:s13], $0x6400  }
0x1e: {  	[sflag:s13] =	ssyncset.done $0x0  }
0x1f: {  	s18 =	simm.s32 $0x0;
	[sflag:s13] =	ssyncadd.s32 $0xFFFF9C00  }
0x20: {  	v7 =	vld [tilespmem:s18+$0x6500]  }
0x21: {  	v11 =	vld [tilespmem:s18+$0x6510]  }
0x22: {  	v5 =	vld [tilespmem:s18+$0x6520]  }
0x23: {  	v4 =	vld [tilespmem:s18+$0x6530]  }
0x24: {  	v3 =	vld [tilespmem:s18+$0x6540]  }
0x25: {  	v2 =	vld [tilespmem:s18+$0x6550]  }
0x26: {  	v1 =	vld [tilespmem:s18+$0x6560]  }
0x27: {  	v0 =	vld [tilespmem:s18+$0x6570]  }
0x28: {  	v12 =	vld [tilespmem:s18+$0x100]  }
0x29: {  	v13 =	vld [tilespmem:s18+$0x110]  }
0x2a: {  	v10 =	vld [tilespmem:s18+$0x120]  }
0x2b: {  	v9 =	vld [tilespmem:s18+$0x130]  }
0x2c: {  	v8 =	vld [tilespmem:s18+$0x140]  }
0x2d: {  	v6 =	vld [tilespmem:s18+$0x150];
	v12 =	vadd.f32 v7, v12  }
0x2e: {  	s19 =	simm.s32 $0x200;
	v11 =	vadd.f32 v11, v13;
	v7 =	vld [tilespmem:s18+$0x160]  }
.LBB2_3:
0x2f: {  	s20 =	sshra.s32 s19, $0x2;
	p0 =	sne.s32 s19, $0x18E00;
	[tilespmem:s18+$0x100] =	vst v12;
	v5 =	vadd.f32 v5, v10;
	v10 =	vld [tilespmem:s18+$0x170]  }
0x30: {  	v12 =	vld [tilespmem:s20+$0x6500];
	[tilespmem:s18+$0x110] =	vst v11;
	v4 =	vadd.f32 v4, v9  }
0x31: {  	v11 =	vld [tilespmem:s20+$0x6510];
	[tilespmem:s18+$0x120] =	vst v5;
	v3 =	vadd.f32 v3, v8  }
0x32: {  	v5 =	vld [tilespmem:s20+$0x6520];
	[tilespmem:s18+$0x130] =	vst v4;
	v2 =	vadd.f32 v2, v6  }
0x33: {  	v4 =	vld [tilespmem:s20+$0x6530];
	[tilespmem:s18+$0x140] =	vst v3;
	v1 =	vadd.f32 v1, v7  }
0x34: {  	v3 =	vld [tilespmem:s20+$0x6540];
	[tilespmem:s18+$0x150] =	vst v2;
	v0 =	vadd.f32 v0, v10  }
0x35: {  	v2 =	vld [tilespmem:s20+$0x6550];
	[tilespmem:s18+$0x160] =	vst v1  }
0x36: {  	v1 =	vld [tilespmem:s20+$0x6560];
	[tilespmem:s18+$0x170] =	vst v0;
	s18 =	smov.u32 s20  }
0x37: {  	v0 =	vld [tilespmem:s18+$0x6570]  }
0x38: {  	v6 =	vld [tilespmem:s18+$0x100]  }
0x39: {  	v7 =	vld [tilespmem:s18+$0x110]  }
.Ltmp0:
0x3a: {  	v10 =	vld [tilespmem:s18+$0x120];
	(pc) =	sbr.rel @p0 .LBB2_3-.Ltmp0, $4  }
0x3b: {  	v9 =	vld [tilespmem:s18+$0x130]  }
0x3c: {  	v8 =	vld [tilespmem:s18+$0x140]  }
0x3d: {  	v12 =	vadd.f32 v12, v6;
	v6 =	vld [tilespmem:s18+$0x150]  }
0x3e: {  	s19 =	sadd.s32 $0x200, s19;
	v11 =	vadd.f32 v11, v7;
	v7 =	vld [tilespmem:s18+$0x160]  }
0x3f: {  	[tilespmem:s18+$0x100] =	vst v12;
	v5 =	vadd.f32 v5, v10;
	v63 =	vld [tilespmem:s18+$0x170]  }
0x40: {  	[tilespmem:s18+$0x110] =	vst v11;
	v4 =	vadd.f32 v4, v9  }
0x41: {  	[tilespmem:s18+$0x120] =	vst v5;
	v3 =	vadd.f32 v3, v8  }
0x42: {  	[tilespmem:s18+$0x130] =	vst v4;
	v2 =	vadd.f32 v2, v6  }
0x43: {  	[tilespmem:s18+$0x140] =	vst v3;
	v1 =	vadd.f32 v1, v7  }
0x44: {  	s16 =	sadd.s32 $0x1, s16;
	[tilespmem:s18+$0x150] =	vst v2;
	v0 =	vadd.f32 v0, v63  }
0x45: {  	s17 =	sshll.u32 s17, $0x4;
	p0 =	sne.s32 s16, $0x19;
	[tilespmem:s18+$0x160] =	vst v1  }
.Ltmp1:
0x46: {  	s17 =	sadd.s32 s7, s17;
	[tilespmem:s18+$0x170] =	vst v0;
	(pc) =	sbr.rel @p0 .LBB2_2-.Ltmp1, $4  }
0x47: {  	[hbm4b:s17+s1] =	stream.linear.scatter [tilespmem:s12], [sflag:$0x2], $0x6400, $0x38;
	[tilespmem:$0xC900] =	vst v63  }
0x48: {  	_ =	swait.ge [sflag:s10], $0x6400  }
0x49: {  	[sflag:s10] =	ssyncset.done $0x0  }
0x4a: {  	[sflag:s10] =	ssyncadd.s32 $0xFFFF9C00  }
0x4b: {  	s15 =	sadd.s32 $0x1, s15  }
0x4c: {  	p0 =	sne.s32 s15, s9  }
.Ltmp2:
0x4d: {  	_ = 	snop;
	(pc) =	sbr.rel @p0 .LBB2_1-.Ltmp2, $1  }
0x4e: {  	_ =	sdelay $0x3  }
0x4f: {  	_ =	sfence.sel $0x180000  }
0x50: {  	[bflag:$0x0] =	sbarrier.arrive $0xFFFF  }
0x51: {  	p0 =	sne.s32 s2, $0x0;
	_ =	strace $0x90000050  }
0x52: {  	s0 =	sadd.s32 @!p0 $0x100000, s0;
	[bflag:$0x2] =	sbarrier.arrive $0xFFFF  }
0x53: {  	[sflag:s0] =	ssyncadd.tile.s32 @!p0 $0x1;
	_ =	shalt  }
.Lfunc_end2:
_tile_overlayer_lowered:
.L_overlay_start_2:
0x54: {  	(tag) =	ssettag $0x2  }
0x55: {  	s0 =	rddreg [dreg:$0x0];
	s2 =	stileid.u32  }
0x56: {  	s1 =	rddreg [dreg:$0x1];
	p0 =	sne.s32 s2, $0x0  }
0x57: {  	s3 =	rddreg [dreg:$0x2];
	[bflag:$0x3] =	sbarrier.arrive $0xFFFF;
	s2 =	simm.s32 @!p0 $0x1C02  }
0x58: {  	[timem:s3], [sflag:s2] =	dma.local @!p0 [hbm:s0], s1  }
0x59: {  	s0 =	simm.s32 @!p0 $0x2  }
0x5a: {  	_ =	swait.ge @!p0 [sflag:s0], s1  }
0x5b: {  	s1 =	ssub.s32 @!p0 $0x0, s1;
	[sflag:s0] =	ssyncset.done @!p0 $0x0  }
0x5c: {  	[sflag:s0] =	ssyncadd.s32 @!p0 s1  }
0x5d: {  	[bflag:$0x3] =	sbarrier.arrive $0xFFFF  }
0x5e: {  	_ =	shalt  }

// kernel: kernel.49.cloned.1.call-start
scs
__scs_entry_jumppad:
0x0: {  	(pc) =	sbr.rel $0x88, $3  }
0x1: {  	(tag) =	ssettag $0x0;
	lr =	simm.s32 $0x1  }
0x2: {  	[smem:$0x3F4B] =	sst lr;
	_ =	strace $0xD0000000  }
0x3: {  	_ = 	snop  }
0x4: {  	_ = 	snop  }
0x5: {  	_ = 	snop  }
0x6: {  	_ = 	snop  }
0x7: {  	_ = 	snop  }
__scs_overlays_trampoline_lowered:
0x8: {  	[smem:$0x3F5A] =	sst s0  }
0x9: {  	[smem:$0x3F5B] =	sst s1  }
0xa: {  	[smem:$0x3F5C] =	sst s2  }
0xb: {  	[smem:$0x3F5D] =	sst s3  }
0xc: {  	[smem:$0x3F5E] =	sst s4  }
0xd: {  	[smem:$0x3F5F] =	sst s5  }
0xe: {  	[smem:$0x3F60] =	sst s6  }
0xf: {  	[smem:$0x3F61] =	sst s7  }
0x10: {  	[smem:$0x3F62] =	sst s8  }
0x11: {  	[smem:$0x3F63] =	sst s9;
	s0 =	simm.s32 @!p0 $0x0  }
0x12: {  	s1 =	sld [smem:$0x3F49];
	s0 =	simm.s32 @p0 $0x1  }
0x13: {  	[smem:$0x3F64] =	sst s0;
	s0 =	simm.s32 @!p1 $0x0  }
0x14: {  	s2 =	sld [smem:$0x3F48];
	s0 =	simm.s32 @p1 $0x1  }
0x15: {  	[smem:$0x3F65] =	sst s0;
	s0 =	simm.s32 @!p2 $0x0  }
0x16: {  	s3 =	sld [smem:$0x3FDB];
	s0 =	simm.s32 @p2 $0x1  }
0x17: {  	s4 =	simm.s32 $0x1BF5;
	[smem:$0x3F67] =	sst s0  }
0x18: {  	s0 =	sld [smem:$0x3F4A];
	_ =	swait.ge [sflag:s4], $0x0  }
0x19: {  	s7 =	sld [smem:$0x3F4B]  }
0x1a: {  	s8 =	sadd.s32 $0xFFFFE003, lr  }
0x1b: {  	s9 =	sadd.s32 $0xFFFFFEF7, lr;
	s5 =	simm.s32 $0xFFFFFFFF;
	p2 =	slt.u32 s8, $0xFFFFF086  }
0x1c: {  	p1 =	slt.u32 s9, $0xF7A;
	s5 =	simm.s32 @!p2 $0x0  }
0x1d: {  	s5 =	simm.s32 @p1 $0x1;
	p0 =	seq.s32 s7, s2  }
0x1e: {  	s7 =	smul.u32 @!p0 $0xF7A, s2;
	p2 =	seq.s32 @!p0 s5, $0x0  }
0x1f: {  	s9 =	smul.u32 $0xF7A, s1;
	s8 =	simm.s32 @!p0 $0x1BF5;
	p2 =	por !p2, p0  }
0x20: {  	[sflag:s8] =	ssyncset.s32 @!p0 $0xFFFFF086;
	s6 =	sadd.s32 @!p0 s3, s7;
	s7 =	simm.s32 @!p0 $0x108  }
0x21: {  	s3 =	sadd.s32 s3, s9;
	s6 =	sadd.s32 @!p0 $0x88, s6;
	s7 =	simm.s32 @p2 $0x1082  }
0x22: {  	[simem:s7], [sflag:s8] =	dma.local @!p0 [hbm:s6], $0xF7A  }
0x23: {  	s9 =	sor.u32 $0xD0000000, s2;
	s6 =	simm.s32 $0x108;
	_ =	swait.ge @!p0 [sflag:s8], $0x0  }
0x24: {  	s3 =	sadd.s32 $0x88, s3;
	s6 =	simm.s32 @!p1 $0x1082;
	[sflag:s4] =	ssyncset.s32 $0xFFFFF086  }
0x25: {  	[simem:s6], [sflag:s4] =	dma.local [hbm:s3], $0xF7A  }
0x26: {  	[smem:$0x3F4B] =	sst s1;
	(tag) =	ssettag s2;
	_ =	strace s9  }
0x27: {  	s1 =	sld [smem:$0x3F5B]  }
0x28: {  	s2 =	sld [smem:$0x3F5C]  }
0x29: {  	s4 =	sld [smem:$0x3F5E]  }
0x2a: {  	p0 =	seq.s32 s5, $0x0;
	s5 =	sld [smem:$0x3F5F]  }
0x2b: {  	s6 =	sld [smem:$0x3F60]  }
0x2c: {  	s7 =	sld [smem:$0x3F61]  }
0x2d: {  	s3 =	simm.s32 $0x108;
	s8 =	sld [smem:$0x3F62]  }
0x2e: {  	s3 =	simm.s32 @!p0 $0x1082;
	s9 =	sld [smem:$0x3F63]  }
0x2f: {  	lr =	sadd.s32 s0, s3;
	s0 =	sld [smem:$0x3F5A]  }
0x30: {  	s3 =	sld [smem:$0x3F5D]  }
0x31: {  	[smem:$0x3F66] =	sst s10  }
0x32: {  	s10 =	sld [smem:$0x3F64];
	_ =	sdelay $0x3  }
0x33: {  	p0 =	seq.s32 s10, $0x1;
	s10 =	sld [smem:$0x3F66];
	_ =	sdelay $0x3  }
0x34: {  	[smem:$0x3F66] =	sst s10  }
0x35: {  	s10 =	sld [smem:$0x3F65];
	_ =	sdelay $0x3  }
0x36: {  	p1 =	seq.s32 s10, $0x1;
	s10 =	sld [smem:$0x3F66];
	_ =	sdelay $0x3  }
0x37: {  	[smem:$0x3F66] =	sst s10  }
0x38: {  	s10 =	sld [smem:$0x3F67]  }
0x39: {  	_ = 	snop;
	(pc) =	sbr.ind lr, $3  }
0x3a: {  	_ = 	snop  }
0x3b: {  	_ = 	snop  }
0x3c: {  	p2 =	seq.s32 s10, $0x1;
	s10 =	sld [smem:$0x3F66]  }
0x3d: {  	_ =	shalt  }
0x3e: {  	_ =	shalt  }
0x3f: {  	_ =	shalt  }
0x40: {  	_ =	shalt  }
0x41: {  	_ =	shalt  }
0x42: {  	_ =	shalt  }
0x43: {  	_ =	shalt  }
0x44: {  	_ =	shalt  }
0x45: {  	_ =	shalt  }
0x46: {  	_ =	shalt  }
0x47: {  	_ =	shalt  }
0x48: {  	_ =	shalt  }
0x49: {  	_ =	shalt  }
0x4a: {  	_ =	shalt  }
0x4b: {  	_ =	shalt  }
0x4c: {  	_ =	shalt  }
0x4d: {  	_ =	shalt  }
0x4e: {  	_ =	shalt  }
0x4f: {  	_ =	shalt  }
0x50: {  	_ =	shalt  }
0x51: {  	_ =	shalt  }
0x52: {  	_ =	shalt  }
0x53: {  	_ =	shalt  }
0x54: {  	_ =	shalt  }
0x55: {  	_ =	shalt  }
0x56: {  	_ =	shalt  }
0x57: {  	_ =	shalt  }
0x58: {  	_ =	shalt  }
0x59: {  	_ =	shalt  }
0x5a: {  	_ =	shalt  }
0x5b: {  	_ =	shalt  }
0x5c: {  	_ =	shalt  }
0x5d: {  	_ =	shalt  }
0x5e: {  	_ =	shalt  }
0x5f: {  	_ =	shalt  }
0x60: {  	_ =	shalt  }
0x61: {  	_ =	shalt  }
0x62: {  	_ =	shalt  }
0x63: {  	_ =	shalt  }
0x64: {  	_ =	shalt  }
0x65: {  	_ =	shalt  }
0x66: {  	_ =	shalt  }
0x67: {  	_ =	shalt  }
0x68: {  	_ =	shalt  }
0x69: {  	_ =	shalt  }
0x6a: {  	_ =	shalt  }
0x6b: {  	_ =	shalt  }
0x6c: {  	_ =	shalt  }
0x6d: {  	_ =	shalt  }
0x6e: {  	_ =	shalt  }
0x6f: {  	_ =	shalt  }
0x70: {  	_ =	shalt  }
0x71: {  	_ =	shalt  }
0x72: {  	_ =	shalt  }
0x73: {  	_ =	shalt  }
0x74: {  	_ =	shalt  }
0x75: {  	_ =	shalt  }
0x76: {  	_ =	shalt  }
0x77: {  	_ =	shalt  }
0x78: {  	_ =	shalt  }
0x79: {  	_ =	shalt  }
0x7a: {  	_ =	shalt  }
0x7b: {  	_ =	shalt  }
0x7c: {  	_ =	shalt  }
0x7d: {  	_ =	shalt  }
0x7e: {  	_ =	shalt  }
0x7f: {  	_ =	shalt  }
0x80: {  	_ =	shalt  }
0x81: {  	_ =	shalt  }
0x82: {  	_ =	shalt  }
0x83: {  	_ =	shalt  }
0x84: {  	_ =	shalt  }
0x85: {  	_ =	shalt  }
0x86: {  	_ =	shalt  }
0x87: {  	_ =	shalt  }
.Lfunc_end0:
.L_simem_size_0:
called_computation.4_lowered:
.L_overlay_start_0:
0x88: {  	s2 =	sld [smem:$0x3FD9]  }
0x89: {  	s3 =	sld [smem:$0x3FFE];
	_ =	sdelay $0x1  }
0x8a: {  	s1 =	srdreg.scid  }
0x8b: {  	s0 =	sand.u32 $0x1, s1  }
0x8c: {  	s16 =	sshll.u32 s0, $0xA;
	s2 =	sadd.s32 s3, s2  }
0x8d: {  	s2 =	sadd.s32 s2, s16  }
0x8e: {  	[smem:$0x3F72] =	sst s2  }
0x8f: {  	_ = 	snop  }
0x90: {  	(tm) =	ssettm $0x1  }
0x91: {  	s17 =	sld [smem:$0x3FFB];
	_ =	sdelay $0x3  }
0x92: {  	_ =	strace s17  }
0x93: {  	s2 =	sld [smem:$0x3FFC];
	_ =	sdelay $0x3  }
0x94: {  	_ =	strace s2  }
0x95: {  	s2 =	sld [smem:$0x3FFD];
	_ =	sdelay $0x3  }
0x96: {  	_ =	strace s2  }
0x97: {  	_ =	strace $0x8FFFFFFF  }
0x98: {  	s18 =	sld [smem:$0x3FDB];
	_ =	sdelay $0x1  }
0x99: {  	s19 =	simm.s32 $_scs_section_size  }
0x9a: {  	s4 =	simm.s32 $_size__tile_overlayer_lowered;
	s5 =	simm.s32 $_tile_overlayer_lowered  }
0x9b: {  	s22 =	simm.s32 $0x1BFF;
	s21 =	sshll.u32 s5, $0x1;
	s2 =	sadd.s32 s19, s18  }
0x9c: {  	s6 =	simm.s32 $0x0;
	s20 =	sshll.u32 s4, $0x1;
	s4 =	sadd.s32 s21, s2  }
0x9d: {  	[timem:s6], [sflag:s22] =	dma.local [hbm:s4], s20  }
0x9e: {  	_ =	swait.ge [sflag:s22], s20  }
0x9f: {  	s3 =	ssub.s32 $0x0, s20;
	[sflag:s22] =	ssyncset.done $0x0  }
0xa0: {  	[sflag:s22] =	ssyncadd.s32 s3;
	_ =	sdelay $0x1  }
0xa1: {  	s23 =	simm.s32 $0x1B8B  }
0xa2: {  	_ =	swait.ge [sflag:s23], $0x1  }
0xa3: {  	[sflag:s23] =	ssyncset.done $0x0  }
0xa4: {  	s25 =	simm.s32 $0x1B8E;
	s24 =	sld [smem:$0x3FFE];
	[sflag:s23] =	ssyncadd.s32 $0xFFFFFFFF  }
0xa5: {  	s26 =	simm.s32 $execute0_lowered;
	[smem:$0x3FD2] =	sst s25  }
0xa6: {  	s4 =	sshll.u32 s26, $0x1;
	_ =	strace $0x80000052;
	[dreg:$0x1] =	wrdreg $0xFFFFFFFF  }
0xa7: {  	s28 =	simm.s32 $_size_execute0_lowered;
	s2 =	sadd.s32 s2, s4;
	[dreg:$0x0] =	wrdreg $0x0  }
0xa8: {  	s4 =	sshll.u32 s28, $0x1;
	[dreg:$0x2] =	wrdreg s2  }
0xa9: {  	[dreg:$0x3] =	wrdreg s4  }
0xaa: {  	[dreg:$0x4] =	wrdreg $0xC0  }
0xab: {  	_ =	task [dreg:s6], $0x5FFFF  }
0xac: {  	[dreg:$0x1] =	wrdreg $0xFFFFFFFF  }
0xad: {  	[dreg:$0x0] =	wrdreg $0x60  }
0xae: {  	[dreg:$0x2] =	wrdreg s24  }
0xaf: {  	[dreg:$0x3] =	wrdreg $0x9  }
0xb0: {  	_ =	task.clear_ibuf [dreg:s6], $0x4FFFF;
	_ =	strace $0x90000052  }
0xb1: {  	s29 =	simm.s32 $0x9;
	_ =	strace $0x80000054  }
0xb2: {  	_ =	swait.ge [sflag:s29], $0x1  }
0xb3: {  	[sflag:s29] =	ssyncadd.s32 $0xFFFFFFFF  }
0xb4: {  	_ =	strace $0x90000054  }
0xb5: {  	_ =	sfence  }
0xb6: {  	s30 =	sld [smem:$0x0];
	_ =	sdelay $0x2  }
0xb7: {  	s31 =	sshll.u32 s1, $0xD;
	s1 =	sshrl.u32 s1, $0x2  }
0xb8: {  	s3 =	sand.u32 $0x4000, s31;
	s1 =	sadd.s32 s1, s30  }
0xb9: {  	s0 =	sor.u32 s3, s0;
	s1 =	sshll.u32 s1, $0x11  }
0xba: {  	s0 =	sor.u32 s1, s0  }
0xbb: {  	s0 =	sadd.s32 $0x8F2B, s0  }
0xbc: {  	[sflag:s0] =	ssyncadd.remote.s32 $0x1  }
0xbd: {  	_ =	sfence.sel $0xFFFF  }
0xbe: {  	[dreg:$0x0] =	wrdreg $0xFFFFFFFF;
	(pc) =	sbr.abs _section_cstart, $3  }
0xbf: {  	[dreg:$0x1] =	wrdreg $0xFFFFFFFF  }
0xc0: {  	_ =	task.clear_ibuf [dreg:s6], $0x2FFFF;
	_ =	strace $0x9FFFFFFF  }
0xc1: {  	(tm) =	ssettm $0x7FFFFFFF  }
tec
execute0_lowered:
.L_overlay_start_1:
0x0: {  	(tag) =	ssettag $0x1  }
0x1: {  	s7 =	rddreg [dreg:$0x0]  }
0x2: {  	s0 =	rddreg [dreg:$0x1]  }
0x3: {  	s1 =	simm.s32 $0x0;
	s2 =	srdreg.scid;
	s12 =	simm.s32 $0x100  }
0x4: {  	s13 =	simm.s32 $0x1;
	s14 =	simm.s32 $0x6500;
	s15 =	simm.s32 $0x0  }
0x5: {  	[smem:$0x7FF] =	sst s1;
	s3 =	sadd.s32 $0x3B400, s7;
	s8 =	sand.u32 $0x1, s2  }
0x6: {  	s4 =	sadd.s32 $0x62600, s7;
	s2 =	stileid.u32;
	s5 =	sadd.s32 $0xBA600, s7  }
0x7: {  	s6 =	sadd.s32 $0xB5600, s7;
	s7 =	sadd.s32 $0xC4600, s7;
	s9 =	ssub.s32 $0x2, s8  }
0x8: {  	_ =	strace $0x80000053;
	s11 =	sshll.u32 s2, $0x1;
	s10 =	sshrl.u32 s9, $0x1  }
0x9: {  	s8 =	sor.u32 s8, s11;
	s11 =	simm.s32 $0xC8;
	s9 =	ssub.s32 s9, s10  }
0xa: {  	s8 =	smul.u32 $0x1388, s8;
	s10 =	simm.s32 $0x2;
	s9 =	smax.u32 s9, $0x1  }
.LBB2_1:
0xb: {  	s16 =	simm.s32 $0x0  }
.LBB2_2:
0xc: {  	s17 =	smul.u32 $0xC8, s16;
	_ =	sdelay $0x1  }
0xd: {  	s17 =	sadd.s32 s8, s17  }
0xe: {  	s18 =	sshrl.u32 s17, $0x3  }
0xf: {  	s20 =	simm.s32 $0x0;
	s19 =	sadd.s32 s5, s18  }
0x10: {  	[tilespmem:s20], [sflag:$0x2] =	stream.linear.gather [hbm4b:s19+s20], $0xC8, $0x38;
	[tilespmem:$0xC900] =	vst v63  }
0x11: {  	_ =	swait.ge [sflag:s10], $0xC8  }
0x12: {  	[sflag:s10] =	ssyncset.done $0x0  }
0x13: {  	[sflag:s10] =	ssyncadd.s32 $0xFFFFFF38  }
0x14: {  	[tilespmem:s12], [sflag:$0x1] =	stream.indirect.gather [hbm4b:s3+s11], $0x80, s20, s11, $0xb8;
	[tilespmem:$0xC900] =	vst v63  }
0x15: {  	_ =	swait.ge [sflag:s13], $0x6400  }
0x16: {  	[sflag:s13] =	ssyncset.done $0x0  }
0x17: {  	s18 =	sadd.s32 s6, s18;
	[sflag:s13] =	ssyncadd.s32 $0xFFFF9C00  }
0x18: {  	[tilespmem:s20], [sflag:$0x2] =	stream.linear.gather [hbm4b:s18+s20], $0xC8, $0x38;
	[tilespmem:$0xC900] =	vst v63  }
0x19: {  	_ =	swait.ge [sflag:s10], $0xC8  }
0x1a: {  	[sflag:s10] =	ssyncset.done $0x0  }
0x1b: {  	[sflag:s10] =	ssyncadd.s32 $0xFFFFFF38  }
0x1c: {  	[tilespmem:s14], [sflag:$0x1] =	stream.indirect.gather [hbm4b:s4+s11], $0x80, s20, s11, $0xb8;
	[tilespmem:$0xC900] =	vst v63  }
0x1d: {  	_ =	swait.ge [sflag:s13], $0x6400  }
0x1e: {  	[sflag:s13] =	ssyncset.done $0x0  }
0x1f: {  	s18 =	simm.s32 $0x0;
	[sflag:s13] =	ssyncadd.s32 $0xFFFF9C00  }
0x20: {  	v7 =	vld [tilespmem:s18+$0x6500]  }
0x21: {  	v11 =	vld [tilespmem:s18+$0x6510]  }
0x22: {  	v5 =	vld [tilespmem:s18+$0x6520]  }
0x23: {  	v4 =	vld [tilespmem:s18+$0x6530]  }
0x24: {  	v3 =	vld [tilespmem:s18+$0x6540]  }
0x25: {  	v2 =	vld [tilespmem:s18+$0x6550]  }
0x26: {  	v1 =	vld [tilespmem:s18+$0x6560]  }
0x27: {  	v0 =	vld [tilespmem:s18+$0x6570]  }
0x28: {  	v12 =	vld [tilespmem:s18+$0x100]  }
0x29: {  	v13 =	vld [tilespmem:s18+$0x110]  }
0x2a: {  	v10 =	vld [tilespmem:s18+$0x120]  }
0x2b: {  	v9 =	vld [tilespmem:s18+$0x130]  }
0x2c: {  	v8 =	vld [tilespmem:s18+$0x140]  }
0x2d: {  	v6 =	vld [tilespmem:s18+$0x150];
	v12 =	vadd.f32 v7, v12  }
0x2e: {  	s19 =	simm.s32 $0x200;
	v11 =	vadd.f32 v11, v13;
	v7 =	vld [tilespmem:s18+$0x160]  }
.LBB2_3:
0x2f: {  	s20 =	sshra.s32 s19, $0x2;
	p0 =	sne.s32 s19, $0x18E00;
	[tilespmem:s18+$0x100] =	vst v12;
	v5 =	vadd.f32 v5, v10;
	v10 =	vld [tilespmem:s18+$0x170]  }
0x30: {  	v12 =	vld [tilespmem:s20+$0x6500];
	[tilespmem:s18+$0x110] =	vst v11;
	v4 =	vadd.f32 v4, v9  }
0x31: {  	v11 =	vld [tilespmem:s20+$0x6510];
	[tilespmem:s18+$0x120] =	vst v5;
	v3 =	vadd.f32 v3, v8  }
0x32: {  	v5 =	vld [tilespmem:s20+$0x6520];
	[tilespmem:s18+$0x130] =	vst v4;
	v2 =	vadd.f32 v2, v6  }
0x33: {  	v4 =	vld [tilespmem:s20+$0x6530];
	[tilespmem:s18+$0x140] =	vst v3;
	v1 =	vadd.f32 v1, v7  }
0x34: {  	v3 =	vld [tilespmem:s20+$0x6540];
	[tilespmem:s18+$0x150] =	vst v2;
	v0 =	vadd.f32 v0, v10  }
0x35: {  	v2 =	vld [tilespmem:s20+$0x6550];
	[tilespmem:s18+$0x160] =	vst v1  }
0x36: {  	v1 =	vld [tilespmem:s20+$0x6560];
	[tilespmem:s18+$0x170] =	vst v0;
	s18 =	smov.u32 s20  }
0x37: {  	v0 =	vld [tilespmem:s18+$0x6570]  }
0x38: {  	v6 =	vld [tilespmem:s18+$0x100]  }
0x39: {  	v7 =	vld [tilespmem:s18+$0x110]  }
.Ltmp0:
0x3a: {  	v10 =	vld [tilespmem:s18+$0x120];
	(pc) =	sbr.rel @p0 .LBB2_3-.Ltmp0, $4  }
0x3b: {  	v9 =	vld [tilespmem:s18+$0x130]  }
0x3c: {  	v8 =	vld [tilespmem:s18+$0x140]  }
0x3d: {  	v12 =	vadd.f32 v12, v6;
	v6 =	vld [tilespmem:s18+$0x150]  }
0x3e: {  	s19 =	sadd.s32 $0x200, s19;
	v11 =	vadd.f32 v11, v7;
	v7 =	vld [tilespmem:s18+$0x160]  }
0x3f: {  	[tilespmem:s18+$0x100] =	vst v12;
	v5 =	vadd.f32 v5, v10;
	v63 =	vld [tilespmem:s18+$0x170]  }
0x40: {  	[tilespmem:s18+$0x110] =	vst v11;
	v4 =	vadd.f32 v4, v9  }
0x41: {  	[tilespmem:s18+$0x120] =	vst v5;
	v3 =	vadd.f32 v3, v8  }
0x42: {  	[tilespmem:s18+$0x130] =	vst v4;
	v2 =	vadd.f32 v2, v6  }
0x43: {  	[tilespmem:s18+$0x140] =	vst v3;
	v1 =	vadd.f32 v1, v7  }
0x44: {  	s16 =	sadd.s32 $0x1, s16;
	[tilespmem:s18+$0x150] =	vst v2;
	v0 =	vadd.f32 v0, v63  }
0x45: {  	s17 =	sshll.u32 s17, $0x4;
	p0 =	sne.s32 s16, $0x19;
	[tilespmem:s18+$0x160] =	vst v1  }
.Ltmp1:
0x46: {  	s17 =	sadd.s32 s7, s17;
	[tilespmem:s18+$0x170] =	vst v0;
	(pc) =	sbr.rel @p0 .LBB2_2-.Ltmp1, $4  }
0x47: {  	[hbm4b:s17+s1] =	stream.linear.scatter [tilespmem:s12], [sflag:$0x2], $0x6400, $0x38;
	[tilespmem:$0xC900] =	vst v63  }
0x48: {  	_ =	swait.ge [sflag:s10], $0x6400  }
0x49: {  	[sflag:s10] =	ssyncset.done $0x0  }
0x4a: {  	[sflag:s10] =	ssyncadd.s32 $0xFFFF9C00  }
0x4b: {  	s15 =	sadd.s32 $0x1, s15  }
0x4c: {  	p0 =	sne.s32 s15, s9  }
.Ltmp2:
0x4d: {  	_ = 	snop;
	(pc) =	sbr.rel @p0 .LBB2_1-.Ltmp2, $1  }
0x4e: {  	_ =	sdelay $0x3  }
0x4f: {  	_ =	sfence.sel $0x180000  }
0x50: {  	[bflag:$0x0] =	sbarrier.arrive $0xFFFF  }
0x51: {  	p0 =	sne.s32 s2, $0x0;
	_ =	strace $0x90000053  }
0x52: {  	s0 =	sadd.s32 @!p0 $0x100000, s0;
	[bflag:$0x2] =	sbarrier.arrive $0xFFFF  }
0x53: {  	[sflag:s0] =	ssyncadd.tile.s32 @!p0 $0x1;
	_ =	shalt  }
.Lfunc_end2:
_tile_overlayer_lowered:
.L_overlay_start_2:
0x54: {  	(tag) =	ssettag $0x2  }
0x55: {  	s0 =	rddreg [dreg:$0x0];
	s2 =	stileid.u32  }
0x56: {  	s1 =	rddreg [dreg:$0x1];
	p0 =	sne.s32 s2, $0x0  }
0x57: {  	s3 =	rddreg [dreg:$0x2];
	[bflag:$0x3] =	sbarrier.arrive $0xFFFF;
	s2 =	simm.s32 @!p0 $0x1C02  }
0x58: {  	[timem:s3], [sflag:s2] =	dma.local @!p0 [hbm:s0], s1  }
0x59: {  	s0 =	simm.s32 @!p0 $0x2  }
0x5a: {  	_ =	swait.ge @!p0 [sflag:s0], s1  }
0x5b: {  	s1 =	ssub.s32 @!p0 $0x0, s1;
	[sflag:s0] =	ssyncset.done @!p0 $0x0  }
0x5c: {  	[sflag:s0] =	ssyncadd.s32 @!p0 s1  }
0x5d: {  	[bflag:$0x3] =	sbarrier.arrive $0xFFFF  }
0x5e: {  	_ =	shalt  }

// kernel: kernel.52.cloned.1.call-start
scs
__scs_entry_jumppad:
0x0: {  	(pc) =	sbr.rel $0x88, $3  }
0x1: {  	(tag) =	ssettag $0x0;
	lr =	simm.s32 $0x1  }
0x2: {  	[smem:$0x3F4B] =	sst lr;
	_ =	strace $0xD0000000  }
0x3: {  	_ = 	snop  }
0x4: {  	_ = 	snop  }
0x5: {  	_ = 	snop  }
0x6: {  	_ = 	snop  }
0x7: {  	_ = 	snop  }
__scs_overlays_trampoline_lowered:
0x8: {  	[smem:$0x3F5A] =	sst s0  }
0x9: {  	[smem:$0x3F5B] =	sst s1  }
0xa: {  	[smem:$0x3F5C] =	sst s2  }
0xb: {  	[smem:$0x3F5D] =	sst s3  }
0xc: {  	[smem:$0x3F5E] =	sst s4  }
0xd: {  	[smem:$0x3F5F] =	sst s5  }
0xe: {  	[smem:$0x3F60] =	sst s6  }
0xf: {  	[smem:$0x3F61] =	sst s7  }
0x10: {  	[smem:$0x3F62] =	sst s8  }
0x11: {  	[smem:$0x3F63] =	sst s9;
	s0 =	simm.s32 @!p0 $0x0  }
0x12: {  	s1 =	sld [smem:$0x3F49];
	s0 =	simm.s32 @p0 $0x1  }
0x13: {  	[smem:$0x3F64] =	sst s0;
	s0 =	simm.s32 @!p1 $0x0  }
0x14: {  	s2 =	sld [smem:$0x3F48];
	s0 =	simm.s32 @p1 $0x1  }
0x15: {  	[smem:$0x3F65] =	sst s0;
	s0 =	simm.s32 @!p2 $0x0  }
0x16: {  	s3 =	sld [smem:$0x3FDB];
	s0 =	simm.s32 @p2 $0x1  }
0x17: {  	s4 =	simm.s32 $0x1BF5;
	[smem:$0x3F67] =	sst s0  }
0x18: {  	s0 =	sld [smem:$0x3F4A];
	_ =	swait.ge [sflag:s4], $0x0  }
0x19: {  	s7 =	sld [smem:$0x3F4B]  }
0x1a: {  	s8 =	sadd.s32 $0xFFFFE003, lr  }
0x1b: {  	s9 =	sadd.s32 $0xFFFFFEF7, lr;
	s5 =	simm.s32 $0xFFFFFFFF;
	p2 =	slt.u32 s8, $0xFFFFF086  }
0x1c: {  	p1 =	slt.u32 s9, $0xF7A;
	s5 =	simm.s32 @!p2 $0x0  }
0x1d: {  	s5 =	simm.s32 @p1 $0x1;
	p0 =	seq.s32 s7, s2  }
0x1e: {  	s7 =	smul.u32 @!p0 $0xF7A, s2;
	p2 =	seq.s32 @!p0 s5, $0x0  }
0x1f: {  	s9 =	smul.u32 $0xF7A, s1;
	s8 =	simm.s32 @!p0 $0x1BF5;
	p2 =	por !p2, p0  }
0x20: {  	[sflag:s8] =	ssyncset.s32 @!p0 $0xFFFFF086;
	s6 =	sadd.s32 @!p0 s3, s7;
	s7 =	simm.s32 @!p0 $0x108  }
0x21: {  	s3 =	sadd.s32 s3, s9;
	s6 =	sadd.s32 @!p0 $0x88, s6;
	s7 =	simm.s32 @p2 $0x1082  }
0x22: {  	[simem:s7], [sflag:s8] =	dma.local @!p0 [hbm:s6], $0xF7A  }
0x23: {  	s9 =	sor.u32 $0xD0000000, s2;
	s6 =	simm.s32 $0x108;
	_ =	swait.ge @!p0 [sflag:s8], $0x0  }
0x24: {  	s3 =	sadd.s32 $0x88, s3;
	s6 =	simm.s32 @!p1 $0x1082;
	[sflag:s4] =	ssyncset.s32 $0xFFFFF086  }
0x25: {  	[simem:s6], [sflag:s4] =	dma.local [hbm:s3], $0xF7A  }
0x26: {  	[smem:$0x3F4B] =	sst s1;
	(tag) =	ssettag s2;
	_ =	strace s9  }
0x27: {  	s1 =	sld [smem:$0x3F5B]  }
0x28: {  	s2 =	sld [smem:$0x3F5C]  }
0x29: {  	s4 =	sld [smem:$0x3F5E]  }
0x2a: {  	p0 =	seq.s32 s5, $0x0;
	s5 =	sld [smem:$0x3F5F]  }
0x2b: {  	s6 =	sld [smem:$0x3F60]  }
0x2c: {  	s7 =	sld [smem:$0x3F61]  }
0x2d: {  	s3 =	simm.s32 $0x108;
	s8 =	sld [smem:$0x3F62]  }
0x2e: {  	s3 =	simm.s32 @!p0 $0x1082;
	s9 =	sld [smem:$0x3F63]  }
0x2f: {  	lr =	sadd.s32 s0, s3;
	s0 =	sld [smem:$0x3F5A]  }
0x30: {  	s3 =	sld [smem:$0x3F5D]  }
0x31: {  	[smem:$0x3F66] =	sst s10  }
0x32: {  	s10 =	sld [smem:$0x3F64];
	_ =	sdelay $0x3  }
0x33: {  	p0 =	seq.s32 s10, $0x1;
	s10 =	sld [smem:$0x3F66];
	_ =	sdelay $0x3  }
0x34: {  	[smem:$0x3F66] =	sst s10  }
0x35: {  	s10 =	sld [smem:$0x3F65];
	_ =	sdelay $0x3  }
0x36: {  	p1 =	seq.s32 s10, $0x1;
	s10 =	sld [smem:$0x3F66];
	_ =	sdelay $0x3  }
0x37: {  	[smem:$0x3F66] =	sst s10  }
0x38: {  	s10 =	sld [smem:$0x3F67]  }
0x39: {  	_ = 	snop;
	(pc) =	sbr.ind lr, $3  }
0x3a: {  	_ = 	snop  }
0x3b: {  	_ = 	snop  }
0x3c: {  	p2 =	seq.s32 s10, $0x1;
	s10 =	sld [smem:$0x3F66]  }
0x3d: {  	_ =	shalt  }
0x3e: {  	_ =	shalt  }
0x3f: {  	_ =	shalt  }
0x40: {  	_ =	shalt  }
0x41: {  	_ =	shalt  }
0x42: {  	_ =	shalt  }
0x43: {  	_ =	shalt  }
0x44: {  	_ =	shalt  }
0x45: {  	_ =	shalt  }
0x46: {  	_ =	shalt  }
0x47: {  	_ =	shalt  }
0x48: {  	_ =	shalt  }
0x49: {  	_ =	shalt  }
0x4a: {  	_ =	shalt  }
0x4b: {  	_ =	shalt  }
0x4c: {  	_ =	shalt  }
0x4d: {  	_ =	shalt  }
0x4e: {  	_ =	shalt  }
0x4f: {  	_ =	shalt  }
0x50: {  	_ =	shalt  }
0x51: {  	_ =	shalt  }
0x52: {  	_ =	shalt  }
0x53: {  	_ =	shalt  }
0x54: {  	_ =	shalt  }
0x55: {  	_ =	shalt  }
0x56: {  	_ =	shalt  }
0x57: {  	_ =	shalt  }
0x58: {  	_ =	shalt  }
0x59: {  	_ =	shalt  }
0x5a: {  	_ =	shalt  }
0x5b: {  	_ =	shalt  }
0x5c: {  	_ =	shalt  }
0x5d: {  	_ =	shalt  }
0x5e: {  	_ =	shalt  }
0x5f: {  	_ =	shalt  }
0x60: {  	_ =	shalt  }
0x61: {  	_ =	shalt  }
0x62: {  	_ =	shalt  }
0x63: {  	_ =	shalt  }
0x64: {  	_ =	shalt  }
0x65: {  	_ =	shalt  }
0x66: {  	_ =	shalt  }
0x67: {  	_ =	shalt  }
0x68: {  	_ =	shalt  }
0x69: {  	_ =	shalt  }
0x6a: {  	_ =	shalt  }
0x6b: {  	_ =	shalt  }
0x6c: {  	_ =	shalt  }
0x6d: {  	_ =	shalt  }
0x6e: {  	_ =	shalt  }
0x6f: {  	_ =	shalt  }
0x70: {  	_ =	shalt  }
0x71: {  	_ =	shalt  }
0x72: {  	_ =	shalt  }
0x73: {  	_ =	shalt  }
0x74: {  	_ =	shalt  }
0x75: {  	_ =	shalt  }
0x76: {  	_ =	shalt  }
0x77: {  	_ =	shalt  }
0x78: {  	_ =	shalt  }
0x79: {  	_ =	shalt  }
0x7a: {  	_ =	shalt  }
0x7b: {  	_ =	shalt  }
0x7c: {  	_ =	shalt  }
0x7d: {  	_ =	shalt  }
0x7e: {  	_ =	shalt  }
0x7f: {  	_ =	shalt  }
0x80: {  	_ =	shalt  }
0x81: {  	_ =	shalt  }
0x82: {  	_ =	shalt  }
0x83: {  	_ =	shalt  }
0x84: {  	_ =	shalt  }
0x85: {  	_ =	shalt  }
0x86: {  	_ =	shalt  }
0x87: {  	_ =	shalt  }
.Lfunc_end0:
.L_simem_size_0:
called_computation.5_lowered:
.L_overlay_start_0:
0x88: {  	s2 =	sld [smem:$0x3FD9]  }
0x89: {  	s3 =	sld [smem:$0x3FFE];
	_ =	sdelay $0x1  }
0x8a: {  	s1 =	srdreg.scid  }
0x8b: {  	s0 =	sand.u32 $0x1, s1  }
0x8c: {  	s16 =	sshll.u32 s0, $0xA;
	s2 =	sadd.s32 s3, s2  }
0x8d: {  	s2 =	sadd.s32 s2, s16  }
0x8e: {  	[smem:$0x3F72] =	sst s2  }
0x8f: {  	_ = 	snop  }
0x90: {  	(tm) =	ssettm $0x1  }
0x91: {  	s17 =	sld [smem:$0x3FFB];
	_ =	sdelay $0x3  }
0x92: {  	_ =	strace s17  }
0x93: {  	s2 =	sld [smem:$0x3FFC];
	_ =	sdelay $0x3  }
0x94: {  	_ =	strace s2  }
0x95: {  	s2 =	sld [smem:$0x3FFD];
	_ =	sdelay $0x3  }
0x96: {  	_ =	strace s2  }
0x97: {  	_ =	strace $0x8FFFFFFF  }
0x98: {  	s18 =	sld [smem:$0x3FDB];
	_ =	sdelay $0x1  }
0x99: {  	s19 =	simm.s32 $_scs_section_size  }
0x9a: {  	s4 =	simm.s32 $_size__tile_overlayer_lowered;
	s5 =	simm.s32 $_tile_overlayer_lowered  }
0x9b: {  	s22 =	simm.s32 $0x1BFF;
	s21 =	sshll.u32 s5, $0x1;
	s2 =	sadd.s32 s19, s18  }
0x9c: {  	s6 =	simm.s32 $0x0;
	s20 =	sshll.u32 s4, $0x1;
	s4 =	sadd.s32 s21, s2  }
0x9d: {  	[timem:s6], [sflag:s22] =	dma.local [hbm:s4], s20  }
0x9e: {  	_ =	swait.ge [sflag:s22], s20  }
0x9f: {  	s3 =	ssub.s32 $0x0, s20;
	[sflag:s22] =	ssyncset.done $0x0  }
0xa0: {  	[sflag:s22] =	ssyncadd.s32 s3;
	_ =	sdelay $0x1  }
0xa1: {  	s23 =	simm.s32 $0x1B8B  }
0xa2: {  	_ =	swait.ge [sflag:s23], $0x1  }
0xa3: {  	[sflag:s23] =	ssyncset.done $0x0  }
0xa4: {  	s25 =	simm.s32 $0x1B8E;
	s24 =	sld [smem:$0x3FFE];
	[sflag:s23] =	ssyncadd.s32 $0xFFFFFFFF  }
0xa5: {  	s26 =	simm.s32 $execute0_lowered;
	[smem:$0x3FD2] =	sst s25  }
0xa6: {  	s4 =	sshll.u32 s26, $0x1;
	_ =	strace $0x80000055;
	[dreg:$0x1] =	wrdreg $0xFFFFFFFF  }
0xa7: {  	s28 =	simm.s32 $_size_execute0_lowered;
	s2 =	sadd.s32 s2, s4;
	[dreg:$0x0] =	wrdreg $0x0  }
0xa8: {  	s4 =	sshll.u32 s28, $0x1;
	[dreg:$0x2] =	wrdreg s2  }
0xa9: {  	[dreg:$0x3] =	wrdreg s4  }
0xaa: {  	[dreg:$0x4] =	wrdreg $0xC0  }
0xab: {  	_ =	task [dreg:s6], $0x5FFFF  }
0xac: {  	[dreg:$0x1] =	wrdreg $0xFFFFFFFF  }
0xad: {  	[dreg:$0x0] =	wrdreg $0x60  }
0xae: {  	[dreg:$0x2] =	wrdreg s24  }
0xaf: {  	[dreg:$0x3] =	wrdreg $0x9  }
0xb0: {  	_ =	task.clear_ibuf [dreg:s6], $0x4FFFF;
	_ =	strace $0x90000055  }
0xb1: {  	s29 =	simm.s32 $0x9;
	_ =	strace $0x80000057  }
0xb2: {  	_ =	swait.ge [sflag:s29], $0x1  }
0xb3: {  	[sflag:s29] =	ssyncadd.s32 $0xFFFFFFFF  }
0xb4: {  	_ =	strace $0x90000057  }
0xb5: {  	_ =	sfence  }
0xb6: {  	s30 =	sld [smem:$0x0];
	_ =	sdelay $0x2  }
0xb7: {  	s31 =	sshll.u32 s1, $0xD;
	s1 =	sshrl.u32 s1, $0x2  }
0xb8: {  	s3 =	sand.u32 $0x4000, s31;
	s1 =	sadd.s32 s1, s30  }
0xb9: {  	s0 =	sor.u32 s3, s0;
	s1 =	sshll.u32 s1, $0x11  }
0xba: {  	s0 =	sor.u32 s1, s0  }
0xbb: {  	s0 =	sadd.s32 $0x8F2B, s0  }
0xbc: {  	[sflag:s0] =	ssyncadd.remote.s32 $0x1  }
0xbd: {  	_ =	sfence.sel $0xFFFF  }
0xbe: {  	[dreg:$0x0] =	wrdreg $0xFFFFFFFF;
	(pc) =	sbr.abs _section_cstart, $3  }
0xbf: {  	[dreg:$0x1] =	wrdreg $0xFFFFFFFF  }
0xc0: {  	_ =	task.clear_ibuf [dreg:s6], $0x2FFFF;
	_ =	strace $0x9FFFFFFF  }
0xc1: {  	(tm) =	ssettm $0x7FFFFFFF  }
tec
execute0_lowered:
.L_overlay_start_1:
0x0: {  	(tag) =	ssettag $0x1  }
0x1: {  	s7 =	rddreg [dreg:$0x0]  }
0x2: {  	s0 =	rddreg [dreg:$0x1]  }
0x3: {  	s1 =	simm.s32 $0x0;
	s2 =	srdreg.scid;
	s12 =	simm.s32 $0x100  }
0x4: {  	s13 =	simm.s32 $0x1;
	s14 =	simm.s32 $0x6500;
	s15 =	simm.s32 $0x0  }
0x5: {  	[smem:$0x7FF] =	sst s1;
	s3 =	sadd.s32 $0x3B400, s7;
	s8 =	sand.u32 $0x1, s2  }
0x6: {  	s4 =	sadd.s32 $0x62600, s7;
	s2 =	stileid.u32;
	s5 =	sadd.s32 $0xBA600, s7  }
0x7: {  	s6 =	sadd.s32 $0xB5600, s7;
	s7 =	sadd.s32 $0xC4600, s7;
	s9 =	ssub.s32 $0x2, s8  }
0x8: {  	_ =	strace $0x80000056;
	s11 =	sshll.u32 s2, $0x1;
	s10 =	sshrl.u32 s9, $0x1  }
0x9: {  	s8 =	sor.u32 s8, s11;
	s11 =	simm.s32 $0xC8;
	s9 =	ssub.s32 s9, s10  }
0xa: {  	s8 =	smul.u32 $0x1388, s8;
	s10 =	simm.s32 $0x2;
	s9 =	smax.u32 s9, $0x1  }
.LBB2_1:
0xb: {  	s16 =	simm.s32 $0x0  }
.LBB2_2:
0xc: {  	s17 =	smul.u32 $0xC8, s16;
	_ =	sdelay $0x1  }
0xd: {  	s17 =	sadd.s32 s8, s17  }
0xe: {  	s18 =	sshrl.u32 s17, $0x3  }
0xf: {  	s20 =	simm.s32 $0x0;
	s19 =	sadd.s32 s5, s18  }
0x10: {  	[tilespmem:s20], [sflag:$0x2] =	stream.linear.gather [hbm4b:s19+s20], $0xC8, $0x38;
	[tilespmem:$0xC900] =	vst v63  }
0x11: {  	_ =	swait.ge [sflag:s10], $0xC8  }
0x12: {  	[sflag:s10] =	ssyncset.done $0x0  }
0x13: {  	[sflag:s10] =	ssyncadd.s32 $0xFFFFFF38  }
0x14: {  	[tilespmem:s12], [sflag:$0x1] =	stream.indirect.gather [hbm4b:s3+s11], $0x80, s20, s11, $0xb8;
	[tilespmem:$0xC900] =	vst v63  }
0x15: {  	_ =	swait.ge [sflag:s13], $0x6400  }
0x16: {  	[sflag:s13] =	ssyncset.done $0x0  }
0x17: {  	s18 =	sadd.s32 s6, s18;
	[sflag:s13] =	ssyncadd.s32 $0xFFFF9C00  }
0x18: {  	[tilespmem:s20], [sflag:$0x2] =	stream.linear.gather [hbm4b:s18+s20], $0xC8, $0x38;
	[tilespmem:$0xC900] =	vst v63  }
0x19: {  	_ =	swait.ge [sflag:s10], $0xC8  }
0x1a: {  	[sflag:s10] =	ssyncset.done $0x0  }
0x1b: {  	[sflag:s10] =	ssyncadd.s32 $0xFFFFFF38  }
0x1c: {  	[tilespmem:s14], [sflag:$0x1] =	stream.indirect.gather [hbm4b:s4+s11], $0x80, s20, s11, $0xb8;
	[tilespmem:$0xC900] =	vst v63  }
0x1d: {  	_ =	swait.ge [sflag:s13], $0x6400  }
0x1e: {  	[sflag:s13] =	ssyncset.done $0x0  }
0x1f: {  	s18 =	simm.s32 $0x0;
	[sflag:s13] =	ssyncadd.s32 $0xFFFF9C00  }
0x20: {  	v7 =	vld [tilespmem:s18+$0x6500]  }
0x21: {  	v11 =	vld [tilespmem:s18+$0x6510]  }
0x22: {  	v5 =	vld [tilespmem:s18+$0x6520]  }
0x23: {  	v4 =	vld [tilespmem:s18+$0x6530]  }
0x24: {  	v3 =	vld [tilespmem:s18+$0x6540]  }
0x25: {  	v2 =	vld [tilespmem:s18+$0x6550]  }
0x26: {  	v1 =	vld [tilespmem:s18+$0x6560]  }
0x27: {  	v0 =	vld [tilespmem:s18+$0x6570]  }
0x28: {  	v12 =	vld [tilespmem:s18+$0x100]  }
0x29: {  	v13 =	vld [tilespmem:s18+$0x110]  }
0x2a: {  	v10 =	vld [tilespmem:s18+$0x120]  }
0x2b: {  	v9 =	vld [tilespmem:s18+$0x130]  }
0x2c: {  	v8 =	vld [tilespmem:s18+$0x140]  }
0x2d: {  	v6 =	vld [tilespmem:s18+$0x150];
	v12 =	vadd.f32 v7, v12  }
0x2e: {  	s19 =	simm.s32 $0x200;
	v11 =	vadd.f32 v11, v13;
	v7 =	vld [tilespmem:s18+$0x160]  }
.LBB2_3:
0x2f: {  	s20 =	sshra.s32 s19, $0x2;
	p0 =	sne.s32 s19, $0x18E00;
	[tilespmem:s18+$0x100] =	vst v12;
	v5 =	vadd.f32 v5, v10;
	v10 =	vld [tilespmem:s18+$0x170]  }
0x30: {  	v12 =	vld [tilespmem:s20+$0x6500];
	[tilespmem:s18+$0x110] =	vst v11;
	v4 =	vadd.f32 v4, v9  }
0x31: {  	v11 =	vld [tilespmem:s20+$0x6510];
	[tilespmem:s18+$0x120] =	vst v5;
	v3 =	vadd.f32 v3, v8  }
0x32: {  	v5 =	vld [tilespmem:s20+$0x6520];
	[tilespmem:s18+$0x130] =	vst v4;
	v2 =	vadd.f32 v2, v6  }
0x33: {  	v4 =	vld [tilespmem:s20+$0x6530];
	[tilespmem:s18+$0x140] =	vst v3;
	v1 =	vadd.f32 v1, v7  }
0x34: {  	v3 =	vld [tilespmem:s20+$0x6540];
	[tilespmem:s18+$0x150] =	vst v2;
	v0 =	vadd.f32 v0, v10  }
0x35: {  	v2 =	vld [tilespmem:s20+$0x6550];
	[tilespmem:s18+$0x160] =	vst v1  }
0x36: {  	v1 =	vld [tilespmem:s20+$0x6560];
	[tilespmem:s18+$0x170] =	vst v0;
	s18 =	smov.u32 s20  }
0x37: {  	v0 =	vld [tilespmem:s18+$0x6570]  }
0x38: {  	v6 =	vld [tilespmem:s18+$0x100]  }
0x39: {  	v7 =	vld [tilespmem:s18+$0x110]  }
.Ltmp0:
0x3a: {  	v10 =	vld [tilespmem:s18+$0x120];
	(pc) =	sbr.rel @p0 .LBB2_3-.Ltmp0, $4  }
0x3b: {  	v9 =	vld [tilespmem:s18+$0x130]  }
0x3c: {  	v8 =	vld [tilespmem:s18+$0x140]  }
0x3d: {  	v12 =	vadd.f32 v12, v6;
	v6 =	vld [tilespmem:s18+$0x150]  }
0x3e: {  	s19 =	sadd.s32 $0x200, s19;
	v11 =	vadd.f32 v11, v7;
	v7 =	vld [tilespmem:s18+$0x160]  }
0x3f: {  	[tilespmem:s18+$0x100] =	vst v12;
	v5 =	vadd.f32 v5, v10;
	v63 =	vld [tilespmem:s18+$0x170]  }
0x40: {  	[tilespmem:s18+$0x110] =	vst v11;
	v4 =	vadd.f32 v4, v9  }
0x41: {  	[tilespmem:s18+$0x120] =	vst v5;
	v3 =	vadd.f32 v3, v8  }
0x42: {  	[tilespmem:s18+$0x130] =	vst v4;
	v2 =	vadd.f32 v2, v6  }
0x43: {  	[tilespmem:s18+$0x140] =	vst v3;
	v1 =	vadd.f32 v1, v7  }
0x44: {  	s16 =	sadd.s32 $0x1, s16;
	[tilespmem:s18+$0x150] =	vst v2;
	v0 =	vadd.f32 v0, v63  }
0x45: {  	s17 =	sshll.u32 s17, $0x4;
	p0 =	sne.s32 s16, $0x19;
	[tilespmem:s18+$0x160] =	vst v1  }
.Ltmp1:
0x46: {  	s17 =	sadd.s32 s7, s17;
	[tilespmem:s18+$0x170] =	vst v0;
	(pc) =	sbr.rel @p0 .LBB2_2-.Ltmp1, $4  }
0x47: {  	[hbm4b:s17+s1] =	stream.linear.scatter [tilespmem:s12], [sflag:$0x2], $0x6400, $0x38;
	[tilespmem:$0xC900] =	vst v63  }
0x48: {  	_ =	swait.ge [sflag:s10], $0x6400  }
0x49: {  	[sflag:s10] =	ssyncset.done $0x0  }
0x4a: {  	[sflag:s10] =	ssyncadd.s32 $0xFFFF9C00  }
0x4b: {  	s15 =	sadd.s32 $0x1, s15  }
0x4c: {  	p0 =	sne.s32 s15, s9  }
.Ltmp2:
0x4d: {  	_ = 	snop;
	(pc) =	sbr.rel @p0 .LBB2_1-.Ltmp2, $1  }
0x4e: {  	_ =	sdelay $0x3  }
0x4f: {  	_ =	sfence.sel $0x180000  }
0x50: {  	[bflag:$0x0] =	sbarrier.arrive $0xFFFF  }
0x51: {  	p0 =	sne.s32 s2, $0x0;
	_ =	strace $0x90000056  }
0x52: {  	s0 =	sadd.s32 @!p0 $0x100000, s0;
	[bflag:$0x2] =	sbarrier.arrive $0xFFFF  }
0x53: {  	[sflag:s0] =	ssyncadd.tile.s32 @!p0 $0x1;
	_ =	shalt  }
.Lfunc_end2:
_tile_overlayer_lowered:
.L_overlay_start_2:
0x54: {  	(tag) =	ssettag $0x2  }
0x55: {  	s0 =	rddreg [dreg:$0x0];
	s2 =	stileid.u32  }
0x56: {  	s1 =	rddreg [dreg:$0x1];
	p0 =	sne.s32 s2, $0x0  }
0x57: {  	s3 =	rddreg [dreg:$0x2];
	[bflag:$0x3] =	sbarrier.arrive $0xFFFF;
	s2 =	simm.s32 @!p0 $0x1C02  }
0x58: {  	[timem:s3], [sflag:s2] =	dma.local @!p0 [hbm:s0], s1  }
0x59: {  	s0 =	simm.s32 @!p0 $0x2  }
0x5a: {  	_ =	swait.ge @!p0 [sflag:s0], s1  }
0x5b: {  	s1 =	ssub.s32 @!p0 $0x0, s1;
	[sflag:s0] =	ssyncset.done @!p0 $0x0  }
0x5c: {  	[sflag:s0] =	ssyncadd.s32 @!p0 s1  }
0x5d: {  	[bflag:$0x3] =	sbarrier.arrive $0xFFFF  }
0x5e: {  	_ =	shalt  }

// kernel: kernel.55.cloned.1.call-start
scs
__scs_entry_jumppad:
0x0: {  	(pc) =	sbr.rel $0x88, $3  }
0x1: {  	(tag) =	ssettag $0x0;
	lr =	simm.s32 $0x1  }
0x2: {  	[smem:$0x3F4B] =	sst lr;
	_ =	strace $0xD0000000  }
0x3: {  	_ = 	snop  }
0x4: {  	_ = 	snop  }
0x5: {  	_ = 	snop  }
0x6: {  	_ = 	snop  }
0x7: {  	_ = 	snop  }
__scs_overlays_trampoline_lowered:
0x8: {  	[smem:$0x3F5A] =	sst s0  }
0x9: {  	[smem:$0x3F5B] =	sst s1  }
0xa: {  	[smem:$0x3F5C] =	sst s2  }
0xb: {  	[smem:$0x3F5D] =	sst s3  }
0xc: {  	[smem:$0x3F5E] =	sst s4  }
0xd: {  	[smem:$0x3F5F] =	sst s5  }
0xe: {  	[smem:$0x3F60] =	sst s6  }
0xf: {  	[smem:$0x3F61] =	sst s7  }
0x10: {  	[smem:$0x3F62] =	sst s8  }
0x11: {  	[smem:$0x3F63] =	sst s9;
	s0 =	simm.s32 @!p0 $0x0  }
0x12: {  	s1 =	sld [smem:$0x3F49];
	s0 =	simm.s32 @p0 $0x1  }
0x13: {  	[smem:$0x3F64] =	sst s0;
	s0 =	simm.s32 @!p1 $0x0  }
0x14: {  	s2 =	sld [smem:$0x3F48];
	s0 =	simm.s32 @p1 $0x1  }
0x15: {  	[smem:$0x3F65] =	sst s0;
	s0 =	simm.s32 @!p2 $0x0  }
0x16: {  	s3 =	sld [smem:$0x3FDB];
	s0 =	simm.s32 @p2 $0x1  }
0x17: {  	s4 =	simm.s32 $0x1BF5;
	[smem:$0x3F67] =	sst s0  }
0x18: {  	s0 =	sld [smem:$0x3F4A];
	_ =	swait.ge [sflag:s4], $0x0  }
0x19: {  	s7 =	sld [smem:$0x3F4B]  }
0x1a: {  	s8 =	sadd.s32 $0xFFFFE003, lr  }
0x1b: {  	s9 =	sadd.s32 $0xFFFFFEF7, lr;
	s5 =	simm.s32 $0xFFFFFFFF;
	p2 =	slt.u32 s8, $0xFFFFF086  }
0x1c: {  	p1 =	slt.u32 s9, $0xF7A;
	s5 =	simm.s32 @!p2 $0x0  }
0x1d: {  	s5 =	simm.s32 @p1 $0x1;
	p0 =	seq.s32 s7, s2  }
0x1e: {  	s7 =	smul.u32 @!p0 $0xF7A, s2;
	p2 =	seq.s32 @!p0 s5, $0x0  }
0x1f: {  	s9 =	smul.u32 $0xF7A, s1;
	s8 =	simm.s32 @!p0 $0x1BF5;
	p2 =	por !p2, p0  }
0x20: {  	[sflag:s8] =	ssyncset.s32 @!p0 $0xFFFFF086;
	s6 =	sadd.s32 @!p0 s3, s7;
	s7 =	simm.s32 @!p0 $0x108  }
0x21: {  	s3 =	sadd.s32 s3, s9;
	s6 =	sadd.s32 @!p0 $0x88, s6;
	s7 =	simm.s32 @p2 $0x1082  }
0x22: {  	[simem:s7], [sflag:s8] =	dma.local @!p0 [hbm:s6], $0xF7A  }
0x23: {  	s9 =	sor.u32 $0xD0000000, s2;
	s6 =	simm.s32 $0x108;
	_ =	swait.ge @!p0 [sflag:s8], $0x0  }
0x24: {  	s3 =	sadd.s32 $0x88, s3;
	s6 =	simm.s32 @!p1 $0x1082;
	[sflag:s4] =	ssyncset.s32 $0xFFFFF086  }
0x25: {  	[simem:s6], [sflag:s4] =	dma.local [hbm:s3], $0xF7A  }
0x26: {  	[smem:$0x3F4B] =	sst s1;
	(tag) =	ssettag s2;
	_ =	strace s9  }
0x27: {  	s1 =	sld [smem:$0x3F5B]  }
0x28: {  	s2 =	sld [smem:$0x3F5C]  }
0x29: {  	s4 =	sld [smem:$0x3F5E]  }
0x2a: {  	p0 =	seq.s32 s5, $0x0;
	s5 =	sld [smem:$0x3F5F]  }
0x2b: {  	s6 =	sld [smem:$0x3F60]  }
0x2c: {  	s7 =	sld [smem:$0x3F61]  }
0x2d: {  	s3 =	simm.s32 $0x108;
	s8 =	sld [smem:$0x3F62]  }
0x2e: {  	s3 =	simm.s32 @!p0 $0x1082;
	s9 =	sld [smem:$0x3F63]  }
0x2f: {  	lr =	sadd.s32 s0, s3;
	s0 =	sld [smem:$0x3F5A]  }
0x30: {  	s3 =	sld [smem:$0x3F5D]  }
0x31: {  	[smem:$0x3F66] =	sst s10  }
0x32: {  	s10 =	sld [smem:$0x3F64];
	_ =	sdelay $0x3  }
0x33: {  	p0 =	seq.s32 s10, $0x1;
	s10 =	sld [smem:$0x3F66];
	_ =	sdelay $0x3  }
0x34: {  	[smem:$0x3F66] =	sst s10  }
0x35: {  	s10 =	sld [smem:$0x3F65];
	_ =	sdelay $0x3  }
0x36: {  	p1 =	seq.s32 s10, $0x1;
	s10 =	sld [smem:$0x3F66];
	_ =	sdelay $0x3  }
0x37: {  	[smem:$0x3F66] =	sst s10  }
0x38: {  	s10 =	sld [smem:$0x3F67]  }
0x39: {  	_ = 	snop;
	(pc) =	sbr.ind lr, $3  }
0x3a: {  	_ = 	snop  }
0x3b: {  	_ = 	snop  }
0x3c: {  	p2 =	seq.s32 s10, $0x1;
	s10 =	sld [smem:$0x3F66]  }
0x3d: {  	_ =	shalt  }
0x3e: {  	_ =	shalt  }
0x3f: {  	_ =	shalt  }
0x40: {  	_ =	shalt  }
0x41: {  	_ =	shalt  }
0x42: {  	_ =	shalt  }
0x43: {  	_ =	shalt  }
0x44: {  	_ =	shalt  }
0x45: {  	_ =	shalt  }
0x46: {  	_ =	shalt  }
0x47: {  	_ =	shalt  }
0x48: {  	_ =	shalt  }
0x49: {  	_ =	shalt  }
0x4a: {  	_ =	shalt  }
0x4b: {  	_ =	shalt  }
0x4c: {  	_ =	shalt  }
0x4d: {  	_ =	shalt  }
0x4e: {  	_ =	shalt  }
0x4f: {  	_ =	shalt  }
0x50: {  	_ =	shalt  }
0x51: {  	_ =	shalt  }
0x52: {  	_ =	shalt  }
0x53: {  	_ =	shalt  }
0x54: {  	_ =	shalt  }
0x55: {  	_ =	shalt  }
0x56: {  	_ =	shalt  }
0x57: {  	_ =	shalt  }
0x58: {  	_ =	shalt  }
0x59: {  	_ =	shalt  }
0x5a: {  	_ =	shalt  }
0x5b: {  	_ =	shalt  }
0x5c: {  	_ =	shalt  }
0x5d: {  	_ =	shalt  }
0x5e: {  	_ =	shalt  }
0x5f: {  	_ =	shalt  }
0x60: {  	_ =	shalt  }
0x61: {  	_ =	shalt  }
0x62: {  	_ =	shalt  }
0x63: {  	_ =	shalt  }
0x64: {  	_ =	shalt  }
0x65: {  	_ =	shalt  }
0x66: {  	_ =	shalt  }
0x67: {  	_ =	shalt  }
0x68: {  	_ =	shalt  }
0x69: {  	_ =	shalt  }
0x6a: {  	_ =	shalt  }
0x6b: {  	_ =	shalt  }
0x6c: {  	_ =	shalt  }
0x6d: {  	_ =	shalt  }
0x6e: {  	_ =	shalt  }
0x6f: {  	_ =	shalt  }
0x70: {  	_ =	shalt  }
0x71: {  	_ =	shalt  }
0x72: {  	_ =	shalt  }
0x73: {  	_ =	shalt  }
0x74: {  	_ =	shalt  }
0x75: {  	_ =	shalt  }
0x76: {  	_ =	shalt  }
0x77: {  	_ =	shalt  }
0x78: {  	_ =	shalt  }
0x79: {  	_ =	shalt  }
0x7a: {  	_ =	shalt  }
0x7b: {  	_ =	shalt  }
0x7c: {  	_ =	shalt  }
0x7d: {  	_ =	shalt  }
0x7e: {  	_ =	shalt  }
0x7f: {  	_ =	shalt  }
0x80: {  	_ =	shalt  }
0x81: {  	_ =	shalt  }
0x82: {  	_ =	shalt  }
0x83: {  	_ =	shalt  }
0x84: {  	_ =	shalt  }
0x85: {  	_ =	shalt  }
0x86: {  	_ =	shalt  }
0x87: {  	_ =	shalt  }
.Lfunc_end0:
.L_simem_size_0:
called_computation.6_lowered:
.L_overlay_start_0:
0x88: {  	s2 =	sld [smem:$0x3FD9]  }
0x89: {  	s3 =	sld [smem:$0x3FFE];
	_ =	sdelay $0x1  }
0x8a: {  	s1 =	srdreg.scid  }
0x8b: {  	s0 =	sand.u32 $0x1, s1  }
0x8c: {  	s16 =	sshll.u32 s0, $0xA;
	s2 =	sadd.s32 s3, s2  }
0x8d: {  	s2 =	sadd.s32 s2, s16  }
0x8e: {  	[smem:$0x3F72] =	sst s2  }
0x8f: {  	_ = 	snop  }
0x90: {  	(tm) =	ssettm $0x1  }
0x91: {  	s17 =	sld [smem:$0x3FFB];
	_ =	sdelay $0x3  }
0x92: {  	_ =	strace s17  }
0x93: {  	s2 =	sld [smem:$0x3FFC];
	_ =	sdelay $0x3  }
0x94: {  	_ =	strace s2  }
0x95: {  	s2 =	sld [smem:$0x3FFD];
	_ =	sdelay $0x3  }
0x96: {  	_ =	strace s2  }
0x97: {  	_ =	strace $0x8FFFFFFF  }
0x98: {  	s18 =	sld [smem:$0x3FDB];
	_ =	sdelay $0x1  }
0x99: {  	s19 =	simm.s32 $_scs_section_size  }
0x9a: {  	s4 =	simm.s32 $_size__tile_overlayer_lowered;
	s5 =	simm.s32 $_tile_overlayer_lowered  }
0x9b: {  	s22 =	simm.s32 $0x1BFF;
	s21 =	sshll.u32 s5, $0x1;
	s2 =	sadd.s32 s19, s18  }
0x9c: {  	s6 =	simm.s32 $0x0;
	s20 =	sshll.u32 s4, $0x1;
	s4 =	sadd.s32 s21, s2  }
0x9d: {  	[timem:s6], [sflag:s22] =	dma.local [hbm:s4], s20  }
0x9e: {  	_ =	swait.ge [sflag:s22], s20  }
0x9f: {  	s3 =	ssub.s32 $0x0, s20;
	[sflag:s22] =	ssyncset.done $0x0  }
0xa0: {  	[sflag:s22] =	ssyncadd.s32 s3;
	_ =	sdelay $0x1  }
0xa1: {  	s23 =	simm.s32 $0x1B8B  }
0xa2: {  	_ =	swait.ge [sflag:s23], $0x1  }
0xa3: {  	[sflag:s23] =	ssyncset.done $0x0  }
0xa4: {  	s25 =	simm.s32 $0x1B8E;
	s24 =	sld [smem:$0x3FFE];
	[sflag:s23] =	ssyncadd.s32 $0xFFFFFFFF  }
0xa5: {  	s26 =	simm.s32 $execute0_lowered;
	[smem:$0x3FD2] =	sst s25  }
0xa6: {  	s4 =	sshll.u32 s26, $0x1;
	_ =	strace $0x80000058;
	[dreg:$0x1] =	wrdreg $0xFFFFFFFF  }
0xa7: {  	s28 =	simm.s32 $_size_execute0_lowered;
	s2 =	sadd.s32 s2, s4;
	[dreg:$0x0] =	wrdreg $0x0  }
0xa8: {  	s4 =	sshll.u32 s28, $0x1;
	[dreg:$0x2] =	wrdreg s2  }
0xa9: {  	[dreg:$0x3] =	wrdreg s4  }
0xaa: {  	[dreg:$0x4] =	wrdreg $0xC0  }
0xab: {  	_ =	task [dreg:s6], $0x5FFFF  }
0xac: {  	[dreg:$0x1] =	wrdreg $0xFFFFFFFF  }
0xad: {  	[dreg:$0x0] =	wrdreg $0x60  }
0xae: {  	[dreg:$0x2] =	wrdreg s24  }
0xaf: {  	[dreg:$0x3] =	wrdreg $0x9  }
0xb0: {  	_ =	task.clear_ibuf [dreg:s6], $0x4FFFF;
	_ =	strace $0x90000058  }
0xb1: {  	s29 =	simm.s32 $0x9;
	_ =	strace $0x8000005A  }
0xb2: {  	_ =	swait.ge [sflag:s29], $0x1  }
0xb3: {  	[sflag:s29] =	ssyncadd.s32 $0xFFFFFFFF  }
0xb4: {  	_ =	strace $0x9000005A  }
0xb5: {  	_ =	sfence  }
0xb6: {  	s30 =	sld [smem:$0x0];
	_ =	sdelay $0x2  }
0xb7: {  	s31 =	sshll.u32 s1, $0xD;
	s1 =	sshrl.u32 s1, $0x2  }
0xb8: {  	s3 =	sand.u32 $0x4000, s31;
	s1 =	sadd.s32 s1, s30  }
0xb9: {  	s0 =	sor.u32 s3, s0;
	s1 =	sshll.u32 s1, $0x11  }
0xba: {  	s0 =	sor.u32 s1, s0  }
0xbb: {  	s0 =	sadd.s32 $0x8F2B, s0  }
0xbc: {  	[sflag:s0] =	ssyncadd.remote.s32 $0x1  }
0xbd: {  	_ =	sfence.sel $0xFFFF  }
0xbe: {  	[dreg:$0x0] =	wrdreg $0xFFFFFFFF;
	(pc) =	sbr.abs _section_cstart, $3  }
0xbf: {  	[dreg:$0x1] =	wrdreg $0xFFFFFFFF  }
0xc0: {  	_ =	task.clear_ibuf [dreg:s6], $0x2FFFF;
	_ =	strace $0x9FFFFFFF  }
0xc1: {  	(tm) =	ssettm $0x7FFFFFFF  }
tec
execute0_lowered:
.L_overlay_start_1:
0x0: {  	(tag) =	ssettag $0x1  }
0x1: {  	s7 =	rddreg [dreg:$0x0]  }
0x2: {  	s0 =	rddreg [dreg:$0x1]  }
0x3: {  	s1 =	simm.s32 $0x0;
	s2 =	srdreg.scid;
	s12 =	simm.s32 $0x100  }
0x4: {  	s13 =	simm.s32 $0x1;
	s14 =	simm.s32 $0x6500;
	s15 =	simm.s32 $0x0  }
0x5: {  	[smem:$0x7FF] =	sst s1;
	s3 =	sadd.s32 $0x3B400, s7;
	s8 =	sand.u32 $0x1, s2  }
0x6: {  	s4 =	sadd.s32 $0x62600, s7;
	s2 =	stileid.u32;
	s5 =	sadd.s32 $0xBA600, s7  }
0x7: {  	s6 =	sadd.s32 $0xB5600, s7;
	s7 =	sadd.s32 $0xC4600, s7;
	s9 =	ssub.s32 $0x2, s8  }
0x8: {  	_ =	strace $0x80000059;
	s11 =	sshll.u32 s2, $0x1;
	s10 =	sshrl.u32 s9, $0x1  }
0x9: {  	s8 =	sor.u32 s8, s11;
	s11 =	simm.s32 $0xC8;
	s9 =	ssub.s32 s9, s10  }
0xa: {  	s8 =	smul.u32 $0x1388, s8;
	s10 =	simm.s32 $0x2;
	s9 =	smax.u32 s9, $0x1  }
.LBB2_1:
0xb: {  	s16 =	simm.s32 $0x0  }
.LBB2_2:
0xc: {  	s17 =	smul.u32 $0xC8, s16;
	_ =	sdelay $0x1  }
0xd: {  	s17 =	sadd.s32 s8, s17  }
0xe: {  	s18 =	sshrl.u32 s17, $0x3  }
0xf: {  	s20 =	simm.s32 $0x0;
	s19 =	sadd.s32 s5, s18  }
0x10: {  	[tilespmem:s20], [sflag:$0x2] =	stream.linear.gather [hbm4b:s19+s20], $0xC8, $0x38;
	[tilespmem:$0xC900] =	vst v63  }
0x11: {  	_ =	swait.ge [sflag:s10], $0xC8  }
0x12: {  	[sflag:s10] =	ssyncset.done $0x0  }
0x13: {  	[sflag:s10] =	ssyncadd.s32 $0xFFFFFF38  }
0x14: {  	[tilespmem:s12], [sflag:$0x1] =	stream.indirect.gather [hbm4b:s3+s11], $0x80, s20, s11, $0xb8;
	[tilespmem:$0xC900] =	vst v63  }
0x15: {  	_ =	swait.ge [sflag:s13], $0x6400  }
0x16: {  	[sflag:s13] =	ssyncset.done $0x0  }
0x17: {  	s18 =	sadd.s32 s6, s18;
	[sflag:s13] =	ssyncadd.s32 $0xFFFF9C00  }
0x18: {  	[tilespmem:s20], [sflag:$0x2] =	stream.linear.gather [hbm4b:s18+s20], $0xC8, $0x38;
	[tilespmem:$0xC900] =	vst v63  }
0x19: {  	_ =	swait.ge [sflag:s10], $0xC8  }
0x1a: {  	[sflag:s10] =	ssyncset.done $0x0  }
0x1b: {  	[sflag:s10] =	ssyncadd.s32 $0xFFFFFF38  }
0x1c: {  	[tilespmem:s14], [sflag:$0x1] =	stream.indirect.gather [hbm4b:s4+s11], $0x80, s20, s11, $0xb8;
	[tilespmem:$0xC900] =	vst v63  }
0x1d: {  	_ =	swait.ge [sflag:s13], $0x6400  }
0x1e: {  	[sflag:s13] =	ssyncset.done $0x0  }
0x1f: {  	s18 =	simm.s32 $0x0;
	[sflag:s13] =	ssyncadd.s32 $0xFFFF9C00  }
0x20: {  	v7 =	vld [tilespmem:s18+$0x6500]  }
0x21: {  	v11 =	vld [tilespmem:s18+$0x6510]  }
0x22: {  	v5 =	vld [tilespmem:s18+$0x6520]  }
0x23: {  	v4 =	vld [tilespmem:s18+$0x6530]  }
0x24: {  	v3 =	vld [tilespmem:s18+$0x6540]  }
0x25: {  	v2 =	vld [tilespmem:s18+$0x6550]  }
0x26: {  	v1 =	vld [tilespmem:s18+$0x6560]  }
0x27: {  	v0 =	vld [tilespmem:s18+$0x6570]  }
0x28: {  	v12 =	vld [tilespmem:s18+$0x100]  }
0x29: {  	v13 =	vld [tilespmem:s18+$0x110]  }
0x2a: {  	v10 =	vld [tilespmem:s18+$0x120]  }
0x2b: {  	v9 =	vld [tilespmem:s18+$0x130]  }
0x2c: {  	v8 =	vld [tilespmem:s18+$0x140]  }
0x2d: {  	v6 =	vld [tilespmem:s18+$0x150];
	v12 =	vadd.f32 v7, v12  }
0x2e: {  	s19 =	simm.s32 $0x200;
	v11 =	vadd.f32 v11, v13;
	v7 =	vld [tilespmem:s18+$0x160]  }
.LBB2_3:
0x2f: {  	s20 =	sshra.s32 s19, $0x2;
	p0 =	sne.s32 s19, $0x18E00;
	[tilespmem:s18+$0x100] =	vst v12;
	v5 =	vadd.f32 v5, v10;
	v10 =	vld [tilespmem:s18+$0x170]  }
0x30: {  	v12 =	vld [tilespmem:s20+$0x6500];
	[tilespmem:s18+$0x110] =	vst v11;
	v4 =	vadd.f32 v4, v9  }
0x31: {  	v11 =	vld [tilespmem:s20+$0x6510];
	[tilespmem:s18+$0x120] =	vst v5;
	v3 =	vadd.f32 v3, v8  }
0x32: {  	v5 =	vld [tilespmem:s20+$0x6520];
	[tilespmem:s18+$0x130] =	vst v4;
	v2 =	vadd.f32 v2, v6  }
0x33: {  	v4 =	vld [tilespmem:s20+$0x6530];
	[tilespmem:s18+$0x140] =	vst v3;
	v1 =	vadd.f32 v1, v7  }
0x34: {  	v3 =	vld [tilespmem:s20+$0x6540];
	[tilespmem:s18+$0x150] =	vst v2;
	v0 =	vadd.f32 v0, v10  }
0x35: {  	v2 =	vld [tilespmem:s20+$0x6550];
	[tilespmem:s18+$0x160] =	vst v1  }
0x36: {  	v1 =	vld [tilespmem:s20+$0x6560];
	[tilespmem:s18+$0x170] =	vst v0;
	s18 =	smov.u32 s20  }
0x37: {  	v0 =	vld [tilespmem:s18+$0x6570]  }
0x38: {  	v6 =	vld [tilespmem:s18+$0x100]  }
0x39: {  	v7 =	vld [tilespmem:s18+$0x110]  }
.Ltmp0:
0x3a: {  	v10 =	vld [tilespmem:s18+$0x120];
	(pc) =	sbr.rel @p0 .LBB2_3-.Ltmp0, $4  }
0x3b: {  	v9 =	vld [tilespmem:s18+$0x130]  }
0x3c: {  	v8 =	vld [tilespmem:s18+$0x140]  }
0x3d: {  	v12 =	vadd.f32 v12, v6;
	v6 =	vld [tilespmem:s18+$0x150]  }
0x3e: {  	s19 =	sadd.s32 $0x200, s19;
	v11 =	vadd.f32 v11, v7;
	v7 =	vld [tilespmem:s18+$0x160]  }
0x3f: {  	[tilespmem:s18+$0x100] =	vst v12;
	v5 =	vadd.f32 v5, v10;
	v63 =	vld [tilespmem:s18+$0x170]  }
0x40: {  	[tilespmem:s18+$0x110] =	vst v11;
	v4 =	vadd.f32 v4, v9  }
0x41: {  	[tilespmem:s18+$0x120] =	vst v5;
	v3 =	vadd.f32 v3, v8  }
0x42: {  	[tilespmem:s18+$0x130] =	vst v4;
	v2 =	vadd.f32 v2, v6  }
0x43: {  	[tilespmem:s18+$0x140] =	vst v3;
	v1 =	vadd.f32 v1, v7  }
0x44: {  	s16 =	sadd.s32 $0x1, s16;
	[tilespmem:s18+$0x150] =	vst v2;
	v0 =	vadd.f32 v0, v63  }
0x45: {  	s17 =	sshll.u32 s17, $0x4;
	p0 =	sne.s32 s16, $0x19;
	[tilespmem:s18+$0x160] =	vst v1  }
.Ltmp1:
0x46: {  	s17 =	sadd.s32 s7, s17;
	[tilespmem:s18+$0x170] =	vst v0;
	(pc) =	sbr.rel @p0 .LBB2_2-.Ltmp1, $4  }
0x47: {  	[hbm4b:s17+s1] =	stream.linear.scatter [tilespmem:s12], [sflag:$0x2], $0x6400, $0x38;
	[tilespmem:$0xC900] =	vst v63  }
0x48: {  	_ =	swait.ge [sflag:s10], $0x6400  }
0x49: {  	[sflag:s10] =	ssyncset.done $0x0  }
0x4a: {  	[sflag:s10] =	ssyncadd.s32 $0xFFFF9C00  }
0x4b: {  	s15 =	sadd.s32 $0x1, s15  }
0x4c: {  	p0 =	sne.s32 s15, s9  }
.Ltmp2:
0x4d: {  	_ = 	snop;
	(pc) =	sbr.rel @p0 .LBB2_1-.Ltmp2, $1  }
0x4e: {  	_ =	sdelay $0x3  }
0x4f: {  	_ =	sfence.sel $0x180000  }
0x50: {  	[bflag:$0x0] =	sbarrier.arrive $0xFFFF  }
0x51: {  	p0 =	sne.s32 s2, $0x0;
	_ =	strace $0x90000059  }
0x52: {  	s0 =	sadd.s32 @!p0 $0x100000, s0;
	[bflag:$0x2] =	sbarrier.arrive $0xFFFF  }
0x53: {  	[sflag:s0] =	ssyncadd.tile.s32 @!p0 $0x1;
	_ =	shalt  }
.Lfunc_end2:
_tile_overlayer_lowered:
.L_overlay_start_2:
0x54: {  	(tag) =	ssettag $0x2  }
0x55: {  	s0 =	rddreg [dreg:$0x0];
	s2 =	stileid.u32  }
0x56: {  	s1 =	rddreg [dreg:$0x1];
	p0 =	sne.s32 s2, $0x0  }
0x57: {  	s3 =	rddreg [dreg:$0x2];
	[bflag:$0x3] =	sbarrier.arrive $0xFFFF;
	s2 =	simm.s32 @!p0 $0x1C02  }
0x58: {  	[timem:s3], [sflag:s2] =	dma.local @!p0 [hbm:s0], s1  }
0x59: {  	s0 =	simm.s32 @!p0 $0x2  }
0x5a: {  	_ =	swait.ge @!p0 [sflag:s0], s1  }
0x5b: {  	s1 =	ssub.s32 @!p0 $0x0, s1;
	[sflag:s0] =	ssyncset.done @!p0 $0x0  }
0x5c: {  	[sflag:s0] =	ssyncadd.s32 @!p0 s1  }
0x5d: {  	[bflag:$0x3] =	sbarrier.arrive $0xFFFF  }
0x5e: {  	_ =	shalt  }

// kernel: kernel.58.cloned.1.call-start
scs
__scs_entry_jumppad:
0x0: {  	(pc) =	sbr.rel $0x88, $3  }
0x1: {  	(tag) =	ssettag $0x0;
	lr =	simm.s32 $0x1  }
0x2: {  	[smem:$0x3F4B] =	sst lr;
	_ =	strace $0xD0000000  }
0x3: {  	_ = 	snop  }
0x4: {  	_ = 	snop  }
0x5: {  	_ = 	snop  }
0x6: {  	_ = 	snop  }
0x7: {  	_ = 	snop  }
__scs_overlays_trampoline_lowered:
0x8: {  	[smem:$0x3F5A] =	sst s0  }
0x9: {  	[smem:$0x3F5B] =	sst s1  }
0xa: {  	[smem:$0x3F5C] =	sst s2  }
0xb: {  	[smem:$0x3F5D] =	sst s3  }
0xc: {  	[smem:$0x3F5E] =	sst s4  }
0xd: {  	[smem:$0x3F5F] =	sst s5  }
0xe: {  	[smem:$0x3F60] =	sst s6  }
0xf: {  	[smem:$0x3F61] =	sst s7  }
0x10: {  	[smem:$0x3F62] =	sst s8  }
0x11: {  	[smem:$0x3F63] =	sst s9;
	s0 =	simm.s32 @!p0 $0x0  }
0x12: {  	s1 =	sld [smem:$0x3F49];
	s0 =	simm.s32 @p0 $0x1  }
0x13: {  	[smem:$0x3F64] =	sst s0;
	s0 =	simm.s32 @!p1 $0x0  }
0x14: {  	s2 =	sld [smem:$0x3F48];
	s0 =	simm.s32 @p1 $0x1  }
0x15: {  	[smem:$0x3F65] =	sst s0;
	s0 =	simm.s32 @!p2 $0x0  }
0x16: {  	s3 =	sld [smem:$0x3FDB];
	s0 =	simm.s32 @p2 $0x1  }
0x17: {  	s4 =	simm.s32 $0x1BF5;
	[smem:$0x3F67] =	sst s0  }
0x18: {  	s0 =	sld [smem:$0x3F4A];
	_ =	swait.ge [sflag:s4], $0x0  }
0x19: {  	s7 =	sld [smem:$0x3F4B]  }
0x1a: {  	s8 =	sadd.s32 $0xFFFFE003, lr  }
0x1b: {  	s9 =	sadd.s32 $0xFFFFFEF7, lr;
	s5 =	simm.s32 $0xFFFFFFFF;
	p2 =	slt.u32 s8, $0xFFFFF086  }
0x1c: {  	p1 =	slt.u32 s9, $0xF7A;
	s5 =	simm.s32 @!p2 $0x0  }
0x1d: {  	s5 =	simm.s32 @p1 $0x1;
	p0 =	seq.s32 s7, s2  }
0x1e: {  	s7 =	smul.u32 @!p0 $0xF7A, s2;
	p2 =	seq.s32 @!p0 s5, $0x0  }
0x1f: {  	s9 =	smul.u32 $0xF7A, s1;
	s8 =	simm.s32 @!p0 $0x1BF5;
	p2 =	por !p2, p0  }
0x20: {  	[sflag:s8] =	ssyncset.s32 @!p0 $0xFFFFF086;
	s6 =	sadd.s32 @!p0 s3, s7;
	s7 =	simm.s32 @!p0 $0x108  }
0x21: {  	s3 =	sadd.s32 s3, s9;
	s6 =	sadd.s32 @!p0 $0x88, s6;
	s7 =	simm.s32 @p2 $0x1082  }
0x22: {  	[simem:s7], [sflag:s8] =	dma.local @!p0 [hbm:s6], $0xF7A  }
0x23: {  	s9 =	sor.u32 $0xD0000000, s2;
	s6 =	simm.s32 $0x108;
	_ =	swait.ge @!p0 [sflag:s8], $0x0  }
0x24: {  	s3 =	sadd.s32 $0x88, s3;
	s6 =	simm.s32 @!p1 $0x1082;
	[sflag:s4] =	ssyncset.s32 $0xFFFFF086  }
0x25: {  	[simem:s6], [sflag:s4] =	dma.local [hbm:s3], $0xF7A  }
0x26: {  	[smem:$0x3F4B] =	sst s1;
	(tag) =	ssettag s2;
	_ =	strace s9  }
0x27: {  	s1 =	sld [smem:$0x3F5B]  }
0x28: {  	s2 =	sld [smem:$0x3F5C]  }
0x29: {  	s4 =	sld [smem:$0x3F5E]  }
0x2a: {  	p0 =	seq.s32 s5, $0x0;
	s5 =	sld [smem:$0x3F5F]  }
0x2b: {  	s6 =	sld [smem:$0x3F60]  }
0x2c: {  	s7 =	sld [smem:$0x3F61]  }
0x2d: {  	s3 =	simm.s32 $0x108;
	s8 =	sld [smem:$0x3F62]  }
0x2e: {  	s3 =	simm.s32 @!p0 $0x1082;
	s9 =	sld [smem:$0x3F63]  }
0x2f: {  	lr =	sadd.s32 s0, s3;
	s0 =	sld [smem:$0x3F5A]  }
0x30: {  	s3 =	sld [smem:$0x3F5D]  }
0x31: {  	[smem:$0x3F66] =	sst s10  }
0x32: {  	s10 =	sld [smem:$0x3F64];
	_ =	sdelay $0x3  }
0x33: {  	p0 =	seq.s32 s10, $0x1;
	s10 =	sld [smem:$0x3F66];
	_ =	sdelay $0x3  }
0x34: {  	[smem:$0x3F66] =	sst s10  }
0x35: {  	s10 =	sld [smem:$0x3F65];
	_ =	sdelay $0x3  }
0x36: {  	p1 =	seq.s32 s10, $0x1;
	s10 =	sld [smem:$0x3F66];
	_ =	sdelay $0x3  }
0x37: {  	[smem:$0x3F66] =	sst s10  }
0x38: {  	s10 =	sld [smem:$0x3F67]  }
0x39: {  	_ = 	snop;
	(pc) =	sbr.ind lr, $3  }
0x3a: {  	_ = 	snop  }
0x3b: {  	_ = 	snop  }
0x3c: {  	p2 =	seq.s32 s10, $0x1;
	s10 =	sld [smem:$0x3F66]  }
0x3d: {  	_ =	shalt  }
0x3e: {  	_ =	shalt  }
0x3f: {  	_ =	shalt  }
0x40: {  	_ =	shalt  }
0x41: {  	_ =	shalt  }
0x42: {  	_ =	shalt  }
0x43: {  	_ =	shalt  }
0x44: {  	_ =	shalt  }
0x45: {  	_ =	shalt  }
0x46: {  	_ =	shalt  }
0x47: {  	_ =	shalt  }
0x48: {  	_ =	shalt  }
0x49: {  	_ =	shalt  }
0x4a: {  	_ =	shalt  }
0x4b: {  	_ =	shalt  }
0x4c: {  	_ =	shalt  }
0x4d: {  	_ =	shalt  }
0x4e: {  	_ =	shalt  }
0x4f: {  	_ =	shalt  }
0x50: {  	_ =	shalt  }
0x51: {  	_ =	shalt  }
0x52: {  	_ =	shalt  }
0x53: {  	_ =	shalt  }
0x54: {  	_ =	shalt  }
0x55: {  	_ =	shalt  }
0x56: {  	_ =	shalt  }
0x57: {  	_ =	shalt  }
0x58: {  	_ =	shalt  }
0x59: {  	_ =	shalt  }
0x5a: {  	_ =	shalt  }
0x5b: {  	_ =	shalt  }
0x5c: {  	_ =	shalt  }
0x5d: {  	_ =	shalt  }
0x5e: {  	_ =	shalt  }
0x5f: {  	_ =	shalt  }
0x60: {  	_ =	shalt  }
0x61: {  	_ =	shalt  }
0x62: {  	_ =	shalt  }
0x63: {  	_ =	shalt  }
0x64: {  	_ =	shalt  }
0x65: {  	_ =	shalt  }
0x66: {  	_ =	shalt  }
0x67: {  	_ =	shalt  }
0x68: {  	_ =	shalt  }
0x69: {  	_ =	shalt  }
0x6a: {  	_ =	shalt  }
0x6b: {  	_ =	shalt  }
0x6c: {  	_ =	shalt  }
0x6d: {  	_ =	shalt  }
0x6e: {  	_ =	shalt  }
0x6f: {  	_ =	shalt  }
0x70: {  	_ =	shalt  }
0x71: {  	_ =	shalt  }
0x72: {  	_ =	shalt  }
0x73: {  	_ =	shalt  }
0x74: {  	_ =	shalt  }
0x75: {  	_ =	shalt  }
0x76: {  	_ =	shalt  }
0x77: {  	_ =	shalt  }
0x78: {  	_ =	shalt  }
0x79: {  	_ =	shalt  }
0x7a: {  	_ =	shalt  }
0x7b: {  	_ =	shalt  }
0x7c: {  	_ =	shalt  }
0x7d: {  	_ =	shalt  }
0x7e: {  	_ =	shalt  }
0x7f: {  	_ =	shalt  }
0x80: {  	_ =	shalt  }
0x81: {  	_ =	shalt  }
0x82: {  	_ =	shalt  }
0x83: {  	_ =	shalt  }
0x84: {  	_ =	shalt  }
0x85: {  	_ =	shalt  }
0x86: {  	_ =	shalt  }
0x87: {  	_ =	shalt  }
.Lfunc_end0:
.L_simem_size_0:
called_computation.7_lowered:
.L_overlay_start_0:
0x88: {  	s2 =	sld [smem:$0x3FD9]  }
0x89: {  	s3 =	sld [smem:$0x3FFE];
	_ =	sdelay $0x1  }
0x8a: {  	s1 =	srdreg.scid  }
0x8b: {  	s0 =	sand.u32 $0x1, s1  }
0x8c: {  	s17 =	sshll.u32 s0, $0xA;
	s2 =	sadd.s32 s3, s2  }
0x8d: {  	s2 =	sadd.s32 s2, s17  }
0x8e: {  	[smem:$0x3F72] =	sst s2  }
0x8f: {  	_ = 	snop  }
0x90: {  	s2 =	sld [smem:$0x3FD0];
	(tm) =	ssettm $0x1  }
0x91: {  	s18 =	sld [smem:$0x3FFB];
	_ =	sdelay $0x3  }
0x92: {  	_ =	strace s18  }
0x93: {  	s3 =	sld [smem:$0x3FFC];
	_ =	sdelay $0x3  }
0x94: {  	_ =	strace s3  }
0x95: {  	s3 =	sld [smem:$0x3FFD];
	_ =	sdelay $0x3  }
0x96: {  	_ =	strace s3  }
0x97: {  	_ =	strace $0x8FFFFFFF  }
0x98: {  	s19 =	sld [smem:$0x3FDB];
	_ =	sdelay $0x1  }
0x99: {  	s4 =	simm.s32 $_scs_section_size  }
0x9a: {  	s5 =	simm.s32 $_size__tile_overlayer_lowered;
	s6 =	simm.s32 $_tile_overlayer_lowered  }
0x9b: {  	s22 =	simm.s32 $0x1BFF;
	s21 =	sshll.u32 s6, $0x1;
	s3 =	sadd.s32 s4, s19  }
0x9c: {  	s7 =	simm.s32 $0x0;
	s20 =	sshll.u32 s5, $0x1;
	s5 =	sadd.s32 s21, s3  }
0x9d: {  	[timem:s7], [sflag:s22] =	dma.local [hbm:s5], s20  }
0x9e: {  	_ =	swait.ge [sflag:s22], s20  }
0x9f: {  	s4 =	ssub.s32 $0x0, s20;
	[sflag:s22] =	ssyncset.done $0x0  }
0xa0: {  	[sflag:s22] =	ssyncadd.s32 s4;
	_ =	sdelay $0x1  }
0xa1: {  	s23 =	simm.s32 $0x1B8B  }
0xa2: {  	_ =	swait.ge [sflag:s23], $0x1  }
0xa3: {  	[sflag:s23] =	ssyncset.done $0x0  }
0xa4: {  	s25 =	simm.s32 $0x1B8E;
	s24 =	sld [smem:$0x3FFE];
	[sflag:s23] =	ssyncadd.s32 $0xFFFFFFFF  }
0xa5: {  	s26 =	simm.s32 $execute0_lowered;
	[smem:$0x3FD2] =	sst s25  }
0xa6: {  	s5 =	sshll.u32 s26, $0x1;
	_ =	strace $0x8000005B;
	[dreg:$0x1] =	wrdreg $0xFFFFFFFF  }
0xa7: {  	s28 =	simm.s32 $_size_execute0_lowered;
	s3 =	sadd.s32 s3, s5;
	[dreg:$0x0] =	wrdreg $0x0  }
0xa8: {  	s5 =	sshll.u32 s28, $0x1;
	[dreg:$0x2] =	wrdreg s3  }
0xa9: {  	[dreg:$0x3] =	wrdreg s5  }
0xaa: {  	[dreg:$0x4] =	wrdreg $0xC0  }
0xab: {  	_ =	task [dreg:s7], $0x5FFFF  }
0xac: {  	[dreg:$0x1] =	wrdreg $0xFFFFFFFF  }
0xad: {  	[dreg:$0x0] =	wrdreg $0x60  }
0xae: {  	[dreg:$0x2] =	wrdreg s2  }
0xaf: {  	[dreg:$0x3] =	wrdreg s24  }
0xb0: {  	[dreg:$0x4] =	wrdreg $0x9  }
0xb1: {  	_ =	task.clear_ibuf [dreg:s7], $0x5FFFF;
	_ =	strace $0x9000005B  }
0xb2: {  	s29 =	simm.s32 $0x9;
	_ =	strace $0x8000005D  }
0xb3: {  	_ =	swait.ge [sflag:s29], $0x1  }
0xb4: {  	[sflag:s29] =	ssyncadd.s32 $0xFFFFFFFF  }
0xb5: {  	_ =	strace $0x9000005D  }
0xb6: {  	_ =	sfence  }
0xb7: {  	s30 =	sld [smem:$0x0];
	_ =	sdelay $0x2  }
0xb8: {  	s31 =	sshll.u32 s1, $0xD;
	s1 =	sshrl.u32 s1, $0x2  }
0xb9: {  	s3 =	sand.u32 $0x4000, s31;
	s1 =	sadd.s32 s1, s30  }
0xba: {  	s0 =	sor.u32 s3, s0;
	s1 =	sshll.u32 s1, $0x11  }
0xbb: {  	s0 =	sor.u32 s1, s0  }
0xbc: {  	s0 =	sadd.s32 $0x8F2B, s0  }
0xbd: {  	[sflag:s0] =	ssyncadd.remote.s32 $0x1  }
0xbe: {  	_ =	sfence.sel $0xFFFF  }
0xbf: {  	[dreg:$0x0] =	wrdreg $0xFFFFFFFF;
	(pc) =	sbr.abs _section_cstart, $3  }
0xc0: {  	[dreg:$0x1] =	wrdreg $0xFFFFFFFF  }
0xc1: {  	_ =	task.clear_ibuf [dreg:s7], $0x2FFFF;
	_ =	strace $0x9FFFFFFF  }
0xc2: {  	(tm) =	ssettm $0x7FFFFFFF  }
0xc3: {  	_ =	shalt  }
tec
execute0_lowered:
.L_overlay_start_1:
0x0: {  	(tag) =	ssettag $0x1  }
0x1: {  	s2 =	rddreg [dreg:$0x0];
	s1 =	srdreg.scid  }
0x2: {  	s0 =	stileid.u32;
	s4 =	rddreg [dreg:$0x1];
	s3 =	simm.s32 $0x0  }
0x3: {  	s10 =	simm.s32 $0x1;
	s11 =	simm.s32 $0x0;
	s6 =	smul.u32 $0x2710, s0  }
0x4: {  	s5 =	sand.u32 $0x1, s1;
	s1 =	rddreg [dreg:$0x2];
	s8 =	smul.u32 $0x27100, s0  }
0x5: {  	[smem:$0x7FF] =	sst s3;
	s7 =	smul.u32 $0x1388, s5;
	s9 =	ssub.s32 $0x2, s5  }
0x6: {  	_ =	strace $0x8000005C;
	s5 =	smul.u32 $0x13880, s5;
	s31 =	sshrl.u32 s9, $0x1  }
0x7: {  	s30 =	sadd.s32 s8, s4;
	s6 =	sadd.s32 s7, s6;
	s8 =	ssub.s32 s9, s31  }
0x8: {  	s5 =	sadd.s32 s5, s30;
	s7 =	simm.s32 $0x2;
	s6 =	sshrl.u32 s6, $0x3  }
0x9: {  	s9 =	simm.s32 $0x100;
	s5 =	sadd.s32 $0x8E800, s5;
	s6 =	sadd.s32 s6, s4  }
0xa: {  	s4 =	smax.u32 s8, $0x1;
	s8 =	simm.s32 $0xC8;
	s6 =	sadd.s32 $0x89800, s6  }
.LBB2_1:
0xb: {  	s12 =	sadd.s32 $0x0, s6  }
0xc: {  	[tilespmem:s3], [sflag:$0x2] =	stream.linear.gather [hbm4b:s12+s3], $0xC8, $0x38;
	[tilespmem:$0x6500] =	vst v63  }
0xd: {  	_ =	swait.ge [sflag:s7], $0xC8  }
0xe: {  	[sflag:s7] =	ssyncset.done $0x0  }
0xf: {  	[sflag:s7] =	ssyncadd.s32 $0xFFFFFF38  }
0x10: {  	[tilespmem:s9], [sflag:$0x1] =	stream.indirect.gather [hbm4b:s2+s8], $0x80, s3, s8, $0xb8;
	[tilespmem:$0x6500] =	vst v63  }
0x11: {  	_ =	swait.ge [sflag:s10], $0x6400  }
0x12: {  	[sflag:s10] =	ssyncset.done $0x0  }
0x13: {  	[sflag:s10] =	ssyncadd.s32 $0xFFFF9C00  }
0x14: {  	[hbm4b:s5+s3] =	stream.linear.scatter [tilespmem:s9], [sflag:$0x2], $0x6400, $0x38;
	[tilespmem:$0x6500] =	vst v63  }
0x15: {  	s13 =	simm.s32 $0x19;
	_ =	swait.ge [sflag:s7], $0x6400  }
0x16: {  	s14 =	simm.s32 $0x32;
	s12 =	sadd.s32 $0xC80, s5;
	[sflag:s7] =	ssyncset.done $0x0  }
.LBB2_2:
0x17: {  	s15 =	sadd.s32 s13, s6  }
0x18: {  	[sflag:s7] =	ssyncadd.s32 $0xFFFF9C00;
	s13 =	smov.u32 s14;
	s16 =	sadd.s32 $0x19, s14  }
0x19: {  	[tilespmem:s3], [sflag:$0x2] =	stream.linear.gather [hbm4b:s15+s3], $0xC8, $0x38;
	[tilespmem:$0x6500] =	vst v63  }
0x1a: {  	p0 =	sne.s32 s14, $0x258;
	_ =	swait.ge [sflag:s7], $0xC8  }
0x1b: {  	[sflag:s7] =	ssyncset.done $0x0  }
0x1c: {  	[sflag:s7] =	ssyncadd.s32 $0xFFFFFF38  }
0x1d: {  	[tilespmem:s9], [sflag:$0x1] =	stream.indirect.gather [hbm4b:s2+s8], $0x80, s3, s8, $0xb8;
	[tilespmem:$0x6500] =	vst v63  }
0x1e: {  	_ =	swait.ge [sflag:s10], $0x6400  }
.Ltmp0:
0x1f: {  	[sflag:s10] =	ssyncset.done $0x0;
	(pc) =	sbr.rel @p0 .LBB2_2-.Ltmp0, $4  }
0x20: {  	[sflag:s10] =	ssyncadd.s32 $0xFFFF9C00  }
0x21: {  	[hbm4b:s12+s3] =	stream.linear.scatter [tilespmem:s9], [sflag:$0x2], $0x6400, $0x38;
	[tilespmem:$0x6500] =	vst v63  }
0x22: {  	_ =	swait.ge [sflag:s7], $0x6400  }
0x23: {  	s14 =	smov.u32 s16;
	s12 =	sadd.s32 $0xC80, s12;
	[sflag:s7] =	ssyncset.done $0x0  }
0x24: {  	s13 =	sadd.s32 s13, s6;
	[sflag:s7] =	ssyncadd.s32 $0xFFFF9C00  }
0x25: {  	[tilespmem:s3], [sflag:$0x2] =	stream.linear.gather [hbm4b:s13+s3], $0xC8, $0x38;
	[tilespmem:$0x6500] =	vst v63  }
0x26: {  	_ =	swait.ge [sflag:s7], $0xC8  }
0x27: {  	[sflag:s7] =	ssyncset.done $0x0  }
0x28: {  	[sflag:s7] =	ssyncadd.s32 $0xFFFFFF38  }
0x29: {  	[tilespmem:s9], [sflag:$0x1] =	stream.indirect.gather [hbm4b:s2+s8], $0x80, s3, s8, $0xb8;
	[tilespmem:$0x6500] =	vst v63  }
0x2a: {  	s11 =	sadd.s32 $0x1, s11;
	_ =	swait.ge [sflag:s10], $0x6400  }
0x2b: {  	p0 =	sne.s32 s11, s4;
	[sflag:s10] =	ssyncset.done $0x0  }
.Ltmp1:
0x2c: {  	[sflag:s10] =	ssyncadd.s32 $0xFFFF9C00;
	(pc) =	sbr.rel @p0 .LBB2_1-.Ltmp1, $4  }
0x2d: {  	[hbm4b:s12+s3] =	stream.linear.scatter [tilespmem:s9], [sflag:$0x2], $0x6400, $0x38;
	[tilespmem:$0x6500] =	vst v63  }
0x2e: {  	_ =	swait.ge [sflag:s7], $0x6400  }
0x2f: {  	[sflag:s7] =	ssyncset.done $0x0  }
0x30: {  	[sflag:s7] =	ssyncadd.s32 $0xFFFF9C00  }
0x31: {  	_ =	sfence.sel $0x180000  }
0x32: {  	[bflag:$0x0] =	sbarrier.arrive $0xFFFF  }
0x33: {  	p0 =	sne.s32 s0, $0x0;
	_ =	strace $0x9000005C  }
0x34: {  	s0 =	sadd.s32 @!p0 $0x100000, s1;
	[bflag:$0x2] =	sbarrier.arrive $0xFFFF  }
0x35: {  	[sflag:s0] =	ssyncadd.tile.s32 @!p0 $0x1;
	_ =	shalt  }
.Lfunc_end2:
_tile_overlayer_lowered:
.L_overlay_start_2:
0x36: {  	(tag) =	ssettag $0x2  }
0x37: {  	s0 =	rddreg [dreg:$0x0];
	s2 =	stileid.u32  }
0x38: {  	s1 =	rddreg [dreg:$0x1];
	p0 =	sne.s32 s2, $0x0  }
0x39: {  	s3 =	rddreg [dreg:$0x2];
	[bflag:$0x3] =	sbarrier.arrive $0xFFFF;
	s2 =	simm.s32 @!p0 $0x1C02  }
0x3a: {  	[timem:s3], [sflag:s2] =	dma.local @!p0 [hbm:s0], s1  }
0x3b: {  	s0 =	simm.s32 @!p0 $0x2  }
0x3c: {  	_ =	swait.ge @!p0 [sflag:s0], s1  }
0x3d: {  	s1 =	ssub.s32 @!p0 $0x0, s1;
	[sflag:s0] =	ssyncset.done @!p0 $0x0  }
0x3e: {  	[sflag:s0] =	ssyncadd.s32 @!p0 s1  }
0x3f: {  	[bflag:$0x3] =	sbarrier.arrive $0xFFFF  }
0x40: {  	_ =	shalt  }

</sc_bundles>
